<compile_context>
chip_gen: v7x
topology: tpu7x:2x2x1
jax: 0.10.2.dev20260603
libtpu: 0.0.44.dev20260713+nightly
codegen_flags: <defaults>
</compile_context>

<pallas_src>
import functools

import jax
import jax.numpy as jnp
from jax import lax
from jax.experimental import pallas as pl
from jax.experimental.pallas import tpu as pltpu
from jax.experimental.pallas import tpu_sc as plsc

V = 50000
DIM = 100
DP = 128
F = 64
C = 2
B = 128
L = 40
E = 800000
NT = 16
NC = 2
VP = 50048
EPT = 51200
EPAD = EPT * NT
RPT = VP // NT
NQ = 20
QE = EPT // NQ
QR = QE // 128
SB = 256
NSB = QE // SB
KS = SB // 128
ALPHA = 0.2


def _make_spmv(colmul: int, chunkmul: int):
    mesh = plsc.VectorSubcoreMesh(core_axis_name="c", subcore_axis_name="s")

    @functools.partial(
        pl.kernel,
        mesh=mesh,
        out_type=jax.ShapeDtypeStruct((C * VP, F), jnp.bfloat16),
        compiler_params=pltpu.CompilerParams(use_tc_tiling_on_sc=False),
        scratch_types=[
            pltpu.VMEM((QR, 128), jnp.int32),
            pltpu.VMEM((QR, 128), jnp.int32),
            pltpu.VMEM((QR, 128), jnp.float32),
            pltpu.VMEM((2, SB, F), jnp.bfloat16),
            pltpu.VMEM_SHARED((VP, F), jnp.bfloat16),
            pltpu.SemaphoreType.DMA((2,)),
            pltpu.SemaphoreType.DMA((2,)),
        ],
    )
    def spmv(tab_hbm, row_hbm, col_hbm, val_hbm, zer_hbm, out_hbm,
             idxq, rowq, valq, rows3, acc, gsem, ssem):
        cid = lax.axis_index("c")
        sid = lax.axis_index("s")
        rowbase = sid * (EPT // 128)

        for p in range(C // NC):
            chunk = p * NC + cid

            pltpu.sync_copy(zer_hbm.at[pl.ds(sid * RPT, RPT)],
                            acc.at[pl.ds(sid * RPT, RPT)])
            plsc.subcore_barrier()

            def quarter(q, carry):
                qoff = rowbase + q * QR
                pltpu.sync_copy(col_hbm.at[pl.ds(qoff, QR)], idxq)
                pltpu.sync_copy(row_hbm.at[pl.ds(qoff, QR)], rowq)
                pltpu.sync_copy(val_hbm.at[pl.ds(qoff, QR)], valq)

                def idx_body(r, carry2):
                    for j in range(8):
                        cv = idxq[r, pl.ds(j * 16, 16)]
                        idxq[r, pl.ds(j * 16, 16)] = (
                            cv * colmul + chunk * chunkmul)
                    return carry2
                lax.fori_loop(0, QR, idx_body, 0)

                for k in range(KS):
                    pltpu.async_copy(tab_hbm.at[idxq.at[k]],
                                     rows3.at[0, pl.ds(k * 128, 128)],
                                     gsem.at[0])

                def sb_body(b, carry2):
                    pi = lax.rem(b, 2)
                    pn = 1 - pi

                    @pl.when(b > 0)
                    def _():
                        pltpu.make_async_copy(
                            rows3.at[pn], acc.at[pl.ds(0, SB)],
                            ssem.at[pn]).wait()

                    @pl.when(b + 1 < NSB)
                    def _():
                        for k in range(KS):
                            pltpu.async_copy(
                                tab_hbm.at[idxq.at[(b + 1) * KS + k]],
                                rows3.at[pn, pl.ds(k * 128, 128)],
                                gsem.at[pn])

                    pltpu.make_async_copy(tab_hbm.at[pl.ds(0, SB)],
                                          rows3.at[pi], gsem.at[pi]).wait()

                    def mul_body(k2, carry3):
                        vr = b * KS + lax.div(k2, 8)
                        vo = lax.rem(k2, 8) * 16
                        vv16 = valq[vr, pl.ds(vo, 16)]
                        for j in range(16):
                            g = k2 * 16 + j
                            vv = jnp.full((32,), vv16[j], jnp.float32
                                          ).astype(jnp.bfloat16)
                            rows3[pi, g, pl.ds(0, 32)] = (
                                rows3[pi, g, pl.ds(0, 32)] * vv)
                            rows3[pi, g, pl.ds(32, 32)] = (
                                rows3[pi, g, pl.ds(32, 32)] * vv)
                        return carry3
                    lax.fori_loop(0, SB // 16, mul_body, 0)

                    for k in range(KS):
                        pltpu.async_copy(rows3.at[pi, pl.ds(k * 128, 128)],
                                         acc.at[rowq.at[b * KS + k]],
                                         ssem.at[pi], add=True)
                    return carry2
                lax.fori_loop(0, NSB, sb_body, 0)

                pltpu.make_async_copy(rows3.at[(NSB - 1) % 2],
                                      acc.at[pl.ds(0, SB)],
                                      ssem.at[(NSB - 1) % 2]).wait()
                return carry
            lax.fori_loop(0, NQ, quarter, 0)

            plsc.subcore_barrier()
            pltpu.sync_copy(acc.at[pl.ds(sid * RPT, RPT)],
                            out_hbm.at[pl.ds(chunk * VP + sid * RPT, RPT)])
            plsc.subcore_barrier()

    return spmv


_spmv_layer1 = _make_spmv(colmul=C, chunkmul=1)
_spmv_layer2 = _make_spmv(colmul=1, chunkmul=VP)


NIDX = B * L
NW = NC * NT
IPW = NIDX // NW
SUB = 80
NSUB = IPW // SUB


def _make_gather():
    mesh = plsc.VectorSubcoreMesh(core_axis_name="c", subcore_axis_name="s")

    @functools.partial(
        pl.kernel,
        mesh=mesh,
        out_type=[
            jax.ShapeDtypeStruct((NIDX, DP), jnp.float32),
            jax.ShapeDtypeStruct((NIDX, DP), jnp.float32),
            jax.ShapeDtypeStruct((C, NIDX, F), jnp.bfloat16),
            jax.ShapeDtypeStruct((C, NIDX, F), jnp.bfloat16),
        ],
        compiler_params=pltpu.CompilerParams(use_tc_tiling_on_sc=False),
        scratch_types=[
            pltpu.VMEM((SUB,), jnp.int32),
            pltpu.VMEM((SUB,), jnp.int32),
            pltpu.VMEM((SUB, DP), jnp.float32),
            pltpu.VMEM((SUB, F), jnp.bfloat16),
            pltpu.SemaphoreType.DMA,
        ],
    )
    def gat(emb_hbm, idxin_hbm, idxsess_hbm, l1_hbm, l2_hbm,
            h_hbm, ge_hbm, gl1_hbm, gl2_hbm,
            ib, ic, rwide, rnarrow, sem):
        cid = lax.axis_index("c")
        sid = lax.axis_index("s")
        wid = sid * NC + cid
        for s in range(NSUB):
            base = wid * IPW + s * SUB
            pltpu.sync_copy(idxin_hbm.at[pl.ds(base, SUB)], ib)
            pltpu.async_copy(emb_hbm.at[ib], rwide, sem).wait()
            pltpu.sync_copy(rwide, h_hbm.at[pl.ds(base, SUB)])
            pltpu.sync_copy(idxsess_hbm.at[pl.ds(base, SUB)], ib)
            pltpu.async_copy(emb_hbm.at[ib], rwide, sem).wait()
            pltpu.sync_copy(rwide, ge_hbm.at[pl.ds(base, SUB)])
            for c in range(C):
                def addoff(i, carry):
                    ic[pl.ds(i * 16, 16)] = ib[pl.ds(i * 16, 16)] + c * VP
                    return carry
                lax.fori_loop(0, SUB // 16, addoff, 0)
                pltpu.async_copy(l1_hbm.at[ic], rnarrow, sem).wait()
                pltpu.sync_copy(rnarrow, gl1_hbm.at[c, pl.ds(base, SUB)])
                pltpu.async_copy(l2_hbm.at[ic], rnarrow, sem).wait()
                pltpu.sync_copy(rnarrow, gl2_hbm.at[c, pl.ds(base, SUB)])

    return gat


_gather_rows = _make_gather()


def _leaky(x):
    return jnp.where(x >= 0, x, ALPHA * x)


GS = 8


def _attn_body(h_ref, em_ref, ge_ref, gl1_ref, gl2_ref, mf_ref, sl_ref, a4_ref,
               out_ref, sess0_ref):
    a4 = a4_ref[...]
    dn = (((1,), (1,)), ((), ()))
    for i in range(GS):
        h = h_ref[i]
        em = em_ref[i]
        ha = jnp.concatenate(
            [h * a4[0], h * a4[1], h * a4[2], h * a4[3]], axis=0)
        e = _leaky(lax.dot_general(ha, h, dn))
        big_neg = jnp.full((L, L), -9e15, jnp.float32)
        al = jnp.where(em == 1, e[0 * L:1 * L], big_neg)
        al = jnp.where(em == 2, e[1 * L:2 * L], al)
        al = jnp.where(em == 3, e[2 * L:3 * L], al)
        al = jnp.where(em == 4, e[3 * L:4 * L], al)
        al = al - jnp.max(al, axis=1, keepdims=True)
        al = jnp.exp(al)
        al = al / jnp.sum(al, axis=1, keepdims=True)
        intra = lax.dot_general(al, h, (((1,), (0,)), ((), ())))
        mf = mf_ref[i]
        seq = (ge_ref[i] + gl1_ref[i] + gl2_ref[i]) * (mf * (1.0 / 3.0))
        out_ref[i] = intra + seq
        seq1 = ge_ref[i] * mf
        sess0_ref[i] = jnp.sum(seq1, axis=0, keepdims=True) / sl_ref[i]


def _sess_body(s0_ref, d_ref, a_ref, out_ref):
    s0 = s0_ref[...]
    da = jnp.dot(d_ref[...], a_ref[...])
    s1 = jnp.dot(da, s0)
    s2 = jnp.dot(da, s1)
    out_ref[...] = (s0 + s1 + s2) * (1.0 / 3.0)


def kernel(inputs, edge_matrix, mask, reversed_sess_item, sess_item, D, A,
           sess_len, embedding, a_0, a_1, a_2, a_3, adj_row, adj_col, adj_val):
    del mask, reversed_sess_item

    emb128 = jnp.pad(embedding.astype(jnp.float32), ((0, 0), (0, DP - DIM)))
    embflat = emb128.astype(jnp.bfloat16).reshape(V * C, F)

    pad = EPAD - E
    padi = jnp.arange(pad, dtype=jnp.int32) % V
    rowp = jnp.concatenate([adj_row.astype(jnp.int32), padi]).reshape(-1, 128)
    colp = jnp.concatenate([adj_col.astype(jnp.int32), padi]).reshape(-1, 128)
    valp = jnp.concatenate([adj_val.astype(jnp.float32),
                            jnp.zeros((pad,), jnp.float32)]).reshape(-1, 128)

    zer = jnp.zeros((VP, F), jnp.bfloat16)
    l1flat = _spmv_layer1(embflat, rowp, colp, valp, zer)
    l2flat = _spmv_layer2(l1flat, rowp, colp, valp, zer)

    idx_in = inputs.astype(jnp.int32).reshape(NIDX)
    si = sess_item.astype(jnp.int32).reshape(NIDX)
    idx_sess = jnp.maximum(si - 1, 0)
    h, ge, gl1, gl2 = _gather_rows(emb128, idx_in, idx_sess, l1flat, l2flat)

    hb = h.reshape(B, L, DP)
    geb = ge.reshape(B, L, DP)
    gl1b = gl1.astype(jnp.float32).transpose(1, 0, 2).reshape(B, L, DP)
    gl2b = gl2.astype(jnp.float32).transpose(1, 0, 2).reshape(B, L, DP)
    mf = (si > 0).astype(jnp.float32).reshape(B, L, 1)
    slr = sess_len.astype(jnp.float32).reshape(B, 1, 1)
    a4 = jnp.concatenate([a_0, a_1, a_2, a_3], axis=1).T.astype(jnp.float32)
    a4 = jnp.pad(a4, ((0, 0), (0, DP - DIM)))
    em = edge_matrix.astype(jnp.int32)

    out, sess0 = pl.pallas_call(
        _attn_body,
        grid=(B // GS,),
        in_specs=[
            pl.BlockSpec((GS, L, DP), lambda b: (b, 0, 0)),
            pl.BlockSpec((GS, L, L), lambda b: (b, 0, 0)),
            pl.BlockSpec((GS, L, DP), lambda b: (b, 0, 0)),
            pl.BlockSpec((GS, L, DP), lambda b: (b, 0, 0)),
            pl.BlockSpec((GS, L, DP), lambda b: (b, 0, 0)),
            pl.BlockSpec((GS, L, 1), lambda b: (b, 0, 0)),
            pl.BlockSpec((GS, 1, 1), lambda b: (b, 0, 0)),
            pl.BlockSpec((4, DP), lambda b: (0, 0)),
        ],
        out_specs=[
            pl.BlockSpec((GS, L, DP), lambda b: (b, 0, 0)),
            pl.BlockSpec((GS, 1, DP), lambda b: (b, 0, 0)),
        ],
        out_shape=[
            jax.ShapeDtypeStruct((B, L, DP), jnp.float32),
            jax.ShapeDtypeStruct((B, 1, DP), jnp.float32),
        ],
    )(hb, em, geb, gl1b, gl2b, mf, slr, a4)

    sess = pl.pallas_call(
        _sess_body,
        out_shape=jax.ShapeDtypeStruct((B, DP), jnp.float32),
    )(sess0.reshape(B, DP), D.astype(jnp.float32), A.astype(jnp.float32))

    return (out[:, :, :DIM], sess[:, :DIM])

# --- scband reference (transcript-rebuilt; emitter-appended) ---
"""Pipeline reference for scband-combine-graph-9509057593869 (READ-ONLY COPY).

The authoritative reference and input builder live on the scoring server;
editing this copy changes nothing except your own understanding.
"""

import jax, jax.numpy as jnp
import numpy as np

NUM_NODE = 50000
DIM = 100
LAYERS = 2
B = 128
L = 40
E = 800000
ALPHA = 0.2


def _leaky(x):
    return jnp.where(x >= 0, x, ALPHA * x)


def setup_inputs(seed: int = 0) -> dict:
    key = jax.random.key(seed)
    ks = jax.random.split(key, 16)
    stdv = 1.0 / np.sqrt(DIM)
    inp = {}
    inp["inputs"] = jax.random.randint(ks[0], (B, L), 0, NUM_NODE)
    inp["edge_matrix"] = jax.random.randint(ks[1], (B, L, L), 0, 5)
    inp["mask"] = jax.random.randint(ks[2], (B, L), 0, 2)
    inp["reversed_sess_item"] = jax.random.randint(ks[3], (B, L), 0, NUM_NODE + 1)
    inp["sess_item"] = jax.random.randint(ks[4], (B, L), 0, NUM_NODE + 1)
    inp["D"] = jax.random.uniform(ks[5], (B, B), jnp.float32) * (1.0 / B)
    inp["A"] = jax.random.uniform(ks[6], (B, B), jnp.float32)
    inp["sess_len"] = jnp.ones((B, 1), jnp.float32)
    inp["embedding"] = jax.random.uniform(ks[7], (NUM_NODE, DIM), jnp.float32, -stdv, stdv)
    inp["a_0"] = jax.random.uniform(ks[8], (DIM, 1), jnp.float32, -stdv, stdv)
    inp["a_1"] = jax.random.uniform(ks[9], (DIM, 1), jnp.float32, -stdv, stdv)
    inp["a_2"] = jax.random.uniform(ks[10], (DIM, 1), jnp.float32, -stdv, stdv)
    inp["a_3"] = jax.random.uniform(ks[11], (DIM, 1), jnp.float32, -stdv, stdv)
    inp["adj_row"] = jax.random.randint(ks[12], (E,), 0, NUM_NODE)
    inp["adj_col"] = jax.random.randint(ks[13], (E,), 0, NUM_NODE)
    inp["adj_val"] = jax.random.uniform(ks[14], (E,), jnp.float32) * (1.0 / 16.0)
    return inp


def reference(inputs, edge_matrix, mask, reversed_sess_item, sess_item, D, A, sess_len,
              embedding, a_0, a_1, a_2, a_3, adj_row, adj_col, adj_val):
    # ---- Intra_S_view (pairwise GAT-style attention over session graph) ----
    h = embedding[inputs]                       # [B, L, DIM] gather
    a_input = h[:, :, None, :] * h[:, None, :, :]   # [B, L, L, DIM]
    e_0 = _leaky(jnp.matmul(a_input, a_0))[..., 0]  # [B, L, L]
    e_1 = _leaky(jnp.matmul(a_input, a_1))[..., 0]
    e_2 = _leaky(jnp.matmul(a_input, a_2))[..., 0]
    e_3 = _leaky(jnp.matmul(a_input, a_3))[..., 0]
    big_neg = -9e15 * jnp.ones_like(e_0)
    alpha = jnp.where(edge_matrix == 1, e_0, big_neg)
    alpha = jnp.where(edge_matrix == 2, e_1, alpha)
    alpha = jnp.where(edge_matrix == 3, e_2, alpha)
    alpha = jnp.where(edge_matrix == 4, e_3, alpha)
    alpha = jax.nn.softmax(alpha, axis=-1)
    intra_item_emb = jnp.matmul(alpha, h)       # [B, L, DIM]

    # ---- Inter_S_view (sparse adjacency propagation over full item graph) ----
    item_emb = embedding
    finals = [item_emb]
    for _ in range(LAYERS):
        item_emb = jax.ops.segment_sum(adj_val[:, None] * item_emb[adj_col], adj_row,
                                       num_segments=NUM_NODE)
        finals.append(item_emb)
    inter_item_emb = sum(finals) / (LAYERS + 1)

    # ---- Session_view ----
    table = jnp.concatenate([jnp.zeros((1, DIM), jnp.float32), embedding], axis=0)
    seq_h1 = table[sess_item]                   # [B, L, DIM] gather (padded table)
    sess_emb = jnp.sum(seq_h1, axis=1) / sess_len
    sessions = [sess_emb]
    DA = jnp.matmul(D, A)
    for _ in range(LAYERS):
        sess_emb = jnp.matmul(DA, sess_emb)
        sessions.append(sess_emb)
    session_emb = sum(sessions) / (LAYERS + 1)

    # ---- combine (dropout is identity in eval mode) ----
    inter_table = jnp.concatenate([jnp.zeros((1, DIM), jnp.float32), inter_item_emb], axis=0)
    seq_h = inter_table[sess_item]              # [B, L, DIM] gather
    output = intra_item_emb + seq_h
    return (output, session_emb)

if __name__ == "__main__":
    import jax
    _d = setup_inputs()
    print(jax.jit(kernel)(*tuple(_d.values())))

</pallas_src>

<mosaic_0001>
#map = affine_map<(d0, d1) -> (0, 0)>
module attributes {stable_mosaic.version = 14 : i64} {
  func.func @spmv(%arg0: i32, %arg1: i32, %arg2: memref<100096x64xbf16, #tpu.memory_space<hbm>>, %arg3: memref<6400x128xi32, #tpu.memory_space<hbm>>, %arg4: memref<6400x128xi32, #tpu.memory_space<hbm>>, %arg5: memref<6400x128xf32, #tpu.memory_space<hbm>>, %arg6: memref<50048x64xbf16, #tpu.memory_space<hbm>>, %arg7: memref<100096x64xbf16, #tpu.memory_space<hbm>>, %arg8: memref<20x128xi32, #tpu.memory_space<vmem>>, %arg9: memref<20x128xi32, #tpu.memory_space<vmem>>, %arg10: memref<20x128xf32, #tpu.memory_space<vmem>>, %arg11: memref<2x256x64xbf16, #tpu.memory_space<vmem>>, %arg12: memref<50048x64xbf16, #tpu.memory_space<vmem_shared>>, %arg13: memref<2x!tpu.dma_semaphore, #tpu.memory_space<semaphore_mem>>, %arg14: memref<2x!tpu.dma_semaphore, #tpu.memory_space<semaphore_mem>>) attributes {dimension_semantics = [#tpu.dimension_semantics<core_parallel>, #tpu.dimension_semantics<subcore_parallel>], iteration_bounds = array<i64: 2, 16>, scalar_prefetch = 0 : i64, scratch_operands = 7 : i64, tpu.core_type = #tpu.core_type<sc_vector_subcore>, window_params = [{transform_indices = #map}, {transform_indices = #map}, {transform_indices = #map}, {transform_indices = #map}, {transform_indices = #map}, {transform_indices = #map}]} {
    %mul3A = arith.constant 400 : i32
    %mul3A_0 = arith.muli %arg1, %mul3A : i32
    %add3A = arith.constant 0 : i32
    %add3A_1 = arith.addi %add3A, %arg0 : i32
    %mul3A_2 = arith.constant 3128 : i32
    %mul3A_3 = arith.muli %arg1, %mul3A_2 : i32
    %mul3A_4 = arith.constant 3128 : i32
    %mul3A_5 = arith.muli %arg1, %mul3A_4 : i32
    "tpu.region"() ({
      %run_scoped3A = tpu.sem_alloc : memref<!tpu.dma_semaphore, #tpu.memory_space<semaphore_mem>>
      %dma_start3A = arith.constant 0 : i32
      %dma_start3A_20 = tpu.memref_slice %arg12[%mul3A_5, %dma_start3A] : memref<50048x64xbf16, #tpu.memory_space<vmem_shared>> -> memref<3128x64xbf16, #tpu.memory_space<vmem_shared>>
      %dma_start3A_21 = arith.constant 0 : i32
      %dma_start3A_22 = tpu.memref_slice %arg6[%mul3A_3, %dma_start3A_21] : memref<50048x64xbf16, #tpu.memory_space<hbm>> -> memref<3128x64xbf16, #tpu.memory_space<hbm>>
      tpu.enqueue_dma source(%dma_start3A_22 : memref<3128x64xbf16, #tpu.memory_space<hbm>>) target(%dma_start3A_20 : memref<3128x64xbf16, #tpu.memory_space<vmem_shared>>) target_semaphore(%run_scoped3A : memref<!tpu.dma_semaphore, #tpu.memory_space<semaphore_mem>>)
      %dma_wait3A = arith.constant 0 : i32
      %dma_wait3A_23 = tpu.memref_slice %arg12[%mul3A_5, %dma_wait3A] : memref<50048x64xbf16, #tpu.memory_space<vmem_shared>> -> memref<3128x64xbf16, #tpu.memory_space<vmem_shared>>
      %dma_wait3A_24 = arith.constant 0 : i32
      %dma_wait3A_25 = tpu.memref_slice %arg6[%mul3A_3, %dma_wait3A_24] : memref<50048x64xbf16, #tpu.memory_space<hbm>> -> memref<3128x64xbf16, #tpu.memory_space<hbm>>
      tpu.wait_dma2 semaphore(%run_scoped3A : memref<!tpu.dma_semaphore, #tpu.memory_space<semaphore_mem>>) src(%dma_wait3A_25 : memref<3128x64xbf16, #tpu.memory_space<hbm>>) dst(%dma_wait3A_23 : memref<3128x64xbf16, #tpu.memory_space<vmem_shared>>)
      tpu.yield
    }) : () -> ()
    %barrier3A = arith.constant 0 : index
    tpu.barrier barrier_id(%barrier3A)
    %scan3A = arith.constant 0 : i32
    %scan3A_6 = arith.constant 0 : i32
    %scan3A_7 = arith.constant 20 : i32
    %scan3A_8 = arith.addi %scan3A_6, %scan3A_7 : i32
    %scan3A_9 = arith.constant 1 : i32
    scf.for %scan3A_20 = %scan3A_6 to %scan3A_8 step %scan3A_9  : i32 {
      %mul3A_21 = arith.constant 20 : i32
      %mul3A_22 = arith.muli %scan3A_20, %mul3A_21 : i32
      %add3A_23 = arith.addi %mul3A_0, %mul3A_22 : i32
      "tpu.region"() ({
        %run_scoped3A = tpu.sem_alloc : memref<!tpu.dma_semaphore, #tpu.memory_space<semaphore_mem>>
        %dma_start3A_82 = arith.constant 0 : i32
        %dma_start3A_83 = tpu.memref_slice %arg4[%add3A_23, %dma_start3A_82] : memref<6400x128xi32, #tpu.memory_space<hbm>> -> memref<20x128xi32, #tpu.memory_space<hbm>>
        %dma_start3A_84 = arith.constant 0 : i32
        %dma_start3A_85 = tpu.memref_slice %arg4[%add3A_23, %dma_start3A_84] : memref<6400x128xi32, #tpu.memory_space<hbm>> -> memref<20x128xi32, #tpu.memory_space<hbm>>
        tpu.enqueue_dma source(%dma_start3A_85 : memref<20x128xi32, #tpu.memory_space<hbm>>) target(%arg8 : memref<20x128xi32, #tpu.memory_space<vmem>>) target_semaphore(%run_scoped3A : memref<!tpu.dma_semaphore, #tpu.memory_space<semaphore_mem>>)
        %dma_wait3A_86 = arith.constant 0 : i32
        %dma_wait3A_87 = tpu.memref_slice %arg4[%add3A_23, %dma_wait3A_86] : memref<6400x128xi32, #tpu.memory_space<hbm>> -> memref<20x128xi32, #tpu.memory_space<hbm>>
        %dma_wait3A_88 = arith.constant 0 : i32
        %dma_wait3A_89 = tpu.memref_slice %arg4[%add3A_23, %dma_wait3A_88] : memref<6400x128xi32, #tpu.memory_space<hbm>> -> memref<20x128xi32, #tpu.memory_space<hbm>>
        tpu.wait_dma2 semaphore(%run_scoped3A : memref<!tpu.dma_semaphore, #tpu.memory_space<semaphore_mem>>) src(%dma_wait3A_89 : memref<20x128xi32, #tpu.memory_space<hbm>>) dst(%arg8 : memref<20x128xi32, #tpu.memory_space<vmem>>)
        tpu.yield
      }) : () -> ()
      "tpu.region"() ({
        %run_scoped3A = tpu.sem_alloc : memref<!tpu.dma_semaphore, #tpu.memory_space<semaphore_mem>>
        %dma_start3A_82 = arith.constant 0 : i32
        %dma_start3A_83 = tpu.memref_slice %arg3[%add3A_23, %dma_start3A_82] : memref<6400x128xi32, #tpu.memory_space<hbm>> -> memref<20x128xi32, #tpu.memory_space<hbm>>
        %dma_start3A_84 = arith.constant 0 : i32
        %dma_start3A_85 = tpu.memref_slice %arg3[%add3A_23, %dma_start3A_84] : memref<6400x128xi32, #tpu.memory_space<hbm>> -> memref<20x128xi32, #tpu.memory_space<hbm>>
        tpu.enqueue_dma source(%dma_start3A_85 : memref<20x128xi32, #tpu.memory_space<hbm>>) target(%arg9 : memref<20x128xi32, #tpu.memory_space<vmem>>) target_semaphore(%run_scoped3A : memref<!tpu.dma_semaphore, #tpu.memory_space<semaphore_mem>>)
        %dma_wait3A_86 = arith.constant 0 : i32
        %dma_wait3A_87 = tpu.memref_slice %arg3[%add3A_23, %dma_wait3A_86] : memref<6400x128xi32, #tpu.memory_space<hbm>> -> memref<20x128xi32, #tpu.memory_space<hbm>>
        %dma_wait3A_88 = arith.constant 0 : i32
        %dma_wait3A_89 = tpu.memref_slice %arg3[%add3A_23, %dma_wait3A_88] : memref<6400x128xi32, #tpu.memory_space<hbm>> -> memref<20x128xi32, #tpu.memory_space<hbm>>
        tpu.wait_dma2 semaphore(%run_scoped3A : memref<!tpu.dma_semaphore, #tpu.memory_space<semaphore_mem>>) src(%dma_wait3A_89 : memref<20x128xi32, #tpu.memory_space<hbm>>) dst(%arg9 : memref<20x128xi32, #tpu.memory_space<vmem>>)
        tpu.yield
      }) : () -> ()
      "tpu.region"() ({
        %run_scoped3A = tpu.sem_alloc : memref<!tpu.dma_semaphore, #tpu.memory_space<semaphore_mem>>
        %dma_start3A_82 = arith.constant 0 : i32
        %dma_start3A_83 = tpu.memref_slice %arg5[%add3A_23, %dma_start3A_82] : memref<6400x128xf32, #tpu.memory_space<hbm>> -> memref<20x128xf32, #tpu.memory_space<hbm>>
        %dma_start3A_84 = arith.constant 0 : i32
        %dma_start3A_85 = tpu.memref_slice %arg5[%add3A_23, %dma_start3A_84] : memref<6400x128xf32, #tpu.memory_space<hbm>> -> memref<20x128xf32, #tpu.memory_space<hbm>>
        tpu.enqueue_dma source(%dma_start3A_85 : memref<20x128xf32, #tpu.memory_space<hbm>>) target(%arg10 : memref<20x128xf32, #tpu.memory_space<vmem>>) target_semaphore(%run_scoped3A : memref<!tpu.dma_semaphore, #tpu.memory_space<semaphore_mem>>)
        %dma_wait3A_86 = arith.constant 0 : i32
        %dma_wait3A_87 = tpu.memref_slice %arg5[%add3A_23, %dma_wait3A_86] : memref<6400x128xf32, #tpu.memory_space<hbm>> -> memref<20x128xf32, #tpu.memory_space<hbm>>
        %dma_wait3A_88 = arith.constant 0 : i32
        %dma_wait3A_89 = tpu.memref_slice %arg5[%add3A_23, %dma_wait3A_88] : memref<6400x128xf32, #tpu.memory_space<hbm>> -> memref<20x128xf32, #tpu.memory_space<hbm>>
        tpu.wait_dma2 semaphore(%run_scoped3A : memref<!tpu.dma_semaphore, #tpu.memory_space<semaphore_mem>>) src(%dma_wait3A_89 : memref<20x128xf32, #tpu.memory_space<hbm>>) dst(%arg10 : memref<20x128xf32, #tpu.memory_space<vmem>>)
        tpu.yield
      }) : () -> ()
      %scan3A_24 = arith.constant 0 : i32
      %scan3A_25 = arith.constant 0 : i32
      %scan3A_26 = arith.constant 20 : i32
      %scan3A_27 = arith.addi %scan3A_25, %scan3A_26 : i32
      %scan3A_28 = arith.constant 1 : i32
      scf.for %scan3A_82 = %scan3A_25 to %scan3A_27 step %scan3A_28  : i32 {
        %get3A = arith.index_cast %scan3A_82 : i32 to index
        %get3A_83 = arith.constant 0 : index
        %get3A_84 = tpu.vector_load %arg8[%get3A, %get3A_83] {strides = array<i32>} : memref<20x128xi32, #tpu.memory_space<vmem>>, vector<1x16xi32>,
        %get3A_85 = vector.shape_cast %get3A_84 : vector<1x16xi32> to vector<16xi32>
        %mul3A_86 = arith.constant 1 : i32
        %mul3A_87 = vector.broadcast %mul3A_86 : i32 to vector<16xi32>
        %mul3A_88 = arith.muli %get3A_85, %mul3A_87 : vector<16xi32>
        %mul3A_89 = arith.constant 50048 : i32
        %mul3A_90 = arith.muli %add3A_1, %mul3A_89 : i32
        %add3A_91 = vector.broadcast %mul3A_90 : i32 to vector<16xi32>
        %add3A_92 = arith.addi %mul3A_88, %add3A_91 : vector<16xi32>
        %swap3A = arith.index_cast %scan3A_82 : i32 to index
        %swap3A_93 = arith.constant 0 : index
        %swap3A_94 = tpu.vector_load %arg8[%swap3A, %swap3A_93] {strides = array<i32>} : memref<20x128xi32, #tpu.memory_space<vmem>>, vector<1x16xi32>,
        %swap3A_95 = vector.shape_cast %swap3A_94 : vector<1x16xi32> to vector<16xi32>
        %swap3A_96 = vector.shape_cast %add3A_92 : vector<16xi32> to vector<1x16xi32>
        tpu.vector_store %arg8[%swap3A, %swap3A_93], %swap3A_96 {strides = array<i32>} : memref<20x128xi32, #tpu.memory_space<vmem>>, vector<1x16xi32>,
        %get3A_97 = arith.index_cast %scan3A_82 : i32 to index
        %get3A_98 = arith.constant 16 : index
        %get3A_99 = tpu.vector_load %arg8[%get3A_97, %get3A_98] {strides = array<i32>} : memref<20x128xi32, #tpu.memory_space<vmem>>, vector<1x16xi32>,
        %get3A_100 = vector.shape_cast %get3A_99 : vector<1x16xi32> to vector<16xi32>
        %mul3A_101 = arith.constant 1 : i32
        %mul3A_102 = vector.broadcast %mul3A_101 : i32 to vector<16xi32>
        %mul3A_103 = arith.muli %get3A_100, %mul3A_102 : vector<16xi32>
        %mul3A_104 = arith.constant 50048 : i32
        %mul3A_105 = arith.muli %add3A_1, %mul3A_104 : i32
        %add3A_106 = vector.broadcast %mul3A_105 : i32 to vector<16xi32>
        %add3A_107 = arith.addi %mul3A_103, %add3A_106 : vector<16xi32>
        %swap3A_108 = arith.index_cast %scan3A_82 : i32 to index
        %swap3A_109 = arith.constant 16 : index
        %swap3A_110 = tpu.vector_load %arg8[%swap3A_108, %swap3A_109] {strides = array<i32>} : memref<20x128xi32, #tpu.memory_space<vmem>>, vector<1x16xi32>,
        %swap3A_111 = vector.shape_cast %swap3A_110 : vector<1x16xi32> to vector<16xi32>
        %swap3A_112 = vector.shape_cast %add3A_107 : vector<16xi32> to vector<1x16xi32>
        tpu.vector_store %arg8[%swap3A_108, %swap3A_109], %swap3A_112 {strides = array<i32>} : memref<20x128xi32, #tpu.memory_space<vmem>>, vector<1x16xi32>,
        %get3A_113 = arith.index_cast %scan3A_82 : i32 to index
        %get3A_114 = arith.constant 32 : index
        %get3A_115 = tpu.vector_load %arg8[%get3A_113, %get3A_114] {strides = array<i32>} : memref<20x128xi32, #tpu.memory_space<vmem>>, vector<1x16xi32>,
        %get3A_116 = vector.shape_cast %get3A_115 : vector<1x16xi32> to vector<16xi32>
        %mul3A_117 = arith.constant 1 : i32
        %mul3A_118 = vector.broadcast %mul3A_117 : i32 to vector<16xi32>
        %mul3A_119 = arith.muli %get3A_116, %mul3A_118 : vector<16xi32>
        %mul3A_120 = arith.constant 50048 : i32
        %mul3A_121 = arith.muli %add3A_1, %mul3A_120 : i32
        %add3A_122 = vector.broadcast %mul3A_121 : i32 to vector<16xi32>
        %add3A_123 = arith.addi %mul3A_119, %add3A_122 : vector<16xi32>
        %swap3A_124 = arith.index_cast %scan3A_82 : i32 to index
        %swap3A_125 = arith.constant 32 : index
        %swap3A_126 = tpu.vector_load %arg8[%swap3A_124, %swap3A_125] {strides = array<i32>} : memref<20x128xi32, #tpu.memory_space<vmem>>, vector<1x16xi32>,
        %swap3A_127 = vector.shape_cast %swap3A_126 : vector<1x16xi32> to vector<16xi32>
        %swap3A_128 = vector.shape_cast %add3A_123 : vector<16xi32> to vector<1x16xi32>
        tpu.vector_store %arg8[%swap3A_124, %swap3A_125], %swap3A_128 {strides = array<i32>} : memref<20x128xi32, #tpu.memory_space<vmem>>, vector<1x16xi32>,
        %get3A_129 = arith.index_cast %scan3A_82 : i32 to index
        %get3A_130 = arith.constant 48 : index
        %get3A_131 = tpu.vector_load %arg8[%get3A_129, %get3A_130] {strides = array<i32>} : memref<20x128xi32, #tpu.memory_space<vmem>>, vector<1x16xi32>,
        %get3A_132 = vector.shape_cast %get3A_131 : vector<1x16xi32> to vector<16xi32>
        %mul3A_133 = arith.constant 1 : i32
        %mul3A_134 = vector.broadcast %mul3A_133 : i32 to vector<16xi32>
        %mul3A_135 = arith.muli %get3A_132, %mul3A_134 : vector<16xi32>
        %mul3A_136 = arith.constant 50048 : i32
        %mul3A_137 = arith.muli %add3A_1, %mul3A_136 : i32
        %add3A_138 = vector.broadcast %mul3A_137 : i32 to vector<16xi32>
        %add3A_139 = arith.addi %mul3A_135, %add3A_138 : vector<16xi32>
        %swap3A_140 = arith.index_cast %scan3A_82 : i32 to index
        %swap3A_141 = arith.constant 48 : index
        %swap3A_142 = tpu.vector_load %arg8[%swap3A_140, %swap3A_141] {strides = array<i32>} : memref<20x128xi32, #tpu.memory_space<vmem>>, vector<1x16xi32>,
        %swap3A_143 = vector.shape_cast %swap3A_142 : vector<1x16xi32> to vector<16xi32>
        %swap3A_144 = vector.shape_cast %add3A_139 : vector<16xi32> to vector<1x16xi32>
        tpu.vector_store %arg8[%swap3A_140, %swap3A_141], %swap3A_144 {strides = array<i32>} : memref<20x128xi32, #tpu.memory_space<vmem>>, vector<1x16xi32>,
        %get3A_145 = arith.index_cast %scan3A_82 : i32 to index
        %get3A_146 = arith.constant 64 : index
        %get3A_147 = tpu.vector_load %arg8[%get3A_145, %get3A_146] {strides = array<i32>} : memref<20x128xi32, #tpu.memory_space<vmem>>, vector<1x16xi32>,
        %get3A_148 = vector.shape_cast %get3A_147 : vector<1x16xi32> to vector<16xi32>
        %mul3A_149 = arith.constant 1 : i32
        %mul3A_150 = vector.broadcast %mul3A_149 : i32 to vector<16xi32>
        %mul3A_151 = arith.muli %get3A_148, %mul3A_150 : vector<16xi32>
        %mul3A_152 = arith.constant 50048 : i32
        %mul3A_153 = arith.muli %add3A_1, %mul3A_152 : i32
        %add3A_154 = vector.broadcast %mul3A_153 : i32 to vector<16xi32>
        %add3A_155 = arith.addi %mul3A_151, %add3A_154 : vector<16xi32>
        %swap3A_156 = arith.index_cast %scan3A_82 : i32 to index
        %swap3A_157 = arith.constant 64 : index
        %swap3A_158 = tpu.vector_load %arg8[%swap3A_156, %swap3A_157] {strides = array<i32>} : memref<20x128xi32, #tpu.memory_space<vmem>>, vector<1x16xi32>,
        %swap3A_159 = vector.shape_cast %swap3A_158 : vector<1x16xi32> to vector<16xi32>
        %swap3A_160 = vector.shape_cast %add3A_155 : vector<16xi32> to vector<1x16xi32>
        tpu.vector_store %arg8[%swap3A_156, %swap3A_157], %swap3A_160 {strides = array<i32>} : memref<20x128xi32, #tpu.memory_space<vmem>>, vector<1x16xi32>,
        %get3A_161 = arith.index_cast %scan3A_82 : i32 to index
        %get3A_162 = arith.constant 80 : index
        %get3A_163 = tpu.vector_load %arg8[%get3A_161, %get3A_162] {strides = array<i32>} : memref<20x128xi32, #tpu.memory_space<vmem>>, vector<1x16xi32>,
        %get3A_164 = vector.shape_cast %get3A_163 : vector<1x16xi32> to vector<16xi32>
        %mul3A_165 = arith.constant 1 : i32
        %mul3A_166 = vector.broadcast %mul3A_165 : i32 to vector<16xi32>
        %mul3A_167 = arith.muli %get3A_164, %mul3A_166 : vector<16xi32>
        %mul3A_168 = arith.constant 50048 : i32
        %mul3A_169 = arith.muli %add3A_1, %mul3A_168 : i32
        %add3A_170 = vector.broadcast %mul3A_169 : i32 to vector<16xi32>
        %add3A_171 = arith.addi %mul3A_167, %add3A_170 : vector<16xi32>
        %swap3A_172 = arith.index_cast %scan3A_82 : i32 to index
        %swap3A_173 = arith.constant 80 : index
        %swap3A_174 = tpu.vector_load %arg8[%swap3A_172, %swap3A_173] {strides = array<i32>} : memref<20x128xi32, #tpu.memory_space<vmem>>, vector<1x16xi32>,
        %swap3A_175 = vector.shape_cast %swap3A_174 : vector<1x16xi32> to vector<16xi32>
        %swap3A_176 = vector.shape_cast %add3A_171 : vector<16xi32> to vector<1x16xi32>
        tpu.vector_store %arg8[%swap3A_172, %swap3A_173], %swap3A_176 {strides = array<i32>} : memref<20x128xi32, #tpu.memory_space<vmem>>, vector<1x16xi32>,
        %get3A_177 = arith.index_cast %scan3A_82 : i32 to index
        %get3A_178 = arith.constant 96 : index
        %get3A_179 = tpu.vector_load %arg8[%get3A_177, %get3A_178] {strides = array<i32>} : memref<20x128xi32, #tpu.memory_space<vmem>>, vector<1x16xi32>,
        %get3A_180 = vector.shape_cast %get3A_179 : vector<1x16xi32> to vector<16xi32>
        %mul3A_181 = arith.constant 1 : i32
        %mul3A_182 = vector.broadcast %mul3A_181 : i32 to vector<16xi32>
        %mul3A_183 = arith.muli %get3A_180, %mul3A_182 : vector<16xi32>
        %mul3A_184 = arith.constant 50048 : i32
        %mul3A_185 = arith.muli %add3A_1, %mul3A_184 : i32
        %add3A_186 = vector.broadcast %mul3A_185 : i32 to vector<16xi32>
        %add3A_187 = arith.addi %mul3A_183, %add3A_186 : vector<16xi32>
        %swap3A_188 = arith.index_cast %scan3A_82 : i32 to index
        %swap3A_189 = arith.constant 96 : index
        %swap3A_190 = tpu.vector_load %arg8[%swap3A_188, %swap3A_189] {strides = array<i32>} : memref<20x128xi32, #tpu.memory_space<vmem>>, vector<1x16xi32>,
        %swap3A_191 = vector.shape_cast %swap3A_190 : vector<1x16xi32> to vector<16xi32>
        %swap3A_192 = vector.shape_cast %add3A_187 : vector<16xi32> to vector<1x16xi32>
        tpu.vector_store %arg8[%swap3A_188, %swap3A_189], %swap3A_192 {strides = array<i32>} : memref<20x128xi32, #tpu.memory_space<vmem>>, vector<1x16xi32>,
        %get3A_193 = arith.index_cast %scan3A_82 : i32 to index
        %get3A_194 = arith.constant 112 : index
        %get3A_195 = tpu.vector_load %arg8[%get3A_193, %get3A_194] {strides = array<i32>} : memref<20x128xi32, #tpu.memory_space<vmem>>, vector<1x16xi32>,
        %get3A_196 = vector.shape_cast %get3A_195 : vector<1x16xi32> to vector<16xi32>
        %mul3A_197 = arith.constant 1 : i32
        %mul3A_198 = vector.broadcast %mul3A_197 : i32 to vector<16xi32>
        %mul3A_199 = arith.muli %get3A_196, %mul3A_198 : vector<16xi32>
        %mul3A_200 = arith.constant 50048 : i32
        %mul3A_201 = arith.muli %add3A_1, %mul3A_200 : i32
        %add3A_202 = vector.broadcast %mul3A_201 : i32 to vector<16xi32>
        %add3A_203 = arith.addi %mul3A_199, %add3A_202 : vector<16xi32>
        %swap3A_204 = arith.index_cast %scan3A_82 : i32 to index
        %swap3A_205 = arith.constant 112 : index
        %swap3A_206 = tpu.vector_load %arg8[%swap3A_204, %swap3A_205] {strides = array<i32>} : memref<20x128xi32, #tpu.memory_space<vmem>>, vector<1x16xi32>,
        %swap3A_207 = vector.shape_cast %swap3A_206 : vector<1x16xi32> to vector<16xi32>
        %swap3A_208 = vector.shape_cast %add3A_203 : vector<16xi32> to vector<1x16xi32>
        tpu.vector_store %arg8[%swap3A_204, %swap3A_205], %swap3A_208 {strides = array<i32>} : memref<20x128xi32, #tpu.memory_space<vmem>>, vector<1x16xi32>,
      }
      %scan3A_29 = arith.constant 20 : i32
      %dma_start3A = arith.constant 0 : i32
      %dma_start3A_30 = arith.constant 0 : i32
      %dma_start3A_31 = arith.constant 0 : i32
      %dma_start3A_32 = arith.constant 0 : i32
      %dma_start3A_33 = arith.constant 0 : i32
      %dma_start3A_34 = tpu.memref_slice %arg11[%dma_start3A_30, %dma_start3A_32, %dma_start3A_33] : memref<2x256x64xbf16, #tpu.memory_space<vmem>> -> memref<1x128x64xbf16, #tpu.memory_space<vmem>>
      %dma_start3A_35 = tpu.memref_squeeze %dma_start3A_34 : memref<1x128x64xbf16, #tpu.memory_space<vmem>> -> memref<128x64xbf16, #tpu.memory_space<vmem>>
      %dma_start3A_36 = arith.constant 0 : i32
      %dma_start3A_37 = tpu.memref_slice %arg8[%dma_start3A, %dma_start3A_36] : memref<20x128xi32, #tpu.memory_space<vmem>> -> memref<1x128xi32, #tpu.memory_space<vmem>>
      %dma_start3A_38 = tpu.memref_squeeze %dma_start3A_37 : memref<1x128xi32, #tpu.memory_space<vmem>> -> memref<128xi32, #tpu.memory_space<vmem>>
      %dma_start3A_39 = arith.constant 0 : i32
      %dma_start3A_40 = arith.constant 0 : i32
      %dma_start3A_41 = tpu.memref_slice %arg2[%dma_start3A_39, %dma_start3A_40] : memref<100096x64xbf16, #tpu.memory_space<hbm>> -> memref<100096x64xbf16, #tpu.memory_space<hbm>>
      %dma_start3A_42 = tpu.memref_slice %arg13[%dma_start3A_31] : memref<2x!tpu.dma_semaphore, #tpu.memory_space<semaphore_mem>> -> memref<1x!tpu.dma_semaphore, #tpu.memory_space<semaphore_mem>>
      %dma_start3A_43 = tpu.memref_squeeze %dma_start3A_42 : memref<1x!tpu.dma_semaphore, #tpu.memory_space<semaphore_mem>> -> memref<!tpu.dma_semaphore, #tpu.memory_space<semaphore_mem>>
      tpu.enqueue_indirect_dma source(%dma_start3A_41 : memref<100096x64xbf16, #tpu.memory_space<hbm>>) target(%dma_start3A_35 : memref<128x64xbf16, #tpu.memory_space<vmem>>) offsets(%dma_start3A_38 : memref<128xi32, #tpu.memory_space<vmem>>) semaphore(%dma_start3A_43 : memref<!tpu.dma_semaphore, #tpu.memory_space<semaphore_mem>>)
      %dma_start3A_44 = arith.constant 1 : i32
      %dma_start3A_45 = arith.constant 0 : i32
      %dma_start3A_46 = arith.constant 0 : i32
      %dma_start3A_47 = arith.constant 128 : i32
      %dma_start3A_48 = arith.constant 0 : i32
      %dma_start3A_49 = tpu.memref_slice %arg11[%dma_start3A_45, %dma_start3A_47, %dma_start3A_48] : memref<2x256x64xbf16, #tpu.memory_space<vmem>> -> memref<1x128x64xbf16, #tpu.memory_space<vmem>>
      %dma_start3A_50 = tpu.memref_squeeze %dma_start3A_49 : memref<1x128x64xbf16, #tpu.memory_space<vmem>> -> memref<128x64xbf16, #tpu.memory_space<vmem>>
      %dma_start3A_51 = arith.constant 0 : i32
      %dma_start3A_52 = tpu.memref_slice %arg8[%dma_start3A_44, %dma_start3A_51] : memref<20x128xi32, #tpu.memory_space<vmem>> -> memref<1x128xi32, #tpu.memory_space<vmem>>
      %dma_start3A_53 = tpu.memref_squeeze %dma_start3A_52 : memref<1x128xi32, #tpu.memory_space<vmem>> -> memref<128xi32, #tpu.memory_space<vmem>>
      %dma_start3A_54 = arith.constant 0 : i32
      %dma_start3A_55 = arith.constant 0 : i32
      %dma_start3A_56 = tpu.memref_slice %arg2[%dma_start3A_54, %dma_start3A_55] : memref<100096x64xbf16, #tpu.memory_space<hbm>> -> memref<100096x64xbf16, #tpu.memory_space<hbm>>
      %dma_start3A_57 = tpu.memref_slice %arg13[%dma_start3A_46] : memref<2x!tpu.dma_semaphore, #tpu.memory_space<semaphore_mem>> -> memref<1x!tpu.dma_semaphore, #tpu.memory_space<semaphore_mem>>
      %dma_start3A_58 = tpu.memref_squeeze %dma_start3A_57 : memref<1x!tpu.dma_semaphore, #tpu.memory_space<semaphore_mem>> -> memref<!tpu.dma_semaphore, #tpu.memory_space<semaphore_mem>>
      tpu.enqueue_indirect_dma source(%dma_start3A_56 : memref<100096x64xbf16, #tpu.memory_space<hbm>>) target(%dma_start3A_50 : memref<128x64xbf16, #tpu.memory_space<vmem>>) offsets(%dma_start3A_53 : memref<128xi32, #tpu.memory_space<vmem>>) semaphore(%dma_start3A_58 : memref<!tpu.dma_semaphore, #tpu.memory_space<semaphore_mem>>)
      %scan3A_59 = arith.constant 0 : i32
      %scan3A_60 = arith.constant 0 : i32
      %scan3A_61 = arith.constant 10 : i32
      %scan3A_62 = arith.addi %scan3A_60, %scan3A_61 : i32
      %scan3A_63 = arith.constant 1 : i32
      scf.for %scan3A_82 = %scan3A_60 to %scan3A_62 step %scan3A_63  : i32 {
        %rem3A = arith.constant 2 : i32
        %rem3A_83 = arith.remsi %scan3A_82, %rem3A : i32
        %sub3A = arith.constant 1 : i32
        %sub3A_84 = arith.subi %sub3A, %rem3A_83 : i32
        %gt3A = arith.constant 0 : i32
        %gt3A_85 = arith.cmpi sgt, %scan3A_82, %gt3A : i32
        %convert_element_type3A = arith.extui %gt3A_85 : i1 to i32
        %cond3A = arith.constant 0 : i32
        %cond3A_86 = arith.cmpi ne, %convert_element_type3A, %cond3A : i32
        scf.if %cond3A_86 {
          %dma_wait3A_147 = arith.constant 0 : i32
          %dma_wait3A_148 = arith.constant 0 : i32
          %dma_wait3A_149 = tpu.memref_slice %arg11[%sub3A_84, %dma_wait3A_147, %dma_wait3A_148] : memref<2x256x64xbf16, #tpu.memory_space<vmem>> -> memref<1x256x64xbf16, #tpu.memory_space<vmem>>
          %dma_wait3A_150 = tpu.memref_squeeze %dma_wait3A_149 : memref<1x256x64xbf16, #tpu.memory_space<vmem>> -> memref<256x64xbf16, #tpu.memory_space<vmem>>
          %dma_wait3A_151 = arith.constant 0 : i32
          %dma_wait3A_152 = arith.constant 0 : i32
          %dma_wait3A_153 = tpu.memref_slice %arg12[%dma_wait3A_151, %dma_wait3A_152] : memref<50048x64xbf16, #tpu.memory_space<vmem_shared>> -> memref<256x64xbf16, #tpu.memory_space<vmem_shared>>
          %dma_wait3A_154 = tpu.memref_slice %arg14[%sub3A_84] : memref<2x!tpu.dma_semaphore, #tpu.memory_space<semaphore_mem>> -> memref<1x!tpu.dma_semaphore, #tpu.memory_space<semaphore_mem>>
          %dma_wait3A_155 = tpu.memref_squeeze %dma_wait3A_154 : memref<1x!tpu.dma_semaphore, #tpu.memory_space<semaphore_mem>> -> memref<!tpu.dma_semaphore, #tpu.memory_space<semaphore_mem>>
          %dma_wait3A_156 = arith.constant 0 : i32
          %dma_wait3A_157 = arith.constant 0 : i32
          %dma_wait3A_158 = tpu.memref_slice %arg12[%dma_wait3A_156, %dma_wait3A_157] : memref<50048x64xbf16, #tpu.memory_space<vmem_shared>> -> memref<256x64xbf16, #tpu.memory_space<vmem_shared>>
          %dma_wait3A_159 = arith.constant 0 : i32
          %dma_wait3A_160 = arith.constant 0 : i32
          %dma_wait3A_161 = tpu.memref_slice %arg11[%sub3A_84, %dma_wait3A_159, %dma_wait3A_160] : memref<2x256x64xbf16, #tpu.memory_space<vmem>> -> memref<1x256x64xbf16, #tpu.memory_space<vmem>>
          %dma_wait3A_162 = tpu.memref_squeeze %dma_wait3A_161 : memref<1x256x64xbf16, #tpu.memory_space<vmem>> -> memref<256x64xbf16, #tpu.memory_space<vmem>>
          tpu.wait_dma2 semaphore(%dma_wait3A_155 : memref<!tpu.dma_semaphore, #tpu.memory_space<semaphore_mem>>) src(%dma_wait3A_162 : memref<256x64xbf16, #tpu.memory_space<vmem>>) dst(%dma_wait3A_158 : memref<256x64xbf16, #tpu.memory_space<vmem_shared>>)
        } else {
        }
        %add3A_87 = arith.constant 1 : i32
        %add3A_88 = arith.addi %scan3A_82, %add3A_87 : i32
        %lt3A = arith.constant 10 : i32
        %lt3A_89 = arith.cmpi slt, %add3A_88, %lt3A : i32
        %convert_element_type3A_90 = arith.extui %lt3A_89 : i1 to i32
        %cond3A_91 = arith.constant 0 : i32
        %cond3A_92 = arith.cmpi ne, %convert_element_type3A_90, %cond3A_91 : i32
        scf.if %cond3A_92 {
          %add3A_147 = arith.constant 1 : i32
          %add3A_148 = arith.addi %scan3A_82, %add3A_147 : i32
          %mul3A_149 = arith.constant 2 : i32
          %mul3A_150 = arith.muli %add3A_148, %mul3A_149 : i32
          %add3A_151 = arith.constant 0 : i32
          %add3A_152 = arith.addi %mul3A_150, %add3A_151 : i32
          %dma_start3A_153 = arith.constant 0 : i32
          %dma_start3A_154 = arith.constant 0 : i32
          %dma_start3A_155 = tpu.memref_slice %arg11[%sub3A_84, %dma_start3A_153, %dma_start3A_154] : memref<2x256x64xbf16, #tpu.memory_space<vmem>> -> memref<1x128x64xbf16, #tpu.memory_space<vmem>>
          %dma_start3A_156 = tpu.memref_squeeze %dma_start3A_155 : memref<1x128x64xbf16, #tpu.memory_space<vmem>> -> memref<128x64xbf16, #tpu.memory_space<vmem>>
          %dma_start3A_157 = arith.constant 0 : i32
          %dma_start3A_158 = tpu.memref_slice %arg8[%add3A_152, %dma_start3A_157] : memref<20x128xi32, #tpu.memory_space<vmem>> -> memref<1x128xi32, #tpu.memory_space<vmem>>
          %dma_start3A_159 = tpu.memref_squeeze %dma_start3A_158 : memref<1x128xi32, #tpu.memory_space<vmem>> -> memref<128xi32, #tpu.memory_space<vmem>>
          %dma_start3A_160 = arith.constant 0 : i32
          %dma_start3A_161 = arith.constant 0 : i32
          %dma_start3A_162 = tpu.memref_slice %arg2[%dma_start3A_160, %dma_start3A_161] : memref<100096x64xbf16, #tpu.memory_space<hbm>> -> memref<100096x64xbf16, #tpu.memory_space<hbm>>
          %dma_start3A_163 = tpu.memref_slice %arg13[%sub3A_84] : memref<2x!tpu.dma_semaphore, #tpu.memory_space<semaphore_mem>> -> memref<1x!tpu.dma_semaphore, #tpu.memory_space<semaphore_mem>>
          %dma_start3A_164 = tpu.memref_squeeze %dma_start3A_163 : memref<1x!tpu.dma_semaphore, #tpu.memory_space<semaphore_mem>> -> memref<!tpu.dma_semaphore, #tpu.memory_space<semaphore_mem>>
          tpu.enqueue_indirect_dma source(%dma_start3A_162 : memref<100096x64xbf16, #tpu.memory_space<hbm>>) target(%dma_start3A_156 : memref<128x64xbf16, #tpu.memory_space<vmem>>) offsets(%dma_start3A_159 : memref<128xi32, #tpu.memory_space<vmem>>) semaphore(%dma_start3A_164 : memref<!tpu.dma_semaphore, #tpu.memory_space<semaphore_mem>>)
          %add3A_165 = arith.constant 1 : i32
          %add3A_166 = arith.addi %scan3A_82, %add3A_165 : i32
          %mul3A_167 = arith.constant 2 : i32
          %mul3A_168 = arith.muli %add3A_166, %mul3A_167 : i32
          %add3A_169 = arith.constant 1 : i32
          %add3A_170 = arith.addi %mul3A_168, %add3A_169 : i32
          %dma_start3A_171 = arith.constant 128 : i32
          %dma_start3A_172 = arith.constant 0 : i32
          %dma_start3A_173 = tpu.memref_slice %arg11[%sub3A_84, %dma_start3A_171, %dma_start3A_172] : memref<2x256x64xbf16, #tpu.memory_space<vmem>> -> memref<1x128x64xbf16, #tpu.memory_space<vmem>>
          %dma_start3A_174 = tpu.memref_squeeze %dma_start3A_173 : memref<1x128x64xbf16, #tpu.memory_space<vmem>> -> memref<128x64xbf16, #tpu.memory_space<vmem>>
          %dma_start3A_175 = arith.constant 0 : i32
          %dma_start3A_176 = tpu.memref_slice %arg8[%add3A_170, %dma_start3A_175] : memref<20x128xi32, #tpu.memory_space<vmem>> -> memref<1x128xi32, #tpu.memory_space<vmem>>
          %dma_start3A_177 = tpu.memref_squeeze %dma_start3A_176 : memref<1x128xi32, #tpu.memory_space<vmem>> -> memref<128xi32, #tpu.memory_space<vmem>>
          %dma_start3A_178 = arith.constant 0 : i32
          %dma_start3A_179 = arith.constant 0 : i32
          %dma_start3A_180 = tpu.memref_slice %arg2[%dma_start3A_178, %dma_start3A_179] : memref<100096x64xbf16, #tpu.memory_space<hbm>> -> memref<100096x64xbf16, #tpu.memory_space<hbm>>
          %dma_start3A_181 = tpu.memref_slice %arg13[%sub3A_84] : memref<2x!tpu.dma_semaphore, #tpu.memory_space<semaphore_mem>> -> memref<1x!tpu.dma_semaphore, #tpu.memory_space<semaphore_mem>>
          %dma_start3A_182 = tpu.memref_squeeze %dma_start3A_181 : memref<1x!tpu.dma_semaphore, #tpu.memory_space<semaphore_mem>> -> memref<!tpu.dma_semaphore, #tpu.memory_space<semaphore_mem>>
          tpu.enqueue_indirect_dma source(%dma_start3A_180 : memref<100096x64xbf16, #tpu.memory_space<hbm>>) target(%dma_start3A_174 : memref<128x64xbf16, #tpu.memory_space<vmem>>) offsets(%dma_start3A_177 : memref<128xi32, #tpu.memory_space<vmem>>) semaphore(%dma_start3A_182 : memref<!tpu.dma_semaphore, #tpu.memory_space<semaphore_mem>>)
        } else {
        }
        %dma_wait3A_93 = arith.constant 0 : i32
        %dma_wait3A_94 = arith.constant 0 : i32
        %dma_wait3A_95 = tpu.memref_slice %arg11[%rem3A_83, %dma_wait3A_93, %dma_wait3A_94] : memref<2x256x64xbf16, #tpu.memory_space<vmem>> -> memref<1x256x64xbf16, #tpu.memory_space<vmem>>
        %dma_wait3A_96 = tpu.memref_squeeze %dma_wait3A_95 : memref<1x256x64xbf16, #tpu.memory_space<vmem>> -> memref<256x64xbf16, #tpu.memory_space<vmem>>
        %dma_wait3A_97 = arith.constant 0 : i32
        %dma_wait3A_98 = arith.constant 0 : i32
        %dma_wait3A_99 = tpu.memref_slice %arg2[%dma_wait3A_97, %dma_wait3A_98] : memref<100096x64xbf16, #tpu.memory_space<hbm>> -> memref<256x64xbf16, #tpu.memory_space<hbm>>
        %dma_wait3A_100 = tpu.memref_slice %arg13[%rem3A_83] : memref<2x!tpu.dma_semaphore, #tpu.memory_space<semaphore_mem>> -> memref<1x!tpu.dma_semaphore, #tpu.memory_space<semaphore_mem>>
        %dma_wait3A_101 = tpu.memref_squeeze %dma_wait3A_100 : memref<1x!tpu.dma_semaphore, #tpu.memory_space<semaphore_mem>> -> memref<!tpu.dma_semaphore, #tpu.memory_space<semaphore_mem>>
        %dma_wait3A_102 = arith.constant 0 : i32
        %dma_wait3A_103 = arith.constant 0 : i32
        %dma_wait3A_104 = tpu.memref_slice %arg11[%rem3A_83, %dma_wait3A_102, %dma_wait3A_103] : memref<2x256x64xbf16, #tpu.memory_space<vmem>> -> memref<1x256x64xbf16, #tpu.memory_space<vmem>>
        %dma_wait3A_105 = tpu.memref_squeeze %dma_wait3A_104 : memref<1x256x64xbf16, #tpu.memory_space<vmem>> -> memref<256x64xbf16, #tpu.memory_space<vmem>>
        %dma_wait3A_106 = arith.constant 0 : i32
        %dma_wait3A_107 = arith.constant 0 : i32
        %dma_wait3A_108 = tpu.memref_slice %arg2[%dma_wait3A_106, %dma_wait3A_107] : memref<100096x64xbf16, #tpu.memory_space<hbm>> -> memref<256x64xbf16, #tpu.memory_space<hbm>>
        tpu.wait_dma2 semaphore(%dma_wait3A_101 : memref<!tpu.dma_semaphore, #tpu.memory_space<semaphore_mem>>) src(%dma_wait3A_108 : memref<256x64xbf16, #tpu.memory_space<hbm>>) dst(%dma_wait3A_105 : memref<256x64xbf16, #tpu.memory_space<vmem>>)
        %scan3A_109 = arith.constant 0 : i32
        %scan3A_110 = arith.constant 0 : i32
        %scan3A_111 = arith.constant 16 : i32
        %scan3A_112 = arith.addi %scan3A_110, %scan3A_111 : i32
        %scan3A_113 = arith.constant 1 : i32
        scf.for %scan3A_147 = %scan3A_110 to %scan3A_112 step %scan3A_113  : i32 {
          %mul3A_148 = arith.constant 2 : i32
          %mul3A_149 = arith.muli %scan3A_82, %mul3A_148 : i32
          %div3A = arith.constant 8 : i32
          %div3A_150 = arith.divsi %scan3A_147, %div3A : i32
          %add3A_151 = arith.addi %mul3A_149, %div3A_150 : i32
          %rem3A_152 = arith.constant 8 : i32
          %rem3A_153 = arith.remsi %scan3A_147, %rem3A_152 : i32
          %mul3A_154 = arith.constant 16 : i32
          %mul3A_155 = arith.muli %rem3A_153, %mul3A_154 : i32
          %get3A = arith.index_cast %add3A_151 : i32 to index
          %get3A_156 = arith.index_cast %mul3A_155 : i32 to index
          %get3A_157 = tpu.vector_load %arg10[%get3A, %get3A_156] {strides = array<i32>} : memref<20x128xf32, #tpu.memory_space<vmem>>, vector<1x16xf32>,
          %get3A_158 = vector.shape_cast %get3A_157 : vector<1x16xf32> to vector<16xf32>
          %mul3A_159 = arith.constant 16 : i32
          %mul3A_160 = arith.muli %scan3A_147, %mul3A_159 : i32
          %add3A_161 = arith.constant 0 : i32
          %add3A_162 = arith.addi %mul3A_160, %add3A_161 : i32
          %slice3A = vector.extract_strided_slice %get3A_158 {offsets = [0], sizes = [1], strides = [1]} : vector<16xf32> to vector<1xf32>
          %squeeze3A = vector.extract %slice3A[0] : f32 from vector<1xf32>
          %broadcast_in_dim3A = vector.broadcast %squeeze3A : f32 to vector<32xf32>
          %convert_element_type3A_163 = arith.truncf %broadcast_in_dim3A : vector<32xf32> to vector<32xbf16>
          %get3A_164 = arith.index_cast %rem3A_83 : i32 to index
          %get3A_165 = arith.index_cast %add3A_162 : i32 to index
          %get3A_166 = arith.constant 0 : index
          %get3A_167 = tpu.vector_load %arg11[%get3A_164, %get3A_165, %get3A_166] {strides = array<i32>} : memref<2x256x64xbf16, #tpu.memory_space<vmem>>, vector<1x1x32xbf16>,
          %get3A_168 = vector.shape_cast %get3A_167 : vector<1x1x32xbf16> to vector<32xbf16>
          %mul3A_169 = arith.mulf %get3A_168, %convert_element_type3A_163 : vector<32xbf16>
          %swap3A = arith.index_cast %rem3A_83 : i32 to index
          %swap3A_170 = arith.index_cast %add3A_162 : i32 to index
          %swap3A_171 = arith.constant 0 : index
          %swap3A_172 = tpu.vector_load %arg11[%swap3A, %swap3A_170, %swap3A_171] {strides = array<i32>} : memref<2x256x64xbf16, #tpu.memory_space<vmem>>, vector<1x1x32xbf16>,
          %swap3A_173 = vector.shape_cast %swap3A_172 : vector<1x1x32xbf16> to vector<32xbf16>
          %swap3A_174 = vector.shape_cast %mul3A_169 : vector<32xbf16> to vector<1x1x32xbf16>
          tpu.vector_store %arg11[%swap3A, %swap3A_170, %swap3A_171], %swap3A_174 {strides = array<i32>} : memref<2x256x64xbf16, #tpu.memory_space<vmem>>, vector<1x1x32xbf16>,
          %get3A_175 = arith.index_cast %rem3A_83 : i32 to index
          %get3A_176 = arith.index_cast %add3A_162 : i32 to index
          %get3A_177 = arith.constant 32 : index
          %get3A_178 = tpu.vector_load %arg11[%get3A_175, %get3A_176, %get3A_177] {strides = array<i32>} : memref<2x256x64xbf16, #tpu.memory_space<vmem>>, vector<1x1x32xbf16>,
          %get3A_179 = vector.shape_cast %get3A_178 : vector<1x1x32xbf16> to vector<32xbf16>
          %mul3A_180 = arith.mulf %get3A_179, %convert_element_type3A_163 : vector<32xbf16>
          %swap3A_181 = arith.index_cast %rem3A_83 : i32 to index
          %swap3A_182 = arith.index_cast %add3A_162 : i32 to index
          %swap3A_183 = arith.constant 32 : index
          %swap3A_184 = tpu.vector_load %arg11[%swap3A_181, %swap3A_182, %swap3A_183] {strides = array<i32>} : memref<2x256x64xbf16, #tpu.memory_space<vmem>>, vector<1x1x32xbf16>,
          %swap3A_185 = vector.shape_cast %swap3A_184 : vector<1x1x32xbf16> to vector<32xbf16>
          %swap3A_186 = vector.shape_cast %mul3A_180 : vector<32xbf16> to vector<1x1x32xbf16>
          tpu.vector_store %arg11[%swap3A_181, %swap3A_182, %swap3A_183], %swap3A_186 {strides = array<i32>} : memref<2x256x64xbf16, #tpu.memory_space<vmem>>, vector<1x1x32xbf16>,
          %mul3A_187 = arith.constant 16 : i32
          %mul3A_188 = arith.muli %scan3A_147, %mul3A_187 : i32
          %add3A_189 = arith.constant 1 : i32
          %add3A_190 = arith.addi %mul3A_188, %add3A_189 : i32
          %slice3A_191 = vector.extract_strided_slice %get3A_158 {offsets = [1], sizes = [1], strides = [1]} : vector<16xf32> to vector<1xf32>
          %squeeze3A_192 = vector.extract %slice3A_191[0] : f32 from vector<1xf32>
          %broadcast_in_dim3A_193 = vector.broadcast %squeeze3A_192 : f32 to vector<32xf32>
          %convert_element_type3A_194 = arith.truncf %broadcast_in_dim3A_193 : vector<32xf32> to vector<32xbf16>
          %get3A_195 = arith.index_cast %rem3A_83 : i32 to index
          %get3A_196 = arith.index_cast %add3A_190 : i32 to index
          %get3A_197 = arith.constant 0 : index
          %get3A_198 = tpu.vector_load %arg11[%get3A_195, %get3A_196, %get3A_197] {strides = array<i32>} : memref<2x256x64xbf16, #tpu.memory_space<vmem>>, vector<1x1x32xbf16>,
          %get3A_199 = vector.shape_cast %get3A_198 : vector<1x1x32xbf16> to vector<32xbf16>
          %mul3A_200 = arith.mulf %get3A_199, %convert_element_type3A_194 : vector<32xbf16>
          %swap3A_201 = arith.index_cast %rem3A_83 : i32 to index
          %swap3A_202 = arith.index_cast %add3A_190 : i32 to index
          %swap3A_203 = arith.constant 0 : index
          %swap3A_204 = tpu.vector_load %arg11[%swap3A_201, %swap3A_202, %swap3A_203] {strides = array<i32>} : memref<2x256x64xbf16, #tpu.memory_space<vmem>>, vector<1x1x32xbf16>,
          %swap3A_205 = vector.shape_cast %swap3A_204 : vector<1x1x32xbf16> to vector<32xbf16>
          %swap3A_206 = vector.shape_cast %mul3A_200 : vector<32xbf16> to vector<1x1x32xbf16>
          tpu.vector_store %arg11[%swap3A_201, %swap3A_202, %swap3A_203], %swap3A_206 {strides = array<i32>} : memref<2x256x64xbf16, #tpu.memory_space<vmem>>, vector<1x1x32xbf16>,
          %get3A_207 = arith.index_cast %rem3A_83 : i32 to index
          %get3A_208 = arith.index_cast %add3A_190 : i32 to index
          %get3A_209 = arith.constant 32 : index
          %get3A_210 = tpu.vector_load %arg11[%get3A_207, %get3A_208, %get3A_209] {strides = array<i32>} : memref<2x256x64xbf16, #tpu.memory_space<vmem>>, vector<1x1x32xbf16>,
          %get3A_211 = vector.shape_cast %get3A_210 : vector<1x1x32xbf16> to vector<32xbf16>
          %mul3A_212 = arith.mulf %get3A_211, %convert_element_type3A_194 : vector<32xbf16>
          %swap3A_213 = arith.index_cast %rem3A_83 : i32 to index
          %swap3A_214 = arith.index_cast %add3A_190 : i32 to index
          %swap3A_215 = arith.constant 32 : index
          %swap3A_216 = tpu.vector_load %arg11[%swap3A_213, %swap3A_214, %swap3A_215] {strides = array<i32>} : memref<2x256x64xbf16, #tpu.memory_space<vmem>>, vector<1x1x32xbf16>,
          %swap3A_217 = vector.shape_cast %swap3A_216 : vector<1x1x32xbf16> to vector<32xbf16>
          %swap3A_218 = vector.shape_cast %mul3A_212 : vector<32xbf16> to vector<1x1x32xbf16>
          tpu.vector_store %arg11[%swap3A_213, %swap3A_214, %swap3A_215], %swap3A_218 {strides = array<i32>} : memref<2x256x64xbf16, #tpu.memory_space<vmem>>, vector<1x1x32xbf16>,
          %mul3A_219 = arith.constant 16 : i32
          %mul3A_220 = arith.muli %scan3A_147, %mul3A_219 : i32
          %add3A_221 = arith.constant 2 : i32
          %add3A_222 = arith.addi %mul3A_220, %add3A_221 : i32
          %slice3A_223 = vector.extract_strided_slice %get3A_158 {offsets = [2], sizes = [1], strides = [1]} : vector<16xf32> to vector<1xf32>
          %squeeze3A_224 = vector.extract %slice3A_223[0] : f32 from vector<1xf32>
          %broadcast_in_dim3A_225 = vector.broadcast %squeeze3A_224 : f32 to vector<32xf32>
          %convert_element_type3A_226 = arith.truncf %broadcast_in_dim3A_225 : vector<32xf32> to vector<32xbf16>
          %get3A_227 = arith.index_cast %rem3A_83 : i32 to index
          %get3A_228 = arith.index_cast %add3A_222 : i32 to index
          %get3A_229 = arith.constant 0 : index
          %get3A_230 = tpu.vector_load %arg11[%get3A_227, %get3A_228, %get3A_229] {strides = array<i32>} : memref<2x256x64xbf16, #tpu.memory_space<vmem>>, vector<1x1x32xbf16>,
          %get3A_231 = vector.shape_cast %get3A_230 : vector<1x1x32xbf16> to vector<32xbf16>
          %mul3A_232 = arith.mulf %get3A_231, %convert_element_type3A_226 : vector<32xbf16>
          %swap3A_233 = arith.index_cast %rem3A_83 : i32 to index
          %swap3A_234 = arith.index_cast %add3A_222 : i32 to index
          %swap3A_235 = arith.constant 0 : index
          %swap3A_236 = tpu.vector_load %arg11[%swap3A_233, %swap3A_234, %swap3A_235] {strides = array<i32>} : memref<2x256x64xbf16, #tpu.memory_space<vmem>>, vector<1x1x32xbf16>,
          %swap3A_237 = vector.shape_cast %swap3A_236 : vector<1x1x32xbf16> to vector<32xbf16>
          %swap3A_238 = vector.shape_cast %mul3A_232 : vector<32xbf16> to vector<1x1x32xbf16>
          tpu.vector_store %arg11[%swap3A_233, %swap3A_234, %swap3A_235], %swap3A_238 {strides = array<i32>} : memref<2x256x64xbf16, #tpu.memory_space<vmem>>, vector<1x1x32xbf16>,
          %get3A_239 = arith.index_cast %rem3A_83 : i32 to index
          %get3A_240 = arith.index_cast %add3A_222 : i32 to index
          %get3A_241 = arith.constant 32 : index
          %get3A_242 = tpu.vector_load %arg11[%get3A_239, %get3A_240, %get3A_241] {strides = array<i32>} : memref<2x256x64xbf16, #tpu.memory_space<vmem>>, vector<1x1x32xbf16>,
          %get3A_243 = vector.shape_cast %get3A_242 : vector<1x1x32xbf16> to vector<32xbf16>
          %mul3A_244 = arith.mulf %get3A_243, %convert_element_type3A_226 : vector<32xbf16>
          %swap3A_245 = arith.index_cast %rem3A_83 : i32 to index
          %swap3A_246 = arith.index_cast %add3A_222 : i32 to index
          %swap3A_247 = arith.constant 32 : index
          %swap3A_248 = tpu.vector_load %arg11[%swap3A_245, %swap3A_246, %swap3A_247] {strides = array<i32>} : memref<2x256x64xbf16, #tpu.memory_space<vmem>>, vector<1x1x32xbf16>,
          %swap3A_249 = vector.shape_cast %swap3A_248 : vector<1x1x32xbf16> to vector<32xbf16>
          %swap3A_250 = vector.shape_cast %mul3A_244 : vector<32xbf16> to vector<1x1x32xbf16>
          tpu.vector_store %arg11[%swap3A_245, %swap3A_246, %swap3A_247], %swap3A_250 {strides = array<i32>} : memref<2x256x64xbf16, #tpu.memory_space<vmem>>, vector<1x1x32xbf16>,
          %mul3A_251 = arith.constant 16 : i32
          %mul3A_252 = arith.muli %scan3A_147, %mul3A_251 : i32
          %add3A_253 = arith.constant 3 : i32
          %add3A_254 = arith.addi %mul3A_252, %add3A_253 : i32
          %slice3A_255 = vector.extract_strided_slice %get3A_158 {offsets = [3], sizes = [1], strides = [1]} : vector<16xf32> to vector<1xf32>
          %squeeze3A_256 = vector.extract %slice3A_255[0] : f32 from vector<1xf32>
          %broadcast_in_dim3A_257 = vector.broadcast %squeeze3A_256 : f32 to vector<32xf32>
          %convert_element_type3A_258 = arith.truncf %broadcast_in_dim3A_257 : vector<32xf32> to vector<32xbf16>
          %get3A_259 = arith.index_cast %rem3A_83 : i32 to index
          %get3A_260 = arith.index_cast %add3A_254 : i32 to index
          %get3A_261 = arith.constant 0 : index
          %get3A_262 = tpu.vector_load %arg11[%get3A_259, %get3A_260, %get3A_261] {strides = array<i32>} : memref<2x256x64xbf16, #tpu.memory_space<vmem>>, vector<1x1x32xbf16>,
          %get3A_263 = vector.shape_cast %get3A_262 : vector<1x1x32xbf16> to vector<32xbf16>
          %mul3A_264 = arith.mulf %get3A_263, %convert_element_type3A_258 : vector<32xbf16>
          %swap3A_265 = arith.index_cast %rem3A_83 : i32 to index
          %swap3A_266 = arith.index_cast %add3A_254 : i32 to index
          %swap3A_267 = arith.constant 0 : index
          %swap3A_268 = tpu.vector_load %arg11[%swap3A_265, %swap3A_266, %swap3A_267] {strides = array<i32>} : memref<2x256x64xbf16, #tpu.memory_space<vmem>>, vector<1x1x32xbf16>,
          %swap3A_269 = vector.shape_cast %swap3A_268 : vector<1x1x32xbf16> to vector<32xbf16>
          %swap3A_270 = vector.shape_cast %mul3A_264 : vector<32xbf16> to vector<1x1x32xbf16>
          tpu.vector_store %arg11[%swap3A_265, %swap3A_266, %swap3A_267], %swap3A_270 {strides = array<i32>} : memref<2x256x64xbf16, #tpu.memory_space<vmem>>, vector<1x1x32xbf16>,
          %get3A_271 = arith.index_cast %rem3A_83 : i32 to index
          %get3A_272 = arith.index_cast %add3A_254 : i32 to index
          %get3A_273 = arith.constant 32 : index
          %get3A_274 = tpu.vector_load %arg11[%get3A_271, %get3A_272, %get3A_273] {strides = array<i32>} : memref<2x256x64xbf16, #tpu.memory_space<vmem>>, vector<1x1x32xbf16>,
          %get3A_275 = vector.shape_cast %get3A_274 : vector<1x1x32xbf16> to vector<32xbf16>
          %mul3A_276 = arith.mulf %get3A_275, %convert_element_type3A_258 : vector<32xbf16>
          %swap3A_277 = arith.index_cast %rem3A_83 : i32 to index
          %swap3A_278 = arith.index_cast %add3A_254 : i32 to index
          %swap3A_279 = arith.constant 32 : index
          %swap3A_280 = tpu.vector_load %arg11[%swap3A_277, %swap3A_278, %swap3A_279] {strides = array<i32>} : memref<2x256x64xbf16, #tpu.memory_space<vmem>>, vector<1x1x32xbf16>,
          %swap3A_281 = vector.shape_cast %swap3A_280 : vector<1x1x32xbf16> to vector<32xbf16>
          %swap3A_282 = vector.shape_cast %mul3A_276 : vector<32xbf16> to vector<1x1x32xbf16>
          tpu.vector_store %arg11[%swap3A_277, %swap3A_278, %swap3A_279], %swap3A_282 {strides = array<i32>} : memref<2x256x64xbf16, #tpu.memory_space<vmem>>, vector<1x1x32xbf16>,
          %mul3A_283 = arith.constant 16 : i32
          %mul3A_284 = arith.muli %scan3A_147, %mul3A_283 : i32
          %add3A_285 = arith.constant 4 : i32
          %add3A_286 = arith.addi %mul3A_284, %add3A_285 : i32
          %slice3A_287 = vector.extract_strided_slice %get3A_158 {offsets = [4], sizes = [1], strides = [1]} : vector<16xf32> to vector<1xf32>
          %squeeze3A_288 = vector.extract %slice3A_287[0] : f32 from vector<1xf32>
          %broadcast_in_dim3A_289 = vector.broadcast %squeeze3A_288 : f32 to vector<32xf32>
          %convert_element_type3A_290 = arith.truncf %broadcast_in_dim3A_289 : vector<32xf32> to vector<32xbf16>
          %get3A_291 = arith.index_cast %rem3A_83 : i32 to index
          %get3A_292 = arith.index_cast %add3A_286 : i32 to index
          %get3A_293 = arith.constant 0 : index
          %get3A_294 = tpu.vector_load %arg11[%get3A_291, %get3A_292, %get3A_293] {strides = array<i32>} : memref<2x256x64xbf16, #tpu.memory_space<vmem>>, vector<1x1x32xbf16>,
          %get3A_295 = vector.shape_cast %get3A_294 : vector<1x1x32xbf16> to vector<32xbf16>
          %mul3A_296 = arith.mulf %get3A_295, %convert_element_type3A_290 : vector<32xbf16>
          %swap3A_297 = arith.index_cast %rem3A_83 : i32 to index
          %swap3A_298 = arith.index_cast %add3A_286 : i32 to index
          %swap3A_299 = arith.constant 0 : index
          %swap3A_300 = tpu.vector_load %arg11[%swap3A_297, %swap3A_298, %swap3A_299] {strides = array<i32>} : memref<2x256x64xbf16, #tpu.memory_space<vmem>>, vector<1x1x32xbf16>,
          %swap3A_301 = vector.shape_cast %swap3A_300 : vector<1x1x32xbf16> to vector<32xbf16>
          %swap3A_302 = vector.shape_cast %mul3A_296 : vector<32xbf16> to vector<1x1x32xbf16>
          tpu.vector_store %arg11[%swap3A_297, %swap3A_298, %swap3A_299], %swap3A_302 {strides = array<i32>} : memref<2x256x64xbf16, #tpu.memory_space<vmem>>, vector<1x1x32xbf16>,
          %get3A_303 = arith.index_cast %rem3A_83 : i32 to index
          %get3A_304 = arith.index_cast %add3A_286 : i32 to index
          %get3A_305 = arith.constant 32 : index
          %get3A_306 = tpu.vector_load %arg11[%get3A_303, %get3A_304, %get3A_305] {strides = array<i32>} : memref<2x256x64xbf16, #tpu.memory_space<vmem>>, vector<1x1x32xbf16>,
          %get3A_307 = vector.shape_cast %get3A_306 : vector<1x1x32xbf16> to vector<32xbf16>
          %mul3A_308 = arith.mulf %get3A_307, %convert_element_type3A_290 : vector<32xbf16>
          %swap3A_309 = arith.index_cast %rem3A_83 : i32 to index
          %swap3A_310 = arith.index_cast %add3A_286 : i32 to index
          %swap3A_311 = arith.constant 32 : index
          %swap3A_312 = tpu.vector_load %arg11[%swap3A_309, %swap3A_310, %swap3A_311] {strides = array<i32>} : memref<2x256x64xbf16, #tpu.memory_space<vmem>>, vector<1x1x32xbf16>,
          %swap3A_313 = vector.shape_cast %swap3A_312 : vector<1x1x32xbf16> to vector<32xbf16>
          %swap3A_314 = vector.shape_cast %mul3A_308 : vector<32xbf16> to vector<1x1x32xbf16>
          tpu.vector_store %arg11[%swap3A_309, %swap3A_310, %swap3A_311], %swap3A_314 {strides = array<i32>} : memref<2x256x64xbf16, #tpu.memory_space<vmem>>, vector<1x1x32xbf16>,
          %mul3A_315 = arith.constant 16 : i32
          %mul3A_316 = arith.muli %scan3A_147, %mul3A_315 : i32
          %add3A_317 = arith.constant 5 : i32
          %add3A_318 = arith.addi %mul3A_316, %add3A_317 : i32
          %slice3A_319 = vector.extract_strided_slice %get3A_158 {offsets = [5], sizes = [1], strides = [1]} : vector<16xf32> to vector<1xf32>
          %squeeze3A_320 = vector.extract %slice3A_319[0] : f32 from vector<1xf32>
          %broadcast_in_dim3A_321 = vector.broadcast %squeeze3A_320 : f32 to vector<32xf32>
          %convert_element_type3A_322 = arith.truncf %broadcast_in_dim3A_321 : vector<32xf32> to vector<32xbf16>
          %get3A_323 = arith.index_cast %rem3A_83 : i32 to index
          %get3A_324 = arith.index_cast %add3A_318 : i32 to index
          %get3A_325 = arith.constant 0 : index
          %get3A_326 = tpu.vector_load %arg11[%get3A_323, %get3A_324, %get3A_325] {strides = array<i32>} : memref<2x256x64xbf16, #tpu.memory_space<vmem>>, vector<1x1x32xbf16>,
          %get3A_327 = vector.shape_cast %get3A_326 : vector<1x1x32xbf16> to vector<32xbf16>
          %mul3A_328 = arith.mulf %get3A_327, %convert_element_type3A_322 : vector<32xbf16>
          %swap3A_329 = arith.index_cast %rem3A_83 : i32 to index
          %swap3A_330 = arith.index_cast %add3A_318 : i32 to index
          %swap3A_331 = arith.constant 0 : index
          %swap3A_332 = tpu.vector_load %arg11[%swap3A_329, %swap3A_330, %swap3A_331] {strides = array<i32>} : memref<2x256x64xbf16, #tpu.memory_space<vmem>>, vector<1x1x32xbf16>,
          %swap3A_333 = vector.shape_cast %swap3A_332 : vector<1x1x32xbf16> to vector<32xbf16>
          %swap3A_334 = vector.shape_cast %mul3A_328 : vector<32xbf16> to vector<1x1x32xbf16>
          tpu.vector_store %arg11[%swap3A_329, %swap3A_330, %swap3A_331], %swap3A_334 {strides = array<i32>} : memref<2x256x64xbf16, #tpu.memory_space<vmem>>, vector<1x1x32xbf16>,
          %get3A_335 = arith.index_cast %rem3A_83 : i32 to index
          %get3A_336 = arith.index_cast %add3A_318 : i32 to index
          %get3A_337 = arith.constant 32 : index
          %get3A_338 = tpu.vector_load %arg11[%get3A_335, %get3A_336, %get3A_337] {strides = array<i32>} : memref<2x256x64xbf16, #tpu.memory_space<vmem>>, vector<1x1x32xbf16>,
          %get3A_339 = vector.shape_cast %get3A_338 : vector<1x1x32xbf16> to vector<32xbf16>
          %mul3A_340 = arith.mulf %get3A_339, %convert_element_type3A_322 : vector<32xbf16>
          %swap3A_341 = arith.index_cast %rem3A_83 : i32 to index
          %swap3A_342 = arith.index_cast %add3A_318 : i32 to index
          %swap3A_343 = arith.constant 32 : index
          %swap3A_344 = tpu.vector_load %arg11[%swap3A_341, %swap3A_342, %swap3A_343] {strides = array<i32>} : memref<2x256x64xbf16, #tpu.memory_space<vmem>>, vector<1x1x32xbf16>,
          %swap3A_345 = vector.shape_cast %swap3A_344 : vector<1x1x32xbf16> to vector<32xbf16>
          %swap3A_346 = vector.shape_cast %mul3A_340 : vector<32xbf16> to vector<1x1x32xbf16>
          tpu.vector_store %arg11[%swap3A_341, %swap3A_342, %swap3A_343], %swap3A_346 {strides = array<i32>} : memref<2x256x64xbf16, #tpu.memory_space<vmem>>, vector<1x1x32xbf16>,
          %mul3A_347 = arith.constant 16 : i32
          %mul3A_348 = arith.muli %scan3A_147, %mul3A_347 : i32
          %add3A_349 = arith.constant 6 : i32
          %add3A_350 = arith.addi %mul3A_348, %add3A_349 : i32
          %slice3A_351 = vector.extract_strided_slice %get3A_158 {offsets = [6], sizes = [1], strides = [1]} : vector<16xf32> to vector<1xf32>
          %squeeze3A_352 = vector.extract %slice3A_351[0] : f32 from vector<1xf32>
          %broadcast_in_dim3A_353 = vector.broadcast %squeeze3A_352 : f32 to vector<32xf32>
          %convert_element_type3A_354 = arith.truncf %broadcast_in_dim3A_353 : vector<32xf32> to vector<32xbf16>
          %get3A_355 = arith.index_cast %rem3A_83 : i32 to index
          %get3A_356 = arith.index_cast %add3A_350 : i32 to index
          %get3A_357 = arith.constant 0 : index
          %get3A_358 = tpu.vector_load %arg11[%get3A_355, %get3A_356, %get3A_357] {strides = array<i32>} : memref<2x256x64xbf16, #tpu.memory_space<vmem>>, vector<1x1x32xbf16>,
          %get3A_359 = vector.shape_cast %get3A_358 : vector<1x1x32xbf16> to vector<32xbf16>
          %mul3A_360 = arith.mulf %get3A_359, %convert_element_type3A_354 : vector<32xbf16>
          %swap3A_361 = arith.index_cast %rem3A_83 : i32 to index
          %swap3A_362 = arith.index_cast %add3A_350 : i32 to index
          %swap3A_363 = arith.constant 0 : index
          %swap3A_364 = tpu.vector_load %arg11[%swap3A_361, %swap3A_362, %swap3A_363] {strides = array<i32>} : memref<2x256x64xbf16, #tpu.memory_space<vmem>>, vector<1x1x32xbf16>,
          %swap3A_365 = vector.shape_cast %swap3A_364 : vector<1x1x32xbf16> to vector<32xbf16>
          %swap3A_366 = vector.shape_cast %mul3A_360 : vector<32xbf16> to vector<1x1x32xbf16>
          tpu.vector_store %arg11[%swap3A_361, %swap3A_362, %swap3A_363], %swap3A_366 {strides = array<i32>} : memref<2x256x64xbf16, #tpu.memory_space<vmem>>, vector<1x1x32xbf16>,
          %get3A_367 = arith.index_cast %rem3A_83 : i32 to index
          %get3A_368 = arith.index_cast %add3A_350 : i32 to index
          %get3A_369 = arith.constant 32 : index
          %get3A_370 = tpu.vector_load %arg11[%get3A_367, %get3A_368, %get3A_369] {strides = array<i32>} : memref<2x256x64xbf16, #tpu.memory_space<vmem>>, vector<1x1x32xbf16>,
          %get3A_371 = vector.shape_cast %get3A_370 : vector<1x1x32xbf16> to vector<32xbf16>
          %mul3A_372 = arith.mulf %get3A_371, %convert_element_type3A_354 : vector<32xbf16>
          %swap3A_373 = arith.index_cast %rem3A_83 : i32 to index
          %swap3A_374 = arith.index_cast %add3A_350 : i32 to index
          %swap3A_375 = arith.constant 32 : index
          %swap3A_376 = tpu.vector_load %arg11[%swap3A_373, %swap3A_374, %swap3A_375] {strides = array<i32>} : memref<2x256x64xbf16, #tpu.memory_space<vmem>>, vector<1x1x32xbf16>,
          %swap3A_377 = vector.shape_cast %swap3A_376 : vector<1x1x32xbf16> to vector<32xbf16>
          %swap3A_378 = vector.shape_cast %mul3A_372 : vector<32xbf16> to vector<1x1x32xbf16>
          tpu.vector_store %arg11[%swap3A_373, %swap3A_374, %swap3A_375], %swap3A_378 {strides = array<i32>} : memref<2x256x64xbf16, #tpu.memory_space<vmem>>, vector<1x1x32xbf16>,
          %mul3A_379 = arith.constant 16 : i32
          %mul3A_380 = arith.muli %scan3A_147, %mul3A_379 : i32
          %add3A_381 = arith.constant 7 : i32
          %add3A_382 = arith.addi %mul3A_380, %add3A_381 : i32
          %slice3A_383 = vector.extract_strided_slice %get3A_158 {offsets = [7], sizes = [1], strides = [1]} : vector<16xf32> to vector<1xf32>
          %squeeze3A_384 = vector.extract %slice3A_383[0] : f32 from vector<1xf32>
          %broadcast_in_dim3A_385 = vector.broadcast %squeeze3A_384 : f32 to vector<32xf32>
          %convert_element_type3A_386 = arith.truncf %broadcast_in_dim3A_385 : vector<32xf32> to vector<32xbf16>
          %get3A_387 = arith.index_cast %rem3A_83 : i32 to index
          %get3A_388 = arith.index_cast %add3A_382 : i32 to index
          %get3A_389 = arith.constant 0 : index
          %get3A_390 = tpu.vector_load %arg11[%get3A_387, %get3A_388, %get3A_389] {strides = array<i32>} : memref<2x256x64xbf16, #tpu.memory_space<vmem>>, vector<1x1x32xbf16>,
          %get3A_391 = vector.shape_cast %get3A_390 : vector<1x1x32xbf16> to vector<32xbf16>
          %mul3A_392 = arith.mulf %get3A_391, %convert_element_type3A_386 : vector<32xbf16>
          %swap3A_393 = arith.index_cast %rem3A_83 : i32 to index
          %swap3A_394 = arith.index_cast %add3A_382 : i32 to index
          %swap3A_395 = arith.constant 0 : index
          %swap3A_396 = tpu.vector_load %arg11[%swap3A_393, %swap3A_394, %swap3A_395] {strides = array<i32>} : memref<2x256x64xbf16, #tpu.memory_space<vmem>>, vector<1x1x32xbf16>,
          %swap3A_397 = vector.shape_cast %swap3A_396 : vector<1x1x32xbf16> to vector<32xbf16>
          %swap3A_398 = vector.shape_cast %mul3A_392 : vector<32xbf16> to vector<1x1x32xbf16>
          tpu.vector_store %arg11[%swap3A_393, %swap3A_394, %swap3A_395], %swap3A_398 {strides = array<i32>} : memref<2x256x64xbf16, #tpu.memory_space<vmem>>, vector<1x1x32xbf16>,
          %get3A_399 = arith.index_cast %rem3A_83 : i32 to index
          %get3A_400 = arith.index_cast %add3A_382 : i32 to index
          %get3A_401 = arith.constant 32 : index
          %get3A_402 = tpu.vector_load %arg11[%get3A_399, %get3A_400, %get3A_401] {strides = array<i32>} : memref<2x256x64xbf16, #tpu.memory_space<vmem>>, vector<1x1x32xbf16>,
          %get3A_403 = vector.shape_cast %get3A_402 : vector<1x1x32xbf16> to vector<32xbf16>
          %mul3A_404 = arith.mulf %get3A_403, %convert_element_type3A_386 : vector<32xbf16>
          %swap3A_405 = arith.index_cast %rem3A_83 : i32 to index
          %swap3A_406 = arith.index_cast %add3A_382 : i32 to index
          %swap3A_407 = arith.constant 32 : index
          %swap3A_408 = tpu.vector_load %arg11[%swap3A_405, %swap3A_406, %swap3A_407] {strides = array<i32>} : memref<2x256x64xbf16, #tpu.memory_space<vmem>>, vector<1x1x32xbf16>,
          %swap3A_409 = vector.shape_cast %swap3A_408 : vector<1x1x32xbf16> to vector<32xbf16>
          %swap3A_410 = vector.shape_cast %mul3A_404 : vector<32xbf16> to vector<1x1x32xbf16>
          tpu.vector_store %arg11[%swap3A_405, %swap3A_406, %swap3A_407], %swap3A_410 {strides = array<i32>} : memref<2x256x64xbf16, #tpu.memory_space<vmem>>, vector<1x1x32xbf16>,
          %mul3A_411 = arith.constant 16 : i32
          %mul3A_412 = arith.muli %scan3A_147, %mul3A_411 : i32
          %add3A_413 = arith.constant 8 : i32
          %add3A_414 = arith.addi %mul3A_412, %add3A_413 : i32
          %slice3A_415 = vector.extract_strided_slice %get3A_158 {offsets = [8], sizes = [1], strides = [1]} : vector<16xf32> to vector<1xf32>
          %squeeze3A_416 = vector.extract %slice3A_415[0] : f32 from vector<1xf32>
          %broadcast_in_dim3A_417 = vector.broadcast %squeeze3A_416 : f32 to vector<32xf32>
          %convert_element_type3A_418 = arith.truncf %broadcast_in_dim3A_417 : vector<32xf32> to vector<32xbf16>
          %get3A_419 = arith.index_cast %rem3A_83 : i32 to index
          %get3A_420 = arith.index_cast %add3A_414 : i32 to index
          %get3A_421 = arith.constant 0 : index
          %get3A_422 = tpu.vector_load %arg11[%get3A_419, %get3A_420, %get3A_421] {strides = array<i32>} : memref<2x256x64xbf16, #tpu.memory_space<vmem>>, vector<1x1x32xbf16>,
          %get3A_423 = vector.shape_cast %get3A_422 : vector<1x1x32xbf16> to vector<32xbf16>
          %mul3A_424 = arith.mulf %get3A_423, %convert_element_type3A_418 : vector<32xbf16>
          %swap3A_425 = arith.index_cast %rem3A_83 : i32 to index
          %swap3A_426 = arith.index_cast %add3A_414 : i32 to index
          %swap3A_427 = arith.constant 0 : index
          %swap3A_428 = tpu.vector_load %arg11[%swap3A_425, %swap3A_426, %swap3A_427] {strides = array<i32>} : memref<2x256x64xbf16, #tpu.memory_space<vmem>>, vector<1x1x32xbf16>,
          %swap3A_429 = vector.shape_cast %swap3A_428 : vector<1x1x32xbf16> to vector<32xbf16>
          %swap3A_430 = vector.shape_cast %mul3A_424 : vector<32xbf16> to vector<1x1x32xbf16>
          tpu.vector_store %arg11[%swap3A_425, %swap3A_426, %swap3A_427], %swap3A_430 {strides = array<i32>} : memref<2x256x64xbf16, #tpu.memory_space<vmem>>, vector<1x1x32xbf16>,
          %get3A_431 = arith.index_cast %rem3A_83 : i32 to index
          %get3A_432 = arith.index_cast %add3A_414 : i32 to index
          %get3A_433 = arith.constant 32 : index
          %get3A_434 = tpu.vector_load %arg11[%get3A_431, %get3A_432, %get3A_433] {strides = array<i32>} : memref<2x256x64xbf16, #tpu.memory_space<vmem>>, vector<1x1x32xbf16>,
          %get3A_435 = vector.shape_cast %get3A_434 : vector<1x1x32xbf16> to vector<32xbf16>
          %mul3A_436 = arith.mulf %get3A_435, %convert_element_type3A_418 : vector<32xbf16>
          %swap3A_437 = arith.index_cast %rem3A_83 : i32 to index
          %swap3A_438 = arith.index_cast %add3A_414 : i32 to index
          %swap3A_439 = arith.constant 32 : index
          %swap3A_440 = tpu.vector_load %arg11[%swap3A_437, %swap3A_438, %swap3A_439] {strides = array<i32>} : memref<2x256x64xbf16, #tpu.memory_space<vmem>>, vector<1x1x32xbf16>,
          %swap3A_441 = vector.shape_cast %swap3A_440 : vector<1x1x32xbf16> to vector<32xbf16>
          %swap3A_442 = vector.shape_cast %mul3A_436 : vector<32xbf16> to vector<1x1x32xbf16>
          tpu.vector_store %arg11[%swap3A_437, %swap3A_438, %swap3A_439], %swap3A_442 {strides = array<i32>} : memref<2x256x64xbf16, #tpu.memory_space<vmem>>, vector<1x1x32xbf16>,
          %mul3A_443 = arith.constant 16 : i32
          %mul3A_444 = arith.muli %scan3A_147, %mul3A_443 : i32
          %add3A_445 = arith.constant 9 : i32
          %add3A_446 = arith.addi %mul3A_444, %add3A_445 : i32
          %slice3A_447 = vector.extract_strided_slice %get3A_158 {offsets = [9], sizes = [1], strides = [1]} : vector<16xf32> to vector<1xf32>
          %squeeze3A_448 = vector.extract %slice3A_447[0] : f32 from vector<1xf32>
          %broadcast_in_dim3A_449 = vector.broadcast %squeeze3A_448 : f32 to vector<32xf32>
          %convert_element_type3A_450 = arith.truncf %broadcast_in_dim3A_449 : vector<32xf32> to vector<32xbf16>
          %get3A_451 = arith.index_cast %rem3A_83 : i32 to index
          %get3A_452 = arith.index_cast %add3A_446 : i32 to index
          %get3A_453 = arith.constant 0 : index
          %get3A_454 = tpu.vector_load %arg11[%get3A_451, %get3A_452, %get3A_453] {strides = array<i32>} : memref<2x256x64xbf16, #tpu.memory_space<vmem>>, vector<1x1x32xbf16>,
          %get3A_455 = vector.shape_cast %get3A_454 : vector<1x1x32xbf16> to vector<32xbf16>
          %mul3A_456 = arith.mulf %get3A_455, %convert_element_type3A_450 : vector<32xbf16>
          %swap3A_457 = arith.index_cast %rem3A_83 : i32 to index
          %swap3A_458 = arith.index_cast %add3A_446 : i32 to index
          %swap3A_459 = arith.constant 0 : index
          %swap3A_460 = tpu.vector_load %arg11[%swap3A_457, %swap3A_458, %swap3A_459] {strides = array<i32>} : memref<2x256x64xbf16, #tpu.memory_space<vmem>>, vector<1x1x32xbf16>,
          %swap3A_461 = vector.shape_cast %swap3A_460 : vector<1x1x32xbf16> to vector<32xbf16>
          %swap3A_462 = vector.shape_cast %mul3A_456 : vector<32xbf16> to vector<1x1x32xbf16>
          tpu.vector_store %arg11[%swap3A_457, %swap3A_458, %swap3A_459], %swap3A_462 {strides = array<i32>} : memref<2x256x64xbf16, #tpu.memory_space<vmem>>, vector<1x1x32xbf16>,
          %get3A_463 = arith.index_cast %rem3A_83 : i32 to index
          %get3A_464 = arith.index_cast %add3A_446 : i32 to index
          %get3A_465 = arith.constant 32 : index
          %get3A_466 = tpu.vector_load %arg11[%get3A_463, %get3A_464, %get3A_465] {strides = array<i32>} : memref<2x256x64xbf16, #tpu.memory_space<vmem>>, vector<1x1x32xbf16>,
          %get3A_467 = vector.shape_cast %get3A_466 : vector<1x1x32xbf16> to vector<32xbf16>
          %mul3A_468 = arith.mulf %get3A_467, %convert_element_type3A_450 : vector<32xbf16>
          %swap3A_469 = arith.index_cast %rem3A_83 : i32 to index
          %swap3A_470 = arith.index_cast %add3A_446 : i32 to index
          %swap3A_471 = arith.constant 32 : index
          %swap3A_472 = tpu.vector_load %arg11[%swap3A_469, %swap3A_470, %swap3A_471] {strides = array<i32>} : memref<2x256x64xbf16, #tpu.memory_space<vmem>>, vector<1x1x32xbf16>,
          %swap3A_473 = vector.shape_cast %swap3A_472 : vector<1x1x32xbf16> to vector<32xbf16>
          %swap3A_474 = vector.shape_cast %mul3A_468 : vector<32xbf16> to vector<1x1x32xbf16>
          tpu.vector_store %arg11[%swap3A_469, %swap3A_470, %swap3A_471], %swap3A_474 {strides = array<i32>} : memref<2x256x64xbf16, #tpu.memory_space<vmem>>, vector<1x1x32xbf16>,
          %mul3A_475 = arith.constant 16 : i32
          %mul3A_476 = arith.muli %scan3A_147, %mul3A_475 : i32
          %add3A_477 = arith.constant 10 : i32
          %add3A_478 = arith.addi %mul3A_476, %add3A_477 : i32
          %slice3A_479 = vector.extract_strided_slice %get3A_158 {offsets = [10], sizes = [1], strides = [1]} : vector<16xf32> to vector<1xf32>
          %squeeze3A_480 = vector.extract %slice3A_479[0] : f32 from vector<1xf32>
          %broadcast_in_dim3A_481 = vector.broadcast %squeeze3A_480 : f32 to vector<32xf32>
          %convert_element_type3A_482 = arith.truncf %broadcast_in_dim3A_481 : vector<32xf32> to vector<32xbf16>
          %get3A_483 = arith.index_cast %rem3A_83 : i32 to index
          %get3A_484 = arith.index_cast %add3A_478 : i32 to index
          %get3A_485 = arith.constant 0 : index
          %get3A_486 = tpu.vector_load %arg11[%get3A_483, %get3A_484, %get3A_485] {strides = array<i32>} : memref<2x256x64xbf16, #tpu.memory_space<vmem>>, vector<1x1x32xbf16>,
          %get3A_487 = vector.shape_cast %get3A_486 : vector<1x1x32xbf16> to vector<32xbf16>
          %mul3A_488 = arith.mulf %get3A_487, %convert_element_type3A_482 : vector<32xbf16>
          %swap3A_489 = arith.index_cast %rem3A_83 : i32 to index
          %swap3A_490 = arith.index_cast %add3A_478 : i32 to index
          %swap3A_491 = arith.constant 0 : index
          %swap3A_492 = tpu.vector_load %arg11[%swap3A_489, %swap3A_490, %swap3A_491] {strides = array<i32>} : memref<2x256x64xbf16, #tpu.memory_space<vmem>>, vector<1x1x32xbf16>,
          %swap3A_493 = vector.shape_cast %swap3A_492 : vector<1x1x32xbf16> to vector<32xbf16>
          %swap3A_494 = vector.shape_cast %mul3A_488 : vector<32xbf16> to vector<1x1x32xbf16>
          tpu.vector_store %arg11[%swap3A_489, %swap3A_490, %swap3A_491], %swap3A_494 {strides = array<i32>} : memref<2x256x64xbf16, #tpu.memory_space<vmem>>, vector<1x1x32xbf16>,
          %get3A_495 = arith.index_cast %rem3A_83 : i32 to index
          %get3A_496 = arith.index_cast %add3A_478 : i32 to index
          %get3A_497 = arith.constant 32 : index
          %get3A_498 = tpu.vector_load %arg11[%get3A_495, %get3A_496, %get3A_497] {strides = array<i32>} : memref<2x256x64xbf16, #tpu.memory_space<vmem>>, vector<1x1x32xbf16>,
          %get3A_499 = vector.shape_cast %get3A_498 : vector<1x1x32xbf16> to vector<32xbf16>
          %mul3A_500 = arith.mulf %get3A_499, %convert_element_type3A_482 : vector<32xbf16>
          %swap3A_501 = arith.index_cast %rem3A_83 : i32 to index
          %swap3A_502 = arith.index_cast %add3A_478 : i32 to index
          %swap3A_503 = arith.constant 32 : index
          %swap3A_504 = tpu.vector_load %arg11[%swap3A_501, %swap3A_502, %swap3A_503] {strides = array<i32>} : memref<2x256x64xbf16, #tpu.memory_space<vmem>>, vector<1x1x32xbf16>,
          %swap3A_505 = vector.shape_cast %swap3A_504 : vector<1x1x32xbf16> to vector<32xbf16>
          %swap3A_506 = vector.shape_cast %mul3A_500 : vector<32xbf16> to vector<1x1x32xbf16>
          tpu.vector_store %arg11[%swap3A_501, %swap3A_502, %swap3A_503], %swap3A_506 {strides = array<i32>} : memref<2x256x64xbf16, #tpu.memory_space<vmem>>, vector<1x1x32xbf16>,
          %mul3A_507 = arith.constant 16 : i32
          %mul3A_508 = arith.muli %scan3A_147, %mul3A_507 : i32
          %add3A_509 = arith.constant 11 : i32
          %add3A_510 = arith.addi %mul3A_508, %add3A_509 : i32
          %slice3A_511 = vector.extract_strided_slice %get3A_158 {offsets = [11], sizes = [1], strides = [1]} : vector<16xf32> to vector<1xf32>
          %squeeze3A_512 = vector.extract %slice3A_511[0] : f32 from vector<1xf32>
          %broadcast_in_dim3A_513 = vector.broadcast %squeeze3A_512 : f32 to vector<32xf32>
          %convert_element_type3A_514 = arith.truncf %broadcast_in_dim3A_513 : vector<32xf32> to vector<32xbf16>
          %get3A_515 = arith.index_cast %rem3A_83 : i32 to index
          %get3A_516 = arith.index_cast %add3A_510 : i32 to index
          %get3A_517 = arith.constant 0 : index
          %get3A_518 = tpu.vector_load %arg11[%get3A_515, %get3A_516, %get3A_517] {strides = array<i32>} : memref<2x256x64xbf16, #tpu.memory_space<vmem>>, vector<1x1x32xbf16>,
          %get3A_519 = vector.shape_cast %get3A_518 : vector<1x1x32xbf16> to vector<32xbf16>
          %mul3A_520 = arith.mulf %get3A_519, %convert_element_type3A_514 : vector<32xbf16>
          %swap3A_521 = arith.index_cast %rem3A_83 : i32 to index
          %swap3A_522 = arith.index_cast %add3A_510 : i32 to index
          %swap3A_523 = arith.constant 0 : index
          %swap3A_524 = tpu.vector_load %arg11[%swap3A_521, %swap3A_522, %swap3A_523] {strides = array<i32>} : memref<2x256x64xbf16, #tpu.memory_space<vmem>>, vector<1x1x32xbf16>,
          %swap3A_525 = vector.shape_cast %swap3A_524 : vector<1x1x32xbf16> to vector<32xbf16>
          %swap3A_526 = vector.shape_cast %mul3A_520 : vector<32xbf16> to vector<1x1x32xbf16>
          tpu.vector_store %arg11[%swap3A_521, %swap3A_522, %swap3A_523], %swap3A_526 {strides = array<i32>} : memref<2x256x64xbf16, #tpu.memory_space<vmem>>, vector<1x1x32xbf16>,
          %get3A_527 = arith.index_cast %rem3A_83 : i32 to index
          %get3A_528 = arith.index_cast %add3A_510 : i32 to index
          %get3A_529 = arith.constant 32 : index
          %get3A_530 = tpu.vector_load %arg11[%get3A_527, %get3A_528, %get3A_529] {strides = array<i32>} : memref<2x256x64xbf16, #tpu.memory_space<vmem>>, vector<1x1x32xbf16>,
          %get3A_531 = vector.shape_cast %get3A_530 : vector<1x1x32xbf16> to vector<32xbf16>
          %mul3A_532 = arith.mulf %get3A_531, %convert_element_type3A_514 : vector<32xbf16>
          %swap3A_533 = arith.index_cast %rem3A_83 : i32 to index
          %swap3A_534 = arith.index_cast %add3A_510 : i32 to index
          %swap3A_535 = arith.constant 32 : index
          %swap3A_536 = tpu.vector_load %arg11[%swap3A_533, %swap3A_534, %swap3A_535] {strides = array<i32>} : memref<2x256x64xbf16, #tpu.memory_space<vmem>>, vector<1x1x32xbf16>,
          %swap3A_537 = vector.shape_cast %swap3A_536 : vector<1x1x32xbf16> to vector<32xbf16>
          %swap3A_538 = vector.shape_cast %mul3A_532 : vector<32xbf16> to vector<1x1x32xbf16>
          tpu.vector_store %arg11[%swap3A_533, %swap3A_534, %swap3A_535], %swap3A_538 {strides = array<i32>} : memref<2x256x64xbf16, #tpu.memory_space<vmem>>, vector<1x1x32xbf16>,
          %mul3A_539 = arith.constant 16 : i32
          %mul3A_540 = arith.muli %scan3A_147, %mul3A_539 : i32
          %add3A_541 = arith.constant 12 : i32
          %add3A_542 = arith.addi %mul3A_540, %add3A_541 : i32
          %slice3A_543 = vector.extract_strided_slice %get3A_158 {offsets = [12], sizes = [1], strides = [1]} : vector<16xf32> to vector<1xf32>
          %squeeze3A_544 = vector.extract %slice3A_543[0] : f32 from vector<1xf32>
          %broadcast_in_dim3A_545 = vector.broadcast %squeeze3A_544 : f32 to vector<32xf32>
          %convert_element_type3A_546 = arith.truncf %broadcast_in_dim3A_545 : vector<32xf32> to vector<32xbf16>
          %get3A_547 = arith.index_cast %rem3A_83 : i32 to index
          %get3A_548 = arith.index_cast %add3A_542 : i32 to index
          %get3A_549 = arith.constant 0 : index
          %get3A_550 = tpu.vector_load %arg11[%get3A_547, %get3A_548, %get3A_549] {strides = array<i32>} : memref<2x256x64xbf16, #tpu.memory_space<vmem>>, vector<1x1x32xbf16>,
          %get3A_551 = vector.shape_cast %get3A_550 : vector<1x1x32xbf16> to vector<32xbf16>
          %mul3A_552 = arith.mulf %get3A_551, %convert_element_type3A_546 : vector<32xbf16>
          %swap3A_553 = arith.index_cast %rem3A_83 : i32 to index
          %swap3A_554 = arith.index_cast %add3A_542 : i32 to index
          %swap3A_555 = arith.constant 0 : index
          %swap3A_556 = tpu.vector_load %arg11[%swap3A_553, %swap3A_554, %swap3A_555] {strides = array<i32>} : memref<2x256x64xbf16, #tpu.memory_space<vmem>>, vector<1x1x32xbf16>,
          %swap3A_557 = vector.shape_cast %swap3A_556 : vector<1x1x32xbf16> to vector<32xbf16>
          %swap3A_558 = vector.shape_cast %mul3A_552 : vector<32xbf16> to vector<1x1x32xbf16>
          tpu.vector_store %arg11[%swap3A_553, %swap3A_554, %swap3A_555], %swap3A_558 {strides = array<i32>} : memref<2x256x64xbf16, #tpu.memory_space<vmem>>, vector<1x1x32xbf16>,
          %get3A_559 = arith.index_cast %rem3A_83 : i32 to index
          %get3A_560 = arith.index_cast %add3A_542 : i32 to index
          %get3A_561 = arith.constant 32 : index
          %get3A_562 = tpu.vector_load %arg11[%get3A_559, %get3A_560, %get3A_561] {strides = array<i32>} : memref<2x256x64xbf16, #tpu.memory_space<vmem>>, vector<1x1x32xbf16>,
          %get3A_563 = vector.shape_cast %get3A_562 : vector<1x1x32xbf16> to vector<32xbf16>
          %mul3A_564 = arith.mulf %get3A_563, %convert_element_type3A_546 : vector<32xbf16>
          %swap3A_565 = arith.index_cast %rem3A_83 : i32 to index
          %swap3A_566 = arith.index_cast %add3A_542 : i32 to index
          %swap3A_567 = arith.constant 32 : index
          %swap3A_568 = tpu.vector_load %arg11[%swap3A_565, %swap3A_566, %swap3A_567] {strides = array<i32>} : memref<2x256x64xbf16, #tpu.memory_space<vmem>>, vector<1x1x32xbf16>,
          %swap3A_569 = vector.shape_cast %swap3A_568 : vector<1x1x32xbf16> to vector<32xbf16>
          %swap3A_570 = vector.shape_cast %mul3A_564 : vector<32xbf16> to vector<1x1x32xbf16>
          tpu.vector_store %arg11[%swap3A_565, %swap3A_566, %swap3A_567], %swap3A_570 {strides = array<i32>} : memref<2x256x64xbf16, #tpu.memory_space<vmem>>, vector<1x1x32xbf16>,
          %mul3A_571 = arith.constant 16 : i32
          %mul3A_572 = arith.muli %scan3A_147, %mul3A_571 : i32
          %add3A_573 = arith.constant 13 : i32
          %add3A_574 = arith.addi %mul3A_572, %add3A_573 : i32
          %slice3A_575 = vector.extract_strided_slice %get3A_158 {offsets = [13], sizes = [1], strides = [1]} : vector<16xf32> to vector<1xf32>
          %squeeze3A_576 = vector.extract %slice3A_575[0] : f32 from vector<1xf32>
          %broadcast_in_dim3A_577 = vector.broadcast %squeeze3A_576 : f32 to vector<32xf32>
          %convert_element_type3A_578 = arith.truncf %broadcast_in_dim3A_577 : vector<32xf32> to vector<32xbf16>
          %get3A_579 = arith.index_cast %rem3A_83 : i32 to index
          %get3A_580 = arith.index_cast %add3A_574 : i32 to index
          %get3A_581 = arith.constant 0 : index
          %get3A_582 = tpu.vector_load %arg11[%get3A_579, %get3A_580, %get3A_581] {strides = array<i32>} : memref<2x256x64xbf16, #tpu.memory_space<vmem>>, vector<1x1x32xbf16>,
          %get3A_583 = vector.shape_cast %get3A_582 : vector<1x1x32xbf16> to vector<32xbf16>
          %mul3A_584 = arith.mulf %get3A_583, %convert_element_type3A_578 : vector<32xbf16>
          %swap3A_585 = arith.index_cast %rem3A_83 : i32 to index
          %swap3A_586 = arith.index_cast %add3A_574 : i32 to index
          %swap3A_587 = arith.constant 0 : index
          %swap3A_588 = tpu.vector_load %arg11[%swap3A_585, %swap3A_586, %swap3A_587] {strides = array<i32>} : memref<2x256x64xbf16, #tpu.memory_space<vmem>>, vector<1x1x32xbf16>,
          %swap3A_589 = vector.shape_cast %swap3A_588 : vector<1x1x32xbf16> to vector<32xbf16>
          %swap3A_590 = vector.shape_cast %mul3A_584 : vector<32xbf16> to vector<1x1x32xbf16>
          tpu.vector_store %arg11[%swap3A_585, %swap3A_586, %swap3A_587], %swap3A_590 {strides = array<i32>} : memref<2x256x64xbf16, #tpu.memory_space<vmem>>, vector<1x1x32xbf16>,
          %get3A_591 = arith.index_cast %rem3A_83 : i32 to index
          %get3A_592 = arith.index_cast %add3A_574 : i32 to index
          %get3A_593 = arith.constant 32 : index
          %get3A_594 = tpu.vector_load %arg11[%get3A_591, %get3A_592, %get3A_593] {strides = array<i32>} : memref<2x256x64xbf16, #tpu.memory_space<vmem>>, vector<1x1x32xbf16>,
          %get3A_595 = vector.shape_cast %get3A_594 : vector<1x1x32xbf16> to vector<32xbf16>
          %mul3A_596 = arith.mulf %get3A_595, %convert_element_type3A_578 : vector<32xbf16>
          %swap3A_597 = arith.index_cast %rem3A_83 : i32 to index
          %swap3A_598 = arith.index_cast %add3A_574 : i32 to index
          %swap3A_599 = arith.constant 32 : index
          %swap3A_600 = tpu.vector_load %arg11[%swap3A_597, %swap3A_598, %swap3A_599] {strides = array<i32>} : memref<2x256x64xbf16, #tpu.memory_space<vmem>>, vector<1x1x32xbf16>,
          %swap3A_601 = vector.shape_cast %swap3A_600 : vector<1x1x32xbf16> to vector<32xbf16>
          %swap3A_602 = vector.shape_cast %mul3A_596 : vector<32xbf16> to vector<1x1x32xbf16>
          tpu.vector_store %arg11[%swap3A_597, %swap3A_598, %swap3A_599], %swap3A_602 {strides = array<i32>} : memref<2x256x64xbf16, #tpu.memory_space<vmem>>, vector<1x1x32xbf16>,
          %mul3A_603 = arith.constant 16 : i32
          %mul3A_604 = arith.muli %scan3A_147, %mul3A_603 : i32
          %add3A_605 = arith.constant 14 : i32
          %add3A_606 = arith.addi %mul3A_604, %add3A_605 : i32
          %slice3A_607 = vector.extract_strided_slice %get3A_158 {offsets = [14], sizes = [1], strides = [1]} : vector<16xf32> to vector<1xf32>
          %squeeze3A_608 = vector.extract %slice3A_607[0] : f32 from vector<1xf32>
          %broadcast_in_dim3A_609 = vector.broadcast %squeeze3A_608 : f32 to vector<32xf32>
          %convert_element_type3A_610 = arith.truncf %broadcast_in_dim3A_609 : vector<32xf32> to vector<32xbf16>
          %get3A_611 = arith.index_cast %rem3A_83 : i32 to index
          %get3A_612 = arith.index_cast %add3A_606 : i32 to index
          %get3A_613 = arith.constant 0 : index
          %get3A_614 = tpu.vector_load %arg11[%get3A_611, %get3A_612, %get3A_613] {strides = array<i32>} : memref<2x256x64xbf16, #tpu.memory_space<vmem>>, vector<1x1x32xbf16>,
          %get3A_615 = vector.shape_cast %get3A_614 : vector<1x1x32xbf16> to vector<32xbf16>
          %mul3A_616 = arith.mulf %get3A_615, %convert_element_type3A_610 : vector<32xbf16>
          %swap3A_617 = arith.index_cast %rem3A_83 : i32 to index
          %swap3A_618 = arith.index_cast %add3A_606 : i32 to index
          %swap3A_619 = arith.constant 0 : index
          %swap3A_620 = tpu.vector_load %arg11[%swap3A_617, %swap3A_618, %swap3A_619] {strides = array<i32>} : memref<2x256x64xbf16, #tpu.memory_space<vmem>>, vector<1x1x32xbf16>,
          %swap3A_621 = vector.shape_cast %swap3A_620 : vector<1x1x32xbf16> to vector<32xbf16>
          %swap3A_622 = vector.shape_cast %mul3A_616 : vector<32xbf16> to vector<1x1x32xbf16>
          tpu.vector_store %arg11[%swap3A_617, %swap3A_618, %swap3A_619], %swap3A_622 {strides = array<i32>} : memref<2x256x64xbf16, #tpu.memory_space<vmem>>, vector<1x1x32xbf16>,
          %get3A_623 = arith.index_cast %rem3A_83 : i32 to index
          %get3A_624 = arith.index_cast %add3A_606 : i32 to index
          %get3A_625 = arith.constant 32 : index
          %get3A_626 = tpu.vector_load %arg11[%get3A_623, %get3A_624, %get3A_625] {strides = array<i32>} : memref<2x256x64xbf16, #tpu.memory_space<vmem>>, vector<1x1x32xbf16>,
          %get3A_627 = vector.shape_cast %get3A_626 : vector<1x1x32xbf16> to vector<32xbf16>
          %mul3A_628 = arith.mulf %get3A_627, %convert_element_type3A_610 : vector<32xbf16>
          %swap3A_629 = arith.index_cast %rem3A_83 : i32 to index
          %swap3A_630 = arith.index_cast %add3A_606 : i32 to index
          %swap3A_631 = arith.constant 32 : index
          %swap3A_632 = tpu.vector_load %arg11[%swap3A_629, %swap3A_630, %swap3A_631] {strides = array<i32>} : memref<2x256x64xbf16, #tpu.memory_space<vmem>>, vector<1x1x32xbf16>,
          %swap3A_633 = vector.shape_cast %swap3A_632 : vector<1x1x32xbf16> to vector<32xbf16>
          %swap3A_634 = vector.shape_cast %mul3A_628 : vector<32xbf16> to vector<1x1x32xbf16>
          tpu.vector_store %arg11[%swap3A_629, %swap3A_630, %swap3A_631], %swap3A_634 {strides = array<i32>} : memref<2x256x64xbf16, #tpu.memory_space<vmem>>, vector<1x1x32xbf16>,
          %mul3A_635 = arith.constant 16 : i32
          %mul3A_636 = arith.muli %scan3A_147, %mul3A_635 : i32
          %add3A_637 = arith.constant 15 : i32
          %add3A_638 = arith.addi %mul3A_636, %add3A_637 : i32
          %slice3A_639 = vector.extract_strided_slice %get3A_158 {offsets = [15], sizes = [1], strides = [1]} : vector<16xf32> to vector<1xf32>
          %squeeze3A_640 = vector.extract %slice3A_639[0] : f32 from vector<1xf32>
          %broadcast_in_dim3A_641 = vector.broadcast %squeeze3A_640 : f32 to vector<32xf32>
          %convert_element_type3A_642 = arith.truncf %broadcast_in_dim3A_641 : vector<32xf32> to vector<32xbf16>
          %get3A_643 = arith.index_cast %rem3A_83 : i32 to index
          %get3A_644 = arith.index_cast %add3A_638 : i32 to index
          %get3A_645 = arith.constant 0 : index
          %get3A_646 = tpu.vector_load %arg11[%get3A_643, %get3A_644, %get3A_645] {strides = array<i32>} : memref<2x256x64xbf16, #tpu.memory_space<vmem>>, vector<1x1x32xbf16>,
          %get3A_647 = vector.shape_cast %get3A_646 : vector<1x1x32xbf16> to vector<32xbf16>
          %mul3A_648 = arith.mulf %get3A_647, %convert_element_type3A_642 : vector<32xbf16>
          %swap3A_649 = arith.index_cast %rem3A_83 : i32 to index
          %swap3A_650 = arith.index_cast %add3A_638 : i32 to index
          %swap3A_651 = arith.constant 0 : index
          %swap3A_652 = tpu.vector_load %arg11[%swap3A_649, %swap3A_650, %swap3A_651] {strides = array<i32>} : memref<2x256x64xbf16, #tpu.memory_space<vmem>>, vector<1x1x32xbf16>,
          %swap3A_653 = vector.shape_cast %swap3A_652 : vector<1x1x32xbf16> to vector<32xbf16>
          %swap3A_654 = vector.shape_cast %mul3A_648 : vector<32xbf16> to vector<1x1x32xbf16>
          tpu.vector_store %arg11[%swap3A_649, %swap3A_650, %swap3A_651], %swap3A_654 {strides = array<i32>} : memref<2x256x64xbf16, #tpu.memory_space<vmem>>, vector<1x1x32xbf16>,
          %get3A_655 = arith.index_cast %rem3A_83 : i32 to index
          %get3A_656 = arith.index_cast %add3A_638 : i32 to index
          %get3A_657 = arith.constant 32 : index
          %get3A_658 = tpu.vector_load %arg11[%get3A_655, %get3A_656, %get3A_657] {strides = array<i32>} : memref<2x256x64xbf16, #tpu.memory_space<vmem>>, vector<1x1x32xbf16>,
          %get3A_659 = vector.shape_cast %get3A_658 : vector<1x1x32xbf16> to vector<32xbf16>
          %mul3A_660 = arith.mulf %get3A_659, %convert_element_type3A_642 : vector<32xbf16>
          %swap3A_661 = arith.index_cast %rem3A_83 : i32 to index
          %swap3A_662 = arith.index_cast %add3A_638 : i32 to index
          %swap3A_663 = arith.constant 32 : index
          %swap3A_664 = tpu.vector_load %arg11[%swap3A_661, %swap3A_662, %swap3A_663] {strides = array<i32>} : memref<2x256x64xbf16, #tpu.memory_space<vmem>>, vector<1x1x32xbf16>,
          %swap3A_665 = vector.shape_cast %swap3A_664 : vector<1x1x32xbf16> to vector<32xbf16>
          %swap3A_666 = vector.shape_cast %mul3A_660 : vector<32xbf16> to vector<1x1x32xbf16>
          tpu.vector_store %arg11[%swap3A_661, %swap3A_662, %swap3A_663], %swap3A_666 {strides = array<i32>} : memref<2x256x64xbf16, #tpu.memory_space<vmem>>, vector<1x1x32xbf16>,
        }
        %scan3A_114 = arith.constant 16 : i32
        %mul3A_115 = arith.constant 2 : i32
        %mul3A_116 = arith.muli %scan3A_82, %mul3A_115 : i32
        %add3A_117 = arith.constant 0 : i32
        %add3A_118 = arith.addi %mul3A_116, %add3A_117 : i32
        %dma_start3A_119 = arith.constant 0 : i32
        %dma_start3A_120 = arith.constant 0 : i32
        %dma_start3A_121 = tpu.memref_slice %arg11[%rem3A_83, %dma_start3A_119, %dma_start3A_120] : memref<2x256x64xbf16, #tpu.memory_space<vmem>> -> memref<1x128x64xbf16, #tpu.memory_space<vmem>>
        %dma_start3A_122 = tpu.memref_squeeze %dma_start3A_121 : memref<1x128x64xbf16, #tpu.memory_space<vmem>> -> memref<128x64xbf16, #tpu.memory_space<vmem>>
        %dma_start3A_123 = arith.constant 0 : i32
        %dma_start3A_124 = tpu.memref_slice %arg9[%add3A_118, %dma_start3A_123] : memref<20x128xi32, #tpu.memory_space<vmem>> -> memref<1x128xi32, #tpu.memory_space<vmem>>
        %dma_start3A_125 = tpu.memref_squeeze %dma_start3A_124 : memref<1x128xi32, #tpu.memory_space<vmem>> -> memref<128xi32, #tpu.memory_space<vmem>>
        %dma_start3A_126 = arith.constant 0 : i32
        %dma_start3A_127 = arith.constant 0 : i32
        %dma_start3A_128 = tpu.memref_slice %arg12[%dma_start3A_126, %dma_start3A_127] : memref<50048x64xbf16, #tpu.memory_space<vmem_shared>> -> memref<50048x64xbf16, #tpu.memory_space<vmem_shared>>
        %dma_start3A_129 = tpu.memref_slice %arg14[%rem3A_83] : memref<2x!tpu.dma_semaphore, #tpu.memory_space<semaphore_mem>> -> memref<1x!tpu.dma_semaphore, #tpu.memory_space<semaphore_mem>>
        %dma_start3A_130 = tpu.memref_squeeze %dma_start3A_129 : memref<1x!tpu.dma_semaphore, #tpu.memory_space<semaphore_mem>> -> memref<!tpu.dma_semaphore, #tpu.memory_space<semaphore_mem>>
        tpu.enqueue_indirect_dma source(%dma_start3A_122 : memref<128x64xbf16, #tpu.memory_space<vmem>>) target(%dma_start3A_128 : memref<50048x64xbf16, #tpu.memory_space<vmem_shared>>) offsets(%dma_start3A_125 : memref<128xi32, #tpu.memory_space<vmem>>) semaphore(%dma_start3A_130 : memref<!tpu.dma_semaphore, #tpu.memory_space<semaphore_mem>>) {add = true}
        %mul3A_131 = arith.constant 2 : i32
        %mul3A_132 = arith.muli %scan3A_82, %mul3A_131 : i32
        %add3A_133 = arith.constant 1 : i32
        %add3A_134 = arith.addi %mul3A_132, %add3A_133 : i32
        %dma_start3A_135 = arith.constant 128 : i32
        %dma_start3A_136 = arith.constant 0 : i32
        %dma_start3A_137 = tpu.memref_slice %arg11[%rem3A_83, %dma_start3A_135, %dma_start3A_136] : memref<2x256x64xbf16, #tpu.memory_space<vmem>> -> memref<1x128x64xbf16, #tpu.memory_space<vmem>>
        %dma_start3A_138 = tpu.memref_squeeze %dma_start3A_137 : memref<1x128x64xbf16, #tpu.memory_space<vmem>> -> memref<128x64xbf16, #tpu.memory_space<vmem>>
        %dma_start3A_139 = arith.constant 0 : i32
        %dma_start3A_140 = tpu.memref_slice %arg9[%add3A_134, %dma_start3A_139] : memref<20x128xi32, #tpu.memory_space<vmem>> -> memref<1x128xi32, #tpu.memory_space<vmem>>
        %dma_start3A_141 = tpu.memref_squeeze %dma_start3A_140 : memref<1x128xi32, #tpu.memory_space<vmem>> -> memref<128xi32, #tpu.memory_space<vmem>>
        %dma_start3A_142 = arith.constant 0 : i32
        %dma_start3A_143 = arith.constant 0 : i32
        %dma_start3A_144 = tpu.memref_slice %arg12[%dma_start3A_142, %dma_start3A_143] : memref<50048x64xbf16, #tpu.memory_space<vmem_shared>> -> memref<50048x64xbf16, #tpu.memory_space<vmem_shared>>
        %dma_start3A_145 = tpu.memref_slice %arg14[%rem3A_83] : memref<2x!tpu.dma_semaphore, #tpu.memory_space<semaphore_mem>> -> memref<1x!tpu.dma_semaphore, #tpu.memory_space<semaphore_mem>>
        %dma_start3A_146 = tpu.memref_squeeze %dma_start3A_145 : memref<1x!tpu.dma_semaphore, #tpu.memory_space<semaphore_mem>> -> memref<!tpu.dma_semaphore, #tpu.memory_space<semaphore_mem>>
        tpu.enqueue_indirect_dma source(%dma_start3A_138 : memref<128x64xbf16, #tpu.memory_space<vmem>>) target(%dma_start3A_144 : memref<50048x64xbf16, #tpu.memory_space<vmem_shared>>) offsets(%dma_start3A_141 : memref<128xi32, #tpu.memory_space<vmem>>) semaphore(%dma_start3A_146 : memref<!tpu.dma_semaphore, #tpu.memory_space<semaphore_mem>>) {add = true}
      }
      %scan3A_64 = arith.constant 10 : i32
      %dma_wait3A = arith.constant 1 : i32
      %dma_wait3A_65 = arith.constant 1 : i32
      %dma_wait3A_66 = arith.constant 0 : i32
      %dma_wait3A_67 = arith.constant 0 : i32
      %dma_wait3A_68 = tpu.memref_slice %arg11[%dma_wait3A, %dma_wait3A_66, %dma_wait3A_67] : memref<2x256x64xbf16, #tpu.memory_space<vmem>> -> memref<1x256x64xbf16, #tpu.memory_space<vmem>>
      %dma_wait3A_69 = tpu.memref_squeeze %dma_wait3A_68 : memref<1x256x64xbf16, #tpu.memory_space<vmem>> -> memref<256x64xbf16, #tpu.memory_space<vmem>>
      %dma_wait3A_70 = arith.constant 0 : i32
      %dma_wait3A_71 = arith.constant 0 : i32
      %dma_wait3A_72 = tpu.memref_slice %arg12[%dma_wait3A_70, %dma_wait3A_71] : memref<50048x64xbf16, #tpu.memory_space<vmem_shared>> -> memref<256x64xbf16, #tpu.memory_space<vmem_shared>>
      %dma_wait3A_73 = tpu.memref_slice %arg14[%dma_wait3A_65] : memref<2x!tpu.dma_semaphore, #tpu.memory_space<semaphore_mem>> -> memref<1x!tpu.dma_semaphore, #tpu.memory_space<semaphore_mem>>
      %dma_wait3A_74 = tpu.memref_squeeze %dma_wait3A_73 : memref<1x!tpu.dma_semaphore, #tpu.memory_space<semaphore_mem>> -> memref<!tpu.dma_semaphore, #tpu.memory_space<semaphore_mem>>
      %dma_wait3A_75 = arith.constant 0 : i32
      %dma_wait3A_76 = arith.constant 0 : i32
      %dma_wait3A_77 = tpu.memref_slice %arg12[%dma_wait3A_75, %dma_wait3A_76] : memref<50048x64xbf16, #tpu.memory_space<vmem_shared>> -> memref<256x64xbf16, #tpu.memory_space<vmem_shared>>
      %dma_wait3A_78 = arith.constant 0 : i32
      %dma_wait3A_79 = arith.constant 0 : i32
      %dma_wait3A_80 = tpu.memref_slice %arg11[%dma_wait3A, %dma_wait3A_78, %dma_wait3A_79] : memref<2x256x64xbf16, #tpu.memory_space<vmem>> -> memref<1x256x64xbf16, #tpu.memory_space<vmem>>
      %dma_wait3A_81 = tpu.memref_squeeze %dma_wait3A_80 : memref<1x256x64xbf16, #tpu.memory_space<vmem>> -> memref<256x64xbf16, #tpu.memory_space<vmem>>
      tpu.wait_dma2 semaphore(%dma_wait3A_74 : memref<!tpu.dma_semaphore, #tpu.memory_space<semaphore_mem>>) src(%dma_wait3A_81 : memref<256x64xbf16, #tpu.memory_space<vmem>>) dst(%dma_wait3A_77 : memref<256x64xbf16, #tpu.memory_space<vmem_shared>>)
    }
    %scan3A_10 = arith.constant 20 : i32
    %barrier3A_11 = arith.constant 0 : index
    tpu.barrier barrier_id(%barrier3A_11)
    %mul3A_12 = arith.constant 3128 : i32
    %mul3A_13 = arith.muli %arg1, %mul3A_12 : i32
    %mul3A_14 = arith.constant 50048 : i32
    %mul3A_15 = arith.muli %add3A_1, %mul3A_14 : i32
    %mul3A_16 = arith.constant 3128 : i32
    %mul3A_17 = arith.muli %arg1, %mul3A_16 : i32
    %add3A_18 = arith.addi %mul3A_15, %mul3A_17 : i32
    "tpu.region"() ({
      %run_scoped3A = tpu.sem_alloc : memref<!tpu.dma_semaphore, #tpu.memory_space<semaphore_mem>>
      %dma_start3A = arith.constant 0 : i32
      %dma_start3A_20 = tpu.memref_slice %arg7[%add3A_18, %dma_start3A] : memref<100096x64xbf16, #tpu.memory_space<hbm>> -> memref<3128x64xbf16, #tpu.memory_space<hbm>>
      %dma_start3A_21 = arith.constant 0 : i32
      %dma_start3A_22 = tpu.memref_slice %arg12[%mul3A_13, %dma_start3A_21] : memref<50048x64xbf16, #tpu.memory_space<vmem_shared>> -> memref<3128x64xbf16, #tpu.memory_space<vmem_shared>>
      tpu.enqueue_dma source(%dma_start3A_22 : memref<3128x64xbf16, #tpu.memory_space<vmem_shared>>) target(%dma_start3A_20 : memref<3128x64xbf16, #tpu.memory_space<hbm>>) target_semaphore(%run_scoped3A : memref<!tpu.dma_semaphore, #tpu.memory_space<semaphore_mem>>)
      %dma_wait3A = arith.constant 0 : i32
      %dma_wait3A_23 = tpu.memref_slice %arg7[%add3A_18, %dma_wait3A] : memref<100096x64xbf16, #tpu.memory_space<hbm>> -> memref<3128x64xbf16, #tpu.memory_space<hbm>>
      %dma_wait3A_24 = arith.constant 0 : i32
      %dma_wait3A_25 = tpu.memref_slice %arg12[%mul3A_13, %dma_wait3A_24] : memref<50048x64xbf16, #tpu.memory_space<vmem_shared>> -> memref<3128x64xbf16, #tpu.memory_space<vmem_shared>>
      tpu.wait_dma2 semaphore(%run_scoped3A : memref<!tpu.dma_semaphore, #tpu.memory_space<semaphore_mem>>) src(%dma_wait3A_25 : memref<3128x64xbf16, #tpu.memory_space<vmem_shared>>) dst(%dma_wait3A_23 : memref<3128x64xbf16, #tpu.memory_space<hbm>>)
      tpu.yield
    }) : () -> ()
    %barrier3A_19 = arith.constant 0 : index
    tpu.barrier barrier_id(%barrier3A_19)
    return
  }
}

#map = affine_map<(d0, d1) -> (0, 0)>
#map1 = affine_map<(d0, d1) -> (0)>
#map2 = affine_map<(d0, d1) -> (0, 0, 0)>
module attributes {stable_mosaic.version = 14 : i64} {
  func.func @gat(%arg0: i32, %arg1: i32, %arg2: memref<50000x128xf32, #tpu.memory_space<hbm>>, %arg3: memref<5120xi32, #tpu.memory_space<hbm>>, %arg4: memref<5120xi32, #tpu.memory_space<hbm>>, %arg5: memref<100096x64xbf16, #tpu.memory_space<hbm>>, %arg6: memref<100096x64xbf16, #tpu.memory_space<hbm>>, %arg7: memref<5120x128xf32, #tpu.memory_space<hbm>>, %arg8: memref<5120x128xf32, #tpu.memory_space<hbm>>, %arg9: memref<2x5120x64xbf16, #tpu.memory_space<hbm>>, %arg10: memref<2x5120x64xbf16, #tpu.memory_space<hbm>>, %arg11: memref<80xi32, #tpu.memory_space<vmem>>, %arg12: memref<80xi32, #tpu.memory_space<vmem>>, %arg13: memref<80x128xf32, #tpu.memory_space<vmem>>, %arg14: memref<80x64xbf16, #tpu.memory_space<vmem>>, %arg15: memref<!tpu.dma_semaphore, #tpu.memory_space<semaphore_mem>>) attributes {dimension_semantics = [#tpu.dimension_semantics<core_parallel>, #tpu.dimension_semantics<subcore_parallel>], iteration_bounds = array<i64: 2, 16>, scalar_prefetch = 0 : i64, scratch_operands = 5 : i64, tpu.core_type = #tpu.core_type<sc_vector_subcore>, window_params = [{transform_indices = #map}, {transform_indices = #map1}, {transform_indices = #map1}, {transform_indices = #map}, {transform_indices = #map}, {transform_indices = #map}, {transform_indices = #map}, {transform_indices = #map2}, {transform_indices = #map2}]} {
    %mul3A = arith.constant 2 : i32
    %mul3A_0 = arith.muli %arg1, %mul3A : i32
    %add3A = arith.addi %mul3A_0, %arg0 : i32
    %mul3A_1 = arith.constant 160 : i32
    %mul3A_2 = arith.muli %add3A, %mul3A_1 : i32
    %add3A_3 = arith.constant 0 : i32
    %add3A_4 = arith.addi %mul3A_2, %add3A_3 : i32
    "tpu.region"() ({
      %run_scoped3A_109 = tpu.sem_alloc : memref<!tpu.dma_semaphore, #tpu.memory_space<semaphore_mem>>
      %dma_start3A_110 = tpu.memref_slice %arg3[%add3A_4] : memref<5120xi32, #tpu.memory_space<hbm>> -> memref<80xi32, #tpu.memory_space<hbm>>
      %dma_start3A_111 = tpu.memref_slice %arg3[%add3A_4] : memref<5120xi32, #tpu.memory_space<hbm>> -> memref<80xi32, #tpu.memory_space<hbm>>
      tpu.enqueue_dma source(%dma_start3A_111 : memref<80xi32, #tpu.memory_space<hbm>>) target(%arg11 : memref<80xi32, #tpu.memory_space<vmem>>) target_semaphore(%run_scoped3A_109 : memref<!tpu.dma_semaphore, #tpu.memory_space<semaphore_mem>>)
      %dma_wait3A_112 = tpu.memref_slice %arg3[%add3A_4] : memref<5120xi32, #tpu.memory_space<hbm>> -> memref<80xi32, #tpu.memory_space<hbm>>
      %dma_wait3A_113 = tpu.memref_slice %arg3[%add3A_4] : memref<5120xi32, #tpu.memory_space<hbm>> -> memref<80xi32, #tpu.memory_space<hbm>>
      tpu.wait_dma2 semaphore(%run_scoped3A_109 : memref<!tpu.dma_semaphore, #tpu.memory_space<semaphore_mem>>) src(%dma_wait3A_113 : memref<80xi32, #tpu.memory_space<hbm>>) dst(%arg11 : memref<80xi32, #tpu.memory_space<vmem>>)
      tpu.yield
    }) : () -> ()
    %dma_start3A = arith.constant 0 : i32
    %dma_start3A_5 = arith.constant 0 : i32
    %dma_start3A_6 = tpu.memref_slice %arg2[%dma_start3A, %dma_start3A_5] : memref<50000x128xf32, #tpu.memory_space<hbm>> -> memref<50000x128xf32, #tpu.memory_space<hbm>>
    tpu.enqueue_indirect_dma source(%dma_start3A_6 : memref<50000x128xf32, #tpu.memory_space<hbm>>) target(%arg13 : memref<80x128xf32, #tpu.memory_space<vmem>>) offsets(%arg11 : memref<80xi32, #tpu.memory_space<vmem>>) semaphore(%arg15 : memref<!tpu.dma_semaphore, #tpu.memory_space<semaphore_mem>>)
    %dma_wait3A = arith.constant 0 : i32
    %dma_wait3A_7 = arith.constant 0 : i32
    %dma_wait3A_8 = tpu.memref_slice %arg2[%dma_wait3A, %dma_wait3A_7] : memref<50000x128xf32, #tpu.memory_space<hbm>> -> memref<50000x128xf32, #tpu.memory_space<hbm>>
    tpu.wait_indirect_dma semaphore(%arg15 : memref<!tpu.dma_semaphore, #tpu.memory_space<semaphore_mem>>) src(%dma_wait3A_8 : memref<50000x128xf32, #tpu.memory_space<hbm>>) dst(%arg13 : memref<80x128xf32, #tpu.memory_space<vmem>>)
    "tpu.region"() ({
      %run_scoped3A_109 = tpu.sem_alloc : memref<!tpu.dma_semaphore, #tpu.memory_space<semaphore_mem>>
      %dma_start3A_110 = arith.constant 0 : i32
      %dma_start3A_111 = tpu.memref_slice %arg7[%add3A_4, %dma_start3A_110] : memref<5120x128xf32, #tpu.memory_space<hbm>> -> memref<80x128xf32, #tpu.memory_space<hbm>>
      %dma_start3A_112 = arith.constant 0 : i32
      %dma_start3A_113 = tpu.memref_slice %arg7[%add3A_4, %dma_start3A_112] : memref<5120x128xf32, #tpu.memory_space<hbm>> -> memref<80x128xf32, #tpu.memory_space<hbm>>
      tpu.enqueue_dma source(%arg13 : memref<80x128xf32, #tpu.memory_space<vmem>>) target(%dma_start3A_113 : memref<80x128xf32, #tpu.memory_space<hbm>>) target_semaphore(%run_scoped3A_109 : memref<!tpu.dma_semaphore, #tpu.memory_space<semaphore_mem>>)
      %dma_wait3A_114 = arith.constant 0 : i32
      %dma_wait3A_115 = tpu.memref_slice %arg7[%add3A_4, %dma_wait3A_114] : memref<5120x128xf32, #tpu.memory_space<hbm>> -> memref<80x128xf32, #tpu.memory_space<hbm>>
      %dma_wait3A_116 = arith.constant 0 : i32
      %dma_wait3A_117 = tpu.memref_slice %arg7[%add3A_4, %dma_wait3A_116] : memref<5120x128xf32, #tpu.memory_space<hbm>> -> memref<80x128xf32, #tpu.memory_space<hbm>>
      tpu.wait_dma2 semaphore(%run_scoped3A_109 : memref<!tpu.dma_semaphore, #tpu.memory_space<semaphore_mem>>) src(%arg13 : memref<80x128xf32, #tpu.memory_space<vmem>>) dst(%dma_wait3A_117 : memref<80x128xf32, #tpu.memory_space<hbm>>)
      tpu.yield
    }) : () -> ()
    "tpu.region"() ({
      %run_scoped3A_109 = tpu.sem_alloc : memref<!tpu.dma_semaphore, #tpu.memory_space<semaphore_mem>>
      %dma_start3A_110 = tpu.memref_slice %arg4[%add3A_4] : memref<5120xi32, #tpu.memory_space<hbm>> -> memref<80xi32, #tpu.memory_space<hbm>>
      %dma_start3A_111 = tpu.memref_slice %arg4[%add3A_4] : memref<5120xi32, #tpu.memory_space<hbm>> -> memref<80xi32, #tpu.memory_space<hbm>>
      tpu.enqueue_dma source(%dma_start3A_111 : memref<80xi32, #tpu.memory_space<hbm>>) target(%arg11 : memref<80xi32, #tpu.memory_space<vmem>>) target_semaphore(%run_scoped3A_109 : memref<!tpu.dma_semaphore, #tpu.memory_space<semaphore_mem>>)
      %dma_wait3A_112 = tpu.memref_slice %arg4[%add3A_4] : memref<5120xi32, #tpu.memory_space<hbm>> -> memref<80xi32, #tpu.memory_space<hbm>>
      %dma_wait3A_113 = tpu.memref_slice %arg4[%add3A_4] : memref<5120xi32, #tpu.memory_space<hbm>> -> memref<80xi32, #tpu.memory_space<hbm>>
      tpu.wait_dma2 semaphore(%run_scoped3A_109 : memref<!tpu.dma_semaphore, #tpu.memory_space<semaphore_mem>>) src(%dma_wait3A_113 : memref<80xi32, #tpu.memory_space<hbm>>) dst(%arg11 : memref<80xi32, #tpu.memory_space<vmem>>)
      tpu.yield
    }) : () -> ()
    %dma_start3A_9 = arith.constant 0 : i32
    %dma_start3A_10 = arith.constant 0 : i32
    %dma_start3A_11 = tpu.memref_slice %arg2[%dma_start3A_9, %dma_start3A_10] : memref<50000x128xf32, #tpu.memory_space<hbm>> -> memref<50000x128xf32, #tpu.memory_space<hbm>>
    tpu.enqueue_indirect_dma source(%dma_start3A_11 : memref<50000x128xf32, #tpu.memory_space<hbm>>) target(%arg13 : memref<80x128xf32, #tpu.memory_space<vmem>>) offsets(%arg11 : memref<80xi32, #tpu.memory_space<vmem>>) semaphore(%arg15 : memref<!tpu.dma_semaphore, #tpu.memory_space<semaphore_mem>>)
    %dma_wait3A_12 = arith.constant 0 : i32
    %dma_wait3A_13 = arith.constant 0 : i32
    %dma_wait3A_14 = tpu.memref_slice %arg2[%dma_wait3A_12, %dma_wait3A_13] : memref<50000x128xf32, #tpu.memory_space<hbm>> -> memref<50000x128xf32, #tpu.memory_space<hbm>>
    tpu.wait_indirect_dma semaphore(%arg15 : memref<!tpu.dma_semaphore, #tpu.memory_space<semaphore_mem>>) src(%dma_wait3A_14 : memref<50000x128xf32, #tpu.memory_space<hbm>>) dst(%arg13 : memref<80x128xf32, #tpu.memory_space<vmem>>)
    "tpu.region"() ({
      %run_scoped3A_109 = tpu.sem_alloc : memref<!tpu.dma_semaphore, #tpu.memory_space<semaphore_mem>>
      %dma_start3A_110 = arith.constant 0 : i32
      %dma_start3A_111 = tpu.memref_slice %arg8[%add3A_4, %dma_start3A_110] : memref<5120x128xf32, #tpu.memory_space<hbm>> -> memref<80x128xf32, #tpu.memory_space<hbm>>
      %dma_start3A_112 = arith.constant 0 : i32
      %dma_start3A_113 = tpu.memref_slice %arg8[%add3A_4, %dma_start3A_112] : memref<5120x128xf32, #tpu.memory_space<hbm>> -> memref<80x128xf32, #tpu.memory_space<hbm>>
      tpu.enqueue_dma source(%arg13 : memref<80x128xf32, #tpu.memory_space<vmem>>) target(%dma_start3A_113 : memref<80x128xf32, #tpu.memory_space<hbm>>) target_semaphore(%run_scoped3A_109 : memref<!tpu.dma_semaphore, #tpu.memory_space<semaphore_mem>>)
      %dma_wait3A_114 = arith.constant 0 : i32
      %dma_wait3A_115 = tpu.memref_slice %arg8[%add3A_4, %dma_wait3A_114] : memref<5120x128xf32, #tpu.memory_space<hbm>> -> memref<80x128xf32, #tpu.memory_space<hbm>>
      %dma_wait3A_116 = arith.constant 0 : i32
      %dma_wait3A_117 = tpu.memref_slice %arg8[%add3A_4, %dma_wait3A_116] : memref<5120x128xf32, #tpu.memory_space<hbm>> -> memref<80x128xf32, #tpu.memory_space<hbm>>
      tpu.wait_dma2 semaphore(%run_scoped3A_109 : memref<!tpu.dma_semaphore, #tpu.memory_space<semaphore_mem>>) src(%arg13 : memref<80x128xf32, #tpu.memory_space<vmem>>) dst(%dma_wait3A_117 : memref<80x128xf32, #tpu.memory_space<hbm>>)
      tpu.yield
    }) : () -> ()
    %scan3A = arith.constant 0 : i32
    %scan3A_15 = arith.constant 0 : i32
    %scan3A_16 = arith.constant 5 : i32
    %scan3A_17 = arith.addi %scan3A_15, %scan3A_16 : i32
    %scan3A_18 = arith.constant 1 : i32
    scf.for %scan3A_109 = %scan3A_15 to %scan3A_17 step %scan3A_18  : i32 {
      %mul3A_110 = arith.constant 16 : i32
      %mul3A_111 = arith.muli %scan3A_109, %mul3A_110 : i32
      %get3A = arith.index_cast %mul3A_111 : i32 to index
      %get3A_112 = tpu.vector_load %arg11[%get3A] {strides = array<i32>} : memref<80xi32, #tpu.memory_space<vmem>>, vector<16xi32>,
      %get3A_113 = vector.shape_cast %get3A_112 : vector<16xi32> to vector<16xi32>
      %add3A_114 = arith.constant 0 : i32
      %add3A_115 = vector.broadcast %add3A_114 : i32 to vector<16xi32>
      %add3A_116 = arith.addi %get3A_113, %add3A_115 : vector<16xi32>
      %mul3A_117 = arith.constant 16 : i32
      %mul3A_118 = arith.muli %scan3A_109, %mul3A_117 : i32
      %swap3A = arith.index_cast %mul3A_118 : i32 to index
      %swap3A_119 = tpu.vector_load %arg12[%swap3A] {strides = array<i32>} : memref<80xi32, #tpu.memory_space<vmem>>, vector<16xi32>,
      %swap3A_120 = vector.shape_cast %swap3A_119 : vector<16xi32> to vector<16xi32>
      %swap3A_121 = vector.shape_cast %add3A_116 : vector<16xi32> to vector<16xi32>
      tpu.vector_store %arg12[%swap3A], %swap3A_121 {strides = array<i32>} : memref<80xi32, #tpu.memory_space<vmem>>, vector<16xi32>,
    }
    %scan3A_19 = arith.constant 5 : i32
    %dma_start3A_20 = arith.constant 0 : i32
    %dma_start3A_21 = arith.constant 0 : i32
    %dma_start3A_22 = tpu.memref_slice %arg5[%dma_start3A_20, %dma_start3A_21] : memref<100096x64xbf16, #tpu.memory_space<hbm>> -> memref<100096x64xbf16, #tpu.memory_space<hbm>>
    tpu.enqueue_indirect_dma source(%dma_start3A_22 : memref<100096x64xbf16, #tpu.memory_space<hbm>>) target(%arg14 : memref<80x64xbf16, #tpu.memory_space<vmem>>) offsets(%arg12 : memref<80xi32, #tpu.memory_space<vmem>>) semaphore(%arg15 : memref<!tpu.dma_semaphore, #tpu.memory_space<semaphore_mem>>)
    %dma_wait3A_23 = arith.constant 0 : i32
    %dma_wait3A_24 = arith.constant 0 : i32
    %dma_wait3A_25 = tpu.memref_slice %arg5[%dma_wait3A_23, %dma_wait3A_24] : memref<100096x64xbf16, #tpu.memory_space<hbm>> -> memref<100096x64xbf16, #tpu.memory_space<hbm>>
    tpu.wait_indirect_dma semaphore(%arg15 : memref<!tpu.dma_semaphore, #tpu.memory_space<semaphore_mem>>) src(%dma_wait3A_25 : memref<100096x64xbf16, #tpu.memory_space<hbm>>) dst(%arg14 : memref<80x64xbf16, #tpu.memory_space<vmem>>)
    %run_scoped3A = arith.constant 0 : i32
    "tpu.region"() ({
      %run_scoped3A_109 = tpu.sem_alloc : memref<!tpu.dma_semaphore, #tpu.memory_space<semaphore_mem>>
      %dma_start3A_110 = arith.constant 0 : i32
      %dma_start3A_111 = tpu.memref_slice %arg9[%run_scoped3A, %add3A_4, %dma_start3A_110] : memref<2x5120x64xbf16, #tpu.memory_space<hbm>> -> memref<1x80x64xbf16, #tpu.memory_space<hbm>>
      %dma_start3A_112 = tpu.memref_squeeze %dma_start3A_111 : memref<1x80x64xbf16, #tpu.memory_space<hbm>> -> memref<80x64xbf16, #tpu.memory_space<hbm>>
      %dma_start3A_113 = arith.constant 0 : i32
      %dma_start3A_114 = tpu.memref_slice %arg9[%run_scoped3A, %add3A_4, %dma_start3A_113] : memref<2x5120x64xbf16, #tpu.memory_space<hbm>> -> memref<1x80x64xbf16, #tpu.memory_space<hbm>>
      %dma_start3A_115 = tpu.memref_squeeze %dma_start3A_114 : memref<1x80x64xbf16, #tpu.memory_space<hbm>> -> memref<80x64xbf16, #tpu.memory_space<hbm>>
      tpu.enqueue_dma source(%arg14 : memref<80x64xbf16, #tpu.memory_space<vmem>>) target(%dma_start3A_115 : memref<80x64xbf16, #tpu.memory_space<hbm>>) target_semaphore(%run_scoped3A_109 : memref<!tpu.dma_semaphore, #tpu.memory_space<semaphore_mem>>)
      %dma_wait3A_116 = arith.constant 0 : i32
      %dma_wait3A_117 = tpu.memref_slice %arg9[%run_scoped3A, %add3A_4, %dma_wait3A_116] : memref<2x5120x64xbf16, #tpu.memory_space<hbm>> -> memref<1x80x64xbf16, #tpu.memory_space<hbm>>
      %dma_wait3A_118 = tpu.memref_squeeze %dma_wait3A_117 : memref<1x80x64xbf16, #tpu.memory_space<hbm>> -> memref<80x64xbf16, #tpu.memory_space<hbm>>
      %dma_wait3A_119 = arith.constant 0 : i32
      %dma_wait3A_120 = tpu.memref_slice %arg9[%run_scoped3A, %add3A_4, %dma_wait3A_119] : memref<2x5120x64xbf16, #tpu.memory_space<hbm>> -> memref<1x80x64xbf16, #tpu.memory_space<hbm>>
      %dma_wait3A_121 = tpu.memref_squeeze %dma_wait3A_120 : memref<1x80x64xbf16, #tpu.memory_space<hbm>> -> memref<80x64xbf16, #tpu.memory_space<hbm>>
      tpu.wait_dma2 semaphore(%run_scoped3A_109 : memref<!tpu.dma_semaphore, #tpu.memory_space<semaphore_mem>>) src(%arg14 : memref<80x64xbf16, #tpu.memory_space<vmem>>) dst(%dma_wait3A_121 : memref<80x64xbf16, #tpu.memory_space<hbm>>)
      tpu.yield
    }) : () -> ()
    %dma_start3A_26 = arith.constant 0 : i32
    %dma_start3A_27 = arith.constant 0 : i32
    %dma_start3A_28 = tpu.memref_slice %arg6[%dma_start3A_26, %dma_start3A_27] : memref<100096x64xbf16, #tpu.memory_space<hbm>> -> memref<100096x64xbf16, #tpu.memory_space<hbm>>
    tpu.enqueue_indirect_dma source(%dma_start3A_28 : memref<100096x64xbf16, #tpu.memory_space<hbm>>) target(%arg14 : memref<80x64xbf16, #tpu.memory_space<vmem>>) offsets(%arg12 : memref<80xi32, #tpu.memory_space<vmem>>) semaphore(%arg15 : memref<!tpu.dma_semaphore, #tpu.memory_space<semaphore_mem>>)
    %dma_wait3A_29 = arith.constant 0 : i32
    %dma_wait3A_30 = arith.constant 0 : i32
    %dma_wait3A_31 = tpu.memref_slice %arg6[%dma_wait3A_29, %dma_wait3A_30] : memref<100096x64xbf16, #tpu.memory_space<hbm>> -> memref<100096x64xbf16, #tpu.memory_space<hbm>>
    tpu.wait_indirect_dma semaphore(%arg15 : memref<!tpu.dma_semaphore, #tpu.memory_space<semaphore_mem>>) src(%dma_wait3A_31 : memref<100096x64xbf16, #tpu.memory_space<hbm>>) dst(%arg14 : memref<80x64xbf16, #tpu.memory_space<vmem>>)
    %run_scoped3A_32 = arith.constant 0 : i32
    "tpu.region"() ({
      %run_scoped3A_109 = tpu.sem_alloc : memref<!tpu.dma_semaphore, #tpu.memory_space<semaphore_mem>>
      %dma_start3A_110 = arith.constant 0 : i32
      %dma_start3A_111 = tpu.memref_slice %arg10[%run_scoped3A_32, %add3A_4, %dma_start3A_110] : memref<2x5120x64xbf16, #tpu.memory_space<hbm>> -> memref<1x80x64xbf16, #tpu.memory_space<hbm>>
      %dma_start3A_112 = tpu.memref_squeeze %dma_start3A_111 : memref<1x80x64xbf16, #tpu.memory_space<hbm>> -> memref<80x64xbf16, #tpu.memory_space<hbm>>
      %dma_start3A_113 = arith.constant 0 : i32
      %dma_start3A_114 = tpu.memref_slice %arg10[%run_scoped3A_32, %add3A_4, %dma_start3A_113] : memref<2x5120x64xbf16, #tpu.memory_space<hbm>> -> memref<1x80x64xbf16, #tpu.memory_space<hbm>>
      %dma_start3A_115 = tpu.memref_squeeze %dma_start3A_114 : memref<1x80x64xbf16, #tpu.memory_space<hbm>> -> memref<80x64xbf16, #tpu.memory_space<hbm>>
      tpu.enqueue_dma source(%arg14 : memref<80x64xbf16, #tpu.memory_space<vmem>>) target(%dma_start3A_115 : memref<80x64xbf16, #tpu.memory_space<hbm>>) target_semaphore(%run_scoped3A_109 : memref<!tpu.dma_semaphore, #tpu.memory_space<semaphore_mem>>)
      %dma_wait3A_116 = arith.constant 0 : i32
      %dma_wait3A_117 = tpu.memref_slice %arg10[%run_scoped3A_32, %add3A_4, %dma_wait3A_116] : memref<2x5120x64xbf16, #tpu.memory_space<hbm>> -> memref<1x80x64xbf16, #tpu.memory_space<hbm>>
      %dma_wait3A_118 = tpu.memref_squeeze %dma_wait3A_117 : memref<1x80x64xbf16, #tpu.memory_space<hbm>> -> memref<80x64xbf16, #tpu.memory_space<hbm>>
      %dma_wait3A_119 = arith.constant 0 : i32
      %dma_wait3A_120 = tpu.memref_slice %arg10[%run_scoped3A_32, %add3A_4, %dma_wait3A_119] : memref<2x5120x64xbf16, #tpu.memory_space<hbm>> -> memref<1x80x64xbf16, #tpu.memory_space<hbm>>
      %dma_wait3A_121 = tpu.memref_squeeze %dma_wait3A_120 : memref<1x80x64xbf16, #tpu.memory_space<hbm>> -> memref<80x64xbf16, #tpu.memory_space<hbm>>
      tpu.wait_dma2 semaphore(%run_scoped3A_109 : memref<!tpu.dma_semaphore, #tpu.memory_space<semaphore_mem>>) src(%arg14 : memref<80x64xbf16, #tpu.memory_space<vmem>>) dst(%dma_wait3A_121 : memref<80x64xbf16, #tpu.memory_space<hbm>>)
      tpu.yield
    }) : () -> ()
    %scan3A_33 = arith.constant 0 : i32
    %scan3A_34 = arith.constant 0 : i32
    %scan3A_35 = arith.constant 5 : i32
    %scan3A_36 = arith.addi %scan3A_34, %scan3A_35 : i32
    %scan3A_37 = arith.constant 1 : i32
    scf.for %scan3A_109 = %scan3A_34 to %scan3A_36 step %scan3A_37  : i32 {
      %mul3A_110 = arith.constant 16 : i32
      %mul3A_111 = arith.muli %scan3A_109, %mul3A_110 : i32
      %get3A = arith.index_cast %mul3A_111 : i32 to index
      %get3A_112 = tpu.vector_load %arg11[%get3A] {strides = array<i32>} : memref<80xi32, #tpu.memory_space<vmem>>, vector<16xi32>,
      %get3A_113 = vector.shape_cast %get3A_112 : vector<16xi32> to vector<16xi32>
      %add3A_114 = arith.constant 50048 : i32
      %add3A_115 = vector.broadcast %add3A_114 : i32 to vector<16xi32>
      %add3A_116 = arith.addi %get3A_113, %add3A_115 : vector<16xi32>
      %mul3A_117 = arith.constant 16 : i32
      %mul3A_118 = arith.muli %scan3A_109, %mul3A_117 : i32
      %swap3A = arith.index_cast %mul3A_118 : i32 to index
      %swap3A_119 = tpu.vector_load %arg12[%swap3A] {strides = array<i32>} : memref<80xi32, #tpu.memory_space<vmem>>, vector<16xi32>,
      %swap3A_120 = vector.shape_cast %swap3A_119 : vector<16xi32> to vector<16xi32>
      %swap3A_121 = vector.shape_cast %add3A_116 : vector<16xi32> to vector<16xi32>
      tpu.vector_store %arg12[%swap3A], %swap3A_121 {strides = array<i32>} : memref<80xi32, #tpu.memory_space<vmem>>, vector<16xi32>,
    }
    %scan3A_38 = arith.constant 5 : i32
    %dma_start3A_39 = arith.constant 0 : i32
    %dma_start3A_40 = arith.constant 0 : i32
    %dma_start3A_41 = tpu.memref_slice %arg5[%dma_start3A_39, %dma_start3A_40] : memref<100096x64xbf16, #tpu.memory_space<hbm>> -> memref<100096x64xbf16, #tpu.memory_space<hbm>>
    tpu.enqueue_indirect_dma source(%dma_start3A_41 : memref<100096x64xbf16, #tpu.memory_space<hbm>>) target(%arg14 : memref<80x64xbf16, #tpu.memory_space<vmem>>) offsets(%arg12 : memref<80xi32, #tpu.memory_space<vmem>>) semaphore(%arg15 : memref<!tpu.dma_semaphore, #tpu.memory_space<semaphore_mem>>)
    %dma_wait3A_42 = arith.constant 0 : i32
    %dma_wait3A_43 = arith.constant 0 : i32
    %dma_wait3A_44 = tpu.memref_slice %arg5[%dma_wait3A_42, %dma_wait3A_43] : memref<100096x64xbf16, #tpu.memory_space<hbm>> -> memref<100096x64xbf16, #tpu.memory_space<hbm>>
    tpu.wait_indirect_dma semaphore(%arg15 : memref<!tpu.dma_semaphore, #tpu.memory_space<semaphore_mem>>) src(%dma_wait3A_44 : memref<100096x64xbf16, #tpu.memory_space<hbm>>) dst(%arg14 : memref<80x64xbf16, #tpu.memory_space<vmem>>)
    %run_scoped3A_45 = arith.constant 1 : i32
    "tpu.region"() ({
      %run_scoped3A_109 = tpu.sem_alloc : memref<!tpu.dma_semaphore, #tpu.memory_space<semaphore_mem>>
      %dma_start3A_110 = arith.constant 0 : i32
      %dma_start3A_111 = tpu.memref_slice %arg9[%run_scoped3A_45, %add3A_4, %dma_start3A_110] : memref<2x5120x64xbf16, #tpu.memory_space<hbm>> -> memref<1x80x64xbf16, #tpu.memory_space<hbm>>
      %dma_start3A_112 = tpu.memref_squeeze %dma_start3A_111 : memref<1x80x64xbf16, #tpu.memory_space<hbm>> -> memref<80x64xbf16, #tpu.memory_space<hbm>>
      %dma_start3A_113 = arith.constant 0 : i32
      %dma_start3A_114 = tpu.memref_slice %arg9[%run_scoped3A_45, %add3A_4, %dma_start3A_113] : memref<2x5120x64xbf16, #tpu.memory_space<hbm>> -> memref<1x80x64xbf16, #tpu.memory_space<hbm>>
      %dma_start3A_115 = tpu.memref_squeeze %dma_start3A_114 : memref<1x80x64xbf16, #tpu.memory_space<hbm>> -> memref<80x64xbf16, #tpu.memory_space<hbm>>
      tpu.enqueue_dma source(%arg14 : memref<80x64xbf16, #tpu.memory_space<vmem>>) target(%dma_start3A_115 : memref<80x64xbf16, #tpu.memory_space<hbm>>) target_semaphore(%run_scoped3A_109 : memref<!tpu.dma_semaphore, #tpu.memory_space<semaphore_mem>>)
      %dma_wait3A_116 = arith.constant 0 : i32
      %dma_wait3A_117 = tpu.memref_slice %arg9[%run_scoped3A_45, %add3A_4, %dma_wait3A_116] : memref<2x5120x64xbf16, #tpu.memory_space<hbm>> -> memref<1x80x64xbf16, #tpu.memory_space<hbm>>
      %dma_wait3A_118 = tpu.memref_squeeze %dma_wait3A_117 : memref<1x80x64xbf16, #tpu.memory_space<hbm>> -> memref<80x64xbf16, #tpu.memory_space<hbm>>
      %dma_wait3A_119 = arith.constant 0 : i32
      %dma_wait3A_120 = tpu.memref_slice %arg9[%run_scoped3A_45, %add3A_4, %dma_wait3A_119] : memref<2x5120x64xbf16, #tpu.memory_space<hbm>> -> memref<1x80x64xbf16, #tpu.memory_space<hbm>>
      %dma_wait3A_121 = tpu.memref_squeeze %dma_wait3A_120 : memref<1x80x64xbf16, #tpu.memory_space<hbm>> -> memref<80x64xbf16, #tpu.memory_space<hbm>>
      tpu.wait_dma2 semaphore(%run_scoped3A_109 : memref<!tpu.dma_semaphore, #tpu.memory_space<semaphore_mem>>) src(%arg14 : memref<80x64xbf16, #tpu.memory_space<vmem>>) dst(%dma_wait3A_121 : memref<80x64xbf16, #tpu.memory_space<hbm>>)
      tpu.yield
    }) : () -> ()
    %dma_start3A_46 = arith.constant 0 : i32
    %dma_start3A_47 = arith.constant 0 : i32
    %dma_start3A_48 = tpu.memref_slice %arg6[%dma_start3A_46, %dma_start3A_47] : memref<100096x64xbf16, #tpu.memory_space<hbm>> -> memref<100096x64xbf16, #tpu.memory_space<hbm>>
    tpu.enqueue_indirect_dma source(%dma_start3A_48 : memref<100096x64xbf16, #tpu.memory_space<hbm>>) target(%arg14 : memref<80x64xbf16, #tpu.memory_space<vmem>>) offsets(%arg12 : memref<80xi32, #tpu.memory_space<vmem>>) semaphore(%arg15 : memref<!tpu.dma_semaphore, #tpu.memory_space<semaphore_mem>>)
    %dma_wait3A_49 = arith.constant 0 : i32
    %dma_wait3A_50 = arith.constant 0 : i32
    %dma_wait3A_51 = tpu.memref_slice %arg6[%dma_wait3A_49, %dma_wait3A_50] : memref<100096x64xbf16, #tpu.memory_space<hbm>> -> memref<100096x64xbf16, #tpu.memory_space<hbm>>
    tpu.wait_indirect_dma semaphore(%arg15 : memref<!tpu.dma_semaphore, #tpu.memory_space<semaphore_mem>>) src(%dma_wait3A_51 : memref<100096x64xbf16, #tpu.memory_space<hbm>>) dst(%arg14 : memref<80x64xbf16, #tpu.memory_space<vmem>>)
    %run_scoped3A_52 = arith.constant 1 : i32
    "tpu.region"() ({
      %run_scoped3A_109 = tpu.sem_alloc : memref<!tpu.dma_semaphore, #tpu.memory_space<semaphore_mem>>
      %dma_start3A_110 = arith.constant 0 : i32
      %dma_start3A_111 = tpu.memref_slice %arg10[%run_scoped3A_52, %add3A_4, %dma_start3A_110] : memref<2x5120x64xbf16, #tpu.memory_space<hbm>> -> memref<1x80x64xbf16, #tpu.memory_space<hbm>>
      %dma_start3A_112 = tpu.memref_squeeze %dma_start3A_111 : memref<1x80x64xbf16, #tpu.memory_space<hbm>> -> memref<80x64xbf16, #tpu.memory_space<hbm>>
      %dma_start3A_113 = arith.constant 0 : i32
      %dma_start3A_114 = tpu.memref_slice %arg10[%run_scoped3A_52, %add3A_4, %dma_start3A_113] : memref<2x5120x64xbf16, #tpu.memory_space<hbm>> -> memref<1x80x64xbf16, #tpu.memory_space<hbm>>
      %dma_start3A_115 = tpu.memref_squeeze %dma_start3A_114 : memref<1x80x64xbf16, #tpu.memory_space<hbm>> -> memref<80x64xbf16, #tpu.memory_space<hbm>>
      tpu.enqueue_dma source(%arg14 : memref<80x64xbf16, #tpu.memory_space<vmem>>) target(%dma_start3A_115 : memref<80x64xbf16, #tpu.memory_space<hbm>>) target_semaphore(%run_scoped3A_109 : memref<!tpu.dma_semaphore, #tpu.memory_space<semaphore_mem>>)
      %dma_wait3A_116 = arith.constant 0 : i32
      %dma_wait3A_117 = tpu.memref_slice %arg10[%run_scoped3A_52, %add3A_4, %dma_wait3A_116] : memref<2x5120x64xbf16, #tpu.memory_space<hbm>> -> memref<1x80x64xbf16, #tpu.memory_space<hbm>>
      %dma_wait3A_118 = tpu.memref_squeeze %dma_wait3A_117 : memref<1x80x64xbf16, #tpu.memory_space<hbm>> -> memref<80x64xbf16, #tpu.memory_space<hbm>>
      %dma_wait3A_119 = arith.constant 0 : i32
      %dma_wait3A_120 = tpu.memref_slice %arg10[%run_scoped3A_52, %add3A_4, %dma_wait3A_119] : memref<2x5120x64xbf16, #tpu.memory_space<hbm>> -> memref<1x80x64xbf16, #tpu.memory_space<hbm>>
      %dma_wait3A_121 = tpu.memref_squeeze %dma_wait3A_120 : memref<1x80x64xbf16, #tpu.memory_space<hbm>> -> memref<80x64xbf16, #tpu.memory_space<hbm>>
      tpu.wait_dma2 semaphore(%run_scoped3A_109 : memref<!tpu.dma_semaphore, #tpu.memory_space<semaphore_mem>>) src(%arg14 : memref<80x64xbf16, #tpu.memory_space<vmem>>) dst(%dma_wait3A_121 : memref<80x64xbf16, #tpu.memory_space<hbm>>)
      tpu.yield
    }) : () -> ()
    %mul3A_53 = arith.constant 160 : i32
    %mul3A_54 = arith.muli %add3A, %mul3A_53 : i32
    %add3A_55 = arith.constant 80 : i32
    %add3A_56 = arith.addi %mul3A_54, %add3A_55 : i32
    "tpu.region"() ({
      %run_scoped3A_109 = tpu.sem_alloc : memref<!tpu.dma_semaphore, #tpu.memory_space<semaphore_mem>>
      %dma_start3A_110 = tpu.memref_slice %arg3[%add3A_56] : memref<5120xi32, #tpu.memory_space<hbm>> -> memref<80xi32, #tpu.memory_space<hbm>>
      %dma_start3A_111 = tpu.memref_slice %arg3[%add3A_56] : memref<5120xi32, #tpu.memory_space<hbm>> -> memref<80xi32, #tpu.memory_space<hbm>>
      tpu.enqueue_dma source(%dma_start3A_111 : memref<80xi32, #tpu.memory_space<hbm>>) target(%arg11 : memref<80xi32, #tpu.memory_space<vmem>>) target_semaphore(%run_scoped3A_109 : memref<!tpu.dma_semaphore, #tpu.memory_space<semaphore_mem>>)
      %dma_wait3A_112 = tpu.memref_slice %arg3[%add3A_56] : memref<5120xi32, #tpu.memory_space<hbm>> -> memref<80xi32, #tpu.memory_space<hbm>>
      %dma_wait3A_113 = tpu.memref_slice %arg3[%add3A_56] : memref<5120xi32, #tpu.memory_space<hbm>> -> memref<80xi32, #tpu.memory_space<hbm>>
      tpu.wait_dma2 semaphore(%run_scoped3A_109 : memref<!tpu.dma_semaphore, #tpu.memory_space<semaphore_mem>>) src(%dma_wait3A_113 : memref<80xi32, #tpu.memory_space<hbm>>) dst(%arg11 : memref<80xi32, #tpu.memory_space<vmem>>)
      tpu.yield
    }) : () -> ()
    %dma_start3A_57 = arith.constant 0 : i32
    %dma_start3A_58 = arith.constant 0 : i32
    %dma_start3A_59 = tpu.memref_slice %arg2[%dma_start3A_57, %dma_start3A_58] : memref<50000x128xf32, #tpu.memory_space<hbm>> -> memref<50000x128xf32, #tpu.memory_space<hbm>>
    tpu.enqueue_indirect_dma source(%dma_start3A_59 : memref<50000x128xf32, #tpu.memory_space<hbm>>) target(%arg13 : memref<80x128xf32, #tpu.memory_space<vmem>>) offsets(%arg11 : memref<80xi32, #tpu.memory_space<vmem>>) semaphore(%arg15 : memref<!tpu.dma_semaphore, #tpu.memory_space<semaphore_mem>>)
    %dma_wait3A_60 = arith.constant 0 : i32
    %dma_wait3A_61 = arith.constant 0 : i32
    %dma_wait3A_62 = tpu.memref_slice %arg2[%dma_wait3A_60, %dma_wait3A_61] : memref<50000x128xf32, #tpu.memory_space<hbm>> -> memref<50000x128xf32, #tpu.memory_space<hbm>>
    tpu.wait_indirect_dma semaphore(%arg15 : memref<!tpu.dma_semaphore, #tpu.memory_space<semaphore_mem>>) src(%dma_wait3A_62 : memref<50000x128xf32, #tpu.memory_space<hbm>>) dst(%arg13 : memref<80x128xf32, #tpu.memory_space<vmem>>)
    "tpu.region"() ({
      %run_scoped3A_109 = tpu.sem_alloc : memref<!tpu.dma_semaphore, #tpu.memory_space<semaphore_mem>>
      %dma_start3A_110 = arith.constant 0 : i32
      %dma_start3A_111 = tpu.memref_slice %arg7[%add3A_56, %dma_start3A_110] : memref<5120x128xf32, #tpu.memory_space<hbm>> -> memref<80x128xf32, #tpu.memory_space<hbm>>
      %dma_start3A_112 = arith.constant 0 : i32
      %dma_start3A_113 = tpu.memref_slice %arg7[%add3A_56, %dma_start3A_112] : memref<5120x128xf32, #tpu.memory_space<hbm>> -> memref<80x128xf32, #tpu.memory_space<hbm>>
      tpu.enqueue_dma source(%arg13 : memref<80x128xf32, #tpu.memory_space<vmem>>) target(%dma_start3A_113 : memref<80x128xf32, #tpu.memory_space<hbm>>) target_semaphore(%run_scoped3A_109 : memref<!tpu.dma_semaphore, #tpu.memory_space<semaphore_mem>>)
      %dma_wait3A_114 = arith.constant 0 : i32
      %dma_wait3A_115 = tpu.memref_slice %arg7[%add3A_56, %dma_wait3A_114] : memref<5120x128xf32, #tpu.memory_space<hbm>> -> memref<80x128xf32, #tpu.memory_space<hbm>>
      %dma_wait3A_116 = arith.constant 0 : i32
      %dma_wait3A_117 = tpu.memref_slice %arg7[%add3A_56, %dma_wait3A_116] : memref<5120x128xf32, #tpu.memory_space<hbm>> -> memref<80x128xf32, #tpu.memory_space<hbm>>
      tpu.wait_dma2 semaphore(%run_scoped3A_109 : memref<!tpu.dma_semaphore, #tpu.memory_space<semaphore_mem>>) src(%arg13 : memref<80x128xf32, #tpu.memory_space<vmem>>) dst(%dma_wait3A_117 : memref<80x128xf32, #tpu.memory_space<hbm>>)
      tpu.yield
    }) : () -> ()
    "tpu.region"() ({
      %run_scoped3A_109 = tpu.sem_alloc : memref<!tpu.dma_semaphore, #tpu.memory_space<semaphore_mem>>
      %dma_start3A_110 = tpu.memref_slice %arg4[%add3A_56] : memref<5120xi32, #tpu.memory_space<hbm>> -> memref<80xi32, #tpu.memory_space<hbm>>
      %dma_start3A_111 = tpu.memref_slice %arg4[%add3A_56] : memref<5120xi32, #tpu.memory_space<hbm>> -> memref<80xi32, #tpu.memory_space<hbm>>
      tpu.enqueue_dma source(%dma_start3A_111 : memref<80xi32, #tpu.memory_space<hbm>>) target(%arg11 : memref<80xi32, #tpu.memory_space<vmem>>) target_semaphore(%run_scoped3A_109 : memref<!tpu.dma_semaphore, #tpu.memory_space<semaphore_mem>>)
      %dma_wait3A_112 = tpu.memref_slice %arg4[%add3A_56] : memref<5120xi32, #tpu.memory_space<hbm>> -> memref<80xi32, #tpu.memory_space<hbm>>
      %dma_wait3A_113 = tpu.memref_slice %arg4[%add3A_56] : memref<5120xi32, #tpu.memory_space<hbm>> -> memref<80xi32, #tpu.memory_space<hbm>>
      tpu.wait_dma2 semaphore(%run_scoped3A_109 : memref<!tpu.dma_semaphore, #tpu.memory_space<semaphore_mem>>) src(%dma_wait3A_113 : memref<80xi32, #tpu.memory_space<hbm>>) dst(%arg11 : memref<80xi32, #tpu.memory_space<vmem>>)
      tpu.yield
    }) : () -> ()
    %dma_start3A_63 = arith.constant 0 : i32
    %dma_start3A_64 = arith.constant 0 : i32
    %dma_start3A_65 = tpu.memref_slice %arg2[%dma_start3A_63, %dma_start3A_64] : memref<50000x128xf32, #tpu.memory_space<hbm>> -> memref<50000x128xf32, #tpu.memory_space<hbm>>
    tpu.enqueue_indirect_dma source(%dma_start3A_65 : memref<50000x128xf32, #tpu.memory_space<hbm>>) target(%arg13 : memref<80x128xf32, #tpu.memory_space<vmem>>) offsets(%arg11 : memref<80xi32, #tpu.memory_space<vmem>>) semaphore(%arg15 : memref<!tpu.dma_semaphore, #tpu.memory_space<semaphore_mem>>)
    %dma_wait3A_66 = arith.constant 0 : i32
    %dma_wait3A_67 = arith.constant 0 : i32
    %dma_wait3A_68 = tpu.memref_slice %arg2[%dma_wait3A_66, %dma_wait3A_67] : memref<50000x128xf32, #tpu.memory_space<hbm>> -> memref<50000x128xf32, #tpu.memory_space<hbm>>
    tpu.wait_indirect_dma semaphore(%arg15 : memref<!tpu.dma_semaphore, #tpu.memory_space<semaphore_mem>>) src(%dma_wait3A_68 : memref<50000x128xf32, #tpu.memory_space<hbm>>) dst(%arg13 : memref<80x128xf32, #tpu.memory_space<vmem>>)
    "tpu.region"() ({
      %run_scoped3A_109 = tpu.sem_alloc : memref<!tpu.dma_semaphore, #tpu.memory_space<semaphore_mem>>
      %dma_start3A_110 = arith.constant 0 : i32
      %dma_start3A_111 = tpu.memref_slice %arg8[%add3A_56, %dma_start3A_110] : memref<5120x128xf32, #tpu.memory_space<hbm>> -> memref<80x128xf32, #tpu.memory_space<hbm>>
      %dma_start3A_112 = arith.constant 0 : i32
      %dma_start3A_113 = tpu.memref_slice %arg8[%add3A_56, %dma_start3A_112] : memref<5120x128xf32, #tpu.memory_space<hbm>> -> memref<80x128xf32, #tpu.memory_space<hbm>>
      tpu.enqueue_dma source(%arg13 : memref<80x128xf32, #tpu.memory_space<vmem>>) target(%dma_start3A_113 : memref<80x128xf32, #tpu.memory_space<hbm>>) target_semaphore(%run_scoped3A_109 : memref<!tpu.dma_semaphore, #tpu.memory_space<semaphore_mem>>)
      %dma_wait3A_114 = arith.constant 0 : i32
      %dma_wait3A_115 = tpu.memref_slice %arg8[%add3A_56, %dma_wait3A_114] : memref<5120x128xf32, #tpu.memory_space<hbm>> -> memref<80x128xf32, #tpu.memory_space<hbm>>
      %dma_wait3A_116 = arith.constant 0 : i32
      %dma_wait3A_117 = tpu.memref_slice %arg8[%add3A_56, %dma_wait3A_116] : memref<5120x128xf32, #tpu.memory_space<hbm>> -> memref<80x128xf32, #tpu.memory_space<hbm>>
      tpu.wait_dma2 semaphore(%run_scoped3A_109 : memref<!tpu.dma_semaphore, #tpu.memory_space<semaphore_mem>>) src(%arg13 : memref<80x128xf32, #tpu.memory_space<vmem>>) dst(%dma_wait3A_117 : memref<80x128xf32, #tpu.memory_space<hbm>>)
      tpu.yield
    }) : () -> ()
    %scan3A_69 = arith.constant 0 : i32
    %scan3A_70 = arith.constant 0 : i32
    %scan3A_71 = arith.constant 5 : i32
    %scan3A_72 = arith.addi %scan3A_70, %scan3A_71 : i32
    %scan3A_73 = arith.constant 1 : i32
    scf.for %scan3A_109 = %scan3A_70 to %scan3A_72 step %scan3A_73  : i32 {
      %mul3A_110 = arith.constant 16 : i32
      %mul3A_111 = arith.muli %scan3A_109, %mul3A_110 : i32
      %get3A = arith.index_cast %mul3A_111 : i32 to index
      %get3A_112 = tpu.vector_load %arg11[%get3A] {strides = array<i32>} : memref<80xi32, #tpu.memory_space<vmem>>, vector<16xi32>,
      %get3A_113 = vector.shape_cast %get3A_112 : vector<16xi32> to vector<16xi32>
      %add3A_114 = arith.constant 0 : i32
      %add3A_115 = vector.broadcast %add3A_114 : i32 to vector<16xi32>
      %add3A_116 = arith.addi %get3A_113, %add3A_115 : vector<16xi32>
      %mul3A_117 = arith.constant 16 : i32
      %mul3A_118 = arith.muli %scan3A_109, %mul3A_117 : i32
      %swap3A = arith.index_cast %mul3A_118 : i32 to index
      %swap3A_119 = tpu.vector_load %arg12[%swap3A] {strides = array<i32>} : memref<80xi32, #tpu.memory_space<vmem>>, vector<16xi32>,
      %swap3A_120 = vector.shape_cast %swap3A_119 : vector<16xi32> to vector<16xi32>
      %swap3A_121 = vector.shape_cast %add3A_116 : vector<16xi32> to vector<16xi32>
      tpu.vector_store %arg12[%swap3A], %swap3A_121 {strides = array<i32>} : memref<80xi32, #tpu.memory_space<vmem>>, vector<16xi32>,
    }
    %scan3A_74 = arith.constant 5 : i32
    %dma_start3A_75 = arith.constant 0 : i32
    %dma_start3A_76 = arith.constant 0 : i32
    %dma_start3A_77 = tpu.memref_slice %arg5[%dma_start3A_75, %dma_start3A_76] : memref<100096x64xbf16, #tpu.memory_space<hbm>> -> memref<100096x64xbf16, #tpu.memory_space<hbm>>
    tpu.enqueue_indirect_dma source(%dma_start3A_77 : memref<100096x64xbf16, #tpu.memory_space<hbm>>) target(%arg14 : memref<80x64xbf16, #tpu.memory_space<vmem>>) offsets(%arg12 : memref<80xi32, #tpu.memory_space<vmem>>) semaphore(%arg15 : memref<!tpu.dma_semaphore, #tpu.memory_space<semaphore_mem>>)
    %dma_wait3A_78 = arith.constant 0 : i32
    %dma_wait3A_79 = arith.constant 0 : i32
    %dma_wait3A_80 = tpu.memref_slice %arg5[%dma_wait3A_78, %dma_wait3A_79] : memref<100096x64xbf16, #tpu.memory_space<hbm>> -> memref<100096x64xbf16, #tpu.memory_space<hbm>>
    tpu.wait_indirect_dma semaphore(%arg15 : memref<!tpu.dma_semaphore, #tpu.memory_space<semaphore_mem>>) src(%dma_wait3A_80 : memref<100096x64xbf16, #tpu.memory_space<hbm>>) dst(%arg14 : memref<80x64xbf16, #tpu.memory_space<vmem>>)
    %run_scoped3A_81 = arith.constant 0 : i32
    "tpu.region"() ({
      %run_scoped3A_109 = tpu.sem_alloc : memref<!tpu.dma_semaphore, #tpu.memory_space<semaphore_mem>>
      %dma_start3A_110 = arith.constant 0 : i32
      %dma_start3A_111 = tpu.memref_slice %arg9[%run_scoped3A_81, %add3A_56, %dma_start3A_110] : memref<2x5120x64xbf16, #tpu.memory_space<hbm>> -> memref<1x80x64xbf16, #tpu.memory_space<hbm>>
      %dma_start3A_112 = tpu.memref_squeeze %dma_start3A_111 : memref<1x80x64xbf16, #tpu.memory_space<hbm>> -> memref<80x64xbf16, #tpu.memory_space<hbm>>
      %dma_start3A_113 = arith.constant 0 : i32
      %dma_start3A_114 = tpu.memref_slice %arg9[%run_scoped3A_81, %add3A_56, %dma_start3A_113] : memref<2x5120x64xbf16, #tpu.memory_space<hbm>> -> memref<1x80x64xbf16, #tpu.memory_space<hbm>>
      %dma_start3A_115 = tpu.memref_squeeze %dma_start3A_114 : memref<1x80x64xbf16, #tpu.memory_space<hbm>> -> memref<80x64xbf16, #tpu.memory_space<hbm>>
      tpu.enqueue_dma source(%arg14 : memref<80x64xbf16, #tpu.memory_space<vmem>>) target(%dma_start3A_115 : memref<80x64xbf16, #tpu.memory_space<hbm>>) target_semaphore(%run_scoped3A_109 : memref<!tpu.dma_semaphore, #tpu.memory_space<semaphore_mem>>)
      %dma_wait3A_116 = arith.constant 0 : i32
      %dma_wait3A_117 = tpu.memref_slice %arg9[%run_scoped3A_81, %add3A_56, %dma_wait3A_116] : memref<2x5120x64xbf16, #tpu.memory_space<hbm>> -> memref<1x80x64xbf16, #tpu.memory_space<hbm>>
      %dma_wait3A_118 = tpu.memref_squeeze %dma_wait3A_117 : memref<1x80x64xbf16, #tpu.memory_space<hbm>> -> memref<80x64xbf16, #tpu.memory_space<hbm>>
      %dma_wait3A_119 = arith.constant 0 : i32
      %dma_wait3A_120 = tpu.memref_slice %arg9[%run_scoped3A_81, %add3A_56, %dma_wait3A_119] : memref<2x5120x64xbf16, #tpu.memory_space<hbm>> -> memref<1x80x64xbf16, #tpu.memory_space<hbm>>
      %dma_wait3A_121 = tpu.memref_squeeze %dma_wait3A_120 : memref<1x80x64xbf16, #tpu.memory_space<hbm>> -> memref<80x64xbf16, #tpu.memory_space<hbm>>
      tpu.wait_dma2 semaphore(%run_scoped3A_109 : memref<!tpu.dma_semaphore, #tpu.memory_space<semaphore_mem>>) src(%arg14 : memref<80x64xbf16, #tpu.memory_space<vmem>>) dst(%dma_wait3A_121 : memref<80x64xbf16, #tpu.memory_space<hbm>>)
      tpu.yield
    }) : () -> ()
    %dma_start3A_82 = arith.constant 0 : i32
    %dma_start3A_83 = arith.constant 0 : i32
    %dma_start3A_84 = tpu.memref_slice %arg6[%dma_start3A_82, %dma_start3A_83] : memref<100096x64xbf16, #tpu.memory_space<hbm>> -> memref<100096x64xbf16, #tpu.memory_space<hbm>>
    tpu.enqueue_indirect_dma source(%dma_start3A_84 : memref<100096x64xbf16, #tpu.memory_space<hbm>>) target(%arg14 : memref<80x64xbf16, #tpu.memory_space<vmem>>) offsets(%arg12 : memref<80xi32, #tpu.memory_space<vmem>>) semaphore(%arg15 : memref<!tpu.dma_semaphore, #tpu.memory_space<semaphore_mem>>)
    %dma_wait3A_85 = arith.constant 0 : i32
    %dma_wait3A_86 = arith.constant 0 : i32
    %dma_wait3A_87 = tpu.memref_slice %arg6[%dma_wait3A_85, %dma_wait3A_86] : memref<100096x64xbf16, #tpu.memory_space<hbm>> -> memref<100096x64xbf16, #tpu.memory_space<hbm>>
    tpu.wait_indirect_dma semaphore(%arg15 : memref<!tpu.dma_semaphore, #tpu.memory_space<semaphore_mem>>) src(%dma_wait3A_87 : memref<100096x64xbf16, #tpu.memory_space<hbm>>) dst(%arg14 : memref<80x64xbf16, #tpu.memory_space<vmem>>)
    %run_scoped3A_88 = arith.constant 0 : i32
    "tpu.region"() ({
      %run_scoped3A_109 = tpu.sem_alloc : memref<!tpu.dma_semaphore, #tpu.memory_space<semaphore_mem>>
      %dma_start3A_110 = arith.constant 0 : i32
      %dma_start3A_111 = tpu.memref_slice %arg10[%run_scoped3A_88, %add3A_56, %dma_start3A_110] : memref<2x5120x64xbf16, #tpu.memory_space<hbm>> -> memref<1x80x64xbf16, #tpu.memory_space<hbm>>
      %dma_start3A_112 = tpu.memref_squeeze %dma_start3A_111 : memref<1x80x64xbf16, #tpu.memory_space<hbm>> -> memref<80x64xbf16, #tpu.memory_space<hbm>>
      %dma_start3A_113 = arith.constant 0 : i32
      %dma_start3A_114 = tpu.memref_slice %arg10[%run_scoped3A_88, %add3A_56, %dma_start3A_113] : memref<2x5120x64xbf16, #tpu.memory_space<hbm>> -> memref<1x80x64xbf16, #tpu.memory_space<hbm>>
      %dma_start3A_115 = tpu.memref_squeeze %dma_start3A_114 : memref<1x80x64xbf16, #tpu.memory_space<hbm>> -> memref<80x64xbf16, #tpu.memory_space<hbm>>
      tpu.enqueue_dma source(%arg14 : memref<80x64xbf16, #tpu.memory_space<vmem>>) target(%dma_start3A_115 : memref<80x64xbf16, #tpu.memory_space<hbm>>) target_semaphore(%run_scoped3A_109 : memref<!tpu.dma_semaphore, #tpu.memory_space<semaphore_mem>>)
      %dma_wait3A_116 = arith.constant 0 : i32
      %dma_wait3A_117 = tpu.memref_slice %arg10[%run_scoped3A_88, %add3A_56, %dma_wait3A_116] : memref<2x5120x64xbf16, #tpu.memory_space<hbm>> -> memref<1x80x64xbf16, #tpu.memory_space<hbm>>
      %dma_wait3A_118 = tpu.memref_squeeze %dma_wait3A_117 : memref<1x80x64xbf16, #tpu.memory_space<hbm>> -> memref<80x64xbf16, #tpu.memory_space<hbm>>
      %dma_wait3A_119 = arith.constant 0 : i32
      %dma_wait3A_120 = tpu.memref_slice %arg10[%run_scoped3A_88, %add3A_56, %dma_wait3A_119] : memref<2x5120x64xbf16, #tpu.memory_space<hbm>> -> memref<1x80x64xbf16, #tpu.memory_space<hbm>>
      %dma_wait3A_121 = tpu.memref_squeeze %dma_wait3A_120 : memref<1x80x64xbf16, #tpu.memory_space<hbm>> -> memref<80x64xbf16, #tpu.memory_space<hbm>>
      tpu.wait_dma2 semaphore(%run_scoped3A_109 : memref<!tpu.dma_semaphore, #tpu.memory_space<semaphore_mem>>) src(%arg14 : memref<80x64xbf16, #tpu.memory_space<vmem>>) dst(%dma_wait3A_121 : memref<80x64xbf16, #tpu.memory_space<hbm>>)
      tpu.yield
    }) : () -> ()
    %scan3A_89 = arith.constant 0 : i32
    %scan3A_90 = arith.constant 0 : i32
    %scan3A_91 = arith.constant 5 : i32
    %scan3A_92 = arith.addi %scan3A_90, %scan3A_91 : i32
    %scan3A_93 = arith.constant 1 : i32
    scf.for %scan3A_109 = %scan3A_90 to %scan3A_92 step %scan3A_93  : i32 {
      %mul3A_110 = arith.constant 16 : i32
      %mul3A_111 = arith.muli %scan3A_109, %mul3A_110 : i32
      %get3A = arith.index_cast %mul3A_111 : i32 to index
      %get3A_112 = tpu.vector_load %arg11[%get3A] {strides = array<i32>} : memref<80xi32, #tpu.memory_space<vmem>>, vector<16xi32>,
      %get3A_113 = vector.shape_cast %get3A_112 : vector<16xi32> to vector<16xi32>
      %add3A_114 = arith.constant 50048 : i32
      %add3A_115 = vector.broadcast %add3A_114 : i32 to vector<16xi32>
      %add3A_116 = arith.addi %get3A_113, %add3A_115 : vector<16xi32>
      %mul3A_117 = arith.constant 16 : i32
      %mul3A_118 = arith.muli %scan3A_109, %mul3A_117 : i32
      %swap3A = arith.index_cast %mul3A_118 : i32 to index
      %swap3A_119 = tpu.vector_load %arg12[%swap3A] {strides = array<i32>} : memref<80xi32, #tpu.memory_space<vmem>>, vector<16xi32>,
      %swap3A_120 = vector.shape_cast %swap3A_119 : vector<16xi32> to vector<16xi32>
      %swap3A_121 = vector.shape_cast %add3A_116 : vector<16xi32> to vector<16xi32>
      tpu.vector_store %arg12[%swap3A], %swap3A_121 {strides = array<i32>} : memref<80xi32, #tpu.memory_space<vmem>>, vector<16xi32>,
    }
    %scan3A_94 = arith.constant 5 : i32
    %dma_start3A_95 = arith.constant 0 : i32
    %dma_start3A_96 = arith.constant 0 : i32
    %dma_start3A_97 = tpu.memref_slice %arg5[%dma_start3A_95, %dma_start3A_96] : memref<100096x64xbf16, #tpu.memory_space<hbm>> -> memref<100096x64xbf16, #tpu.memory_space<hbm>>
    tpu.enqueue_indirect_dma source(%dma_start3A_97 : memref<100096x64xbf16, #tpu.memory_space<hbm>>) target(%arg14 : memref<80x64xbf16, #tpu.memory_space<vmem>>) offsets(%arg12 : memref<80xi32, #tpu.memory_space<vmem>>) semaphore(%arg15 : memref<!tpu.dma_semaphore, #tpu.memory_space<semaphore_mem>>)
    %dma_wait3A_98 = arith.constant 0 : i32
    %dma_wait3A_99 = arith.constant 0 : i32
    %dma_wait3A_100 = tpu.memref_slice %arg5[%dma_wait3A_98, %dma_wait3A_99] : memref<100096x64xbf16, #tpu.memory_space<hbm>> -> memref<100096x64xbf16, #tpu.memory_space<hbm>>
    tpu.wait_indirect_dma semaphore(%arg15 : memref<!tpu.dma_semaphore, #tpu.memory_space<semaphore_mem>>) src(%dma_wait3A_100 : memref<100096x64xbf16, #tpu.memory_space<hbm>>) dst(%arg14 : memref<80x64xbf16, #tpu.memory_space<vmem>>)
    %run_scoped3A_101 = arith.constant 1 : i32
    "tpu.region"() ({
      %run_scoped3A_109 = tpu.sem_alloc : memref<!tpu.dma_semaphore, #tpu.memory_space<semaphore_mem>>
      %dma_start3A_110 = arith.constant 0 : i32
      %dma_start3A_111 = tpu.memref_slice %arg9[%run_scoped3A_101, %add3A_56, %dma_start3A_110] : memref<2x5120x64xbf16, #tpu.memory_space<hbm>> -> memref<1x80x64xbf16, #tpu.memory_space<hbm>>
      %dma_start3A_112 = tpu.memref_squeeze %dma_start3A_111 : memref<1x80x64xbf16, #tpu.memory_space<hbm>> -> memref<80x64xbf16, #tpu.memory_space<hbm>>
      %dma_start3A_113 = arith.constant 0 : i32
      %dma_start3A_114 = tpu.memref_slice %arg9[%run_scoped3A_101, %add3A_56, %dma_start3A_113] : memref<2x5120x64xbf16, #tpu.memory_space<hbm>> -> memref<1x80x64xbf16, #tpu.memory_space<hbm>>
      %dma_start3A_115 = tpu.memref_squeeze %dma_start3A_114 : memref<1x80x64xbf16, #tpu.memory_space<hbm>> -> memref<80x64xbf16, #tpu.memory_space<hbm>>
      tpu.enqueue_dma source(%arg14 : memref<80x64xbf16, #tpu.memory_space<vmem>>) target(%dma_start3A_115 : memref<80x64xbf16, #tpu.memory_space<hbm>>) target_semaphore(%run_scoped3A_109 : memref<!tpu.dma_semaphore, #tpu.memory_space<semaphore_mem>>)
      %dma_wait3A_116 = arith.constant 0 : i32
      %dma_wait3A_117 = tpu.memref_slice %arg9[%run_scoped3A_101, %add3A_56, %dma_wait3A_116] : memref<2x5120x64xbf16, #tpu.memory_space<hbm>> -> memref<1x80x64xbf16, #tpu.memory_space<hbm>>
      %dma_wait3A_118 = tpu.memref_squeeze %dma_wait3A_117 : memref<1x80x64xbf16, #tpu.memory_space<hbm>> -> memref<80x64xbf16, #tpu.memory_space<hbm>>
      %dma_wait3A_119 = arith.constant 0 : i32
      %dma_wait3A_120 = tpu.memref_slice %arg9[%run_scoped3A_101, %add3A_56, %dma_wait3A_119] : memref<2x5120x64xbf16, #tpu.memory_space<hbm>> -> memref<1x80x64xbf16, #tpu.memory_space<hbm>>
      %dma_wait3A_121 = tpu.memref_squeeze %dma_wait3A_120 : memref<1x80x64xbf16, #tpu.memory_space<hbm>> -> memref<80x64xbf16, #tpu.memory_space<hbm>>
      tpu.wait_dma2 semaphore(%run_scoped3A_109 : memref<!tpu.dma_semaphore, #tpu.memory_space<semaphore_mem>>) src(%arg14 : memref<80x64xbf16, #tpu.memory_space<vmem>>) dst(%dma_wait3A_121 : memref<80x64xbf16, #tpu.memory_space<hbm>>)
      tpu.yield
    }) : () -> ()
    %dma_start3A_102 = arith.constant 0 : i32
    %dma_start3A_103 = arith.constant 0 : i32
    %dma_start3A_104 = tpu.memref_slice %arg6[%dma_start3A_102, %dma_start3A_103] : memref<100096x64xbf16, #tpu.memory_space<hbm>> -> memref<100096x64xbf16, #tpu.memory_space<hbm>>
    tpu.enqueue_indirect_dma source(%dma_start3A_104 : memref<100096x64xbf16, #tpu.memory_space<hbm>>) target(%arg14 : memref<80x64xbf16, #tpu.memory_space<vmem>>) offsets(%arg12 : memref<80xi32, #tpu.memory_space<vmem>>) semaphore(%arg15 : memref<!tpu.dma_semaphore, #tpu.memory_space<semaphore_mem>>)
    %dma_wait3A_105 = arith.constant 0 : i32
    %dma_wait3A_106 = arith.constant 0 : i32
    %dma_wait3A_107 = tpu.memref_slice %arg6[%dma_wait3A_105, %dma_wait3A_106] : memref<100096x64xbf16, #tpu.memory_space<hbm>> -> memref<100096x64xbf16, #tpu.memory_space<hbm>>
    tpu.wait_indirect_dma semaphore(%arg15 : memref<!tpu.dma_semaphore, #tpu.memory_space<semaphore_mem>>) src(%dma_wait3A_107 : memref<100096x64xbf16, #tpu.memory_space<hbm>>) dst(%arg14 : memref<80x64xbf16, #tpu.memory_space<vmem>>)
    %run_scoped3A_108 = arith.constant 1 : i32
    "tpu.region"() ({
      %run_scoped3A_109 = tpu.sem_alloc : memref<!tpu.dma_semaphore, #tpu.memory_space<semaphore_mem>>
      %dma_start3A_110 = arith.constant 0 : i32
      %dma_start3A_111 = tpu.memref_slice %arg10[%run_scoped3A_108, %add3A_56, %dma_start3A_110] : memref<2x5120x64xbf16, #tpu.memory_space<hbm>> -> memref<1x80x64xbf16, #tpu.memory_space<hbm>>
      %dma_start3A_112 = tpu.memref_squeeze %dma_start3A_111 : memref<1x80x64xbf16, #tpu.memory_space<hbm>> -> memref<80x64xbf16, #tpu.memory_space<hbm>>
      %dma_start3A_113 = arith.constant 0 : i32
      %dma_start3A_114 = tpu.memref_slice %arg10[%run_scoped3A_108, %add3A_56, %dma_start3A_113] : memref<2x5120x64xbf16, #tpu.memory_space<hbm>> -> memref<1x80x64xbf16, #tpu.memory_space<hbm>>
      %dma_start3A_115 = tpu.memref_squeeze %dma_start3A_114 : memref<1x80x64xbf16, #tpu.memory_space<hbm>> -> memref<80x64xbf16, #tpu.memory_space<hbm>>
      tpu.enqueue_dma source(%arg14 : memref<80x64xbf16, #tpu.memory_space<vmem>>) target(%dma_start3A_115 : memref<80x64xbf16, #tpu.memory_space<hbm>>) target_semaphore(%run_scoped3A_109 : memref<!tpu.dma_semaphore, #tpu.memory_space<semaphore_mem>>)
      %dma_wait3A_116 = arith.constant 0 : i32
      %dma_wait3A_117 = tpu.memref_slice %arg10[%run_scoped3A_108, %add3A_56, %dma_wait3A_116] : memref<2x5120x64xbf16, #tpu.memory_space<hbm>> -> memref<1x80x64xbf16, #tpu.memory_space<hbm>>
      %dma_wait3A_118 = tpu.memref_squeeze %dma_wait3A_117 : memref<1x80x64xbf16, #tpu.memory_space<hbm>> -> memref<80x64xbf16, #tpu.memory_space<hbm>>
      %dma_wait3A_119 = arith.constant 0 : i32
      %dma_wait3A_120 = tpu.memref_slice %arg10[%run_scoped3A_108, %add3A_56, %dma_wait3A_119] : memref<2x5120x64xbf16, #tpu.memory_space<hbm>> -> memref<1x80x64xbf16, #tpu.memory_space<hbm>>
      %dma_wait3A_121 = tpu.memref_squeeze %dma_wait3A_120 : memref<1x80x64xbf16, #tpu.memory_space<hbm>> -> memref<80x64xbf16, #tpu.memory_space<hbm>>
      tpu.wait_dma2 semaphore(%run_scoped3A_109 : memref<!tpu.dma_semaphore, #tpu.memory_space<semaphore_mem>>) src(%arg14 : memref<80x64xbf16, #tpu.memory_space<vmem>>) dst(%dma_wait3A_121 : memref<80x64xbf16, #tpu.memory_space<hbm>>)
      tpu.yield
    }) : () -> ()
    return
  }
}

#map = affine_map<(d0, d1) -> (0, 0)>
module attributes {stable_mosaic.version = 14 : i64} {
  func.func @spmv(%arg0: i32, %arg1: i32, %arg2: memref<100000x64xbf16, #tpu.memory_space<hbm>>, %arg3: memref<6400x128xi32, #tpu.memory_space<hbm>>, %arg4: memref<6400x128xi32, #tpu.memory_space<hbm>>, %arg5: memref<6400x128xf32, #tpu.memory_space<hbm>>, %arg6: memref<50048x64xbf16, #tpu.memory_space<hbm>>, %arg7: memref<100096x64xbf16, #tpu.memory_space<hbm>>, %arg8: memref<20x128xi32, #tpu.memory_space<vmem>>, %arg9: memref<20x128xi32, #tpu.memory_space<vmem>>, %arg10: memref<20x128xf32, #tpu.memory_space<vmem>>, %arg11: memref<2x256x64xbf16, #tpu.memory_space<vmem>>, %arg12: memref<50048x64xbf16, #tpu.memory_space<vmem_shared>>, %arg13: memref<2x!tpu.dma_semaphore, #tpu.memory_space<semaphore_mem>>, %arg14: memref<2x!tpu.dma_semaphore, #tpu.memory_space<semaphore_mem>>) attributes {dimension_semantics = [#tpu.dimension_semantics<core_parallel>, #tpu.dimension_semantics<subcore_parallel>], iteration_bounds = array<i64: 2, 16>, scalar_prefetch = 0 : i64, scratch_operands = 7 : i64, tpu.core_type = #tpu.core_type<sc_vector_subcore>, window_params = [{transform_indices = #map}, {transform_indices = #map}, {transform_indices = #map}, {transform_indices = #map}, {transform_indices = #map}, {transform_indices = #map}]} {
    %mul3A = arith.constant 400 : i32
    %mul3A_0 = arith.muli %arg1, %mul3A : i32
    %add3A = arith.constant 0 : i32
    %add3A_1 = arith.addi %add3A, %arg0 : i32
    %mul3A_2 = arith.constant 3128 : i32
    %mul3A_3 = arith.muli %arg1, %mul3A_2 : i32
    %mul3A_4 = arith.constant 3128 : i32
    %mul3A_5 = arith.muli %arg1, %mul3A_4 : i32
    "tpu.region"() ({
      %run_scoped3A = tpu.sem_alloc : memref<!tpu.dma_semaphore, #tpu.memory_space<semaphore_mem>>
      %dma_start3A = arith.constant 0 : i32
      %dma_start3A_20 = tpu.memref_slice %arg12[%mul3A_5, %dma_start3A] : memref<50048x64xbf16, #tpu.memory_space<vmem_shared>> -> memref<3128x64xbf16, #tpu.memory_space<vmem_shared>>
      %dma_start3A_21 = arith.constant 0 : i32
      %dma_start3A_22 = tpu.memref_slice %arg6[%mul3A_3, %dma_start3A_21] : memref<50048x64xbf16, #tpu.memory_space<hbm>> -> memref<3128x64xbf16, #tpu.memory_space<hbm>>
      tpu.enqueue_dma source(%dma_start3A_22 : memref<3128x64xbf16, #tpu.memory_space<hbm>>) target(%dma_start3A_20 : memref<3128x64xbf16, #tpu.memory_space<vmem_shared>>) target_semaphore(%run_scoped3A : memref<!tpu.dma_semaphore, #tpu.memory_space<semaphore_mem>>)
      %dma_wait3A = arith.constant 0 : i32
      %dma_wait3A_23 = tpu.memref_slice %arg12[%mul3A_5, %dma_wait3A] : memref<50048x64xbf16, #tpu.memory_space<vmem_shared>> -> memref<3128x64xbf16, #tpu.memory_space<vmem_shared>>
      %dma_wait3A_24 = arith.constant 0 : i32
      %dma_wait3A_25 = tpu.memref_slice %arg6[%mul3A_3, %dma_wait3A_24] : memref<50048x64xbf16, #tpu.memory_space<hbm>> -> memref<3128x64xbf16, #tpu.memory_space<hbm>>
      tpu.wait_dma2 semaphore(%run_scoped3A : memref<!tpu.dma_semaphore, #tpu.memory_space<semaphore_mem>>) src(%dma_wait3A_25 : memref<3128x64xbf16, #tpu.memory_space<hbm>>) dst(%dma_wait3A_23 : memref<3128x64xbf16, #tpu.memory_space<vmem_shared>>)
      tpu.yield
    }) : () -> ()
    %barrier3A = arith.constant 0 : index
    tpu.barrier barrier_id(%barrier3A)
    %scan3A = arith.constant 0 : i32
    %scan3A_6 = arith.constant 0 : i32
    %scan3A_7 = arith.constant 20 : i32
    %scan3A_8 = arith.addi %scan3A_6, %scan3A_7 : i32
    %scan3A_9 = arith.constant 1 : i32
    scf.for %scan3A_20 = %scan3A_6 to %scan3A_8 step %scan3A_9  : i32 {
      %mul3A_21 = arith.constant 20 : i32
      %mul3A_22 = arith.muli %scan3A_20, %mul3A_21 : i32
      %add3A_23 = arith.addi %mul3A_0, %mul3A_22 : i32
      "tpu.region"() ({
        %run_scoped3A = tpu.sem_alloc : memref<!tpu.dma_semaphore, #tpu.memory_space<semaphore_mem>>
        %dma_start3A_82 = arith.constant 0 : i32
        %dma_start3A_83 = tpu.memref_slice %arg4[%add3A_23, %dma_start3A_82] : memref<6400x128xi32, #tpu.memory_space<hbm>> -> memref<20x128xi32, #tpu.memory_space<hbm>>
        %dma_start3A_84 = arith.constant 0 : i32
        %dma_start3A_85 = tpu.memref_slice %arg4[%add3A_23, %dma_start3A_84] : memref<6400x128xi32, #tpu.memory_space<hbm>> -> memref<20x128xi32, #tpu.memory_space<hbm>>
        tpu.enqueue_dma source(%dma_start3A_85 : memref<20x128xi32, #tpu.memory_space<hbm>>) target(%arg8 : memref<20x128xi32, #tpu.memory_space<vmem>>) target_semaphore(%run_scoped3A : memref<!tpu.dma_semaphore, #tpu.memory_space<semaphore_mem>>)
        %dma_wait3A_86 = arith.constant 0 : i32
        %dma_wait3A_87 = tpu.memref_slice %arg4[%add3A_23, %dma_wait3A_86] : memref<6400x128xi32, #tpu.memory_space<hbm>> -> memref<20x128xi32, #tpu.memory_space<hbm>>
        %dma_wait3A_88 = arith.constant 0 : i32
        %dma_wait3A_89 = tpu.memref_slice %arg4[%add3A_23, %dma_wait3A_88] : memref<6400x128xi32, #tpu.memory_space<hbm>> -> memref<20x128xi32, #tpu.memory_space<hbm>>
        tpu.wait_dma2 semaphore(%run_scoped3A : memref<!tpu.dma_semaphore, #tpu.memory_space<semaphore_mem>>) src(%dma_wait3A_89 : memref<20x128xi32, #tpu.memory_space<hbm>>) dst(%arg8 : memref<20x128xi32, #tpu.memory_space<vmem>>)
        tpu.yield
      }) : () -> ()
      "tpu.region"() ({
        %run_scoped3A = tpu.sem_alloc : memref<!tpu.dma_semaphore, #tpu.memory_space<semaphore_mem>>
        %dma_start3A_82 = arith.constant 0 : i32
        %dma_start3A_83 = tpu.memref_slice %arg3[%add3A_23, %dma_start3A_82] : memref<6400x128xi32, #tpu.memory_space<hbm>> -> memref<20x128xi32, #tpu.memory_space<hbm>>
        %dma_start3A_84 = arith.constant 0 : i32
        %dma_start3A_85 = tpu.memref_slice %arg3[%add3A_23, %dma_start3A_84] : memref<6400x128xi32, #tpu.memory_space<hbm>> -> memref<20x128xi32, #tpu.memory_space<hbm>>
        tpu.enqueue_dma source(%dma_start3A_85 : memref<20x128xi32, #tpu.memory_space<hbm>>) target(%arg9 : memref<20x128xi32, #tpu.memory_space<vmem>>) target_semaphore(%run_scoped3A : memref<!tpu.dma_semaphore, #tpu.memory_space<semaphore_mem>>)
        %dma_wait3A_86 = arith.constant 0 : i32
        %dma_wait3A_87 = tpu.memref_slice %arg3[%add3A_23, %dma_wait3A_86] : memref<6400x128xi32, #tpu.memory_space<hbm>> -> memref<20x128xi32, #tpu.memory_space<hbm>>
        %dma_wait3A_88 = arith.constant 0 : i32
        %dma_wait3A_89 = tpu.memref_slice %arg3[%add3A_23, %dma_wait3A_88] : memref<6400x128xi32, #tpu.memory_space<hbm>> -> memref<20x128xi32, #tpu.memory_space<hbm>>
        tpu.wait_dma2 semaphore(%run_scoped3A : memref<!tpu.dma_semaphore, #tpu.memory_space<semaphore_mem>>) src(%dma_wait3A_89 : memref<20x128xi32, #tpu.memory_space<hbm>>) dst(%arg9 : memref<20x128xi32, #tpu.memory_space<vmem>>)
        tpu.yield
      }) : () -> ()
      "tpu.region"() ({
        %run_scoped3A = tpu.sem_alloc : memref<!tpu.dma_semaphore, #tpu.memory_space<semaphore_mem>>
        %dma_start3A_82 = arith.constant 0 : i32
        %dma_start3A_83 = tpu.memref_slice %arg5[%add3A_23, %dma_start3A_82] : memref<6400x128xf32, #tpu.memory_space<hbm>> -> memref<20x128xf32, #tpu.memory_space<hbm>>
        %dma_start3A_84 = arith.constant 0 : i32
        %dma_start3A_85 = tpu.memref_slice %arg5[%add3A_23, %dma_start3A_84] : memref<6400x128xf32, #tpu.memory_space<hbm>> -> memref<20x128xf32, #tpu.memory_space<hbm>>
        tpu.enqueue_dma source(%dma_start3A_85 : memref<20x128xf32, #tpu.memory_space<hbm>>) target(%arg10 : memref<20x128xf32, #tpu.memory_space<vmem>>) target_semaphore(%run_scoped3A : memref<!tpu.dma_semaphore, #tpu.memory_space<semaphore_mem>>)
        %dma_wait3A_86 = arith.constant 0 : i32
        %dma_wait3A_87 = tpu.memref_slice %arg5[%add3A_23, %dma_wait3A_86] : memref<6400x128xf32, #tpu.memory_space<hbm>> -> memref<20x128xf32, #tpu.memory_space<hbm>>
        %dma_wait3A_88 = arith.constant 0 : i32
        %dma_wait3A_89 = tpu.memref_slice %arg5[%add3A_23, %dma_wait3A_88] : memref<6400x128xf32, #tpu.memory_space<hbm>> -> memref<20x128xf32, #tpu.memory_space<hbm>>
        tpu.wait_dma2 semaphore(%run_scoped3A : memref<!tpu.dma_semaphore, #tpu.memory_space<semaphore_mem>>) src(%dma_wait3A_89 : memref<20x128xf32, #tpu.memory_space<hbm>>) dst(%arg10 : memref<20x128xf32, #tpu.memory_space<vmem>>)
        tpu.yield
      }) : () -> ()
      %scan3A_24 = arith.constant 0 : i32
      %scan3A_25 = arith.constant 0 : i32
      %scan3A_26 = arith.constant 20 : i32
      %scan3A_27 = arith.addi %scan3A_25, %scan3A_26 : i32
      %scan3A_28 = arith.constant 1 : i32
      scf.for %scan3A_82 = %scan3A_25 to %scan3A_27 step %scan3A_28  : i32 {
        %get3A = arith.index_cast %scan3A_82 : i32 to index
        %get3A_83 = arith.constant 0 : index
        %get3A_84 = tpu.vector_load %arg8[%get3A, %get3A_83] {strides = array<i32>} : memref<20x128xi32, #tpu.memory_space<vmem>>, vector<1x16xi32>,
        %get3A_85 = vector.shape_cast %get3A_84 : vector<1x16xi32> to vector<16xi32>
        %mul3A_86 = arith.constant 2 : i32
        %mul3A_87 = vector.broadcast %mul3A_86 : i32 to vector<16xi32>
        %mul3A_88 = arith.muli %get3A_85, %mul3A_87 : vector<16xi32>
        %mul3A_89 = arith.constant 1 : i32
        %mul3A_90 = arith.muli %add3A_1, %mul3A_89 : i32
        %add3A_91 = vector.broadcast %mul3A_90 : i32 to vector<16xi32>
        %add3A_92 = arith.addi %mul3A_88, %add3A_91 : vector<16xi32>
        %swap3A = arith.index_cast %scan3A_82 : i32 to index
        %swap3A_93 = arith.constant 0 : index
        %swap3A_94 = tpu.vector_load %arg8[%swap3A, %swap3A_93] {strides = array<i32>} : memref<20x128xi32, #tpu.memory_space<vmem>>, vector<1x16xi32>,
        %swap3A_95 = vector.shape_cast %swap3A_94 : vector<1x16xi32> to vector<16xi32>
        %swap3A_96 = vector.shape_cast %add3A_92 : vector<16xi32> to vector<1x16xi32>
        tpu.vector_store %arg8[%swap3A, %swap3A_93], %swap3A_96 {strides = array<i32>} : memref<20x128xi32, #tpu.memory_space<vmem>>, vector<1x16xi32>,
        %get3A_97 = arith.index_cast %scan3A_82 : i32 to index
        %get3A_98 = arith.constant 16 : index
        %get3A_99 = tpu.vector_load %arg8[%get3A_97, %get3A_98] {strides = array<i32>} : memref<20x128xi32, #tpu.memory_space<vmem>>, vector<1x16xi32>,
        %get3A_100 = vector.shape_cast %get3A_99 : vector<1x16xi32> to vector<16xi32>
        %mul3A_101 = arith.constant 2 : i32
        %mul3A_102 = vector.broadcast %mul3A_101 : i32 to vector<16xi32>
        %mul3A_103 = arith.muli %get3A_100, %mul3A_102 : vector<16xi32>
        %mul3A_104 = arith.constant 1 : i32
        %mul3A_105 = arith.muli %add3A_1, %mul3A_104 : i32
        %add3A_106 = vector.broadcast %mul3A_105 : i32 to vector<16xi32>
        %add3A_107 = arith.addi %mul3A_103, %add3A_106 : vector<16xi32>
        %swap3A_108 = arith.index_cast %scan3A_82 : i32 to index
        %swap3A_109 = arith.constant 16 : index
        %swap3A_110 = tpu.vector_load %arg8[%swap3A_108, %swap3A_109] {strides = array<i32>} : memref<20x128xi32, #tpu.memory_space<vmem>>, vector<1x16xi32>,
        %swap3A_111 = vector.shape_cast %swap3A_110 : vector<1x16xi32> to vector<16xi32>
        %swap3A_112 = vector.shape_cast %add3A_107 : vector<16xi32> to vector<1x16xi32>
        tpu.vector_store %arg8[%swap3A_108, %swap3A_109], %swap3A_112 {strides = array<i32>} : memref<20x128xi32, #tpu.memory_space<vmem>>, vector<1x16xi32>,
        %get3A_113 = arith.index_cast %scan3A_82 : i32 to index
        %get3A_114 = arith.constant 32 : index
        %get3A_115 = tpu.vector_load %arg8[%get3A_113, %get3A_114] {strides = array<i32>} : memref<20x128xi32, #tpu.memory_space<vmem>>, vector<1x16xi32>,
        %get3A_116 = vector.shape_cast %get3A_115 : vector<1x16xi32> to vector<16xi32>
        %mul3A_117 = arith.constant 2 : i32
        %mul3A_118 = vector.broadcast %mul3A_117 : i32 to vector<16xi32>
        %mul3A_119 = arith.muli %get3A_116, %mul3A_118 : vector<16xi32>
        %mul3A_120 = arith.constant 1 : i32
        %mul3A_121 = arith.muli %add3A_1, %mul3A_120 : i32
        %add3A_122 = vector.broadcast %mul3A_121 : i32 to vector<16xi32>
        %add3A_123 = arith.addi %mul3A_119, %add3A_122 : vector<16xi32>
        %swap3A_124 = arith.index_cast %scan3A_82 : i32 to index
        %swap3A_125 = arith.constant 32 : index
        %swap3A_126 = tpu.vector_load %arg8[%swap3A_124, %swap3A_125] {strides = array<i32>} : memref<20x128xi32, #tpu.memory_space<vmem>>, vector<1x16xi32>,
        %swap3A_127 = vector.shape_cast %swap3A_126 : vector<1x16xi32> to vector<16xi32>
        %swap3A_128 = vector.shape_cast %add3A_123 : vector<16xi32> to vector<1x16xi32>
        tpu.vector_store %arg8[%swap3A_124, %swap3A_125], %swap3A_128 {strides = array<i32>} : memref<20x128xi32, #tpu.memory_space<vmem>>, vector<1x16xi32>,
        %get3A_129 = arith.index_cast %scan3A_82 : i32 to index
        %get3A_130 = arith.constant 48 : index
        %get3A_131 = tpu.vector_load %arg8[%get3A_129, %get3A_130] {strides = array<i32>} : memref<20x128xi32, #tpu.memory_space<vmem>>, vector<1x16xi32>,
        %get3A_132 = vector.shape_cast %get3A_131 : vector<1x16xi32> to vector<16xi32>
        %mul3A_133 = arith.constant 2 : i32
        %mul3A_134 = vector.broadcast %mul3A_133 : i32 to vector<16xi32>
        %mul3A_135 = arith.muli %get3A_132, %mul3A_134 : vector<16xi32>
        %mul3A_136 = arith.constant 1 : i32
        %mul3A_137 = arith.muli %add3A_1, %mul3A_136 : i32
        %add3A_138 = vector.broadcast %mul3A_137 : i32 to vector<16xi32>
        %add3A_139 = arith.addi %mul3A_135, %add3A_138 : vector<16xi32>
        %swap3A_140 = arith.index_cast %scan3A_82 : i32 to index
        %swap3A_141 = arith.constant 48 : index
        %swap3A_142 = tpu.vector_load %arg8[%swap3A_140, %swap3A_141] {strides = array<i32>} : memref<20x128xi32, #tpu.memory_space<vmem>>, vector<1x16xi32>,
        %swap3A_143 = vector.shape_cast %swap3A_142 : vector<1x16xi32> to vector<16xi32>
        %swap3A_144 = vector.shape_cast %add3A_139 : vector<16xi32> to vector<1x16xi32>
        tpu.vector_store %arg8[%swap3A_140, %swap3A_141], %swap3A_144 {strides = array<i32>} : memref<20x128xi32, #tpu.memory_space<vmem>>, vector<1x16xi32>,
        %get3A_145 = arith.index_cast %scan3A_82 : i32 to index
        %get3A_146 = arith.constant 64 : index
        %get3A_147 = tpu.vector_load %arg8[%get3A_145, %get3A_146] {strides = array<i32>} : memref<20x128xi32, #tpu.memory_space<vmem>>, vector<1x16xi32>,
        %get3A_148 = vector.shape_cast %get3A_147 : vector<1x16xi32> to vector<16xi32>
        %mul3A_149 = arith.constant 2 : i32
        %mul3A_150 = vector.broadcast %mul3A_149 : i32 to vector<16xi32>
        %mul3A_151 = arith.muli %get3A_148, %mul3A_150 : vector<16xi32>
        %mul3A_152 = arith.constant 1 : i32
        %mul3A_153 = arith.muli %add3A_1, %mul3A_152 : i32
        %add3A_154 = vector.broadcast %mul3A_153 : i32 to vector<16xi32>
        %add3A_155 = arith.addi %mul3A_151, %add3A_154 : vector<16xi32>
        %swap3A_156 = arith.index_cast %scan3A_82 : i32 to index
        %swap3A_157 = arith.constant 64 : index
        %swap3A_158 = tpu.vector_load %arg8[%swap3A_156, %swap3A_157] {strides = array<i32>} : memref<20x128xi32, #tpu.memory_space<vmem>>, vector<1x16xi32>,
        %swap3A_159 = vector.shape_cast %swap3A_158 : vector<1x16xi32> to vector<16xi32>
        %swap3A_160 = vector.shape_cast %add3A_155 : vector<16xi32> to vector<1x16xi32>
        tpu.vector_store %arg8[%swap3A_156, %swap3A_157], %swap3A_160 {strides = array<i32>} : memref<20x128xi32, #tpu.memory_space<vmem>>, vector<1x16xi32>,
        %get3A_161 = arith.index_cast %scan3A_82 : i32 to index
        %get3A_162 = arith.constant 80 : index
        %get3A_163 = tpu.vector_load %arg8[%get3A_161, %get3A_162] {strides = array<i32>} : memref<20x128xi32, #tpu.memory_space<vmem>>, vector<1x16xi32>,
        %get3A_164 = vector.shape_cast %get3A_163 : vector<1x16xi32> to vector<16xi32>
        %mul3A_165 = arith.constant 2 : i32
        %mul3A_166 = vector.broadcast %mul3A_165 : i32 to vector<16xi32>
        %mul3A_167 = arith.muli %get3A_164, %mul3A_166 : vector<16xi32>
        %mul3A_168 = arith.constant 1 : i32
        %mul3A_169 = arith.muli %add3A_1, %mul3A_168 : i32
        %add3A_170 = vector.broadcast %mul3A_169 : i32 to vector<16xi32>
        %add3A_171 = arith.addi %mul3A_167, %add3A_170 : vector<16xi32>
        %swap3A_172 = arith.index_cast %scan3A_82 : i32 to index
        %swap3A_173 = arith.constant 80 : index
        %swap3A_174 = tpu.vector_load %arg8[%swap3A_172, %swap3A_173] {strides = array<i32>} : memref<20x128xi32, #tpu.memory_space<vmem>>, vector<1x16xi32>,
        %swap3A_175 = vector.shape_cast %swap3A_174 : vector<1x16xi32> to vector<16xi32>
        %swap3A_176 = vector.shape_cast %add3A_171 : vector<16xi32> to vector<1x16xi32>
        tpu.vector_store %arg8[%swap3A_172, %swap3A_173], %swap3A_176 {strides = array<i32>} : memref<20x128xi32, #tpu.memory_space<vmem>>, vector<1x16xi32>,
        %get3A_177 = arith.index_cast %scan3A_82 : i32 to index
        %get3A_178 = arith.constant 96 : index
        %get3A_179 = tpu.vector_load %arg8[%get3A_177, %get3A_178] {strides = array<i32>} : memref<20x128xi32, #tpu.memory_space<vmem>>, vector<1x16xi32>,
        %get3A_180 = vector.shape_cast %get3A_179 : vector<1x16xi32> to vector<16xi32>
        %mul3A_181 = arith.constant 2 : i32
        %mul3A_182 = vector.broadcast %mul3A_181 : i32 to vector<16xi32>
        %mul3A_183 = arith.muli %get3A_180, %mul3A_182 : vector<16xi32>
        %mul3A_184 = arith.constant 1 : i32
        %mul3A_185 = arith.muli %add3A_1, %mul3A_184 : i32
        %add3A_186 = vector.broadcast %mul3A_185 : i32 to vector<16xi32>
        %add3A_187 = arith.addi %mul3A_183, %add3A_186 : vector<16xi32>
        %swap3A_188 = arith.index_cast %scan3A_82 : i32 to index
        %swap3A_189 = arith.constant 96 : index
        %swap3A_190 = tpu.vector_load %arg8[%swap3A_188, %swap3A_189] {strides = array<i32>} : memref<20x128xi32, #tpu.memory_space<vmem>>, vector<1x16xi32>,
        %swap3A_191 = vector.shape_cast %swap3A_190 : vector<1x16xi32> to vector<16xi32>
        %swap3A_192 = vector.shape_cast %add3A_187 : vector<16xi32> to vector<1x16xi32>
        tpu.vector_store %arg8[%swap3A_188, %swap3A_189], %swap3A_192 {strides = array<i32>} : memref<20x128xi32, #tpu.memory_space<vmem>>, vector<1x16xi32>,
        %get3A_193 = arith.index_cast %scan3A_82 : i32 to index
        %get3A_194 = arith.constant 112 : index
        %get3A_195 = tpu.vector_load %arg8[%get3A_193, %get3A_194] {strides = array<i32>} : memref<20x128xi32, #tpu.memory_space<vmem>>, vector<1x16xi32>,
        %get3A_196 = vector.shape_cast %get3A_195 : vector<1x16xi32> to vector<16xi32>
        %mul3A_197 = arith.constant 2 : i32
        %mul3A_198 = vector.broadcast %mul3A_197 : i32 to vector<16xi32>
        %mul3A_199 = arith.muli %get3A_196, %mul3A_198 : vector<16xi32>
        %mul3A_200 = arith.constant 1 : i32
        %mul3A_201 = arith.muli %add3A_1, %mul3A_200 : i32
        %add3A_202 = vector.broadcast %mul3A_201 : i32 to vector<16xi32>
        %add3A_203 = arith.addi %mul3A_199, %add3A_202 : vector<16xi32>
        %swap3A_204 = arith.index_cast %scan3A_82 : i32 to index
        %swap3A_205 = arith.constant 112 : index
        %swap3A_206 = tpu.vector_load %arg8[%swap3A_204, %swap3A_205] {strides = array<i32>} : memref<20x128xi32, #tpu.memory_space<vmem>>, vector<1x16xi32>,
        %swap3A_207 = vector.shape_cast %swap3A_206 : vector<1x16xi32> to vector<16xi32>
        %swap3A_208 = vector.shape_cast %add3A_203 : vector<16xi32> to vector<1x16xi32>
        tpu.vector_store %arg8[%swap3A_204, %swap3A_205], %swap3A_208 {strides = array<i32>} : memref<20x128xi32, #tpu.memory_space<vmem>>, vector<1x16xi32>,
      }
      %scan3A_29 = arith.constant 20 : i32
      %dma_start3A = arith.constant 0 : i32
      %dma_start3A_30 = arith.constant 0 : i32
      %dma_start3A_31 = arith.constant 0 : i32
      %dma_start3A_32 = arith.constant 0 : i32
      %dma_start3A_33 = arith.constant 0 : i32
      %dma_start3A_34 = tpu.memref_slice %arg11[%dma_start3A_30, %dma_start3A_32, %dma_start3A_33] : memref<2x256x64xbf16, #tpu.memory_space<vmem>> -> memref<1x128x64xbf16, #tpu.memory_space<vmem>>
      %dma_start3A_35 = tpu.memref_squeeze %dma_start3A_34 : memref<1x128x64xbf16, #tpu.memory_space<vmem>> -> memref<128x64xbf16, #tpu.memory_space<vmem>>
      %dma_start3A_36 = arith.constant 0 : i32
      %dma_start3A_37 = tpu.memref_slice %arg8[%dma_start3A, %dma_start3A_36] : memref<20x128xi32, #tpu.memory_space<vmem>> -> memref<1x128xi32, #tpu.memory_space<vmem>>
      %dma_start3A_38 = tpu.memref_squeeze %dma_start3A_37 : memref<1x128xi32, #tpu.memory_space<vmem>> -> memref<128xi32, #tpu.memory_space<vmem>>
      %dma_start3A_39 = arith.constant 0 : i32
      %dma_start3A_40 = arith.constant 0 : i32
      %dma_start3A_41 = tpu.memref_slice %arg2[%dma_start3A_39, %dma_start3A_40] : memref<100000x64xbf16, #tpu.memory_space<hbm>> -> memref<100000x64xbf16, #tpu.memory_space<hbm>>
      %dma_start3A_42 = tpu.memref_slice %arg13[%dma_start3A_31] : memref<2x!tpu.dma_semaphore, #tpu.memory_space<semaphore_mem>> -> memref<1x!tpu.dma_semaphore, #tpu.memory_space<semaphore_mem>>
      %dma_start3A_43 = tpu.memref_squeeze %dma_start3A_42 : memref<1x!tpu.dma_semaphore, #tpu.memory_space<semaphore_mem>> -> memref<!tpu.dma_semaphore, #tpu.memory_space<semaphore_mem>>
      tpu.enqueue_indirect_dma source(%dma_start3A_41 : memref<100000x64xbf16, #tpu.memory_space<hbm>>) target(%dma_start3A_35 : memref<128x64xbf16, #tpu.memory_space<vmem>>) offsets(%dma_start3A_38 : memref<128xi32, #tpu.memory_space<vmem>>) semaphore(%dma_start3A_43 : memref<!tpu.dma_semaphore, #tpu.memory_space<semaphore_mem>>)
      %dma_start3A_44 = arith.constant 1 : i32
      %dma_start3A_45 = arith.constant 0 : i32
      %dma_start3A_46 = arith.constant 0 : i32
      %dma_start3A_47 = arith.constant 128 : i32
      %dma_start3A_48 = arith.constant 0 : i32
      %dma_start3A_49 = tpu.memref_slice %arg11[%dma_start3A_45, %dma_start3A_47, %dma_start3A_48] : memref<2x256x64xbf16, #tpu.memory_space<vmem>> -> memref<1x128x64xbf16, #tpu.memory_space<vmem>>
      %dma_start3A_50 = tpu.memref_squeeze %dma_start3A_49 : memref<1x128x64xbf16, #tpu.memory_space<vmem>> -> memref<128x64xbf16, #tpu.memory_space<vmem>>
      %dma_start3A_51 = arith.constant 0 : i32
      %dma_start3A_52 = tpu.memref_slice %arg8[%dma_start3A_44, %dma_start3A_51] : memref<20x128xi32, #tpu.memory_space<vmem>> -> memref<1x128xi32, #tpu.memory_space<vmem>>
      %dma_start3A_53 = tpu.memref_squeeze %dma_start3A_52 : memref<1x128xi32, #tpu.memory_space<vmem>> -> memref<128xi32, #tpu.memory_space<vmem>>
      %dma_start3A_54 = arith.constant 0 : i32
      %dma_start3A_55 = arith.constant 0 : i32
      %dma_start3A_56 = tpu.memref_slice %arg2[%dma_start3A_54, %dma_start3A_55] : memref<100000x64xbf16, #tpu.memory_space<hbm>> -> memref<100000x64xbf16, #tpu.memory_space<hbm>>
      %dma_start3A_57 = tpu.memref_slice %arg13[%dma_start3A_46] : memref<2x!tpu.dma_semaphore, #tpu.memory_space<semaphore_mem>> -> memref<1x!tpu.dma_semaphore, #tpu.memory_space<semaphore_mem>>
      %dma_start3A_58 = tpu.memref_squeeze %dma_start3A_57 : memref<1x!tpu.dma_semaphore, #tpu.memory_space<semaphore_mem>> -> memref<!tpu.dma_semaphore, #tpu.memory_space<semaphore_mem>>
      tpu.enqueue_indirect_dma source(%dma_start3A_56 : memref<100000x64xbf16, #tpu.memory_space<hbm>>) target(%dma_start3A_50 : memref<128x64xbf16, #tpu.memory_space<vmem>>) offsets(%dma_start3A_53 : memref<128xi32, #tpu.memory_space<vmem>>) semaphore(%dma_start3A_58 : memref<!tpu.dma_semaphore, #tpu.memory_space<semaphore_mem>>)
      %scan3A_59 = arith.constant 0 : i32
      %scan3A_60 = arith.constant 0 : i32
      %scan3A_61 = arith.constant 10 : i32
      %scan3A_62 = arith.addi %scan3A_60, %scan3A_61 : i32
      %scan3A_63 = arith.constant 1 : i32
      scf.for %scan3A_82 = %scan3A_60 to %scan3A_62 step %scan3A_63  : i32 {
        %rem3A = arith.constant 2 : i32
        %rem3A_83 = arith.remsi %scan3A_82, %rem3A : i32
        %sub3A = arith.constant 1 : i32
        %sub3A_84 = arith.subi %sub3A, %rem3A_83 : i32
        %gt3A = arith.constant 0 : i32
        %gt3A_85 = arith.cmpi sgt, %scan3A_82, %gt3A : i32
        %convert_element_type3A = arith.extui %gt3A_85 : i1 to i32
        %cond3A = arith.constant 0 : i32
        %cond3A_86 = arith.cmpi ne, %convert_element_type3A, %cond3A : i32
        scf.if %cond3A_86 {
          %dma_wait3A_147 = arith.constant 0 : i32
          %dma_wait3A_148 = arith.constant 0 : i32
          %dma_wait3A_149 = tpu.memref_slice %arg11[%sub3A_84, %dma_wait3A_147, %dma_wait3A_148] : memref<2x256x64xbf16, #tpu.memory_space<vmem>> -> memref<1x256x64xbf16, #tpu.memory_space<vmem>>
          %dma_wait3A_150 = tpu.memref_squeeze %dma_wait3A_149 : memref<1x256x64xbf16, #tpu.memory_space<vmem>> -> memref<256x64xbf16, #tpu.memory_space<vmem>>
          %dma_wait3A_151 = arith.constant 0 : i32
          %dma_wait3A_152 = arith.constant 0 : i32
          %dma_wait3A_153 = tpu.memref_slice %arg12[%dma_wait3A_151, %dma_wait3A_152] : memref<50048x64xbf16, #tpu.memory_space<vmem_shared>> -> memref<256x64xbf16, #tpu.memory_space<vmem_shared>>
          %dma_wait3A_154 = tpu.memref_slice %arg14[%sub3A_84] : memref<2x!tpu.dma_semaphore, #tpu.memory_space<semaphore_mem>> -> memref<1x!tpu.dma_semaphore, #tpu.memory_space<semaphore_mem>>
          %dma_wait3A_155 = tpu.memref_squeeze %dma_wait3A_154 : memref<1x!tpu.dma_semaphore, #tpu.memory_space<semaphore_mem>> -> memref<!tpu.dma_semaphore, #tpu.memory_space<semaphore_mem>>
          %dma_wait3A_156 = arith.constant 0 : i32
          %dma_wait3A_157 = arith.constant 0 : i32
          %dma_wait3A_158 = tpu.memref_slice %arg12[%dma_wait3A_156, %dma_wait3A_157] : memref<50048x64xbf16, #tpu.memory_space<vmem_shared>> -> memref<256x64xbf16, #tpu.memory_space<vmem_shared>>
          %dma_wait3A_159 = arith.constant 0 : i32
          %dma_wait3A_160 = arith.constant 0 : i32
          %dma_wait3A_161 = tpu.memref_slice %arg11[%sub3A_84, %dma_wait3A_159, %dma_wait3A_160] : memref<2x256x64xbf16, #tpu.memory_space<vmem>> -> memref<1x256x64xbf16, #tpu.memory_space<vmem>>
          %dma_wait3A_162 = tpu.memref_squeeze %dma_wait3A_161 : memref<1x256x64xbf16, #tpu.memory_space<vmem>> -> memref<256x64xbf16, #tpu.memory_space<vmem>>
          tpu.wait_dma2 semaphore(%dma_wait3A_155 : memref<!tpu.dma_semaphore, #tpu.memory_space<semaphore_mem>>) src(%dma_wait3A_162 : memref<256x64xbf16, #tpu.memory_space<vmem>>) dst(%dma_wait3A_158 : memref<256x64xbf16, #tpu.memory_space<vmem_shared>>)
        } else {
        }
        %add3A_87 = arith.constant 1 : i32
        %add3A_88 = arith.addi %scan3A_82, %add3A_87 : i32
        %lt3A = arith.constant 10 : i32
        %lt3A_89 = arith.cmpi slt, %add3A_88, %lt3A : i32
        %convert_element_type3A_90 = arith.extui %lt3A_89 : i1 to i32
        %cond3A_91 = arith.constant 0 : i32
        %cond3A_92 = arith.cmpi ne, %convert_element_type3A_90, %cond3A_91 : i32
        scf.if %cond3A_92 {
          %add3A_147 = arith.constant 1 : i32
          %add3A_148 = arith.addi %scan3A_82, %add3A_147 : i32
          %mul3A_149 = arith.constant 2 : i32
          %mul3A_150 = arith.muli %add3A_148, %mul3A_149 : i32
          %add3A_151 = arith.constant 0 : i32
          %add3A_152 = arith.addi %mul3A_150, %add3A_151 : i32
          %dma_start3A_153 = arith.constant 0 : i32
          %dma_start3A_154 = arith.constant 0 : i32
          %dma_start3A_155 = tpu.memref_slice %arg11[%sub3A_84, %dma_start3A_153, %dma_start3A_154] : memref<2x256x64xbf16, #tpu.memory_space<vmem>> -> memref<1x128x64xbf16, #tpu.memory_space<vmem>>
          %dma_start3A_156 = tpu.memref_squeeze %dma_start3A_155 : memref<1x128x64xbf16, #tpu.memory_space<vmem>> -> memref<128x64xbf16, #tpu.memory_space<vmem>>
          %dma_start3A_157 = arith.constant 0 : i32
          %dma_start3A_158 = tpu.memref_slice %arg8[%add3A_152, %dma_start3A_157] : memref<20x128xi32, #tpu.memory_space<vmem>> -> memref<1x128xi32, #tpu.memory_space<vmem>>
          %dma_start3A_159 = tpu.memref_squeeze %dma_start3A_158 : memref<1x128xi32, #tpu.memory_space<vmem>> -> memref<128xi32, #tpu.memory_space<vmem>>
          %dma_start3A_160 = arith.constant 0 : i32
          %dma_start3A_161 = arith.constant 0 : i32
          %dma_start3A_162 = tpu.memref_slice %arg2[%dma_start3A_160, %dma_start3A_161] : memref<100000x64xbf16, #tpu.memory_space<hbm>> -> memref<100000x64xbf16, #tpu.memory_space<hbm>>
          %dma_start3A_163 = tpu.memref_slice %arg13[%sub3A_84] : memref<2x!tpu.dma_semaphore, #tpu.memory_space<semaphore_mem>> -> memref<1x!tpu.dma_semaphore, #tpu.memory_space<semaphore_mem>>
          %dma_start3A_164 = tpu.memref_squeeze %dma_start3A_163 : memref<1x!tpu.dma_semaphore, #tpu.memory_space<semaphore_mem>> -> memref<!tpu.dma_semaphore, #tpu.memory_space<semaphore_mem>>
          tpu.enqueue_indirect_dma source(%dma_start3A_162 : memref<100000x64xbf16, #tpu.memory_space<hbm>>) target(%dma_start3A_156 : memref<128x64xbf16, #tpu.memory_space<vmem>>) offsets(%dma_start3A_159 : memref<128xi32, #tpu.memory_space<vmem>>) semaphore(%dma_start3A_164 : memref<!tpu.dma_semaphore, #tpu.memory_space<semaphore_mem>>)
          %add3A_165 = arith.constant 1 : i32
          %add3A_166 = arith.addi %scan3A_82, %add3A_165 : i32
          %mul3A_167 = arith.constant 2 : i32
          %mul3A_168 = arith.muli %add3A_166, %mul3A_167 : i32
          %add3A_169 = arith.constant 1 : i32
          %add3A_170 = arith.addi %mul3A_168, %add3A_169 : i32
          %dma_start3A_171 = arith.constant 128 : i32
          %dma_start3A_172 = arith.constant 0 : i32
          %dma_start3A_173 = tpu.memref_slice %arg11[%sub3A_84, %dma_start3A_171, %dma_start3A_172] : memref<2x256x64xbf16, #tpu.memory_space<vmem>> -> memref<1x128x64xbf16, #tpu.memory_space<vmem>>
          %dma_start3A_174 = tpu.memref_squeeze %dma_start3A_173 : memref<1x128x64xbf16, #tpu.memory_space<vmem>> -> memref<128x64xbf16, #tpu.memory_space<vmem>>
          %dma_start3A_175 = arith.constant 0 : i32
          %dma_start3A_176 = tpu.memref_slice %arg8[%add3A_170, %dma_start3A_175] : memref<20x128xi32, #tpu.memory_space<vmem>> -> memref<1x128xi32, #tpu.memory_space<vmem>>
          %dma_start3A_177 = tpu.memref_squeeze %dma_start3A_176 : memref<1x128xi32, #tpu.memory_space<vmem>> -> memref<128xi32, #tpu.memory_space<vmem>>
          %dma_start3A_178 = arith.constant 0 : i32
          %dma_start3A_179 = arith.constant 0 : i32
          %dma_start3A_180 = tpu.memref_slice %arg2[%dma_start3A_178, %dma_start3A_179] : memref<100000x64xbf16, #tpu.memory_space<hbm>> -> memref<100000x64xbf16, #tpu.memory_space<hbm>>
          %dma_start3A_181 = tpu.memref_slice %arg13[%sub3A_84] : memref<2x!tpu.dma_semaphore, #tpu.memory_space<semaphore_mem>> -> memref<1x!tpu.dma_semaphore, #tpu.memory_space<semaphore_mem>>
          %dma_start3A_182 = tpu.memref_squeeze %dma_start3A_181 : memref<1x!tpu.dma_semaphore, #tpu.memory_space<semaphore_mem>> -> memref<!tpu.dma_semaphore, #tpu.memory_space<semaphore_mem>>
          tpu.enqueue_indirect_dma source(%dma_start3A_180 : memref<100000x64xbf16, #tpu.memory_space<hbm>>) target(%dma_start3A_174 : memref<128x64xbf16, #tpu.memory_space<vmem>>) offsets(%dma_start3A_177 : memref<128xi32, #tpu.memory_space<vmem>>) semaphore(%dma_start3A_182 : memref<!tpu.dma_semaphore, #tpu.memory_space<semaphore_mem>>)
        } else {
        }
        %dma_wait3A_93 = arith.constant 0 : i32
        %dma_wait3A_94 = arith.constant 0 : i32
        %dma_wait3A_95 = tpu.memref_slice %arg11[%rem3A_83, %dma_wait3A_93, %dma_wait3A_94] : memref<2x256x64xbf16, #tpu.memory_space<vmem>> -> memref<1x256x64xbf16, #tpu.memory_space<vmem>>
        %dma_wait3A_96 = tpu.memref_squeeze %dma_wait3A_95 : memref<1x256x64xbf16, #tpu.memory_space<vmem>> -> memref<256x64xbf16, #tpu.memory_space<vmem>>
        %dma_wait3A_97 = arith.constant 0 : i32
        %dma_wait3A_98 = arith.constant 0 : i32
        %dma_wait3A_99 = tpu.memref_slice %arg2[%dma_wait3A_97, %dma_wait3A_98] : memref<100000x64xbf16, #tpu.memory_space<hbm>> -> memref<256x64xbf16, #tpu.memory_space<hbm>>
        %dma_wait3A_100 = tpu.memref_slice %arg13[%rem3A_83] : memref<2x!tpu.dma_semaphore, #tpu.memory_space<semaphore_mem>> -> memref<1x!tpu.dma_semaphore, #tpu.memory_space<semaphore_mem>>
        %dma_wait3A_101 = tpu.memref_squeeze %dma_wait3A_100 : memref<1x!tpu.dma_semaphore, #tpu.memory_space<semaphore_mem>> -> memref<!tpu.dma_semaphore, #tpu.memory_space<semaphore_mem>>
        %dma_wait3A_102 = arith.constant 0 : i32
        %dma_wait3A_103 = arith.constant 0 : i32
        %dma_wait3A_104 = tpu.memref_slice %arg11[%rem3A_83, %dma_wait3A_102, %dma_wait3A_103] : memref<2x256x64xbf16, #tpu.memory_space<vmem>> -> memref<1x256x64xbf16, #tpu.memory_space<vmem>>
        %dma_wait3A_105 = tpu.memref_squeeze %dma_wait3A_104 : memref<1x256x64xbf16, #tpu.memory_space<vmem>> -> memref<256x64xbf16, #tpu.memory_space<vmem>>
        %dma_wait3A_106 = arith.constant 0 : i32
        %dma_wait3A_107 = arith.constant 0 : i32
        %dma_wait3A_108 = tpu.memref_slice %arg2[%dma_wait3A_106, %dma_wait3A_107] : memref<100000x64xbf16, #tpu.memory_space<hbm>> -> memref<256x64xbf16, #tpu.memory_space<hbm>>
        tpu.wait_dma2 semaphore(%dma_wait3A_101 : memref<!tpu.dma_semaphore, #tpu.memory_space<semaphore_mem>>) src(%dma_wait3A_108 : memref<256x64xbf16, #tpu.memory_space<hbm>>) dst(%dma_wait3A_105 : memref<256x64xbf16, #tpu.memory_space<vmem>>)
        %scan3A_109 = arith.constant 0 : i32
        %scan3A_110 = arith.constant 0 : i32
        %scan3A_111 = arith.constant 16 : i32
        %scan3A_112 = arith.addi %scan3A_110, %scan3A_111 : i32
        %scan3A_113 = arith.constant 1 : i32
        scf.for %scan3A_147 = %scan3A_110 to %scan3A_112 step %scan3A_113  : i32 {
          %mul3A_148 = arith.constant 2 : i32
          %mul3A_149 = arith.muli %scan3A_82, %mul3A_148 : i32
          %div3A = arith.constant 8 : i32
          %div3A_150 = arith.divsi %scan3A_147, %div3A : i32
          %add3A_151 = arith.addi %mul3A_149, %div3A_150 : i32
          %rem3A_152 = arith.constant 8 : i32
          %rem3A_153 = arith.remsi %scan3A_147, %rem3A_152 : i32
          %mul3A_154 = arith.constant 16 : i32
          %mul3A_155 = arith.muli %rem3A_153, %mul3A_154 : i32
          %get3A = arith.index_cast %add3A_151 : i32 to index
          %get3A_156 = arith.index_cast %mul3A_155 : i32 to index
          %get3A_157 = tpu.vector_load %arg10[%get3A, %get3A_156] {strides = array<i32>} : memref<20x128xf32, #tpu.memory_space<vmem>>, vector<1x16xf32>,
          %get3A_158 = vector.shape_cast %get3A_157 : vector<1x16xf32> to vector<16xf32>
          %mul3A_159 = arith.constant 16 : i32
          %mul3A_160 = arith.muli %scan3A_147, %mul3A_159 : i32
          %add3A_161 = arith.constant 0 : i32
          %add3A_162 = arith.addi %mul3A_160, %add3A_161 : i32
          %slice3A = vector.extract_strided_slice %get3A_158 {offsets = [0], sizes = [1], strides = [1]} : vector<16xf32> to vector<1xf32>
          %squeeze3A = vector.extract %slice3A[0] : f32 from vector<1xf32>
          %broadcast_in_dim3A = vector.broadcast %squeeze3A : f32 to vector<32xf32>
          %convert_element_type3A_163 = arith.truncf %broadcast_in_dim3A : vector<32xf32> to vector<32xbf16>
          %get3A_164 = arith.index_cast %rem3A_83 : i32 to index
          %get3A_165 = arith.index_cast %add3A_162 : i32 to index
          %get3A_166 = arith.constant 0 : index
          %get3A_167 = tpu.vector_load %arg11[%get3A_164, %get3A_165, %get3A_166] {strides = array<i32>} : memref<2x256x64xbf16, #tpu.memory_space<vmem>>, vector<1x1x32xbf16>,
          %get3A_168 = vector.shape_cast %get3A_167 : vector<1x1x32xbf16> to vector<32xbf16>
          %mul3A_169 = arith.mulf %get3A_168, %convert_element_type3A_163 : vector<32xbf16>
          %swap3A = arith.index_cast %rem3A_83 : i32 to index
          %swap3A_170 = arith.index_cast %add3A_162 : i32 to index
          %swap3A_171 = arith.constant 0 : index
          %swap3A_172 = tpu.vector_load %arg11[%swap3A, %swap3A_170, %swap3A_171] {strides = array<i32>} : memref<2x256x64xbf16, #tpu.memory_space<vmem>>, vector<1x1x32xbf16>,
          %swap3A_173 = vector.shape_cast %swap3A_172 : vector<1x1x32xbf16> to vector<32xbf16>
          %swap3A_174 = vector.shape_cast %mul3A_169 : vector<32xbf16> to vector<1x1x32xbf16>
          tpu.vector_store %arg11[%swap3A, %swap3A_170, %swap3A_171], %swap3A_174 {strides = array<i32>} : memref<2x256x64xbf16, #tpu.memory_space<vmem>>, vector<1x1x32xbf16>,
          %get3A_175 = arith.index_cast %rem3A_83 : i32 to index
          %get3A_176 = arith.index_cast %add3A_162 : i32 to index
          %get3A_177 = arith.constant 32 : index
          %get3A_178 = tpu.vector_load %arg11[%get3A_175, %get3A_176, %get3A_177] {strides = array<i32>} : memref<2x256x64xbf16, #tpu.memory_space<vmem>>, vector<1x1x32xbf16>,
          %get3A_179 = vector.shape_cast %get3A_178 : vector<1x1x32xbf16> to vector<32xbf16>
          %mul3A_180 = arith.mulf %get3A_179, %convert_element_type3A_163 : vector<32xbf16>
          %swap3A_181 = arith.index_cast %rem3A_83 : i32 to index
          %swap3A_182 = arith.index_cast %add3A_162 : i32 to index
          %swap3A_183 = arith.constant 32 : index
          %swap3A_184 = tpu.vector_load %arg11[%swap3A_181, %swap3A_182, %swap3A_183] {strides = array<i32>} : memref<2x256x64xbf16, #tpu.memory_space<vmem>>, vector<1x1x32xbf16>,
          %swap3A_185 = vector.shape_cast %swap3A_184 : vector<1x1x32xbf16> to vector<32xbf16>
          %swap3A_186 = vector.shape_cast %mul3A_180 : vector<32xbf16> to vector<1x1x32xbf16>
          tpu.vector_store %arg11[%swap3A_181, %swap3A_182, %swap3A_183], %swap3A_186 {strides = array<i32>} : memref<2x256x64xbf16, #tpu.memory_space<vmem>>, vector<1x1x32xbf16>,
          %mul3A_187 = arith.constant 16 : i32
          %mul3A_188 = arith.muli %scan3A_147, %mul3A_187 : i32
          %add3A_189 = arith.constant 1 : i32
          %add3A_190 = arith.addi %mul3A_188, %add3A_189 : i32
          %slice3A_191 = vector.extract_strided_slice %get3A_158 {offsets = [1], sizes = [1], strides = [1]} : vector<16xf32> to vector<1xf32>
          %squeeze3A_192 = vector.extract %slice3A_191[0] : f32 from vector<1xf32>
          %broadcast_in_dim3A_193 = vector.broadcast %squeeze3A_192 : f32 to vector<32xf32>
          %convert_element_type3A_194 = arith.truncf %broadcast_in_dim3A_193 : vector<32xf32> to vector<32xbf16>
          %get3A_195 = arith.index_cast %rem3A_83 : i32 to index
          %get3A_196 = arith.index_cast %add3A_190 : i32 to index
          %get3A_197 = arith.constant 0 : index
          %get3A_198 = tpu.vector_load %arg11[%get3A_195, %get3A_196, %get3A_197] {strides = array<i32>} : memref<2x256x64xbf16, #tpu.memory_space<vmem>>, vector<1x1x32xbf16>,
          %get3A_199 = vector.shape_cast %get3A_198 : vector<1x1x32xbf16> to vector<32xbf16>
          %mul3A_200 = arith.mulf %get3A_199, %convert_element_type3A_194 : vector<32xbf16>
          %swap3A_201 = arith.index_cast %rem3A_83 : i32 to index
          %swap3A_202 = arith.index_cast %add3A_190 : i32 to index
          %swap3A_203 = arith.constant 0 : index
          %swap3A_204 = tpu.vector_load %arg11[%swap3A_201, %swap3A_202, %swap3A_203] {strides = array<i32>} : memref<2x256x64xbf16, #tpu.memory_space<vmem>>, vector<1x1x32xbf16>,
          %swap3A_205 = vector.shape_cast %swap3A_204 : vector<1x1x32xbf16> to vector<32xbf16>
          %swap3A_206 = vector.shape_cast %mul3A_200 : vector<32xbf16> to vector<1x1x32xbf16>
          tpu.vector_store %arg11[%swap3A_201, %swap3A_202, %swap3A_203], %swap3A_206 {strides = array<i32>} : memref<2x256x64xbf16, #tpu.memory_space<vmem>>, vector<1x1x32xbf16>,
          %get3A_207 = arith.index_cast %rem3A_83 : i32 to index
          %get3A_208 = arith.index_cast %add3A_190 : i32 to index
          %get3A_209 = arith.constant 32 : index
          %get3A_210 = tpu.vector_load %arg11[%get3A_207, %get3A_208, %get3A_209] {strides = array<i32>} : memref<2x256x64xbf16, #tpu.memory_space<vmem>>, vector<1x1x32xbf16>,
          %get3A_211 = vector.shape_cast %get3A_210 : vector<1x1x32xbf16> to vector<32xbf16>
          %mul3A_212 = arith.mulf %get3A_211, %convert_element_type3A_194 : vector<32xbf16>
          %swap3A_213 = arith.index_cast %rem3A_83 : i32 to index
          %swap3A_214 = arith.index_cast %add3A_190 : i32 to index
          %swap3A_215 = arith.constant 32 : index
          %swap3A_216 = tpu.vector_load %arg11[%swap3A_213, %swap3A_214, %swap3A_215] {strides = array<i32>} : memref<2x256x64xbf16, #tpu.memory_space<vmem>>, vector<1x1x32xbf16>,
          %swap3A_217 = vector.shape_cast %swap3A_216 : vector<1x1x32xbf16> to vector<32xbf16>
          %swap3A_218 = vector.shape_cast %mul3A_212 : vector<32xbf16> to vector<1x1x32xbf16>
          tpu.vector_store %arg11[%swap3A_213, %swap3A_214, %swap3A_215], %swap3A_218 {strides = array<i32>} : memref<2x256x64xbf16, #tpu.memory_space<vmem>>, vector<1x1x32xbf16>,
          %mul3A_219 = arith.constant 16 : i32
          %mul3A_220 = arith.muli %scan3A_147, %mul3A_219 : i32
          %add3A_221 = arith.constant 2 : i32
          %add3A_222 = arith.addi %mul3A_220, %add3A_221 : i32
          %slice3A_223 = vector.extract_strided_slice %get3A_158 {offsets = [2], sizes = [1], strides = [1]} : vector<16xf32> to vector<1xf32>
          %squeeze3A_224 = vector.extract %slice3A_223[0] : f32 from vector<1xf32>
          %broadcast_in_dim3A_225 = vector.broadcast %squeeze3A_224 : f32 to vector<32xf32>
          %convert_element_type3A_226 = arith.truncf %broadcast_in_dim3A_225 : vector<32xf32> to vector<32xbf16>
          %get3A_227 = arith.index_cast %rem3A_83 : i32 to index
          %get3A_228 = arith.index_cast %add3A_222 : i32 to index
          %get3A_229 = arith.constant 0 : index
          %get3A_230 = tpu.vector_load %arg11[%get3A_227, %get3A_228, %get3A_229] {strides = array<i32>} : memref<2x256x64xbf16, #tpu.memory_space<vmem>>, vector<1x1x32xbf16>,
          %get3A_231 = vector.shape_cast %get3A_230 : vector<1x1x32xbf16> to vector<32xbf16>
          %mul3A_232 = arith.mulf %get3A_231, %convert_element_type3A_226 : vector<32xbf16>
          %swap3A_233 = arith.index_cast %rem3A_83 : i32 to index
          %swap3A_234 = arith.index_cast %add3A_222 : i32 to index
          %swap3A_235 = arith.constant 0 : index
          %swap3A_236 = tpu.vector_load %arg11[%swap3A_233, %swap3A_234, %swap3A_235] {strides = array<i32>} : memref<2x256x64xbf16, #tpu.memory_space<vmem>>, vector<1x1x32xbf16>,
          %swap3A_237 = vector.shape_cast %swap3A_236 : vector<1x1x32xbf16> to vector<32xbf16>
          %swap3A_238 = vector.shape_cast %mul3A_232 : vector<32xbf16> to vector<1x1x32xbf16>
          tpu.vector_store %arg11[%swap3A_233, %swap3A_234, %swap3A_235], %swap3A_238 {strides = array<i32>} : memref<2x256x64xbf16, #tpu.memory_space<vmem>>, vector<1x1x32xbf16>,
          %get3A_239 = arith.index_cast %rem3A_83 : i32 to index
          %get3A_240 = arith.index_cast %add3A_222 : i32 to index
          %get3A_241 = arith.constant 32 : index
          %get3A_242 = tpu.vector_load %arg11[%get3A_239, %get3A_240, %get3A_241] {strides = array<i32>} : memref<2x256x64xbf16, #tpu.memory_space<vmem>>, vector<1x1x32xbf16>,
          %get3A_243 = vector.shape_cast %get3A_242 : vector<1x1x32xbf16> to vector<32xbf16>
          %mul3A_244 = arith.mulf %get3A_243, %convert_element_type3A_226 : vector<32xbf16>
          %swap3A_245 = arith.index_cast %rem3A_83 : i32 to index
          %swap3A_246 = arith.index_cast %add3A_222 : i32 to index
          %swap3A_247 = arith.constant 32 : index
          %swap3A_248 = tpu.vector_load %arg11[%swap3A_245, %swap3A_246, %swap3A_247] {strides = array<i32>} : memref<2x256x64xbf16, #tpu.memory_space<vmem>>, vector<1x1x32xbf16>,
          %swap3A_249 = vector.shape_cast %swap3A_248 : vector<1x1x32xbf16> to vector<32xbf16>
          %swap3A_250 = vector.shape_cast %mul3A_244 : vector<32xbf16> to vector<1x1x32xbf16>
          tpu.vector_store %arg11[%swap3A_245, %swap3A_246, %swap3A_247], %swap3A_250 {strides = array<i32>} : memref<2x256x64xbf16, #tpu.memory_space<vmem>>, vector<1x1x32xbf16>,
          %mul3A_251 = arith.constant 16 : i32
          %mul3A_252 = arith.muli %scan3A_147, %mul3A_251 : i32
          %add3A_253 = arith.constant 3 : i32
          %add3A_254 = arith.addi %mul3A_252, %add3A_253 : i32
          %slice3A_255 = vector.extract_strided_slice %get3A_158 {offsets = [3], sizes = [1], strides = [1]} : vector<16xf32> to vector<1xf32>
          %squeeze3A_256 = vector.extract %slice3A_255[0] : f32 from vector<1xf32>
          %broadcast_in_dim3A_257 = vector.broadcast %squeeze3A_256 : f32 to vector<32xf32>
          %convert_element_type3A_258 = arith.truncf %broadcast_in_dim3A_257 : vector<32xf32> to vector<32xbf16>
          %get3A_259 = arith.index_cast %rem3A_83 : i32 to index
          %get3A_260 = arith.index_cast %add3A_254 : i32 to index
          %get3A_261 = arith.constant 0 : index
          %get3A_262 = tpu.vector_load %arg11[%get3A_259, %get3A_260, %get3A_261] {strides = array<i32>} : memref<2x256x64xbf16, #tpu.memory_space<vmem>>, vector<1x1x32xbf16>,
          %get3A_263 = vector.shape_cast %get3A_262 : vector<1x1x32xbf16> to vector<32xbf16>
          %mul3A_264 = arith.mulf %get3A_263, %convert_element_type3A_258 : vector<32xbf16>
          %swap3A_265 = arith.index_cast %rem3A_83 : i32 to index
          %swap3A_266 = arith.index_cast %add3A_254 : i32 to index
          %swap3A_267 = arith.constant 0 : index
          %swap3A_268 = tpu.vector_load %arg11[%swap3A_265, %swap3A_266, %swap3A_267] {strides = array<i32>} : memref<2x256x64xbf16, #tpu.memory_space<vmem>>, vector<1x1x32xbf16>,
          %swap3A_269 = vector.shape_cast %swap3A_268 : vector<1x1x32xbf16> to vector<32xbf16>
          %swap3A_270 = vector.shape_cast %mul3A_264 : vector<32xbf16> to vector<1x1x32xbf16>
          tpu.vector_store %arg11[%swap3A_265, %swap3A_266, %swap3A_267], %swap3A_270 {strides = array<i32>} : memref<2x256x64xbf16, #tpu.memory_space<vmem>>, vector<1x1x32xbf16>,
          %get3A_271 = arith.index_cast %rem3A_83 : i32 to index
          %get3A_272 = arith.index_cast %add3A_254 : i32 to index
          %get3A_273 = arith.constant 32 : index
          %get3A_274 = tpu.vector_load %arg11[%get3A_271, %get3A_272, %get3A_273] {strides = array<i32>} : memref<2x256x64xbf16, #tpu.memory_space<vmem>>, vector<1x1x32xbf16>,
          %get3A_275 = vector.shape_cast %get3A_274 : vector<1x1x32xbf16> to vector<32xbf16>
          %mul3A_276 = arith.mulf %get3A_275, %convert_element_type3A_258 : vector<32xbf16>
          %swap3A_277 = arith.index_cast %rem3A_83 : i32 to index
          %swap3A_278 = arith.index_cast %add3A_254 : i32 to index
          %swap3A_279 = arith.constant 32 : index
          %swap3A_280 = tpu.vector_load %arg11[%swap3A_277, %swap3A_278, %swap3A_279] {strides = array<i32>} : memref<2x256x64xbf16, #tpu.memory_space<vmem>>, vector<1x1x32xbf16>,
          %swap3A_281 = vector.shape_cast %swap3A_280 : vector<1x1x32xbf16> to vector<32xbf16>
          %swap3A_282 = vector.shape_cast %mul3A_276 : vector<32xbf16> to vector<1x1x32xbf16>
          tpu.vector_store %arg11[%swap3A_277, %swap3A_278, %swap3A_279], %swap3A_282 {strides = array<i32>} : memref<2x256x64xbf16, #tpu.memory_space<vmem>>, vector<1x1x32xbf16>,
          %mul3A_283 = arith.constant 16 : i32
          %mul3A_284 = arith.muli %scan3A_147, %mul3A_283 : i32
          %add3A_285 = arith.constant 4 : i32
          %add3A_286 = arith.addi %mul3A_284, %add3A_285 : i32
          %slice3A_287 = vector.extract_strided_slice %get3A_158 {offsets = [4], sizes = [1], strides = [1]} : vector<16xf32> to vector<1xf32>
          %squeeze3A_288 = vector.extract %slice3A_287[0] : f32 from vector<1xf32>
          %broadcast_in_dim3A_289 = vector.broadcast %squeeze3A_288 : f32 to vector<32xf32>
          %convert_element_type3A_290 = arith.truncf %broadcast_in_dim3A_289 : vector<32xf32> to vector<32xbf16>
          %get3A_291 = arith.index_cast %rem3A_83 : i32 to index
          %get3A_292 = arith.index_cast %add3A_286 : i32 to index
          %get3A_293 = arith.constant 0 : index
          %get3A_294 = tpu.vector_load %arg11[%get3A_291, %get3A_292, %get3A_293] {strides = array<i32>} : memref<2x256x64xbf16, #tpu.memory_space<vmem>>, vector<1x1x32xbf16>,
          %get3A_295 = vector.shape_cast %get3A_294 : vector<1x1x32xbf16> to vector<32xbf16>
          %mul3A_296 = arith.mulf %get3A_295, %convert_element_type3A_290 : vector<32xbf16>
          %swap3A_297 = arith.index_cast %rem3A_83 : i32 to index
          %swap3A_298 = arith.index_cast %add3A_286 : i32 to index
          %swap3A_299 = arith.constant 0 : index
          %swap3A_300 = tpu.vector_load %arg11[%swap3A_297, %swap3A_298, %swap3A_299] {strides = array<i32>} : memref<2x256x64xbf16, #tpu.memory_space<vmem>>, vector<1x1x32xbf16>,
          %swap3A_301 = vector.shape_cast %swap3A_300 : vector<1x1x32xbf16> to vector<32xbf16>
          %swap3A_302 = vector.shape_cast %mul3A_296 : vector<32xbf16> to vector<1x1x32xbf16>
          tpu.vector_store %arg11[%swap3A_297, %swap3A_298, %swap3A_299], %swap3A_302 {strides = array<i32>} : memref<2x256x64xbf16, #tpu.memory_space<vmem>>, vector<1x1x32xbf16>,
          %get3A_303 = arith.index_cast %rem3A_83 : i32 to index
          %get3A_304 = arith.index_cast %add3A_286 : i32 to index
          %get3A_305 = arith.constant 32 : index
          %get3A_306 = tpu.vector_load %arg11[%get3A_303, %get3A_304, %get3A_305] {strides = array<i32>} : memref<2x256x64xbf16, #tpu.memory_space<vmem>>, vector<1x1x32xbf16>,
          %get3A_307 = vector.shape_cast %get3A_306 : vector<1x1x32xbf16> to vector<32xbf16>
          %mul3A_308 = arith.mulf %get3A_307, %convert_element_type3A_290 : vector<32xbf16>
          %swap3A_309 = arith.index_cast %rem3A_83 : i32 to index
          %swap3A_310 = arith.index_cast %add3A_286 : i32 to index
          %swap3A_311 = arith.constant 32 : index
          %swap3A_312 = tpu.vector_load %arg11[%swap3A_309, %swap3A_310, %swap3A_311] {strides = array<i32>} : memref<2x256x64xbf16, #tpu.memory_space<vmem>>, vector<1x1x32xbf16>,
          %swap3A_313 = vector.shape_cast %swap3A_312 : vector<1x1x32xbf16> to vector<32xbf16>
          %swap3A_314 = vector.shape_cast %mul3A_308 : vector<32xbf16> to vector<1x1x32xbf16>
          tpu.vector_store %arg11[%swap3A_309, %swap3A_310, %swap3A_311], %swap3A_314 {strides = array<i32>} : memref<2x256x64xbf16, #tpu.memory_space<vmem>>, vector<1x1x32xbf16>,
          %mul3A_315 = arith.constant 16 : i32
          %mul3A_316 = arith.muli %scan3A_147, %mul3A_315 : i32
          %add3A_317 = arith.constant 5 : i32
          %add3A_318 = arith.addi %mul3A_316, %add3A_317 : i32
          %slice3A_319 = vector.extract_strided_slice %get3A_158 {offsets = [5], sizes = [1], strides = [1]} : vector<16xf32> to vector<1xf32>
          %squeeze3A_320 = vector.extract %slice3A_319[0] : f32 from vector<1xf32>
          %broadcast_in_dim3A_321 = vector.broadcast %squeeze3A_320 : f32 to vector<32xf32>
          %convert_element_type3A_322 = arith.truncf %broadcast_in_dim3A_321 : vector<32xf32> to vector<32xbf16>
          %get3A_323 = arith.index_cast %rem3A_83 : i32 to index
          %get3A_324 = arith.index_cast %add3A_318 : i32 to index
          %get3A_325 = arith.constant 0 : index
          %get3A_326 = tpu.vector_load %arg11[%get3A_323, %get3A_324, %get3A_325] {strides = array<i32>} : memref<2x256x64xbf16, #tpu.memory_space<vmem>>, vector<1x1x32xbf16>,
          %get3A_327 = vector.shape_cast %get3A_326 : vector<1x1x32xbf16> to vector<32xbf16>
          %mul3A_328 = arith.mulf %get3A_327, %convert_element_type3A_322 : vector<32xbf16>
          %swap3A_329 = arith.index_cast %rem3A_83 : i32 to index
          %swap3A_330 = arith.index_cast %add3A_318 : i32 to index
          %swap3A_331 = arith.constant 0 : index
          %swap3A_332 = tpu.vector_load %arg11[%swap3A_329, %swap3A_330, %swap3A_331] {strides = array<i32>} : memref<2x256x64xbf16, #tpu.memory_space<vmem>>, vector<1x1x32xbf16>,
          %swap3A_333 = vector.shape_cast %swap3A_332 : vector<1x1x32xbf16> to vector<32xbf16>
          %swap3A_334 = vector.shape_cast %mul3A_328 : vector<32xbf16> to vector<1x1x32xbf16>
          tpu.vector_store %arg11[%swap3A_329, %swap3A_330, %swap3A_331], %swap3A_334 {strides = array<i32>} : memref<2x256x64xbf16, #tpu.memory_space<vmem>>, vector<1x1x32xbf16>,
          %get3A_335 = arith.index_cast %rem3A_83 : i32 to index
          %get3A_336 = arith.index_cast %add3A_318 : i32 to index
          %get3A_337 = arith.constant 32 : index
          %get3A_338 = tpu.vector_load %arg11[%get3A_335, %get3A_336, %get3A_337] {strides = array<i32>} : memref<2x256x64xbf16, #tpu.memory_space<vmem>>, vector<1x1x32xbf16>,
          %get3A_339 = vector.shape_cast %get3A_338 : vector<1x1x32xbf16> to vector<32xbf16>
          %mul3A_340 = arith.mulf %get3A_339, %convert_element_type3A_322 : vector<32xbf16>
          %swap3A_341 = arith.index_cast %rem3A_83 : i32 to index
          %swap3A_342 = arith.index_cast %add3A_318 : i32 to index
          %swap3A_343 = arith.constant 32 : index
          %swap3A_344 = tpu.vector_load %arg11[%swap3A_341, %swap3A_342, %swap3A_343] {strides = array<i32>} : memref<2x256x64xbf16, #tpu.memory_space<vmem>>, vector<1x1x32xbf16>,
          %swap3A_345 = vector.shape_cast %swap3A_344 : vector<1x1x32xbf16> to vector<32xbf16>
          %swap3A_346 = vector.shape_cast %mul3A_340 : vector<32xbf16> to vector<1x1x32xbf16>
          tpu.vector_store %arg11[%swap3A_341, %swap3A_342, %swap3A_343], %swap3A_346 {strides = array<i32>} : memref<2x256x64xbf16, #tpu.memory_space<vmem>>, vector<1x1x32xbf16>,
          %mul3A_347 = arith.constant 16 : i32
          %mul3A_348 = arith.muli %scan3A_147, %mul3A_347 : i32
          %add3A_349 = arith.constant 6 : i32
          %add3A_350 = arith.addi %mul3A_348, %add3A_349 : i32
          %slice3A_351 = vector.extract_strided_slice %get3A_158 {offsets = [6], sizes = [1], strides = [1]} : vector<16xf32> to vector<1xf32>
          %squeeze3A_352 = vector.extract %slice3A_351[0] : f32 from vector<1xf32>
          %broadcast_in_dim3A_353 = vector.broadcast %squeeze3A_352 : f32 to vector<32xf32>
          %convert_element_type3A_354 = arith.truncf %broadcast_in_dim3A_353 : vector<32xf32> to vector<32xbf16>
          %get3A_355 = arith.index_cast %rem3A_83 : i32 to index
          %get3A_356 = arith.index_cast %add3A_350 : i32 to index
          %get3A_357 = arith.constant 0 : index
          %get3A_358 = tpu.vector_load %arg11[%get3A_355, %get3A_356, %get3A_357] {strides = array<i32>} : memref<2x256x64xbf16, #tpu.memory_space<vmem>>, vector<1x1x32xbf16>,
          %get3A_359 = vector.shape_cast %get3A_358 : vector<1x1x32xbf16> to vector<32xbf16>
          %mul3A_360 = arith.mulf %get3A_359, %convert_element_type3A_354 : vector<32xbf16>
          %swap3A_361 = arith.index_cast %rem3A_83 : i32 to index
          %swap3A_362 = arith.index_cast %add3A_350 : i32 to index
          %swap3A_363 = arith.constant 0 : index
          %swap3A_364 = tpu.vector_load %arg11[%swap3A_361, %swap3A_362, %swap3A_363] {strides = array<i32>} : memref<2x256x64xbf16, #tpu.memory_space<vmem>>, vector<1x1x32xbf16>,
          %swap3A_365 = vector.shape_cast %swap3A_364 : vector<1x1x32xbf16> to vector<32xbf16>
          %swap3A_366 = vector.shape_cast %mul3A_360 : vector<32xbf16> to vector<1x1x32xbf16>
          tpu.vector_store %arg11[%swap3A_361, %swap3A_362, %swap3A_363], %swap3A_366 {strides = array<i32>} : memref<2x256x64xbf16, #tpu.memory_space<vmem>>, vector<1x1x32xbf16>,
          %get3A_367 = arith.index_cast %rem3A_83 : i32 to index
          %get3A_368 = arith.index_cast %add3A_350 : i32 to index
          %get3A_369 = arith.constant 32 : index
          %get3A_370 = tpu.vector_load %arg11[%get3A_367, %get3A_368, %get3A_369] {strides = array<i32>} : memref<2x256x64xbf16, #tpu.memory_space<vmem>>, vector<1x1x32xbf16>,
          %get3A_371 = vector.shape_cast %get3A_370 : vector<1x1x32xbf16> to vector<32xbf16>
          %mul3A_372 = arith.mulf %get3A_371, %convert_element_type3A_354 : vector<32xbf16>
          %swap3A_373 = arith.index_cast %rem3A_83 : i32 to index
          %swap3A_374 = arith.index_cast %add3A_350 : i32 to index
          %swap3A_375 = arith.constant 32 : index
          %swap3A_376 = tpu.vector_load %arg11[%swap3A_373, %swap3A_374, %swap3A_375] {strides = array<i32>} : memref<2x256x64xbf16, #tpu.memory_space<vmem>>, vector<1x1x32xbf16>,
          %swap3A_377 = vector.shape_cast %swap3A_376 : vector<1x1x32xbf16> to vector<32xbf16>
          %swap3A_378 = vector.shape_cast %mul3A_372 : vector<32xbf16> to vector<1x1x32xbf16>
          tpu.vector_store %arg11[%swap3A_373, %swap3A_374, %swap3A_375], %swap3A_378 {strides = array<i32>} : memref<2x256x64xbf16, #tpu.memory_space<vmem>>, vector<1x1x32xbf16>,
          %mul3A_379 = arith.constant 16 : i32
          %mul3A_380 = arith.muli %scan3A_147, %mul3A_379 : i32
          %add3A_381 = arith.constant 7 : i32
          %add3A_382 = arith.addi %mul3A_380, %add3A_381 : i32
          %slice3A_383 = vector.extract_strided_slice %get3A_158 {offsets = [7], sizes = [1], strides = [1]} : vector<16xf32> to vector<1xf32>
          %squeeze3A_384 = vector.extract %slice3A_383[0] : f32 from vector<1xf32>
          %broadcast_in_dim3A_385 = vector.broadcast %squeeze3A_384 : f32 to vector<32xf32>
          %convert_element_type3A_386 = arith.truncf %broadcast_in_dim3A_385 : vector<32xf32> to vector<32xbf16>
          %get3A_387 = arith.index_cast %rem3A_83 : i32 to index
          %get3A_388 = arith.index_cast %add3A_382 : i32 to index
          %get3A_389 = arith.constant 0 : index
          %get3A_390 = tpu.vector_load %arg11[%get3A_387, %get3A_388, %get3A_389] {strides = array<i32>} : memref<2x256x64xbf16, #tpu.memory_space<vmem>>, vector<1x1x32xbf16>,
          %get3A_391 = vector.shape_cast %get3A_390 : vector<1x1x32xbf16> to vector<32xbf16>
          %mul3A_392 = arith.mulf %get3A_391, %convert_element_type3A_386 : vector<32xbf16>
          %swap3A_393 = arith.index_cast %rem3A_83 : i32 to index
          %swap3A_394 = arith.index_cast %add3A_382 : i32 to index
          %swap3A_395 = arith.constant 0 : index
          %swap3A_396 = tpu.vector_load %arg11[%swap3A_393, %swap3A_394, %swap3A_395] {strides = array<i32>} : memref<2x256x64xbf16, #tpu.memory_space<vmem>>, vector<1x1x32xbf16>,
          %swap3A_397 = vector.shape_cast %swap3A_396 : vector<1x1x32xbf16> to vector<32xbf16>
          %swap3A_398 = vector.shape_cast %mul3A_392 : vector<32xbf16> to vector<1x1x32xbf16>
          tpu.vector_store %arg11[%swap3A_393, %swap3A_394, %swap3A_395], %swap3A_398 {strides = array<i32>} : memref<2x256x64xbf16, #tpu.memory_space<vmem>>, vector<1x1x32xbf16>,
          %get3A_399 = arith.index_cast %rem3A_83 : i32 to index
          %get3A_400 = arith.index_cast %add3A_382 : i32 to index
          %get3A_401 = arith.constant 32 : index
          %get3A_402 = tpu.vector_load %arg11[%get3A_399, %get3A_400, %get3A_401] {strides = array<i32>} : memref<2x256x64xbf16, #tpu.memory_space<vmem>>, vector<1x1x32xbf16>,
          %get3A_403 = vector.shape_cast %get3A_402 : vector<1x1x32xbf16> to vector<32xbf16>
          %mul3A_404 = arith.mulf %get3A_403, %convert_element_type3A_386 : vector<32xbf16>
          %swap3A_405 = arith.index_cast %rem3A_83 : i32 to index
          %swap3A_406 = arith.index_cast %add3A_382 : i32 to index
          %swap3A_407 = arith.constant 32 : index
          %swap3A_408 = tpu.vector_load %arg11[%swap3A_405, %swap3A_406, %swap3A_407] {strides = array<i32>} : memref<2x256x64xbf16, #tpu.memory_space<vmem>>, vector<1x1x32xbf16>,
          %swap3A_409 = vector.shape_cast %swap3A_408 : vector<1x1x32xbf16> to vector<32xbf16>
          %swap3A_410 = vector.shape_cast %mul3A_404 : vector<32xbf16> to vector<1x1x32xbf16>
          tpu.vector_store %arg11[%swap3A_405, %swap3A_406, %swap3A_407], %swap3A_410 {strides = array<i32>} : memref<2x256x64xbf16, #tpu.memory_space<vmem>>, vector<1x1x32xbf16>,
          %mul3A_411 = arith.constant 16 : i32
          %mul3A_412 = arith.muli %scan3A_147, %mul3A_411 : i32
          %add3A_413 = arith.constant 8 : i32
          %add3A_414 = arith.addi %mul3A_412, %add3A_413 : i32
          %slice3A_415 = vector.extract_strided_slice %get3A_158 {offsets = [8], sizes = [1], strides = [1]} : vector<16xf32> to vector<1xf32>
          %squeeze3A_416 = vector.extract %slice3A_415[0] : f32 from vector<1xf32>
          %broadcast_in_dim3A_417 = vector.broadcast %squeeze3A_416 : f32 to vector<32xf32>
          %convert_element_type3A_418 = arith.truncf %broadcast_in_dim3A_417 : vector<32xf32> to vector<32xbf16>
          %get3A_419 = arith.index_cast %rem3A_83 : i32 to index
          %get3A_420 = arith.index_cast %add3A_414 : i32 to index
          %get3A_421 = arith.constant 0 : index
          %get3A_422 = tpu.vector_load %arg11[%get3A_419, %get3A_420, %get3A_421] {strides = array<i32>} : memref<2x256x64xbf16, #tpu.memory_space<vmem>>, vector<1x1x32xbf16>,
          %get3A_423 = vector.shape_cast %get3A_422 : vector<1x1x32xbf16> to vector<32xbf16>
          %mul3A_424 = arith.mulf %get3A_423, %convert_element_type3A_418 : vector<32xbf16>
          %swap3A_425 = arith.index_cast %rem3A_83 : i32 to index
          %swap3A_426 = arith.index_cast %add3A_414 : i32 to index
          %swap3A_427 = arith.constant 0 : index
          %swap3A_428 = tpu.vector_load %arg11[%swap3A_425, %swap3A_426, %swap3A_427] {strides = array<i32>} : memref<2x256x64xbf16, #tpu.memory_space<vmem>>, vector<1x1x32xbf16>,
          %swap3A_429 = vector.shape_cast %swap3A_428 : vector<1x1x32xbf16> to vector<32xbf16>
          %swap3A_430 = vector.shape_cast %mul3A_424 : vector<32xbf16> to vector<1x1x32xbf16>
          tpu.vector_store %arg11[%swap3A_425, %swap3A_426, %swap3A_427], %swap3A_430 {strides = array<i32>} : memref<2x256x64xbf16, #tpu.memory_space<vmem>>, vector<1x1x32xbf16>,
          %get3A_431 = arith.index_cast %rem3A_83 : i32 to index
          %get3A_432 = arith.index_cast %add3A_414 : i32 to index
          %get3A_433 = arith.constant 32 : index
          %get3A_434 = tpu.vector_load %arg11[%get3A_431, %get3A_432, %get3A_433] {strides = array<i32>} : memref<2x256x64xbf16, #tpu.memory_space<vmem>>, vector<1x1x32xbf16>,
          %get3A_435 = vector.shape_cast %get3A_434 : vector<1x1x32xbf16> to vector<32xbf16>
          %mul3A_436 = arith.mulf %get3A_435, %convert_element_type3A_418 : vector<32xbf16>
          %swap3A_437 = arith.index_cast %rem3A_83 : i32 to index
          %swap3A_438 = arith.index_cast %add3A_414 : i32 to index
          %swap3A_439 = arith.constant 32 : index
          %swap3A_440 = tpu.vector_load %arg11[%swap3A_437, %swap3A_438, %swap3A_439] {strides = array<i32>} : memref<2x256x64xbf16, #tpu.memory_space<vmem>>, vector<1x1x32xbf16>,
          %swap3A_441 = vector.shape_cast %swap3A_440 : vector<1x1x32xbf16> to vector<32xbf16>
          %swap3A_442 = vector.shape_cast %mul3A_436 : vector<32xbf16> to vector<1x1x32xbf16>
          tpu.vector_store %arg11[%swap3A_437, %swap3A_438, %swap3A_439], %swap3A_442 {strides = array<i32>} : memref<2x256x64xbf16, #tpu.memory_space<vmem>>, vector<1x1x32xbf16>,
          %mul3A_443 = arith.constant 16 : i32
          %mul3A_444 = arith.muli %scan3A_147, %mul3A_443 : i32
          %add3A_445 = arith.constant 9 : i32
          %add3A_446 = arith.addi %mul3A_444, %add3A_445 : i32
          %slice3A_447 = vector.extract_strided_slice %get3A_158 {offsets = [9], sizes = [1], strides = [1]} : vector<16xf32> to vector<1xf32>
          %squeeze3A_448 = vector.extract %slice3A_447[0] : f32 from vector<1xf32>
          %broadcast_in_dim3A_449 = vector.broadcast %squeeze3A_448 : f32 to vector<32xf32>
          %convert_element_type3A_450 = arith.truncf %broadcast_in_dim3A_449 : vector<32xf32> to vector<32xbf16>
          %get3A_451 = arith.index_cast %rem3A_83 : i32 to index
          %get3A_452 = arith.index_cast %add3A_446 : i32 to index
          %get3A_453 = arith.constant 0 : index
          %get3A_454 = tpu.vector_load %arg11[%get3A_451, %get3A_452, %get3A_453] {strides = array<i32>} : memref<2x256x64xbf16, #tpu.memory_space<vmem>>, vector<1x1x32xbf16>,
          %get3A_455 = vector.shape_cast %get3A_454 : vector<1x1x32xbf16> to vector<32xbf16>
          %mul3A_456 = arith.mulf %get3A_455, %convert_element_type3A_450 : vector<32xbf16>
          %swap3A_457 = arith.index_cast %rem3A_83 : i32 to index
          %swap3A_458 = arith.index_cast %add3A_446 : i32 to index
          %swap3A_459 = arith.constant 0 : index
          %swap3A_460 = tpu.vector_load %arg11[%swap3A_457, %swap3A_458, %swap3A_459] {strides = array<i32>} : memref<2x256x64xbf16, #tpu.memory_space<vmem>>, vector<1x1x32xbf16>,
          %swap3A_461 = vector.shape_cast %swap3A_460 : vector<1x1x32xbf16> to vector<32xbf16>
          %swap3A_462 = vector.shape_cast %mul3A_456 : vector<32xbf16> to vector<1x1x32xbf16>
          tpu.vector_store %arg11[%swap3A_457, %swap3A_458, %swap3A_459], %swap3A_462 {strides = array<i32>} : memref<2x256x64xbf16, #tpu.memory_space<vmem>>, vector<1x1x32xbf16>,
          %get3A_463 = arith.index_cast %rem3A_83 : i32 to index
          %get3A_464 = arith.index_cast %add3A_446 : i32 to index
          %get3A_465 = arith.constant 32 : index
          %get3A_466 = tpu.vector_load %arg11[%get3A_463, %get3A_464, %get3A_465] {strides = array<i32>} : memref<2x256x64xbf16, #tpu.memory_space<vmem>>, vector<1x1x32xbf16>,
          %get3A_467 = vector.shape_cast %get3A_466 : vector<1x1x32xbf16> to vector<32xbf16>
          %mul3A_468 = arith.mulf %get3A_467, %convert_element_type3A_450 : vector<32xbf16>
          %swap3A_469 = arith.index_cast %rem3A_83 : i32 to index
          %swap3A_470 = arith.index_cast %add3A_446 : i32 to index
          %swap3A_471 = arith.constant 32 : index
          %swap3A_472 = tpu.vector_load %arg11[%swap3A_469, %swap3A_470, %swap3A_471] {strides = array<i32>} : memref<2x256x64xbf16, #tpu.memory_space<vmem>>, vector<1x1x32xbf16>,
          %swap3A_473 = vector.shape_cast %swap3A_472 : vector<1x1x32xbf16> to vector<32xbf16>
          %swap3A_474 = vector.shape_cast %mul3A_468 : vector<32xbf16> to vector<1x1x32xbf16>
          tpu.vector_store %arg11[%swap3A_469, %swap3A_470, %swap3A_471], %swap3A_474 {strides = array<i32>} : memref<2x256x64xbf16, #tpu.memory_space<vmem>>, vector<1x1x32xbf16>,
          %mul3A_475 = arith.constant 16 : i32
          %mul3A_476 = arith.muli %scan3A_147, %mul3A_475 : i32
          %add3A_477 = arith.constant 10 : i32
          %add3A_478 = arith.addi %mul3A_476, %add3A_477 : i32
          %slice3A_479 = vector.extract_strided_slice %get3A_158 {offsets = [10], sizes = [1], strides = [1]} : vector<16xf32> to vector<1xf32>
          %squeeze3A_480 = vector.extract %slice3A_479[0] : f32 from vector<1xf32>
          %broadcast_in_dim3A_481 = vector.broadcast %squeeze3A_480 : f32 to vector<32xf32>
          %convert_element_type3A_482 = arith.truncf %broadcast_in_dim3A_481 : vector<32xf32> to vector<32xbf16>
          %get3A_483 = arith.index_cast %rem3A_83 : i32 to index
          %get3A_484 = arith.index_cast %add3A_478 : i32 to index
          %get3A_485 = arith.constant 0 : index
          %get3A_486 = tpu.vector_load %arg11[%get3A_483, %get3A_484, %get3A_485] {strides = array<i32>} : memref<2x256x64xbf16, #tpu.memory_space<vmem>>, vector<1x1x32xbf16>,
          %get3A_487 = vector.shape_cast %get3A_486 : vector<1x1x32xbf16> to vector<32xbf16>
          %mul3A_488 = arith.mulf %get3A_487, %convert_element_type3A_482 : vector<32xbf16>
          %swap3A_489 = arith.index_cast %rem3A_83 : i32 to index
          %swap3A_490 = arith.index_cast %add3A_478 : i32 to index
          %swap3A_491 = arith.constant 0 : index
          %swap3A_492 = tpu.vector_load %arg11[%swap3A_489, %swap3A_490, %swap3A_491] {strides = array<i32>} : memref<2x256x64xbf16, #tpu.memory_space<vmem>>, vector<1x1x32xbf16>,
          %swap3A_493 = vector.shape_cast %swap3A_492 : vector<1x1x32xbf16> to vector<32xbf16>
          %swap3A_494 = vector.shape_cast %mul3A_488 : vector<32xbf16> to vector<1x1x32xbf16>
          tpu.vector_store %arg11[%swap3A_489, %swap3A_490, %swap3A_491], %swap3A_494 {strides = array<i32>} : memref<2x256x64xbf16, #tpu.memory_space<vmem>>, vector<1x1x32xbf16>,
          %get3A_495 = arith.index_cast %rem3A_83 : i32 to index
          %get3A_496 = arith.index_cast %add3A_478 : i32 to index
          %get3A_497 = arith.constant 32 : index
          %get3A_498 = tpu.vector_load %arg11[%get3A_495, %get3A_496, %get3A_497] {strides = array<i32>} : memref<2x256x64xbf16, #tpu.memory_space<vmem>>, vector<1x1x32xbf16>,
          %get3A_499 = vector.shape_cast %get3A_498 : vector<1x1x32xbf16> to vector<32xbf16>
          %mul3A_500 = arith.mulf %get3A_499, %convert_element_type3A_482 : vector<32xbf16>
          %swap3A_501 = arith.index_cast %rem3A_83 : i32 to index
          %swap3A_502 = arith.index_cast %add3A_478 : i32 to index
          %swap3A_503 = arith.constant 32 : index
          %swap3A_504 = tpu.vector_load %arg11[%swap3A_501, %swap3A_502, %swap3A_503] {strides = array<i32>} : memref<2x256x64xbf16, #tpu.memory_space<vmem>>, vector<1x1x32xbf16>,
          %swap3A_505 = vector.shape_cast %swap3A_504 : vector<1x1x32xbf16> to vector<32xbf16>
          %swap3A_506 = vector.shape_cast %mul3A_500 : vector<32xbf16> to vector<1x1x32xbf16>
          tpu.vector_store %arg11[%swap3A_501, %swap3A_502, %swap3A_503], %swap3A_506 {strides = array<i32>} : memref<2x256x64xbf16, #tpu.memory_space<vmem>>, vector<1x1x32xbf16>,
          %mul3A_507 = arith.constant 16 : i32
          %mul3A_508 = arith.muli %scan3A_147, %mul3A_507 : i32
          %add3A_509 = arith.constant 11 : i32
          %add3A_510 = arith.addi %mul3A_508, %add3A_509 : i32
          %slice3A_511 = vector.extract_strided_slice %get3A_158 {offsets = [11], sizes = [1], strides = [1]} : vector<16xf32> to vector<1xf32>
          %squeeze3A_512 = vector.extract %slice3A_511[0] : f32 from vector<1xf32>
          %broadcast_in_dim3A_513 = vector.broadcast %squeeze3A_512 : f32 to vector<32xf32>
          %convert_element_type3A_514 = arith.truncf %broadcast_in_dim3A_513 : vector<32xf32> to vector<32xbf16>
          %get3A_515 = arith.index_cast %rem3A_83 : i32 to index
          %get3A_516 = arith.index_cast %add3A_510 : i32 to index
          %get3A_517 = arith.constant 0 : index
          %get3A_518 = tpu.vector_load %arg11[%get3A_515, %get3A_516, %get3A_517] {strides = array<i32>} : memref<2x256x64xbf16, #tpu.memory_space<vmem>>, vector<1x1x32xbf16>,
          %get3A_519 = vector.shape_cast %get3A_518 : vector<1x1x32xbf16> to vector<32xbf16>
          %mul3A_520 = arith.mulf %get3A_519, %convert_element_type3A_514 : vector<32xbf16>
          %swap3A_521 = arith.index_cast %rem3A_83 : i32 to index
          %swap3A_522 = arith.index_cast %add3A_510 : i32 to index
          %swap3A_523 = arith.constant 0 : index
          %swap3A_524 = tpu.vector_load %arg11[%swap3A_521, %swap3A_522, %swap3A_523] {strides = array<i32>} : memref<2x256x64xbf16, #tpu.memory_space<vmem>>, vector<1x1x32xbf16>,
          %swap3A_525 = vector.shape_cast %swap3A_524 : vector<1x1x32xbf16> to vector<32xbf16>
          %swap3A_526 = vector.shape_cast %mul3A_520 : vector<32xbf16> to vector<1x1x32xbf16>
          tpu.vector_store %arg11[%swap3A_521, %swap3A_522, %swap3A_523], %swap3A_526 {strides = array<i32>} : memref<2x256x64xbf16, #tpu.memory_space<vmem>>, vector<1x1x32xbf16>,
          %get3A_527 = arith.index_cast %rem3A_83 : i32 to index
          %get3A_528 = arith.index_cast %add3A_510 : i32 to index
          %get3A_529 = arith.constant 32 : index
          %get3A_530 = tpu.vector_load %arg11[%get3A_527, %get3A_528, %get3A_529] {strides = array<i32>} : memref<2x256x64xbf16, #tpu.memory_space<vmem>>, vector<1x1x32xbf16>,
          %get3A_531 = vector.shape_cast %get3A_530 : vector<1x1x32xbf16> to vector<32xbf16>
          %mul3A_532 = arith.mulf %get3A_531, %convert_element_type3A_514 : vector<32xbf16>
          %swap3A_533 = arith.index_cast %rem3A_83 : i32 to index
          %swap3A_534 = arith.index_cast %add3A_510 : i32 to index
          %swap3A_535 = arith.constant 32 : index
          %swap3A_536 = tpu.vector_load %arg11[%swap3A_533, %swap3A_534, %swap3A_535] {strides = array<i32>} : memref<2x256x64xbf16, #tpu.memory_space<vmem>>, vector<1x1x32xbf16>,
          %swap3A_537 = vector.shape_cast %swap3A_536 : vector<1x1x32xbf16> to vector<32xbf16>
          %swap3A_538 = vector.shape_cast %mul3A_532 : vector<32xbf16> to vector<1x1x32xbf16>
          tpu.vector_store %arg11[%swap3A_533, %swap3A_534, %swap3A_535], %swap3A_538 {strides = array<i32>} : memref<2x256x64xbf16, #tpu.memory_space<vmem>>, vector<1x1x32xbf16>,
          %mul3A_539 = arith.constant 16 : i32
          %mul3A_540 = arith.muli %scan3A_147, %mul3A_539 : i32
          %add3A_541 = arith.constant 12 : i32
          %add3A_542 = arith.addi %mul3A_540, %add3A_541 : i32
          %slice3A_543 = vector.extract_strided_slice %get3A_158 {offsets = [12], sizes = [1], strides = [1]} : vector<16xf32> to vector<1xf32>
          %squeeze3A_544 = vector.extract %slice3A_543[0] : f32 from vector<1xf32>
          %broadcast_in_dim3A_545 = vector.broadcast %squeeze3A_544 : f32 to vector<32xf32>
          %convert_element_type3A_546 = arith.truncf %broadcast_in_dim3A_545 : vector<32xf32> to vector<32xbf16>
          %get3A_547 = arith.index_cast %rem3A_83 : i32 to index
          %get3A_548 = arith.index_cast %add3A_542 : i32 to index
          %get3A_549 = arith.constant 0 : index
          %get3A_550 = tpu.vector_load %arg11[%get3A_547, %get3A_548, %get3A_549] {strides = array<i32>} : memref<2x256x64xbf16, #tpu.memory_space<vmem>>, vector<1x1x32xbf16>,
          %get3A_551 = vector.shape_cast %get3A_550 : vector<1x1x32xbf16> to vector<32xbf16>
          %mul3A_552 = arith.mulf %get3A_551, %convert_element_type3A_546 : vector<32xbf16>
          %swap3A_553 = arith.index_cast %rem3A_83 : i32 to index
          %swap3A_554 = arith.index_cast %add3A_542 : i32 to index
          %swap3A_555 = arith.constant 0 : index
          %swap3A_556 = tpu.vector_load %arg11[%swap3A_553, %swap3A_554, %swap3A_555] {strides = array<i32>} : memref<2x256x64xbf16, #tpu.memory_space<vmem>>, vector<1x1x32xbf16>,
          %swap3A_557 = vector.shape_cast %swap3A_556 : vector<1x1x32xbf16> to vector<32xbf16>
          %swap3A_558 = vector.shape_cast %mul3A_552 : vector<32xbf16> to vector<1x1x32xbf16>
          tpu.vector_store %arg11[%swap3A_553, %swap3A_554, %swap3A_555], %swap3A_558 {strides = array<i32>} : memref<2x256x64xbf16, #tpu.memory_space<vmem>>, vector<1x1x32xbf16>,
          %get3A_559 = arith.index_cast %rem3A_83 : i32 to index
          %get3A_560 = arith.index_cast %add3A_542 : i32 to index
          %get3A_561 = arith.constant 32 : index
          %get3A_562 = tpu.vector_load %arg11[%get3A_559, %get3A_560, %get3A_561] {strides = array<i32>} : memref<2x256x64xbf16, #tpu.memory_space<vmem>>, vector<1x1x32xbf16>,
          %get3A_563 = vector.shape_cast %get3A_562 : vector<1x1x32xbf16> to vector<32xbf16>
          %mul3A_564 = arith.mulf %get3A_563, %convert_element_type3A_546 : vector<32xbf16>
          %swap3A_565 = arith.index_cast %rem3A_83 : i32 to index
          %swap3A_566 = arith.index_cast %add3A_542 : i32 to index
          %swap3A_567 = arith.constant 32 : index
          %swap3A_568 = tpu.vector_load %arg11[%swap3A_565, %swap3A_566, %swap3A_567] {strides = array<i32>} : memref<2x256x64xbf16, #tpu.memory_space<vmem>>, vector<1x1x32xbf16>,
          %swap3A_569 = vector.shape_cast %swap3A_568 : vector<1x1x32xbf16> to vector<32xbf16>
          %swap3A_570 = vector.shape_cast %mul3A_564 : vector<32xbf16> to vector<1x1x32xbf16>
          tpu.vector_store %arg11[%swap3A_565, %swap3A_566, %swap3A_567], %swap3A_570 {strides = array<i32>} : memref<2x256x64xbf16, #tpu.memory_space<vmem>>, vector<1x1x32xbf16>,
          %mul3A_571 = arith.constant 16 : i32
          %mul3A_572 = arith.muli %scan3A_147, %mul3A_571 : i32
          %add3A_573 = arith.constant 13 : i32
          %add3A_574 = arith.addi %mul3A_572, %add3A_573 : i32
          %slice3A_575 = vector.extract_strided_slice %get3A_158 {offsets = [13], sizes = [1], strides = [1]} : vector<16xf32> to vector<1xf32>
          %squeeze3A_576 = vector.extract %slice3A_575[0] : f32 from vector<1xf32>
          %broadcast_in_dim3A_577 = vector.broadcast %squeeze3A_576 : f32 to vector<32xf32>
          %convert_element_type3A_578 = arith.truncf %broadcast_in_dim3A_577 : vector<32xf32> to vector<32xbf16>
          %get3A_579 = arith.index_cast %rem3A_83 : i32 to index
          %get3A_580 = arith.index_cast %add3A_574 : i32 to index
          %get3A_581 = arith.constant 0 : index
          %get3A_582 = tpu.vector_load %arg11[%get3A_579, %get3A_580, %get3A_581] {strides = array<i32>} : memref<2x256x64xbf16, #tpu.memory_space<vmem>>, vector<1x1x32xbf16>,
          %get3A_583 = vector.shape_cast %get3A_582 : vector<1x1x32xbf16> to vector<32xbf16>
          %mul3A_584 = arith.mulf %get3A_583, %convert_element_type3A_578 : vector<32xbf16>
          %swap3A_585 = arith.index_cast %rem3A_83 : i32 to index
          %swap3A_586 = arith.index_cast %add3A_574 : i32 to index
          %swap3A_587 = arith.constant 0 : index
          %swap3A_588 = tpu.vector_load %arg11[%swap3A_585, %swap3A_586, %swap3A_587] {strides = array<i32>} : memref<2x256x64xbf16, #tpu.memory_space<vmem>>, vector<1x1x32xbf16>,
          %swap3A_589 = vector.shape_cast %swap3A_588 : vector<1x1x32xbf16> to vector<32xbf16>
          %swap3A_590 = vector.shape_cast %mul3A_584 : vector<32xbf16> to vector<1x1x32xbf16>
          tpu.vector_store %arg11[%swap3A_585, %swap3A_586, %swap3A_587], %swap3A_590 {strides = array<i32>} : memref<2x256x64xbf16, #tpu.memory_space<vmem>>, vector<1x1x32xbf16>,
          %get3A_591 = arith.index_cast %rem3A_83 : i32 to index
          %get3A_592 = arith.index_cast %add3A_574 : i32 to index
          %get3A_593 = arith.constant 32 : index
          %get3A_594 = tpu.vector_load %arg11[%get3A_591, %get3A_592, %get3A_593] {strides = array<i32>} : memref<2x256x64xbf16, #tpu.memory_space<vmem>>, vector<1x1x32xbf16>,
          %get3A_595 = vector.shape_cast %get3A_594 : vector<1x1x32xbf16> to vector<32xbf16>
          %mul3A_596 = arith.mulf %get3A_595, %convert_element_type3A_578 : vector<32xbf16>
          %swap3A_597 = arith.index_cast %rem3A_83 : i32 to index
          %swap3A_598 = arith.index_cast %add3A_574 : i32 to index
          %swap3A_599 = arith.constant 32 : index
          %swap3A_600 = tpu.vector_load %arg11[%swap3A_597, %swap3A_598, %swap3A_599] {strides = array<i32>} : memref<2x256x64xbf16, #tpu.memory_space<vmem>>, vector<1x1x32xbf16>,
          %swap3A_601 = vector.shape_cast %swap3A_600 : vector<1x1x32xbf16> to vector<32xbf16>
          %swap3A_602 = vector.shape_cast %mul3A_596 : vector<32xbf16> to vector<1x1x32xbf16>
          tpu.vector_store %arg11[%swap3A_597, %swap3A_598, %swap3A_599], %swap3A_602 {strides = array<i32>} : memref<2x256x64xbf16, #tpu.memory_space<vmem>>, vector<1x1x32xbf16>,
          %mul3A_603 = arith.constant 16 : i32
          %mul3A_604 = arith.muli %scan3A_147, %mul3A_603 : i32
          %add3A_605 = arith.constant 14 : i32
          %add3A_606 = arith.addi %mul3A_604, %add3A_605 : i32
          %slice3A_607 = vector.extract_strided_slice %get3A_158 {offsets = [14], sizes = [1], strides = [1]} : vector<16xf32> to vector<1xf32>
          %squeeze3A_608 = vector.extract %slice3A_607[0] : f32 from vector<1xf32>
          %broadcast_in_dim3A_609 = vector.broadcast %squeeze3A_608 : f32 to vector<32xf32>
          %convert_element_type3A_610 = arith.truncf %broadcast_in_dim3A_609 : vector<32xf32> to vector<32xbf16>
          %get3A_611 = arith.index_cast %rem3A_83 : i32 to index
          %get3A_612 = arith.index_cast %add3A_606 : i32 to index
          %get3A_613 = arith.constant 0 : index
          %get3A_614 = tpu.vector_load %arg11[%get3A_611, %get3A_612, %get3A_613] {strides = array<i32>} : memref<2x256x64xbf16, #tpu.memory_space<vmem>>, vector<1x1x32xbf16>,
          %get3A_615 = vector.shape_cast %get3A_614 : vector<1x1x32xbf16> to vector<32xbf16>
          %mul3A_616 = arith.mulf %get3A_615, %convert_element_type3A_610 : vector<32xbf16>
          %swap3A_617 = arith.index_cast %rem3A_83 : i32 to index
          %swap3A_618 = arith.index_cast %add3A_606 : i32 to index
          %swap3A_619 = arith.constant 0 : index
          %swap3A_620 = tpu.vector_load %arg11[%swap3A_617, %swap3A_618, %swap3A_619] {strides = array<i32>} : memref<2x256x64xbf16, #tpu.memory_space<vmem>>, vector<1x1x32xbf16>,
          %swap3A_621 = vector.shape_cast %swap3A_620 : vector<1x1x32xbf16> to vector<32xbf16>
          %swap3A_622 = vector.shape_cast %mul3A_616 : vector<32xbf16> to vector<1x1x32xbf16>
          tpu.vector_store %arg11[%swap3A_617, %swap3A_618, %swap3A_619], %swap3A_622 {strides = array<i32>} : memref<2x256x64xbf16, #tpu.memory_space<vmem>>, vector<1x1x32xbf16>,
          %get3A_623 = arith.index_cast %rem3A_83 : i32 to index
          %get3A_624 = arith.index_cast %add3A_606 : i32 to index
          %get3A_625 = arith.constant 32 : index
          %get3A_626 = tpu.vector_load %arg11[%get3A_623, %get3A_624, %get3A_625] {strides = array<i32>} : memref<2x256x64xbf16, #tpu.memory_space<vmem>>, vector<1x1x32xbf16>,
          %get3A_627 = vector.shape_cast %get3A_626 : vector<1x1x32xbf16> to vector<32xbf16>
          %mul3A_628 = arith.mulf %get3A_627, %convert_element_type3A_610 : vector<32xbf16>
          %swap3A_629 = arith.index_cast %rem3A_83 : i32 to index
          %swap3A_630 = arith.index_cast %add3A_606 : i32 to index
          %swap3A_631 = arith.constant 32 : index
          %swap3A_632 = tpu.vector_load %arg11[%swap3A_629, %swap3A_630, %swap3A_631] {strides = array<i32>} : memref<2x256x64xbf16, #tpu.memory_space<vmem>>, vector<1x1x32xbf16>,
          %swap3A_633 = vector.shape_cast %swap3A_632 : vector<1x1x32xbf16> to vector<32xbf16>
          %swap3A_634 = vector.shape_cast %mul3A_628 : vector<32xbf16> to vector<1x1x32xbf16>
          tpu.vector_store %arg11[%swap3A_629, %swap3A_630, %swap3A_631], %swap3A_634 {strides = array<i32>} : memref<2x256x64xbf16, #tpu.memory_space<vmem>>, vector<1x1x32xbf16>,
          %mul3A_635 = arith.constant 16 : i32
          %mul3A_636 = arith.muli %scan3A_147, %mul3A_635 : i32
          %add3A_637 = arith.constant 15 : i32
          %add3A_638 = arith.addi %mul3A_636, %add3A_637 : i32
          %slice3A_639 = vector.extract_strided_slice %get3A_158 {offsets = [15], sizes = [1], strides = [1]} : vector<16xf32> to vector<1xf32>
          %squeeze3A_640 = vector.extract %slice3A_639[0] : f32 from vector<1xf32>
          %broadcast_in_dim3A_641 = vector.broadcast %squeeze3A_640 : f32 to vector<32xf32>
          %convert_element_type3A_642 = arith.truncf %broadcast_in_dim3A_641 : vector<32xf32> to vector<32xbf16>
          %get3A_643 = arith.index_cast %rem3A_83 : i32 to index
          %get3A_644 = arith.index_cast %add3A_638 : i32 to index
          %get3A_645 = arith.constant 0 : index
          %get3A_646 = tpu.vector_load %arg11[%get3A_643, %get3A_644, %get3A_645] {strides = array<i32>} : memref<2x256x64xbf16, #tpu.memory_space<vmem>>, vector<1x1x32xbf16>,
          %get3A_647 = vector.shape_cast %get3A_646 : vector<1x1x32xbf16> to vector<32xbf16>
          %mul3A_648 = arith.mulf %get3A_647, %convert_element_type3A_642 : vector<32xbf16>
          %swap3A_649 = arith.index_cast %rem3A_83 : i32 to index
          %swap3A_650 = arith.index_cast %add3A_638 : i32 to index
          %swap3A_651 = arith.constant 0 : index
          %swap3A_652 = tpu.vector_load %arg11[%swap3A_649, %swap3A_650, %swap3A_651] {strides = array<i32>} : memref<2x256x64xbf16, #tpu.memory_space<vmem>>, vector<1x1x32xbf16>,
          %swap3A_653 = vector.shape_cast %swap3A_652 : vector<1x1x32xbf16> to vector<32xbf16>
          %swap3A_654 = vector.shape_cast %mul3A_648 : vector<32xbf16> to vector<1x1x32xbf16>
          tpu.vector_store %arg11[%swap3A_649, %swap3A_650, %swap3A_651], %swap3A_654 {strides = array<i32>} : memref<2x256x64xbf16, #tpu.memory_space<vmem>>, vector<1x1x32xbf16>,
          %get3A_655 = arith.index_cast %rem3A_83 : i32 to index
          %get3A_656 = arith.index_cast %add3A_638 : i32 to index
          %get3A_657 = arith.constant 32 : index
          %get3A_658 = tpu.vector_load %arg11[%get3A_655, %get3A_656, %get3A_657] {strides = array<i32>} : memref<2x256x64xbf16, #tpu.memory_space<vmem>>, vector<1x1x32xbf16>,
          %get3A_659 = vector.shape_cast %get3A_658 : vector<1x1x32xbf16> to vector<32xbf16>
          %mul3A_660 = arith.mulf %get3A_659, %convert_element_type3A_642 : vector<32xbf16>
          %swap3A_661 = arith.index_cast %rem3A_83 : i32 to index
          %swap3A_662 = arith.index_cast %add3A_638 : i32 to index
          %swap3A_663 = arith.constant 32 : index
          %swap3A_664 = tpu.vector_load %arg11[%swap3A_661, %swap3A_662, %swap3A_663] {strides = array<i32>} : memref<2x256x64xbf16, #tpu.memory_space<vmem>>, vector<1x1x32xbf16>,
          %swap3A_665 = vector.shape_cast %swap3A_664 : vector<1x1x32xbf16> to vector<32xbf16>
          %swap3A_666 = vector.shape_cast %mul3A_660 : vector<32xbf16> to vector<1x1x32xbf16>
          tpu.vector_store %arg11[%swap3A_661, %swap3A_662, %swap3A_663], %swap3A_666 {strides = array<i32>} : memref<2x256x64xbf16, #tpu.memory_space<vmem>>, vector<1x1x32xbf16>,
        }
        %scan3A_114 = arith.constant 16 : i32
        %mul3A_115 = arith.constant 2 : i32
        %mul3A_116 = arith.muli %scan3A_82, %mul3A_115 : i32
        %add3A_117 = arith.constant 0 : i32
        %add3A_118 = arith.addi %mul3A_116, %add3A_117 : i32
        %dma_start3A_119 = arith.constant 0 : i32
        %dma_start3A_120 = arith.constant 0 : i32
        %dma_start3A_121 = tpu.memref_slice %arg11[%rem3A_83, %dma_start3A_119, %dma_start3A_120] : memref<2x256x64xbf16, #tpu.memory_space<vmem>> -> memref<1x128x64xbf16, #tpu.memory_space<vmem>>
        %dma_start3A_122 = tpu.memref_squeeze %dma_start3A_121 : memref<1x128x64xbf16, #tpu.memory_space<vmem>> -> memref<128x64xbf16, #tpu.memory_space<vmem>>
        %dma_start3A_123 = arith.constant 0 : i32
        %dma_start3A_124 = tpu.memref_slice %arg9[%add3A_118, %dma_start3A_123] : memref<20x128xi32, #tpu.memory_space<vmem>> -> memref<1x128xi32, #tpu.memory_space<vmem>>
        %dma_start3A_125 = tpu.memref_squeeze %dma_start3A_124 : memref<1x128xi32, #tpu.memory_space<vmem>> -> memref<128xi32, #tpu.memory_space<vmem>>
        %dma_start3A_126 = arith.constant 0 : i32
        %dma_start3A_127 = arith.constant 0 : i32
        %dma_start3A_128 = tpu.memref_slice %arg12[%dma_start3A_126, %dma_start3A_127] : memref<50048x64xbf16, #tpu.memory_space<vmem_shared>> -> memref<50048x64xbf16, #tpu.memory_space<vmem_shared>>
        %dma_start3A_129 = tpu.memref_slice %arg14[%rem3A_83] : memref<2x!tpu.dma_semaphore, #tpu.memory_space<semaphore_mem>> -> memref<1x!tpu.dma_semaphore, #tpu.memory_space<semaphore_mem>>
        %dma_start3A_130 = tpu.memref_squeeze %dma_start3A_129 : memref<1x!tpu.dma_semaphore, #tpu.memory_space<semaphore_mem>> -> memref<!tpu.dma_semaphore, #tpu.memory_space<semaphore_mem>>
        tpu.enqueue_indirect_dma source(%dma_start3A_122 : memref<128x64xbf16, #tpu.memory_space<vmem>>) target(%dma_start3A_128 : memref<50048x64xbf16, #tpu.memory_space<vmem_shared>>) offsets(%dma_start3A_125 : memref<128xi32, #tpu.memory_space<vmem>>) semaphore(%dma_start3A_130 : memref<!tpu.dma_semaphore, #tpu.memory_space<semaphore_mem>>) {add = true}
        %mul3A_131 = arith.constant 2 : i32
        %mul3A_132 = arith.muli %scan3A_82, %mul3A_131 : i32
        %add3A_133 = arith.constant 1 : i32
        %add3A_134 = arith.addi %mul3A_132, %add3A_133 : i32
        %dma_start3A_135 = arith.constant 128 : i32
        %dma_start3A_136 = arith.constant 0 : i32
        %dma_start3A_137 = tpu.memref_slice %arg11[%rem3A_83, %dma_start3A_135, %dma_start3A_136] : memref<2x256x64xbf16, #tpu.memory_space<vmem>> -> memref<1x128x64xbf16, #tpu.memory_space<vmem>>
        %dma_start3A_138 = tpu.memref_squeeze %dma_start3A_137 : memref<1x128x64xbf16, #tpu.memory_space<vmem>> -> memref<128x64xbf16, #tpu.memory_space<vmem>>
        %dma_start3A_139 = arith.constant 0 : i32
        %dma_start3A_140 = tpu.memref_slice %arg9[%add3A_134, %dma_start3A_139] : memref<20x128xi32, #tpu.memory_space<vmem>> -> memref<1x128xi32, #tpu.memory_space<vmem>>
        %dma_start3A_141 = tpu.memref_squeeze %dma_start3A_140 : memref<1x128xi32, #tpu.memory_space<vmem>> -> memref<128xi32, #tpu.memory_space<vmem>>
        %dma_start3A_142 = arith.constant 0 : i32
        %dma_start3A_143 = arith.constant 0 : i32
        %dma_start3A_144 = tpu.memref_slice %arg12[%dma_start3A_142, %dma_start3A_143] : memref<50048x64xbf16, #tpu.memory_space<vmem_shared>> -> memref<50048x64xbf16, #tpu.memory_space<vmem_shared>>
        %dma_start3A_145 = tpu.memref_slice %arg14[%rem3A_83] : memref<2x!tpu.dma_semaphore, #tpu.memory_space<semaphore_mem>> -> memref<1x!tpu.dma_semaphore, #tpu.memory_space<semaphore_mem>>
        %dma_start3A_146 = tpu.memref_squeeze %dma_start3A_145 : memref<1x!tpu.dma_semaphore, #tpu.memory_space<semaphore_mem>> -> memref<!tpu.dma_semaphore, #tpu.memory_space<semaphore_mem>>
        tpu.enqueue_indirect_dma source(%dma_start3A_138 : memref<128x64xbf16, #tpu.memory_space<vmem>>) target(%dma_start3A_144 : memref<50048x64xbf16, #tpu.memory_space<vmem_shared>>) offsets(%dma_start3A_141 : memref<128xi32, #tpu.memory_space<vmem>>) semaphore(%dma_start3A_146 : memref<!tpu.dma_semaphore, #tpu.memory_space<semaphore_mem>>) {add = true}
      }
      %scan3A_64 = arith.constant 10 : i32
      %dma_wait3A = arith.constant 1 : i32
      %dma_wait3A_65 = arith.constant 1 : i32
      %dma_wait3A_66 = arith.constant 0 : i32
      %dma_wait3A_67 = arith.constant 0 : i32
      %dma_wait3A_68 = tpu.memref_slice %arg11[%dma_wait3A, %dma_wait3A_66, %dma_wait3A_67] : memref<2x256x64xbf16, #tpu.memory_space<vmem>> -> memref<1x256x64xbf16, #tpu.memory_space<vmem>>
      %dma_wait3A_69 = tpu.memref_squeeze %dma_wait3A_68 : memref<1x256x64xbf16, #tpu.memory_space<vmem>> -> memref<256x64xbf16, #tpu.memory_space<vmem>>
      %dma_wait3A_70 = arith.constant 0 : i32
      %dma_wait3A_71 = arith.constant 0 : i32
      %dma_wait3A_72 = tpu.memref_slice %arg12[%dma_wait3A_70, %dma_wait3A_71] : memref<50048x64xbf16, #tpu.memory_space<vmem_shared>> -> memref<256x64xbf16, #tpu.memory_space<vmem_shared>>
      %dma_wait3A_73 = tpu.memref_slice %arg14[%dma_wait3A_65] : memref<2x!tpu.dma_semaphore, #tpu.memory_space<semaphore_mem>> -> memref<1x!tpu.dma_semaphore, #tpu.memory_space<semaphore_mem>>
      %dma_wait3A_74 = tpu.memref_squeeze %dma_wait3A_73 : memref<1x!tpu.dma_semaphore, #tpu.memory_space<semaphore_mem>> -> memref<!tpu.dma_semaphore, #tpu.memory_space<semaphore_mem>>
      %dma_wait3A_75 = arith.constant 0 : i32
      %dma_wait3A_76 = arith.constant 0 : i32
      %dma_wait3A_77 = tpu.memref_slice %arg12[%dma_wait3A_75, %dma_wait3A_76] : memref<50048x64xbf16, #tpu.memory_space<vmem_shared>> -> memref<256x64xbf16, #tpu.memory_space<vmem_shared>>
      %dma_wait3A_78 = arith.constant 0 : i32
      %dma_wait3A_79 = arith.constant 0 : i32
      %dma_wait3A_80 = tpu.memref_slice %arg11[%dma_wait3A, %dma_wait3A_78, %dma_wait3A_79] : memref<2x256x64xbf16, #tpu.memory_space<vmem>> -> memref<1x256x64xbf16, #tpu.memory_space<vmem>>
      %dma_wait3A_81 = tpu.memref_squeeze %dma_wait3A_80 : memref<1x256x64xbf16, #tpu.memory_space<vmem>> -> memref<256x64xbf16, #tpu.memory_space<vmem>>
      tpu.wait_dma2 semaphore(%dma_wait3A_74 : memref<!tpu.dma_semaphore, #tpu.memory_space<semaphore_mem>>) src(%dma_wait3A_81 : memref<256x64xbf16, #tpu.memory_space<vmem>>) dst(%dma_wait3A_77 : memref<256x64xbf16, #tpu.memory_space<vmem_shared>>)
    }
    %scan3A_10 = arith.constant 20 : i32
    %barrier3A_11 = arith.constant 0 : index
    tpu.barrier barrier_id(%barrier3A_11)
    %mul3A_12 = arith.constant 3128 : i32
    %mul3A_13 = arith.muli %arg1, %mul3A_12 : i32
    %mul3A_14 = arith.constant 50048 : i32
    %mul3A_15 = arith.muli %add3A_1, %mul3A_14 : i32
    %mul3A_16 = arith.constant 3128 : i32
    %mul3A_17 = arith.muli %arg1, %mul3A_16 : i32
    %add3A_18 = arith.addi %mul3A_15, %mul3A_17 : i32
    "tpu.region"() ({
      %run_scoped3A = tpu.sem_alloc : memref<!tpu.dma_semaphore, #tpu.memory_space<semaphore_mem>>
      %dma_start3A = arith.constant 0 : i32
      %dma_start3A_20 = tpu.memref_slice %arg7[%add3A_18, %dma_start3A] : memref<100096x64xbf16, #tpu.memory_space<hbm>> -> memref<3128x64xbf16, #tpu.memory_space<hbm>>
      %dma_start3A_21 = arith.constant 0 : i32
      %dma_start3A_22 = tpu.memref_slice %arg12[%mul3A_13, %dma_start3A_21] : memref<50048x64xbf16, #tpu.memory_space<vmem_shared>> -> memref<3128x64xbf16, #tpu.memory_space<vmem_shared>>
      tpu.enqueue_dma source(%dma_start3A_22 : memref<3128x64xbf16, #tpu.memory_space<vmem_shared>>) target(%dma_start3A_20 : memref<3128x64xbf16, #tpu.memory_space<hbm>>) target_semaphore(%run_scoped3A : memref<!tpu.dma_semaphore, #tpu.memory_space<semaphore_mem>>)
      %dma_wait3A = arith.constant 0 : i32
      %dma_wait3A_23 = tpu.memref_slice %arg7[%add3A_18, %dma_wait3A] : memref<100096x64xbf16, #tpu.memory_space<hbm>> -> memref<3128x64xbf16, #tpu.memory_space<hbm>>
      %dma_wait3A_24 = arith.constant 0 : i32
      %dma_wait3A_25 = tpu.memref_slice %arg12[%mul3A_13, %dma_wait3A_24] : memref<50048x64xbf16, #tpu.memory_space<vmem_shared>> -> memref<3128x64xbf16, #tpu.memory_space<vmem_shared>>
      tpu.wait_dma2 semaphore(%run_scoped3A : memref<!tpu.dma_semaphore, #tpu.memory_space<semaphore_mem>>) src(%dma_wait3A_25 : memref<3128x64xbf16, #tpu.memory_space<vmem_shared>>) dst(%dma_wait3A_23 : memref<3128x64xbf16, #tpu.memory_space<hbm>>)
      tpu.yield
    }) : () -> ()
    %barrier3A_19 = arith.constant 0 : index
    tpu.barrier barrier_id(%barrier3A_19)
    return
  }
}

module attributes {stable_mosaic.version = 14 : i64} {
  func.func @_attn_body(%arg0: i32, %arg1: memref<8x40x128xf32, #tpu.memory_space<vmem>>, %arg2: memref<8x40x40xi32, #tpu.memory_space<vmem>>, %arg3: memref<8x40x128xf32, #tpu.memory_space<vmem>>, %arg4: memref<8x40x128xf32, #tpu.memory_space<vmem>>, %arg5: memref<8x40x128xf32, #tpu.memory_space<vmem>>, %arg6: memref<8x40x1xf32, #tpu.memory_space<vmem>>, %arg7: memref<8x1x1xf32, #tpu.memory_space<vmem>>, %arg8: memref<4x128xf32, #tpu.memory_space<vmem>>, %arg9: memref<8x40x128xf32, #tpu.memory_space<vmem>>, %arg10: memref<8x1x128xf32, #tpu.memory_space<vmem>>) attributes {dimension_semantics = [#tpu.dimension_semantics<arbitrary>], iteration_bounds = array<i64: 16>, scalar_prefetch = 0 : i64, scratch_operands = 0 : i64, tpu.core_type = #tpu.core_type<tc>, window_params = [{transform_indices = @transform_0, window_bounds = array<i64: 8, 40, 128>}, {transform_indices = @transform_1, window_bounds = array<i64: 8, 40, 40>}, {transform_indices = @transform_2, window_bounds = array<i64: 8, 40, 128>}, {transform_indices = @transform_3, window_bounds = array<i64: 8, 40, 128>}, {transform_indices = @transform_4, window_bounds = array<i64: 8, 40, 128>}, {transform_indices = @transform_5, window_bounds = array<i64: 8, 40, 1>}, {transform_indices = @transform_6, window_bounds = array<i64: 8, 1, 1>}, {pipeline_mode = #tpu.pipeline_mode<synchronous>, transform_indices = @transform_7, window_bounds = array<i64: 4, 128>}, {transform_indices = @transform_8, window_bounds = array<i64: 8, 40, 128>}, {transform_indices = @transform_9, window_bounds = array<i64: 8, 1, 128>}]} {
    %get3A = arith.constant 0 : index
    %get3A_0 = arith.constant 0 : index
    %get3A_1 = vector.load %arg8[%get3A, %get3A_0] : memref<4x128xf32, #tpu.memory_space<vmem>>, vector<4x128xf32>
    %get3A_2 = arith.constant 0 : index
    %get3A_3 = arith.constant 0 : index
    %get3A_4 = arith.constant 0 : index
    %get3A_5 = vector.load %arg1[%get3A_2, %get3A_3, %get3A_4] : memref<8x40x128xf32, #tpu.memory_space<vmem>>, vector<1x40x128xf32>
    %get3A_6 = vector.shape_cast %get3A_5 : vector<1x40x128xf32> to vector<40x128xf32>
    %get3A_7 = arith.constant 0 : index
    %get3A_8 = arith.constant 0 : index
    %get3A_9 = arith.constant 0 : index
    %get3A_10 = vector.load %arg2[%get3A_7, %get3A_8, %get3A_9] : memref<8x40x40xi32, #tpu.memory_space<vmem>>, vector<1x40x40xi32>
    %get3A_11 = vector.shape_cast %get3A_10 : vector<1x40x40xi32> to vector<40x40xi32>
    %slice3A = vector.extract_strided_slice %get3A_1 {offsets = [0, 0], sizes = [1, 128], strides = [1, 1]} : vector<4x128xf32> to vector<1x128xf32>
    %squeeze3A = vector.shape_cast %slice3A : vector<1x128xf32> to vector<128xf32>
    %broadcast_in_dim3A = vector.shape_cast %squeeze3A : vector<128xf32> to vector<1x128xf32>
    %mul3A = vector.broadcast %broadcast_in_dim3A : vector<1x128xf32> to vector<40x128xf32>
    %mul3A_12 = arith.mulf %get3A_6, %mul3A : vector<40x128xf32>
    %slice3A_13 = vector.extract_strided_slice %get3A_1 {offsets = [1, 0], sizes = [1, 128], strides = [1, 1]} : vector<4x128xf32> to vector<1x128xf32>
    %squeeze3A_14 = vector.shape_cast %slice3A_13 : vector<1x128xf32> to vector<128xf32>
    %broadcast_in_dim3A_15 = vector.shape_cast %squeeze3A_14 : vector<128xf32> to vector<1x128xf32>
    %mul3A_16 = vector.broadcast %broadcast_in_dim3A_15 : vector<1x128xf32> to vector<40x128xf32>
    %mul3A_17 = arith.mulf %get3A_6, %mul3A_16 : vector<40x128xf32>
    %slice3A_18 = vector.extract_strided_slice %get3A_1 {offsets = [2, 0], sizes = [1, 128], strides = [1, 1]} : vector<4x128xf32> to vector<1x128xf32>
    %squeeze3A_19 = vector.shape_cast %slice3A_18 : vector<1x128xf32> to vector<128xf32>
    %broadcast_in_dim3A_20 = vector.shape_cast %squeeze3A_19 : vector<128xf32> to vector<1x128xf32>
    %mul3A_21 = vector.broadcast %broadcast_in_dim3A_20 : vector<1x128xf32> to vector<40x128xf32>
    %mul3A_22 = arith.mulf %get3A_6, %mul3A_21 : vector<40x128xf32>
    %slice3A_23 = vector.extract_strided_slice %get3A_1 {offsets = [3, 0], sizes = [1, 128], strides = [1, 1]} : vector<4x128xf32> to vector<1x128xf32>
    %squeeze3A_24 = vector.shape_cast %slice3A_23 : vector<1x128xf32> to vector<128xf32>
    %broadcast_in_dim3A_25 = vector.shape_cast %squeeze3A_24 : vector<128xf32> to vector<1x128xf32>
    %mul3A_26 = vector.broadcast %broadcast_in_dim3A_25 : vector<1x128xf32> to vector<40x128xf32>
    %mul3A_27 = arith.mulf %get3A_6, %mul3A_26 : vector<40x128xf32>
    %concatenate3A = tpu.concatenate %mul3A_12, %mul3A_17, %mul3A_22, %mul3A_27 in 0 : vector<40x128xf32>, vector<40x128xf32>, vector<40x128xf32>, vector<40x128xf32> -> vector<160x128xf32>
    %dot_general3A = arith.constant dense<0.000000e+00> : vector<160x40xf32>
    %dot_general3A_28 = tpu.matmul %concatenate3A, %get3A_6, %dot_general3A {dimension_numbers = #tpu.dot_dimension_numbers<[1], [1], [0], [0], [0, 0, 1, 0], [], []>, transpose_lhs_hint = false} : vector<160x128xf32>, vector<40x128xf32>, vector<160x40xf32> -> vector<160x40xf32>
    %ge3A = arith.constant 0.000000e+00 : f32
    %ge3A_29 = vector.broadcast %ge3A : f32 to vector<160x40xf32>
    %ge3A_30 = arith.cmpf oge, %dot_general3A_28, %ge3A_29 : vector<160x40xf32>
    %mul3A_31 = arith.constant 2.000000e-01 : f32
    %mul3A_32 = vector.broadcast %mul3A_31 : f32 to vector<160x40xf32>
    %mul3A_33 = arith.mulf %mul3A_32, %dot_general3A_28 : vector<160x40xf32>
    %select_n3A = arith.select %ge3A_30, %dot_general3A_28, %mul3A_33 : vector<160x40xi1>, vector<160x40xf32>
    %broadcast_in_dim3A_34 = arith.constant -9.000000e+15 : f32
    %broadcast_in_dim3A_35 = vector.broadcast %broadcast_in_dim3A_34 : f32 to vector<40x40xf32>
    %eq3A = arith.constant 1 : i32
    %eq3A_36 = vector.broadcast %eq3A : i32 to vector<40x40xi32>
    %eq3A_37 = arith.cmpi eq, %get3A_11, %eq3A_36 : vector<40x40xi32>
    %slice3A_38 = vector.extract_strided_slice %select_n3A {offsets = [0, 0], sizes = [40, 40], strides = [1, 1]} : vector<160x40xf32> to vector<40x40xf32>
    %select_n3A_39 = arith.select %eq3A_37, %slice3A_38, %broadcast_in_dim3A_35 : vector<40x40xi1>, vector<40x40xf32>
    %eq3A_40 = arith.constant 2 : i32
    %eq3A_41 = vector.broadcast %eq3A_40 : i32 to vector<40x40xi32>
    %eq3A_42 = arith.cmpi eq, %get3A_11, %eq3A_41 : vector<40x40xi32>
    %slice3A_43 = vector.extract_strided_slice %select_n3A {offsets = [40, 0], sizes = [40, 40], strides = [1, 1]} : vector<160x40xf32> to vector<40x40xf32>
    %select_n3A_44 = arith.select %eq3A_42, %slice3A_43, %select_n3A_39 : vector<40x40xi1>, vector<40x40xf32>
    %eq3A_45 = arith.constant 3 : i32
    %eq3A_46 = vector.broadcast %eq3A_45 : i32 to vector<40x40xi32>
    %eq3A_47 = arith.cmpi eq, %get3A_11, %eq3A_46 : vector<40x40xi32>
    %slice3A_48 = vector.extract_strided_slice %select_n3A {offsets = [80, 0], sizes = [40, 40], strides = [1, 1]} : vector<160x40xf32> to vector<40x40xf32>
    %select_n3A_49 = arith.select %eq3A_47, %slice3A_48, %select_n3A_44 : vector<40x40xi1>, vector<40x40xf32>
    %eq3A_50 = arith.constant 4 : i32
    %eq3A_51 = vector.broadcast %eq3A_50 : i32 to vector<40x40xi32>
    %eq3A_52 = arith.cmpi eq, %get3A_11, %eq3A_51 : vector<40x40xi32>
    %slice3A_53 = vector.extract_strided_slice %select_n3A {offsets = [120, 0], sizes = [40, 40], strides = [1, 1]} : vector<160x40xf32> to vector<40x40xf32>
    %select_n3A_54 = arith.select %eq3A_52, %slice3A_53, %select_n3A_49 : vector<40x40xi1>, vector<40x40xf32>
    %reduce_max3A = arith.constant dense<0xFF800000> : vector<40xf32>
    %reduce_max3A_55 = vector.multi_reduction <maximumf>, %select_n3A_54, %reduce_max3A [1] : vector<40x40xf32> to vector<40xf32>
    %broadcast_in_dim3A_56 = vector.shape_cast %reduce_max3A_55 : vector<40xf32> to vector<40x1xf32>
    %sub3A = vector.broadcast %broadcast_in_dim3A_56 : vector<40x1xf32> to vector<40x40xf32>
    %sub3A_57 = arith.subf %select_n3A_54, %sub3A : vector<40x40xf32>
    %exp3A = math.exp %sub3A_57 : vector<40x40xf32>
    %reduce_sum3A = arith.constant dense<0.000000e+00> : vector<40xf32>
    %reduce_sum3A_58 = vector.multi_reduction <add>, %exp3A, %reduce_sum3A [1] : vector<40x40xf32> to vector<40xf32>
    %broadcast_in_dim3A_59 = vector.shape_cast %reduce_sum3A_58 : vector<40xf32> to vector<40x1xf32>
    %div3A = vector.broadcast %broadcast_in_dim3A_59 : vector<40x1xf32> to vector<40x40xf32>
    %div3A_60 = arith.divf %exp3A, %div3A : vector<40x40xf32>
    %dot_general3A_61 = arith.constant dense<0.000000e+00> : vector<40x128xf32>
    %dot_general3A_62 = tpu.matmul %div3A_60, %get3A_6, %dot_general3A_61 {dimension_numbers = #tpu.dot_dimension_numbers<[1], [0], [0], [1], [0, 0, 1, 1], [], []>, transpose_lhs_hint = false} : vector<40x40xf32>, vector<40x128xf32>, vector<40x128xf32> -> vector<40x128xf32>
    %get3A_63 = arith.constant 0 : index
    %get3A_64 = arith.constant 0 : index
    %get3A_65 = arith.constant 0 : index
    %get3A_66 = vector.load %arg6[%get3A_63, %get3A_64, %get3A_65] : memref<8x40x1xf32, #tpu.memory_space<vmem>>, vector<1x40x1xf32>
    %get3A_67 = vector.shape_cast %get3A_66 : vector<1x40x1xf32> to vector<40x1xf32>
    %get3A_68 = arith.constant 0 : index
    %get3A_69 = arith.constant 0 : index
    %get3A_70 = arith.constant 0 : index
    %get3A_71 = vector.load %arg3[%get3A_68, %get3A_69, %get3A_70] : memref<8x40x128xf32, #tpu.memory_space<vmem>>, vector<1x40x128xf32>
    %get3A_72 = vector.shape_cast %get3A_71 : vector<1x40x128xf32> to vector<40x128xf32>
    %get3A_73 = arith.constant 0 : index
    %get3A_74 = arith.constant 0 : index
    %get3A_75 = arith.constant 0 : index
    %get3A_76 = vector.load %arg4[%get3A_73, %get3A_74, %get3A_75] : memref<8x40x128xf32, #tpu.memory_space<vmem>>, vector<1x40x128xf32>
    %get3A_77 = vector.shape_cast %get3A_76 : vector<1x40x128xf32> to vector<40x128xf32>
    %add3A = arith.addf %get3A_72, %get3A_77 : vector<40x128xf32>
    %get3A_78 = arith.constant 0 : index
    %get3A_79 = arith.constant 0 : index
    %get3A_80 = arith.constant 0 : index
    %get3A_81 = vector.load %arg5[%get3A_78, %get3A_79, %get3A_80] : memref<8x40x128xf32, #tpu.memory_space<vmem>>, vector<1x40x128xf32>
    %get3A_82 = vector.shape_cast %get3A_81 : vector<1x40x128xf32> to vector<40x128xf32>
    %add3A_83 = arith.addf %add3A, %get3A_82 : vector<40x128xf32>
    %mul3A_84 = arith.constant 0.333333343 : f32
    %mul3A_85 = vector.broadcast %mul3A_84 : f32 to vector<40x1xf32>
    %mul3A_86 = arith.mulf %get3A_67, %mul3A_85 : vector<40x1xf32>
    %mul3A_87 = vector.broadcast %mul3A_86 : vector<40x1xf32> to vector<40x128xf32>
    %mul3A_88 = arith.mulf %add3A_83, %mul3A_87 : vector<40x128xf32>
    %add3A_89 = arith.addf %dot_general3A_62, %mul3A_88 : vector<40x128xf32>
    %swap3A = arith.constant 0 : index
    %swap3A_90 = arith.constant 0 : index
    %swap3A_91 = arith.constant 0 : index
    %swap3A_92 = vector.load %arg9[%swap3A, %swap3A_90, %swap3A_91] : memref<8x40x128xf32, #tpu.memory_space<vmem>>, vector<1x40x128xf32>
    %swap3A_93 = vector.shape_cast %swap3A_92 : vector<1x40x128xf32> to vector<40x128xf32>
    %swap3A_94 = vector.shape_cast %add3A_89 : vector<40x128xf32> to vector<1x40x128xf32>
    tpu.vector_store %arg9[%swap3A, %swap3A_90, %swap3A_91], %swap3A_94 {strides = array<i32>} : memref<8x40x128xf32, #tpu.memory_space<vmem>>, vector<1x40x128xf32>,
    %get3A_95 = arith.constant 0 : index
    %get3A_96 = arith.constant 0 : index
    %get3A_97 = arith.constant 0 : index
    %get3A_98 = vector.load %arg3[%get3A_95, %get3A_96, %get3A_97] : memref<8x40x128xf32, #tpu.memory_space<vmem>>, vector<1x40x128xf32>
    %get3A_99 = vector.shape_cast %get3A_98 : vector<1x40x128xf32> to vector<40x128xf32>
    %mul3A_100 = vector.broadcast %get3A_67 : vector<40x1xf32> to vector<40x128xf32>
    %mul3A_101 = arith.mulf %get3A_99, %mul3A_100 : vector<40x128xf32>
    %reduce_sum3A_102 = arith.constant dense<0.000000e+00> : vector<128xf32>
    %reduce_sum3A_103 = vector.multi_reduction <add>, %mul3A_101, %reduce_sum3A_102 [0] : vector<40x128xf32> to vector<128xf32>
    %broadcast_in_dim3A_104 = vector.shape_cast %reduce_sum3A_103 : vector<128xf32> to vector<1x128xf32>
    %get3A_105 = arith.constant 0 : index
    %get3A_106 = arith.constant 0 : index
    %get3A_107 = arith.constant 0 : index
    %get3A_108 = vector.load %arg7[%get3A_105, %get3A_106, %get3A_107] : memref<8x1x1xf32, #tpu.memory_space<vmem>>, vector<1x1x1xf32>
    %get3A_109 = vector.shape_cast %get3A_108 : vector<1x1x1xf32> to vector<1x1xf32>
    %div3A_110 = vector.broadcast %get3A_109 : vector<1x1xf32> to vector<1x128xf32>
    %div3A_111 = arith.divf %broadcast_in_dim3A_104, %div3A_110 : vector<1x128xf32>
    %swap3A_112 = arith.constant 0 : index
    %swap3A_113 = arith.constant 0 : index
    %swap3A_114 = arith.constant 0 : index
    %swap3A_115 = vector.load %arg10[%swap3A_112, %swap3A_113, %swap3A_114] : memref<8x1x128xf32, #tpu.memory_space<vmem>>, vector<1x1x128xf32>
    %swap3A_116 = vector.shape_cast %swap3A_115 : vector<1x1x128xf32> to vector<1x128xf32>
    %swap3A_117 = vector.shape_cast %div3A_111 : vector<1x128xf32> to vector<1x1x128xf32>
    tpu.vector_store %arg10[%swap3A_112, %swap3A_113, %swap3A_114], %swap3A_117 {strides = array<i32>} : memref<8x1x128xf32, #tpu.memory_space<vmem>>, vector<1x1x128xf32>,
    %get3A_118 = arith.constant 1 : index
    %get3A_119 = arith.constant 0 : index
    %get3A_120 = arith.constant 0 : index
    %get3A_121 = vector.load %arg1[%get3A_118, %get3A_119, %get3A_120] : memref<8x40x128xf32, #tpu.memory_space<vmem>>, vector<1x40x128xf32>
    %get3A_122 = vector.shape_cast %get3A_121 : vector<1x40x128xf32> to vector<40x128xf32>
    %get3A_123 = arith.constant 1 : index
    %get3A_124 = arith.constant 0 : index
    %get3A_125 = arith.constant 0 : index
    %get3A_126 = vector.load %arg2[%get3A_123, %get3A_124, %get3A_125] : memref<8x40x40xi32, #tpu.memory_space<vmem>>, vector<1x40x40xi32>
    %get3A_127 = vector.shape_cast %get3A_126 : vector<1x40x40xi32> to vector<40x40xi32>
    %slice3A_128 = vector.extract_strided_slice %get3A_1 {offsets = [0, 0], sizes = [1, 128], strides = [1, 1]} : vector<4x128xf32> to vector<1x128xf32>
    %squeeze3A_129 = vector.shape_cast %slice3A_128 : vector<1x128xf32> to vector<128xf32>
    %broadcast_in_dim3A_130 = vector.shape_cast %squeeze3A_129 : vector<128xf32> to vector<1x128xf32>
    %mul3A_131 = vector.broadcast %broadcast_in_dim3A_130 : vector<1x128xf32> to vector<40x128xf32>
    %mul3A_132 = arith.mulf %get3A_122, %mul3A_131 : vector<40x128xf32>
    %slice3A_133 = vector.extract_strided_slice %get3A_1 {offsets = [1, 0], sizes = [1, 128], strides = [1, 1]} : vector<4x128xf32> to vector<1x128xf32>
    %squeeze3A_134 = vector.shape_cast %slice3A_133 : vector<1x128xf32> to vector<128xf32>
    %broadcast_in_dim3A_135 = vector.shape_cast %squeeze3A_134 : vector<128xf32> to vector<1x128xf32>
    %mul3A_136 = vector.broadcast %broadcast_in_dim3A_135 : vector<1x128xf32> to vector<40x128xf32>
    %mul3A_137 = arith.mulf %get3A_122, %mul3A_136 : vector<40x128xf32>
    %slice3A_138 = vector.extract_strided_slice %get3A_1 {offsets = [2, 0], sizes = [1, 128], strides = [1, 1]} : vector<4x128xf32> to vector<1x128xf32>
    %squeeze3A_139 = vector.shape_cast %slice3A_138 : vector<1x128xf32> to vector<128xf32>
    %broadcast_in_dim3A_140 = vector.shape_cast %squeeze3A_139 : vector<128xf32> to vector<1x128xf32>
    %mul3A_141 = vector.broadcast %broadcast_in_dim3A_140 : vector<1x128xf32> to vector<40x128xf32>
    %mul3A_142 = arith.mulf %get3A_122, %mul3A_141 : vector<40x128xf32>
    %slice3A_143 = vector.extract_strided_slice %get3A_1 {offsets = [3, 0], sizes = [1, 128], strides = [1, 1]} : vector<4x128xf32> to vector<1x128xf32>
    %squeeze3A_144 = vector.shape_cast %slice3A_143 : vector<1x128xf32> to vector<128xf32>
    %broadcast_in_dim3A_145 = vector.shape_cast %squeeze3A_144 : vector<128xf32> to vector<1x128xf32>
    %mul3A_146 = vector.broadcast %broadcast_in_dim3A_145 : vector<1x128xf32> to vector<40x128xf32>
    %mul3A_147 = arith.mulf %get3A_122, %mul3A_146 : vector<40x128xf32>
    %concatenate3A_148 = tpu.concatenate %mul3A_132, %mul3A_137, %mul3A_142, %mul3A_147 in 0 : vector<40x128xf32>, vector<40x128xf32>, vector<40x128xf32>, vector<40x128xf32> -> vector<160x128xf32>
    %dot_general3A_149 = arith.constant dense<0.000000e+00> : vector<160x40xf32>
    %dot_general3A_150 = tpu.matmul %concatenate3A_148, %get3A_122, %dot_general3A_149 {dimension_numbers = #tpu.dot_dimension_numbers<[1], [1], [0], [0], [0, 0, 1, 0], [], []>, transpose_lhs_hint = false} : vector<160x128xf32>, vector<40x128xf32>, vector<160x40xf32> -> vector<160x40xf32>
    %ge3A_151 = arith.constant 0.000000e+00 : f32
    %ge3A_152 = vector.broadcast %ge3A_151 : f32 to vector<160x40xf32>
    %ge3A_153 = arith.cmpf oge, %dot_general3A_150, %ge3A_152 : vector<160x40xf32>
    %mul3A_154 = arith.constant 2.000000e-01 : f32
    %mul3A_155 = vector.broadcast %mul3A_154 : f32 to vector<160x40xf32>
    %mul3A_156 = arith.mulf %mul3A_155, %dot_general3A_150 : vector<160x40xf32>
    %select_n3A_157 = arith.select %ge3A_153, %dot_general3A_150, %mul3A_156 : vector<160x40xi1>, vector<160x40xf32>
    %broadcast_in_dim3A_158 = arith.constant -9.000000e+15 : f32
    %broadcast_in_dim3A_159 = vector.broadcast %broadcast_in_dim3A_158 : f32 to vector<40x40xf32>
    %eq3A_160 = arith.constant 1 : i32
    %eq3A_161 = vector.broadcast %eq3A_160 : i32 to vector<40x40xi32>
    %eq3A_162 = arith.cmpi eq, %get3A_127, %eq3A_161 : vector<40x40xi32>
    %slice3A_163 = vector.extract_strided_slice %select_n3A_157 {offsets = [0, 0], sizes = [40, 40], strides = [1, 1]} : vector<160x40xf32> to vector<40x40xf32>
    %select_n3A_164 = arith.select %eq3A_162, %slice3A_163, %broadcast_in_dim3A_159 : vector<40x40xi1>, vector<40x40xf32>
    %eq3A_165 = arith.constant 2 : i32
    %eq3A_166 = vector.broadcast %eq3A_165 : i32 to vector<40x40xi32>
    %eq3A_167 = arith.cmpi eq, %get3A_127, %eq3A_166 : vector<40x40xi32>
    %slice3A_168 = vector.extract_strided_slice %select_n3A_157 {offsets = [40, 0], sizes = [40, 40], strides = [1, 1]} : vector<160x40xf32> to vector<40x40xf32>
    %select_n3A_169 = arith.select %eq3A_167, %slice3A_168, %select_n3A_164 : vector<40x40xi1>, vector<40x40xf32>
    %eq3A_170 = arith.constant 3 : i32
    %eq3A_171 = vector.broadcast %eq3A_170 : i32 to vector<40x40xi32>
    %eq3A_172 = arith.cmpi eq, %get3A_127, %eq3A_171 : vector<40x40xi32>
    %slice3A_173 = vector.extract_strided_slice %select_n3A_157 {offsets = [80, 0], sizes = [40, 40], strides = [1, 1]} : vector<160x40xf32> to vector<40x40xf32>
    %select_n3A_174 = arith.select %eq3A_172, %slice3A_173, %select_n3A_169 : vector<40x40xi1>, vector<40x40xf32>
    %eq3A_175 = arith.constant 4 : i32
    %eq3A_176 = vector.broadcast %eq3A_175 : i32 to vector<40x40xi32>
    %eq3A_177 = arith.cmpi eq, %get3A_127, %eq3A_176 : vector<40x40xi32>
    %slice3A_178 = vector.extract_strided_slice %select_n3A_157 {offsets = [120, 0], sizes = [40, 40], strides = [1, 1]} : vector<160x40xf32> to vector<40x40xf32>
    %select_n3A_179 = arith.select %eq3A_177, %slice3A_178, %select_n3A_174 : vector<40x40xi1>, vector<40x40xf32>
    %reduce_max3A_180 = arith.constant dense<0xFF800000> : vector<40xf32>
    %reduce_max3A_181 = vector.multi_reduction <maximumf>, %select_n3A_179, %reduce_max3A_180 [1] : vector<40x40xf32> to vector<40xf32>
    %broadcast_in_dim3A_182 = vector.shape_cast %reduce_max3A_181 : vector<40xf32> to vector<40x1xf32>
    %sub3A_183 = vector.broadcast %broadcast_in_dim3A_182 : vector<40x1xf32> to vector<40x40xf32>
    %sub3A_184 = arith.subf %select_n3A_179, %sub3A_183 : vector<40x40xf32>
    %exp3A_185 = math.exp %sub3A_184 : vector<40x40xf32>
    %reduce_sum3A_186 = arith.constant dense<0.000000e+00> : vector<40xf32>
    %reduce_sum3A_187 = vector.multi_reduction <add>, %exp3A_185, %reduce_sum3A_186 [1] : vector<40x40xf32> to vector<40xf32>
    %broadcast_in_dim3A_188 = vector.shape_cast %reduce_sum3A_187 : vector<40xf32> to vector<40x1xf32>
    %div3A_189 = vector.broadcast %broadcast_in_dim3A_188 : vector<40x1xf32> to vector<40x40xf32>
    %div3A_190 = arith.divf %exp3A_185, %div3A_189 : vector<40x40xf32>
    %dot_general3A_191 = arith.constant dense<0.000000e+00> : vector<40x128xf32>
    %dot_general3A_192 = tpu.matmul %div3A_190, %get3A_122, %dot_general3A_191 {dimension_numbers = #tpu.dot_dimension_numbers<[1], [0], [0], [1], [0, 0, 1, 1], [], []>, transpose_lhs_hint = false} : vector<40x40xf32>, vector<40x128xf32>, vector<40x128xf32> -> vector<40x128xf32>
    %get3A_193 = arith.constant 1 : index
    %get3A_194 = arith.constant 0 : index
    %get3A_195 = arith.constant 0 : index
    %get3A_196 = vector.load %arg6[%get3A_193, %get3A_194, %get3A_195] : memref<8x40x1xf32, #tpu.memory_space<vmem>>, vector<1x40x1xf32>
    %get3A_197 = vector.shape_cast %get3A_196 : vector<1x40x1xf32> to vector<40x1xf32>
    %get3A_198 = arith.constant 1 : index
    %get3A_199 = arith.constant 0 : index
    %get3A_200 = arith.constant 0 : index
    %get3A_201 = vector.load %arg3[%get3A_198, %get3A_199, %get3A_200] : memref<8x40x128xf32, #tpu.memory_space<vmem>>, vector<1x40x128xf32>
    %get3A_202 = vector.shape_cast %get3A_201 : vector<1x40x128xf32> to vector<40x128xf32>
    %get3A_203 = arith.constant 1 : index
    %get3A_204 = arith.constant 0 : index
    %get3A_205 = arith.constant 0 : index
    %get3A_206 = vector.load %arg4[%get3A_203, %get3A_204, %get3A_205] : memref<8x40x128xf32, #tpu.memory_space<vmem>>, vector<1x40x128xf32>
    %get3A_207 = vector.shape_cast %get3A_206 : vector<1x40x128xf32> to vector<40x128xf32>
    %add3A_208 = arith.addf %get3A_202, %get3A_207 : vector<40x128xf32>
    %get3A_209 = arith.constant 1 : index
    %get3A_210 = arith.constant 0 : index
    %get3A_211 = arith.constant 0 : index
    %get3A_212 = vector.load %arg5[%get3A_209, %get3A_210, %get3A_211] : memref<8x40x128xf32, #tpu.memory_space<vmem>>, vector<1x40x128xf32>
    %get3A_213 = vector.shape_cast %get3A_212 : vector<1x40x128xf32> to vector<40x128xf32>
    %add3A_214 = arith.addf %add3A_208, %get3A_213 : vector<40x128xf32>
    %mul3A_215 = arith.constant 0.333333343 : f32
    %mul3A_216 = vector.broadcast %mul3A_215 : f32 to vector<40x1xf32>
    %mul3A_217 = arith.mulf %get3A_197, %mul3A_216 : vector<40x1xf32>
    %mul3A_218 = vector.broadcast %mul3A_217 : vector<40x1xf32> to vector<40x128xf32>
    %mul3A_219 = arith.mulf %add3A_214, %mul3A_218 : vector<40x128xf32>
    %add3A_220 = arith.addf %dot_general3A_192, %mul3A_219 : vector<40x128xf32>
    %swap3A_221 = arith.constant 1 : index
    %swap3A_222 = arith.constant 0 : index
    %swap3A_223 = arith.constant 0 : index
    %swap3A_224 = vector.load %arg9[%swap3A_221, %swap3A_222, %swap3A_223] : memref<8x40x128xf32, #tpu.memory_space<vmem>>, vector<1x40x128xf32>
    %swap3A_225 = vector.shape_cast %swap3A_224 : vector<1x40x128xf32> to vector<40x128xf32>
    %swap3A_226 = vector.shape_cast %add3A_220 : vector<40x128xf32> to vector<1x40x128xf32>
    tpu.vector_store %arg9[%swap3A_221, %swap3A_222, %swap3A_223], %swap3A_226 {strides = array<i32>} : memref<8x40x128xf32, #tpu.memory_space<vmem>>, vector<1x40x128xf32>,
    %get3A_227 = arith.constant 1 : index
    %get3A_228 = arith.constant 0 : index
    %get3A_229 = arith.constant 0 : index
    %get3A_230 = vector.load %arg3[%get3A_227, %get3A_228, %get3A_229] : memref<8x40x128xf32, #tpu.memory_space<vmem>>, vector<1x40x128xf32>
    %get3A_231 = vector.shape_cast %get3A_230 : vector<1x40x128xf32> to vector<40x128xf32>
    %mul3A_232 = vector.broadcast %get3A_197 : vector<40x1xf32> to vector<40x128xf32>
    %mul3A_233 = arith.mulf %get3A_231, %mul3A_232 : vector<40x128xf32>
    %reduce_sum3A_234 = arith.constant dense<0.000000e+00> : vector<128xf32>
    %reduce_sum3A_235 = vector.multi_reduction <add>, %mul3A_233, %reduce_sum3A_234 [0] : vector<40x128xf32> to vector<128xf32>
    %broadcast_in_dim3A_236 = vector.shape_cast %reduce_sum3A_235 : vector<128xf32> to vector<1x128xf32>
    %get3A_237 = arith.constant 1 : index
    %get3A_238 = arith.constant 0 : index
    %get3A_239 = arith.constant 0 : index
    %get3A_240 = vector.load %arg7[%get3A_237, %get3A_238, %get3A_239] : memref<8x1x1xf32, #tpu.memory_space<vmem>>, vector<1x1x1xf32>
    %get3A_241 = vector.shape_cast %get3A_240 : vector<1x1x1xf32> to vector<1x1xf32>
    %div3A_242 = vector.broadcast %get3A_241 : vector<1x1xf32> to vector<1x128xf32>
    %div3A_243 = arith.divf %broadcast_in_dim3A_236, %div3A_242 : vector<1x128xf32>
    %swap3A_244 = arith.constant 1 : index
    %swap3A_245 = arith.constant 0 : index
    %swap3A_246 = arith.constant 0 : index
    %swap3A_247 = vector.load %arg10[%swap3A_244, %swap3A_245, %swap3A_246] : memref<8x1x128xf32, #tpu.memory_space<vmem>>, vector<1x1x128xf32>
    %swap3A_248 = vector.shape_cast %swap3A_247 : vector<1x1x128xf32> to vector<1x128xf32>
    %swap3A_249 = vector.shape_cast %div3A_243 : vector<1x128xf32> to vector<1x1x128xf32>
    tpu.vector_store %arg10[%swap3A_244, %swap3A_245, %swap3A_246], %swap3A_249 {strides = array<i32>} : memref<8x1x128xf32, #tpu.memory_space<vmem>>, vector<1x1x128xf32>,
    %get3A_250 = arith.constant 2 : index
    %get3A_251 = arith.constant 0 : index
    %get3A_252 = arith.constant 0 : index
    %get3A_253 = vector.load %arg1[%get3A_250, %get3A_251, %get3A_252] : memref<8x40x128xf32, #tpu.memory_space<vmem>>, vector<1x40x128xf32>
    %get3A_254 = vector.shape_cast %get3A_253 : vector<1x40x128xf32> to vector<40x128xf32>
    %get3A_255 = arith.constant 2 : index
    %get3A_256 = arith.constant 0 : index
    %get3A_257 = arith.constant 0 : index
    %get3A_258 = vector.load %arg2[%get3A_255, %get3A_256, %get3A_257] : memref<8x40x40xi32, #tpu.memory_space<vmem>>, vector<1x40x40xi32>
    %get3A_259 = vector.shape_cast %get3A_258 : vector<1x40x40xi32> to vector<40x40xi32>
    %slice3A_260 = vector.extract_strided_slice %get3A_1 {offsets = [0, 0], sizes = [1, 128], strides = [1, 1]} : vector<4x128xf32> to vector<1x128xf32>
    %squeeze3A_261 = vector.shape_cast %slice3A_260 : vector<1x128xf32> to vector<128xf32>
    %broadcast_in_dim3A_262 = vector.shape_cast %squeeze3A_261 : vector<128xf32> to vector<1x128xf32>
    %mul3A_263 = vector.broadcast %broadcast_in_dim3A_262 : vector<1x128xf32> to vector<40x128xf32>
    %mul3A_264 = arith.mulf %get3A_254, %mul3A_263 : vector<40x128xf32>
    %slice3A_265 = vector.extract_strided_slice %get3A_1 {offsets = [1, 0], sizes = [1, 128], strides = [1, 1]} : vector<4x128xf32> to vector<1x128xf32>
    %squeeze3A_266 = vector.shape_cast %slice3A_265 : vector<1x128xf32> to vector<128xf32>
    %broadcast_in_dim3A_267 = vector.shape_cast %squeeze3A_266 : vector<128xf32> to vector<1x128xf32>
    %mul3A_268 = vector.broadcast %broadcast_in_dim3A_267 : vector<1x128xf32> to vector<40x128xf32>
    %mul3A_269 = arith.mulf %get3A_254, %mul3A_268 : vector<40x128xf32>
    %slice3A_270 = vector.extract_strided_slice %get3A_1 {offsets = [2, 0], sizes = [1, 128], strides = [1, 1]} : vector<4x128xf32> to vector<1x128xf32>
    %squeeze3A_271 = vector.shape_cast %slice3A_270 : vector<1x128xf32> to vector<128xf32>
    %broadcast_in_dim3A_272 = vector.shape_cast %squeeze3A_271 : vector<128xf32> to vector<1x128xf32>
    %mul3A_273 = vector.broadcast %broadcast_in_dim3A_272 : vector<1x128xf32> to vector<40x128xf32>
    %mul3A_274 = arith.mulf %get3A_254, %mul3A_273 : vector<40x128xf32>
    %slice3A_275 = vector.extract_strided_slice %get3A_1 {offsets = [3, 0], sizes = [1, 128], strides = [1, 1]} : vector<4x128xf32> to vector<1x128xf32>
    %squeeze3A_276 = vector.shape_cast %slice3A_275 : vector<1x128xf32> to vector<128xf32>
    %broadcast_in_dim3A_277 = vector.shape_cast %squeeze3A_276 : vector<128xf32> to vector<1x128xf32>
    %mul3A_278 = vector.broadcast %broadcast_in_dim3A_277 : vector<1x128xf32> to vector<40x128xf32>
    %mul3A_279 = arith.mulf %get3A_254, %mul3A_278 : vector<40x128xf32>
    %concatenate3A_280 = tpu.concatenate %mul3A_264, %mul3A_269, %mul3A_274, %mul3A_279 in 0 : vector<40x128xf32>, vector<40x128xf32>, vector<40x128xf32>, vector<40x128xf32> -> vector<160x128xf32>
    %dot_general3A_281 = arith.constant dense<0.000000e+00> : vector<160x40xf32>
    %dot_general3A_282 = tpu.matmul %concatenate3A_280, %get3A_254, %dot_general3A_281 {dimension_numbers = #tpu.dot_dimension_numbers<[1], [1], [0], [0], [0, 0, 1, 0], [], []>, transpose_lhs_hint = false} : vector<160x128xf32>, vector<40x128xf32>, vector<160x40xf32> -> vector<160x40xf32>
    %ge3A_283 = arith.constant 0.000000e+00 : f32
    %ge3A_284 = vector.broadcast %ge3A_283 : f32 to vector<160x40xf32>
    %ge3A_285 = arith.cmpf oge, %dot_general3A_282, %ge3A_284 : vector<160x40xf32>
    %mul3A_286 = arith.constant 2.000000e-01 : f32
    %mul3A_287 = vector.broadcast %mul3A_286 : f32 to vector<160x40xf32>
    %mul3A_288 = arith.mulf %mul3A_287, %dot_general3A_282 : vector<160x40xf32>
    %select_n3A_289 = arith.select %ge3A_285, %dot_general3A_282, %mul3A_288 : vector<160x40xi1>, vector<160x40xf32>
    %broadcast_in_dim3A_290 = arith.constant -9.000000e+15 : f32
    %broadcast_in_dim3A_291 = vector.broadcast %broadcast_in_dim3A_290 : f32 to vector<40x40xf32>
    %eq3A_292 = arith.constant 1 : i32
    %eq3A_293 = vector.broadcast %eq3A_292 : i32 to vector<40x40xi32>
    %eq3A_294 = arith.cmpi eq, %get3A_259, %eq3A_293 : vector<40x40xi32>
    %slice3A_295 = vector.extract_strided_slice %select_n3A_289 {offsets = [0, 0], sizes = [40, 40], strides = [1, 1]} : vector<160x40xf32> to vector<40x40xf32>
    %select_n3A_296 = arith.select %eq3A_294, %slice3A_295, %broadcast_in_dim3A_291 : vector<40x40xi1>, vector<40x40xf32>
    %eq3A_297 = arith.constant 2 : i32
    %eq3A_298 = vector.broadcast %eq3A_297 : i32 to vector<40x40xi32>
    %eq3A_299 = arith.cmpi eq, %get3A_259, %eq3A_298 : vector<40x40xi32>
    %slice3A_300 = vector.extract_strided_slice %select_n3A_289 {offsets = [40, 0], sizes = [40, 40], strides = [1, 1]} : vector<160x40xf32> to vector<40x40xf32>
    %select_n3A_301 = arith.select %eq3A_299, %slice3A_300, %select_n3A_296 : vector<40x40xi1>, vector<40x40xf32>
    %eq3A_302 = arith.constant 3 : i32
    %eq3A_303 = vector.broadcast %eq3A_302 : i32 to vector<40x40xi32>
    %eq3A_304 = arith.cmpi eq, %get3A_259, %eq3A_303 : vector<40x40xi32>
    %slice3A_305 = vector.extract_strided_slice %select_n3A_289 {offsets = [80, 0], sizes = [40, 40], strides = [1, 1]} : vector<160x40xf32> to vector<40x40xf32>
    %select_n3A_306 = arith.select %eq3A_304, %slice3A_305, %select_n3A_301 : vector<40x40xi1>, vector<40x40xf32>
    %eq3A_307 = arith.constant 4 : i32
    %eq3A_308 = vector.broadcast %eq3A_307 : i32 to vector<40x40xi32>
    %eq3A_309 = arith.cmpi eq, %get3A_259, %eq3A_308 : vector<40x40xi32>
    %slice3A_310 = vector.extract_strided_slice %select_n3A_289 {offsets = [120, 0], sizes = [40, 40], strides = [1, 1]} : vector<160x40xf32> to vector<40x40xf32>
    %select_n3A_311 = arith.select %eq3A_309, %slice3A_310, %select_n3A_306 : vector<40x40xi1>, vector<40x40xf32>
    %reduce_max3A_312 = arith.constant dense<0xFF800000> : vector<40xf32>
    %reduce_max3A_313 = vector.multi_reduction <maximumf>, %select_n3A_311, %reduce_max3A_312 [1] : vector<40x40xf32> to vector<40xf32>
    %broadcast_in_dim3A_314 = vector.shape_cast %reduce_max3A_313 : vector<40xf32> to vector<40x1xf32>
    %sub3A_315 = vector.broadcast %broadcast_in_dim3A_314 : vector<40x1xf32> to vector<40x40xf32>
    %sub3A_316 = arith.subf %select_n3A_311, %sub3A_315 : vector<40x40xf32>
    %exp3A_317 = math.exp %sub3A_316 : vector<40x40xf32>
    %reduce_sum3A_318 = arith.constant dense<0.000000e+00> : vector<40xf32>
    %reduce_sum3A_319 = vector.multi_reduction <add>, %exp3A_317, %reduce_sum3A_318 [1] : vector<40x40xf32> to vector<40xf32>
    %broadcast_in_dim3A_320 = vector.shape_cast %reduce_sum3A_319 : vector<40xf32> to vector<40x1xf32>
    %div3A_321 = vector.broadcast %broadcast_in_dim3A_320 : vector<40x1xf32> to vector<40x40xf32>
    %div3A_322 = arith.divf %exp3A_317, %div3A_321 : vector<40x40xf32>
    %dot_general3A_323 = arith.constant dense<0.000000e+00> : vector<40x128xf32>
    %dot_general3A_324 = tpu.matmul %div3A_322, %get3A_254, %dot_general3A_323 {dimension_numbers = #tpu.dot_dimension_numbers<[1], [0], [0], [1], [0, 0, 1, 1], [], []>, transpose_lhs_hint = false} : vector<40x40xf32>, vector<40x128xf32>, vector<40x128xf32> -> vector<40x128xf32>
    %get3A_325 = arith.constant 2 : index
    %get3A_326 = arith.constant 0 : index
    %get3A_327 = arith.constant 0 : index
    %get3A_328 = vector.load %arg6[%get3A_325, %get3A_326, %get3A_327] : memref<8x40x1xf32, #tpu.memory_space<vmem>>, vector<1x40x1xf32>
    %get3A_329 = vector.shape_cast %get3A_328 : vector<1x40x1xf32> to vector<40x1xf32>
    %get3A_330 = arith.constant 2 : index
    %get3A_331 = arith.constant 0 : index
    %get3A_332 = arith.constant 0 : index
    %get3A_333 = vector.load %arg3[%get3A_330, %get3A_331, %get3A_332] : memref<8x40x128xf32, #tpu.memory_space<vmem>>, vector<1x40x128xf32>
    %get3A_334 = vector.shape_cast %get3A_333 : vector<1x40x128xf32> to vector<40x128xf32>
    %get3A_335 = arith.constant 2 : index
    %get3A_336 = arith.constant 0 : index
    %get3A_337 = arith.constant 0 : index
    %get3A_338 = vector.load %arg4[%get3A_335, %get3A_336, %get3A_337] : memref<8x40x128xf32, #tpu.memory_space<vmem>>, vector<1x40x128xf32>
    %get3A_339 = vector.shape_cast %get3A_338 : vector<1x40x128xf32> to vector<40x128xf32>
    %add3A_340 = arith.addf %get3A_334, %get3A_339 : vector<40x128xf32>
    %get3A_341 = arith.constant 2 : index
    %get3A_342 = arith.constant 0 : index
    %get3A_343 = arith.constant 0 : index
    %get3A_344 = vector.load %arg5[%get3A_341, %get3A_342, %get3A_343] : memref<8x40x128xf32, #tpu.memory_space<vmem>>, vector<1x40x128xf32>
    %get3A_345 = vector.shape_cast %get3A_344 : vector<1x40x128xf32> to vector<40x128xf32>
    %add3A_346 = arith.addf %add3A_340, %get3A_345 : vector<40x128xf32>
    %mul3A_347 = arith.constant 0.333333343 : f32
    %mul3A_348 = vector.broadcast %mul3A_347 : f32 to vector<40x1xf32>
    %mul3A_349 = arith.mulf %get3A_329, %mul3A_348 : vector<40x1xf32>
    %mul3A_350 = vector.broadcast %mul3A_349 : vector<40x1xf32> to vector<40x128xf32>
    %mul3A_351 = arith.mulf %add3A_346, %mul3A_350 : vector<40x128xf32>
    %add3A_352 = arith.addf %dot_general3A_324, %mul3A_351 : vector<40x128xf32>
    %swap3A_353 = arith.constant 2 : index
    %swap3A_354 = arith.constant 0 : index
    %swap3A_355 = arith.constant 0 : index
    %swap3A_356 = vector.load %arg9[%swap3A_353, %swap3A_354, %swap3A_355] : memref<8x40x128xf32, #tpu.memory_space<vmem>>, vector<1x40x128xf32>
    %swap3A_357 = vector.shape_cast %swap3A_356 : vector<1x40x128xf32> to vector<40x128xf32>
    %swap3A_358 = vector.shape_cast %add3A_352 : vector<40x128xf32> to vector<1x40x128xf32>
    tpu.vector_store %arg9[%swap3A_353, %swap3A_354, %swap3A_355], %swap3A_358 {strides = array<i32>} : memref<8x40x128xf32, #tpu.memory_space<vmem>>, vector<1x40x128xf32>,
    %get3A_359 = arith.constant 2 : index
    %get3A_360 = arith.constant 0 : index
    %get3A_361 = arith.constant 0 : index
    %get3A_362 = vector.load %arg3[%get3A_359, %get3A_360, %get3A_361] : memref<8x40x128xf32, #tpu.memory_space<vmem>>, vector<1x40x128xf32>
    %get3A_363 = vector.shape_cast %get3A_362 : vector<1x40x128xf32> to vector<40x128xf32>
    %mul3A_364 = vector.broadcast %get3A_329 : vector<40x1xf32> to vector<40x128xf32>
    %mul3A_365 = arith.mulf %get3A_363, %mul3A_364 : vector<40x128xf32>
    %reduce_sum3A_366 = arith.constant dense<0.000000e+00> : vector<128xf32>
    %reduce_sum3A_367 = vector.multi_reduction <add>, %mul3A_365, %reduce_sum3A_366 [0] : vector<40x128xf32> to vector<128xf32>
    %broadcast_in_dim3A_368 = vector.shape_cast %reduce_sum3A_367 : vector<128xf32> to vector<1x128xf32>
    %get3A_369 = arith.constant 2 : index
    %get3A_370 = arith.constant 0 : index
    %get3A_371 = arith.constant 0 : index
    %get3A_372 = vector.load %arg7[%get3A_369, %get3A_370, %get3A_371] : memref<8x1x1xf32, #tpu.memory_space<vmem>>, vector<1x1x1xf32>
    %get3A_373 = vector.shape_cast %get3A_372 : vector<1x1x1xf32> to vector<1x1xf32>
    %div3A_374 = vector.broadcast %get3A_373 : vector<1x1xf32> to vector<1x128xf32>
    %div3A_375 = arith.divf %broadcast_in_dim3A_368, %div3A_374 : vector<1x128xf32>
    %swap3A_376 = arith.constant 2 : index
    %swap3A_377 = arith.constant 0 : index
    %swap3A_378 = arith.constant 0 : index
    %swap3A_379 = vector.load %arg10[%swap3A_376, %swap3A_377, %swap3A_378] : memref<8x1x128xf32, #tpu.memory_space<vmem>>, vector<1x1x128xf32>
    %swap3A_380 = vector.shape_cast %swap3A_379 : vector<1x1x128xf32> to vector<1x128xf32>
    %swap3A_381 = vector.shape_cast %div3A_375 : vector<1x128xf32> to vector<1x1x128xf32>
    tpu.vector_store %arg10[%swap3A_376, %swap3A_377, %swap3A_378], %swap3A_381 {strides = array<i32>} : memref<8x1x128xf32, #tpu.memory_space<vmem>>, vector<1x1x128xf32>,
    %get3A_382 = arith.constant 3 : index
    %get3A_383 = arith.constant 0 : index
    %get3A_384 = arith.constant 0 : index
    %get3A_385 = vector.load %arg1[%get3A_382, %get3A_383, %get3A_384] : memref<8x40x128xf32, #tpu.memory_space<vmem>>, vector<1x40x128xf32>
    %get3A_386 = vector.shape_cast %get3A_385 : vector<1x40x128xf32> to vector<40x128xf32>
    %get3A_387 = arith.constant 3 : index
    %get3A_388 = arith.constant 0 : index
    %get3A_389 = arith.constant 0 : index
    %get3A_390 = vector.load %arg2[%get3A_387, %get3A_388, %get3A_389] : memref<8x40x40xi32, #tpu.memory_space<vmem>>, vector<1x40x40xi32>
    %get3A_391 = vector.shape_cast %get3A_390 : vector<1x40x40xi32> to vector<40x40xi32>
    %slice3A_392 = vector.extract_strided_slice %get3A_1 {offsets = [0, 0], sizes = [1, 128], strides = [1, 1]} : vector<4x128xf32> to vector<1x128xf32>
    %squeeze3A_393 = vector.shape_cast %slice3A_392 : vector<1x128xf32> to vector<128xf32>
    %broadcast_in_dim3A_394 = vector.shape_cast %squeeze3A_393 : vector<128xf32> to vector<1x128xf32>
    %mul3A_395 = vector.broadcast %broadcast_in_dim3A_394 : vector<1x128xf32> to vector<40x128xf32>
    %mul3A_396 = arith.mulf %get3A_386, %mul3A_395 : vector<40x128xf32>
    %slice3A_397 = vector.extract_strided_slice %get3A_1 {offsets = [1, 0], sizes = [1, 128], strides = [1, 1]} : vector<4x128xf32> to vector<1x128xf32>
    %squeeze3A_398 = vector.shape_cast %slice3A_397 : vector<1x128xf32> to vector<128xf32>
    %broadcast_in_dim3A_399 = vector.shape_cast %squeeze3A_398 : vector<128xf32> to vector<1x128xf32>
    %mul3A_400 = vector.broadcast %broadcast_in_dim3A_399 : vector<1x128xf32> to vector<40x128xf32>
    %mul3A_401 = arith.mulf %get3A_386, %mul3A_400 : vector<40x128xf32>
    %slice3A_402 = vector.extract_strided_slice %get3A_1 {offsets = [2, 0], sizes = [1, 128], strides = [1, 1]} : vector<4x128xf32> to vector<1x128xf32>
    %squeeze3A_403 = vector.shape_cast %slice3A_402 : vector<1x128xf32> to vector<128xf32>
    %broadcast_in_dim3A_404 = vector.shape_cast %squeeze3A_403 : vector<128xf32> to vector<1x128xf32>
    %mul3A_405 = vector.broadcast %broadcast_in_dim3A_404 : vector<1x128xf32> to vector<40x128xf32>
    %mul3A_406 = arith.mulf %get3A_386, %mul3A_405 : vector<40x128xf32>
    %slice3A_407 = vector.extract_strided_slice %get3A_1 {offsets = [3, 0], sizes = [1, 128], strides = [1, 1]} : vector<4x128xf32> to vector<1x128xf32>
    %squeeze3A_408 = vector.shape_cast %slice3A_407 : vector<1x128xf32> to vector<128xf32>
    %broadcast_in_dim3A_409 = vector.shape_cast %squeeze3A_408 : vector<128xf32> to vector<1x128xf32>
    %mul3A_410 = vector.broadcast %broadcast_in_dim3A_409 : vector<1x128xf32> to vector<40x128xf32>
    %mul3A_411 = arith.mulf %get3A_386, %mul3A_410 : vector<40x128xf32>
    %concatenate3A_412 = tpu.concatenate %mul3A_396, %mul3A_401, %mul3A_406, %mul3A_411 in 0 : vector<40x128xf32>, vector<40x128xf32>, vector<40x128xf32>, vector<40x128xf32> -> vector<160x128xf32>
    %dot_general3A_413 = arith.constant dense<0.000000e+00> : vector<160x40xf32>
    %dot_general3A_414 = tpu.matmul %concatenate3A_412, %get3A_386, %dot_general3A_413 {dimension_numbers = #tpu.dot_dimension_numbers<[1], [1], [0], [0], [0, 0, 1, 0], [], []>, transpose_lhs_hint = false} : vector<160x128xf32>, vector<40x128xf32>, vector<160x40xf32> -> vector<160x40xf32>
    %ge3A_415 = arith.constant 0.000000e+00 : f32
    %ge3A_416 = vector.broadcast %ge3A_415 : f32 to vector<160x40xf32>
    %ge3A_417 = arith.cmpf oge, %dot_general3A_414, %ge3A_416 : vector<160x40xf32>
    %mul3A_418 = arith.constant 2.000000e-01 : f32
    %mul3A_419 = vector.broadcast %mul3A_418 : f32 to vector<160x40xf32>
    %mul3A_420 = arith.mulf %mul3A_419, %dot_general3A_414 : vector<160x40xf32>
    %select_n3A_421 = arith.select %ge3A_417, %dot_general3A_414, %mul3A_420 : vector<160x40xi1>, vector<160x40xf32>
    %broadcast_in_dim3A_422 = arith.constant -9.000000e+15 : f32
    %broadcast_in_dim3A_423 = vector.broadcast %broadcast_in_dim3A_422 : f32 to vector<40x40xf32>
    %eq3A_424 = arith.constant 1 : i32
    %eq3A_425 = vector.broadcast %eq3A_424 : i32 to vector<40x40xi32>
    %eq3A_426 = arith.cmpi eq, %get3A_391, %eq3A_425 : vector<40x40xi32>
    %slice3A_427 = vector.extract_strided_slice %select_n3A_421 {offsets = [0, 0], sizes = [40, 40], strides = [1, 1]} : vector<160x40xf32> to vector<40x40xf32>
    %select_n3A_428 = arith.select %eq3A_426, %slice3A_427, %broadcast_in_dim3A_423 : vector<40x40xi1>, vector<40x40xf32>
    %eq3A_429 = arith.constant 2 : i32
    %eq3A_430 = vector.broadcast %eq3A_429 : i32 to vector<40x40xi32>
    %eq3A_431 = arith.cmpi eq, %get3A_391, %eq3A_430 : vector<40x40xi32>
    %slice3A_432 = vector.extract_strided_slice %select_n3A_421 {offsets = [40, 0], sizes = [40, 40], strides = [1, 1]} : vector<160x40xf32> to vector<40x40xf32>
    %select_n3A_433 = arith.select %eq3A_431, %slice3A_432, %select_n3A_428 : vector<40x40xi1>, vector<40x40xf32>
    %eq3A_434 = arith.constant 3 : i32
    %eq3A_435 = vector.broadcast %eq3A_434 : i32 to vector<40x40xi32>
    %eq3A_436 = arith.cmpi eq, %get3A_391, %eq3A_435 : vector<40x40xi32>
    %slice3A_437 = vector.extract_strided_slice %select_n3A_421 {offsets = [80, 0], sizes = [40, 40], strides = [1, 1]} : vector<160x40xf32> to vector<40x40xf32>
    %select_n3A_438 = arith.select %eq3A_436, %slice3A_437, %select_n3A_433 : vector<40x40xi1>, vector<40x40xf32>
    %eq3A_439 = arith.constant 4 : i32
    %eq3A_440 = vector.broadcast %eq3A_439 : i32 to vector<40x40xi32>
    %eq3A_441 = arith.cmpi eq, %get3A_391, %eq3A_440 : vector<40x40xi32>
    %slice3A_442 = vector.extract_strided_slice %select_n3A_421 {offsets = [120, 0], sizes = [40, 40], strides = [1, 1]} : vector<160x40xf32> to vector<40x40xf32>
    %select_n3A_443 = arith.select %eq3A_441, %slice3A_442, %select_n3A_438 : vector<40x40xi1>, vector<40x40xf32>
    %reduce_max3A_444 = arith.constant dense<0xFF800000> : vector<40xf32>
    %reduce_max3A_445 = vector.multi_reduction <maximumf>, %select_n3A_443, %reduce_max3A_444 [1] : vector<40x40xf32> to vector<40xf32>
    %broadcast_in_dim3A_446 = vector.shape_cast %reduce_max3A_445 : vector<40xf32> to vector<40x1xf32>
    %sub3A_447 = vector.broadcast %broadcast_in_dim3A_446 : vector<40x1xf32> to vector<40x40xf32>
    %sub3A_448 = arith.subf %select_n3A_443, %sub3A_447 : vector<40x40xf32>
    %exp3A_449 = math.exp %sub3A_448 : vector<40x40xf32>
    %reduce_sum3A_450 = arith.constant dense<0.000000e+00> : vector<40xf32>
    %reduce_sum3A_451 = vector.multi_reduction <add>, %exp3A_449, %reduce_sum3A_450 [1] : vector<40x40xf32> to vector<40xf32>
    %broadcast_in_dim3A_452 = vector.shape_cast %reduce_sum3A_451 : vector<40xf32> to vector<40x1xf32>
    %div3A_453 = vector.broadcast %broadcast_in_dim3A_452 : vector<40x1xf32> to vector<40x40xf32>
    %div3A_454 = arith.divf %exp3A_449, %div3A_453 : vector<40x40xf32>
    %dot_general3A_455 = arith.constant dense<0.000000e+00> : vector<40x128xf32>
    %dot_general3A_456 = tpu.matmul %div3A_454, %get3A_386, %dot_general3A_455 {dimension_numbers = #tpu.dot_dimension_numbers<[1], [0], [0], [1], [0, 0, 1, 1], [], []>, transpose_lhs_hint = false} : vector<40x40xf32>, vector<40x128xf32>, vector<40x128xf32> -> vector<40x128xf32>
    %get3A_457 = arith.constant 3 : index
    %get3A_458 = arith.constant 0 : index
    %get3A_459 = arith.constant 0 : index
    %get3A_460 = vector.load %arg6[%get3A_457, %get3A_458, %get3A_459] : memref<8x40x1xf32, #tpu.memory_space<vmem>>, vector<1x40x1xf32>
    %get3A_461 = vector.shape_cast %get3A_460 : vector<1x40x1xf32> to vector<40x1xf32>
    %get3A_462 = arith.constant 3 : index
    %get3A_463 = arith.constant 0 : index
    %get3A_464 = arith.constant 0 : index
    %get3A_465 = vector.load %arg3[%get3A_462, %get3A_463, %get3A_464] : memref<8x40x128xf32, #tpu.memory_space<vmem>>, vector<1x40x128xf32>
    %get3A_466 = vector.shape_cast %get3A_465 : vector<1x40x128xf32> to vector<40x128xf32>
    %get3A_467 = arith.constant 3 : index
    %get3A_468 = arith.constant 0 : index
    %get3A_469 = arith.constant 0 : index
    %get3A_470 = vector.load %arg4[%get3A_467, %get3A_468, %get3A_469] : memref<8x40x128xf32, #tpu.memory_space<vmem>>, vector<1x40x128xf32>
    %get3A_471 = vector.shape_cast %get3A_470 : vector<1x40x128xf32> to vector<40x128xf32>
    %add3A_472 = arith.addf %get3A_466, %get3A_471 : vector<40x128xf32>
    %get3A_473 = arith.constant 3 : index
    %get3A_474 = arith.constant 0 : index
    %get3A_475 = arith.constant 0 : index
    %get3A_476 = vector.load %arg5[%get3A_473, %get3A_474, %get3A_475] : memref<8x40x128xf32, #tpu.memory_space<vmem>>, vector<1x40x128xf32>
    %get3A_477 = vector.shape_cast %get3A_476 : vector<1x40x128xf32> to vector<40x128xf32>
    %add3A_478 = arith.addf %add3A_472, %get3A_477 : vector<40x128xf32>
    %mul3A_479 = arith.constant 0.333333343 : f32
    %mul3A_480 = vector.broadcast %mul3A_479 : f32 to vector<40x1xf32>
    %mul3A_481 = arith.mulf %get3A_461, %mul3A_480 : vector<40x1xf32>
    %mul3A_482 = vector.broadcast %mul3A_481 : vector<40x1xf32> to vector<40x128xf32>
    %mul3A_483 = arith.mulf %add3A_478, %mul3A_482 : vector<40x128xf32>
    %add3A_484 = arith.addf %dot_general3A_456, %mul3A_483 : vector<40x128xf32>
    %swap3A_485 = arith.constant 3 : index
    %swap3A_486 = arith.constant 0 : index
    %swap3A_487 = arith.constant 0 : index
    %swap3A_488 = vector.load %arg9[%swap3A_485, %swap3A_486, %swap3A_487] : memref<8x40x128xf32, #tpu.memory_space<vmem>>, vector<1x40x128xf32>
    %swap3A_489 = vector.shape_cast %swap3A_488 : vector<1x40x128xf32> to vector<40x128xf32>
    %swap3A_490 = vector.shape_cast %add3A_484 : vector<40x128xf32> to vector<1x40x128xf32>
    tpu.vector_store %arg9[%swap3A_485, %swap3A_486, %swap3A_487], %swap3A_490 {strides = array<i32>} : memref<8x40x128xf32, #tpu.memory_space<vmem>>, vector<1x40x128xf32>,
    %get3A_491 = arith.constant 3 : index
    %get3A_492 = arith.constant 0 : index
    %get3A_493 = arith.constant 0 : index
    %get3A_494 = vector.load %arg3[%get3A_491, %get3A_492, %get3A_493] : memref<8x40x128xf32, #tpu.memory_space<vmem>>, vector<1x40x128xf32>
    %get3A_495 = vector.shape_cast %get3A_494 : vector<1x40x128xf32> to vector<40x128xf32>
    %mul3A_496 = vector.broadcast %get3A_461 : vector<40x1xf32> to vector<40x128xf32>
    %mul3A_497 = arith.mulf %get3A_495, %mul3A_496 : vector<40x128xf32>
    %reduce_sum3A_498 = arith.constant dense<0.000000e+00> : vector<128xf32>
    %reduce_sum3A_499 = vector.multi_reduction <add>, %mul3A_497, %reduce_sum3A_498 [0] : vector<40x128xf32> to vector<128xf32>
    %broadcast_in_dim3A_500 = vector.shape_cast %reduce_sum3A_499 : vector<128xf32> to vector<1x128xf32>
    %get3A_501 = arith.constant 3 : index
    %get3A_502 = arith.constant 0 : index
    %get3A_503 = arith.constant 0 : index
    %get3A_504 = vector.load %arg7[%get3A_501, %get3A_502, %get3A_503] : memref<8x1x1xf32, #tpu.memory_space<vmem>>, vector<1x1x1xf32>
    %get3A_505 = vector.shape_cast %get3A_504 : vector<1x1x1xf32> to vector<1x1xf32>
    %div3A_506 = vector.broadcast %get3A_505 : vector<1x1xf32> to vector<1x128xf32>
    %div3A_507 = arith.divf %broadcast_in_dim3A_500, %div3A_506 : vector<1x128xf32>
    %swap3A_508 = arith.constant 3 : index
    %swap3A_509 = arith.constant 0 : index
    %swap3A_510 = arith.constant 0 : index
    %swap3A_511 = vector.load %arg10[%swap3A_508, %swap3A_509, %swap3A_510] : memref<8x1x128xf32, #tpu.memory_space<vmem>>, vector<1x1x128xf32>
    %swap3A_512 = vector.shape_cast %swap3A_511 : vector<1x1x128xf32> to vector<1x128xf32>
    %swap3A_513 = vector.shape_cast %div3A_507 : vector<1x128xf32> to vector<1x1x128xf32>
    tpu.vector_store %arg10[%swap3A_508, %swap3A_509, %swap3A_510], %swap3A_513 {strides = array<i32>} : memref<8x1x128xf32, #tpu.memory_space<vmem>>, vector<1x1x128xf32>,
    %get3A_514 = arith.constant 4 : index
    %get3A_515 = arith.constant 0 : index
    %get3A_516 = arith.constant 0 : index
    %get3A_517 = vector.load %arg1[%get3A_514, %get3A_515, %get3A_516] : memref<8x40x128xf32, #tpu.memory_space<vmem>>, vector<1x40x128xf32>
    %get3A_518 = vector.shape_cast %get3A_517 : vector<1x40x128xf32> to vector<40x128xf32>
    %get3A_519 = arith.constant 4 : index
    %get3A_520 = arith.constant 0 : index
    %get3A_521 = arith.constant 0 : index
    %get3A_522 = vector.load %arg2[%get3A_519, %get3A_520, %get3A_521] : memref<8x40x40xi32, #tpu.memory_space<vmem>>, vector<1x40x40xi32>
    %get3A_523 = vector.shape_cast %get3A_522 : vector<1x40x40xi32> to vector<40x40xi32>
    %slice3A_524 = vector.extract_strided_slice %get3A_1 {offsets = [0, 0], sizes = [1, 128], strides = [1, 1]} : vector<4x128xf32> to vector<1x128xf32>
    %squeeze3A_525 = vector.shape_cast %slice3A_524 : vector<1x128xf32> to vector<128xf32>
    %broadcast_in_dim3A_526 = vector.shape_cast %squeeze3A_525 : vector<128xf32> to vector<1x128xf32>
    %mul3A_527 = vector.broadcast %broadcast_in_dim3A_526 : vector<1x128xf32> to vector<40x128xf32>
    %mul3A_528 = arith.mulf %get3A_518, %mul3A_527 : vector<40x128xf32>
    %slice3A_529 = vector.extract_strided_slice %get3A_1 {offsets = [1, 0], sizes = [1, 128], strides = [1, 1]} : vector<4x128xf32> to vector<1x128xf32>
    %squeeze3A_530 = vector.shape_cast %slice3A_529 : vector<1x128xf32> to vector<128xf32>
    %broadcast_in_dim3A_531 = vector.shape_cast %squeeze3A_530 : vector<128xf32> to vector<1x128xf32>
    %mul3A_532 = vector.broadcast %broadcast_in_dim3A_531 : vector<1x128xf32> to vector<40x128xf32>
    %mul3A_533 = arith.mulf %get3A_518, %mul3A_532 : vector<40x128xf32>
    %slice3A_534 = vector.extract_strided_slice %get3A_1 {offsets = [2, 0], sizes = [1, 128], strides = [1, 1]} : vector<4x128xf32> to vector<1x128xf32>
    %squeeze3A_535 = vector.shape_cast %slice3A_534 : vector<1x128xf32> to vector<128xf32>
    %broadcast_in_dim3A_536 = vector.shape_cast %squeeze3A_535 : vector<128xf32> to vector<1x128xf32>
    %mul3A_537 = vector.broadcast %broadcast_in_dim3A_536 : vector<1x128xf32> to vector<40x128xf32>
    %mul3A_538 = arith.mulf %get3A_518, %mul3A_537 : vector<40x128xf32>
    %slice3A_539 = vector.extract_strided_slice %get3A_1 {offsets = [3, 0], sizes = [1, 128], strides = [1, 1]} : vector<4x128xf32> to vector<1x128xf32>
    %squeeze3A_540 = vector.shape_cast %slice3A_539 : vector<1x128xf32> to vector<128xf32>
    %broadcast_in_dim3A_541 = vector.shape_cast %squeeze3A_540 : vector<128xf32> to vector<1x128xf32>
    %mul3A_542 = vector.broadcast %broadcast_in_dim3A_541 : vector<1x128xf32> to vector<40x128xf32>
    %mul3A_543 = arith.mulf %get3A_518, %mul3A_542 : vector<40x128xf32>
    %concatenate3A_544 = tpu.concatenate %mul3A_528, %mul3A_533, %mul3A_538, %mul3A_543 in 0 : vector<40x128xf32>, vector<40x128xf32>, vector<40x128xf32>, vector<40x128xf32> -> vector<160x128xf32>
    %dot_general3A_545 = arith.constant dense<0.000000e+00> : vector<160x40xf32>
    %dot_general3A_546 = tpu.matmul %concatenate3A_544, %get3A_518, %dot_general3A_545 {dimension_numbers = #tpu.dot_dimension_numbers<[1], [1], [0], [0], [0, 0, 1, 0], [], []>, transpose_lhs_hint = false} : vector<160x128xf32>, vector<40x128xf32>, vector<160x40xf32> -> vector<160x40xf32>
    %ge3A_547 = arith.constant 0.000000e+00 : f32
    %ge3A_548 = vector.broadcast %ge3A_547 : f32 to vector<160x40xf32>
    %ge3A_549 = arith.cmpf oge, %dot_general3A_546, %ge3A_548 : vector<160x40xf32>
    %mul3A_550 = arith.constant 2.000000e-01 : f32
    %mul3A_551 = vector.broadcast %mul3A_550 : f32 to vector<160x40xf32>
    %mul3A_552 = arith.mulf %mul3A_551, %dot_general3A_546 : vector<160x40xf32>
    %select_n3A_553 = arith.select %ge3A_549, %dot_general3A_546, %mul3A_552 : vector<160x40xi1>, vector<160x40xf32>
    %broadcast_in_dim3A_554 = arith.constant -9.000000e+15 : f32
    %broadcast_in_dim3A_555 = vector.broadcast %broadcast_in_dim3A_554 : f32 to vector<40x40xf32>
    %eq3A_556 = arith.constant 1 : i32
    %eq3A_557 = vector.broadcast %eq3A_556 : i32 to vector<40x40xi32>
    %eq3A_558 = arith.cmpi eq, %get3A_523, %eq3A_557 : vector<40x40xi32>
    %slice3A_559 = vector.extract_strided_slice %select_n3A_553 {offsets = [0, 0], sizes = [40, 40], strides = [1, 1]} : vector<160x40xf32> to vector<40x40xf32>
    %select_n3A_560 = arith.select %eq3A_558, %slice3A_559, %broadcast_in_dim3A_555 : vector<40x40xi1>, vector<40x40xf32>
    %eq3A_561 = arith.constant 2 : i32
    %eq3A_562 = vector.broadcast %eq3A_561 : i32 to vector<40x40xi32>
    %eq3A_563 = arith.cmpi eq, %get3A_523, %eq3A_562 : vector<40x40xi32>
    %slice3A_564 = vector.extract_strided_slice %select_n3A_553 {offsets = [40, 0], sizes = [40, 40], strides = [1, 1]} : vector<160x40xf32> to vector<40x40xf32>
    %select_n3A_565 = arith.select %eq3A_563, %slice3A_564, %select_n3A_560 : vector<40x40xi1>, vector<40x40xf32>
    %eq3A_566 = arith.constant 3 : i32
    %eq3A_567 = vector.broadcast %eq3A_566 : i32 to vector<40x40xi32>
    %eq3A_568 = arith.cmpi eq, %get3A_523, %eq3A_567 : vector<40x40xi32>
    %slice3A_569 = vector.extract_strided_slice %select_n3A_553 {offsets = [80, 0], sizes = [40, 40], strides = [1, 1]} : vector<160x40xf32> to vector<40x40xf32>
    %select_n3A_570 = arith.select %eq3A_568, %slice3A_569, %select_n3A_565 : vector<40x40xi1>, vector<40x40xf32>
    %eq3A_571 = arith.constant 4 : i32
    %eq3A_572 = vector.broadcast %eq3A_571 : i32 to vector<40x40xi32>
    %eq3A_573 = arith.cmpi eq, %get3A_523, %eq3A_572 : vector<40x40xi32>
    %slice3A_574 = vector.extract_strided_slice %select_n3A_553 {offsets = [120, 0], sizes = [40, 40], strides = [1, 1]} : vector<160x40xf32> to vector<40x40xf32>
    %select_n3A_575 = arith.select %eq3A_573, %slice3A_574, %select_n3A_570 : vector<40x40xi1>, vector<40x40xf32>
    %reduce_max3A_576 = arith.constant dense<0xFF800000> : vector<40xf32>
    %reduce_max3A_577 = vector.multi_reduction <maximumf>, %select_n3A_575, %reduce_max3A_576 [1] : vector<40x40xf32> to vector<40xf32>
    %broadcast_in_dim3A_578 = vector.shape_cast %reduce_max3A_577 : vector<40xf32> to vector<40x1xf32>
    %sub3A_579 = vector.broadcast %broadcast_in_dim3A_578 : vector<40x1xf32> to vector<40x40xf32>
    %sub3A_580 = arith.subf %select_n3A_575, %sub3A_579 : vector<40x40xf32>
    %exp3A_581 = math.exp %sub3A_580 : vector<40x40xf32>
    %reduce_sum3A_582 = arith.constant dense<0.000000e+00> : vector<40xf32>
    %reduce_sum3A_583 = vector.multi_reduction <add>, %exp3A_581, %reduce_sum3A_582 [1] : vector<40x40xf32> to vector<40xf32>
    %broadcast_in_dim3A_584 = vector.shape_cast %reduce_sum3A_583 : vector<40xf32> to vector<40x1xf32>
    %div3A_585 = vector.broadcast %broadcast_in_dim3A_584 : vector<40x1xf32> to vector<40x40xf32>
    %div3A_586 = arith.divf %exp3A_581, %div3A_585 : vector<40x40xf32>
    %dot_general3A_587 = arith.constant dense<0.000000e+00> : vector<40x128xf32>
    %dot_general3A_588 = tpu.matmul %div3A_586, %get3A_518, %dot_general3A_587 {dimension_numbers = #tpu.dot_dimension_numbers<[1], [0], [0], [1], [0, 0, 1, 1], [], []>, transpose_lhs_hint = false} : vector<40x40xf32>, vector<40x128xf32>, vector<40x128xf32> -> vector<40x128xf32>
    %get3A_589 = arith.constant 4 : index
    %get3A_590 = arith.constant 0 : index
    %get3A_591 = arith.constant 0 : index
    %get3A_592 = vector.load %arg6[%get3A_589, %get3A_590, %get3A_591] : memref<8x40x1xf32, #tpu.memory_space<vmem>>, vector<1x40x1xf32>
    %get3A_593 = vector.shape_cast %get3A_592 : vector<1x40x1xf32> to vector<40x1xf32>
    %get3A_594 = arith.constant 4 : index
    %get3A_595 = arith.constant 0 : index
    %get3A_596 = arith.constant 0 : index
    %get3A_597 = vector.load %arg3[%get3A_594, %get3A_595, %get3A_596] : memref<8x40x128xf32, #tpu.memory_space<vmem>>, vector<1x40x128xf32>
    %get3A_598 = vector.shape_cast %get3A_597 : vector<1x40x128xf32> to vector<40x128xf32>
    %get3A_599 = arith.constant 4 : index
    %get3A_600 = arith.constant 0 : index
    %get3A_601 = arith.constant 0 : index
    %get3A_602 = vector.load %arg4[%get3A_599, %get3A_600, %get3A_601] : memref<8x40x128xf32, #tpu.memory_space<vmem>>, vector<1x40x128xf32>
    %get3A_603 = vector.shape_cast %get3A_602 : vector<1x40x128xf32> to vector<40x128xf32>
    %add3A_604 = arith.addf %get3A_598, %get3A_603 : vector<40x128xf32>
    %get3A_605 = arith.constant 4 : index
    %get3A_606 = arith.constant 0 : index
    %get3A_607 = arith.constant 0 : index
    %get3A_608 = vector.load %arg5[%get3A_605, %get3A_606, %get3A_607] : memref<8x40x128xf32, #tpu.memory_space<vmem>>, vector<1x40x128xf32>
    %get3A_609 = vector.shape_cast %get3A_608 : vector<1x40x128xf32> to vector<40x128xf32>
    %add3A_610 = arith.addf %add3A_604, %get3A_609 : vector<40x128xf32>
    %mul3A_611 = arith.constant 0.333333343 : f32
    %mul3A_612 = vector.broadcast %mul3A_611 : f32 to vector<40x1xf32>
    %mul3A_613 = arith.mulf %get3A_593, %mul3A_612 : vector<40x1xf32>
    %mul3A_614 = vector.broadcast %mul3A_613 : vector<40x1xf32> to vector<40x128xf32>
    %mul3A_615 = arith.mulf %add3A_610, %mul3A_614 : vector<40x128xf32>
    %add3A_616 = arith.addf %dot_general3A_588, %mul3A_615 : vector<40x128xf32>
    %swap3A_617 = arith.constant 4 : index
    %swap3A_618 = arith.constant 0 : index
    %swap3A_619 = arith.constant 0 : index
    %swap3A_620 = vector.load %arg9[%swap3A_617, %swap3A_618, %swap3A_619] : memref<8x40x128xf32, #tpu.memory_space<vmem>>, vector<1x40x128xf32>
    %swap3A_621 = vector.shape_cast %swap3A_620 : vector<1x40x128xf32> to vector<40x128xf32>
    %swap3A_622 = vector.shape_cast %add3A_616 : vector<40x128xf32> to vector<1x40x128xf32>
    tpu.vector_store %arg9[%swap3A_617, %swap3A_618, %swap3A_619], %swap3A_622 {strides = array<i32>} : memref<8x40x128xf32, #tpu.memory_space<vmem>>, vector<1x40x128xf32>,
    %get3A_623 = arith.constant 4 : index
    %get3A_624 = arith.constant 0 : index
    %get3A_625 = arith.constant 0 : index
    %get3A_626 = vector.load %arg3[%get3A_623, %get3A_624, %get3A_625] : memref<8x40x128xf32, #tpu.memory_space<vmem>>, vector<1x40x128xf32>
    %get3A_627 = vector.shape_cast %get3A_626 : vector<1x40x128xf32> to vector<40x128xf32>
    %mul3A_628 = vector.broadcast %get3A_593 : vector<40x1xf32> to vector<40x128xf32>
    %mul3A_629 = arith.mulf %get3A_627, %mul3A_628 : vector<40x128xf32>
    %reduce_sum3A_630 = arith.constant dense<0.000000e+00> : vector<128xf32>
    %reduce_sum3A_631 = vector.multi_reduction <add>, %mul3A_629, %reduce_sum3A_630 [0] : vector<40x128xf32> to vector<128xf32>
    %broadcast_in_dim3A_632 = vector.shape_cast %reduce_sum3A_631 : vector<128xf32> to vector<1x128xf32>
    %get3A_633 = arith.constant 4 : index
    %get3A_634 = arith.constant 0 : index
    %get3A_635 = arith.constant 0 : index
    %get3A_636 = vector.load %arg7[%get3A_633, %get3A_634, %get3A_635] : memref<8x1x1xf32, #tpu.memory_space<vmem>>, vector<1x1x1xf32>
    %get3A_637 = vector.shape_cast %get3A_636 : vector<1x1x1xf32> to vector<1x1xf32>
    %div3A_638 = vector.broadcast %get3A_637 : vector<1x1xf32> to vector<1x128xf32>
    %div3A_639 = arith.divf %broadcast_in_dim3A_632, %div3A_638 : vector<1x128xf32>
    %swap3A_640 = arith.constant 4 : index
    %swap3A_641 = arith.constant 0 : index
    %swap3A_642 = arith.constant 0 : index
    %swap3A_643 = vector.load %arg10[%swap3A_640, %swap3A_641, %swap3A_642] : memref<8x1x128xf32, #tpu.memory_space<vmem>>, vector<1x1x128xf32>
    %swap3A_644 = vector.shape_cast %swap3A_643 : vector<1x1x128xf32> to vector<1x128xf32>
    %swap3A_645 = vector.shape_cast %div3A_639 : vector<1x128xf32> to vector<1x1x128xf32>
    tpu.vector_store %arg10[%swap3A_640, %swap3A_641, %swap3A_642], %swap3A_645 {strides = array<i32>} : memref<8x1x128xf32, #tpu.memory_space<vmem>>, vector<1x1x128xf32>,
    %get3A_646 = arith.constant 5 : index
    %get3A_647 = arith.constant 0 : index
    %get3A_648 = arith.constant 0 : index
    %get3A_649 = vector.load %arg1[%get3A_646, %get3A_647, %get3A_648] : memref<8x40x128xf32, #tpu.memory_space<vmem>>, vector<1x40x128xf32>
    %get3A_650 = vector.shape_cast %get3A_649 : vector<1x40x128xf32> to vector<40x128xf32>
    %get3A_651 = arith.constant 5 : index
    %get3A_652 = arith.constant 0 : index
    %get3A_653 = arith.constant 0 : index
    %get3A_654 = vector.load %arg2[%get3A_651, %get3A_652, %get3A_653] : memref<8x40x40xi32, #tpu.memory_space<vmem>>, vector<1x40x40xi32>
    %get3A_655 = vector.shape_cast %get3A_654 : vector<1x40x40xi32> to vector<40x40xi32>
    %slice3A_656 = vector.extract_strided_slice %get3A_1 {offsets = [0, 0], sizes = [1, 128], strides = [1, 1]} : vector<4x128xf32> to vector<1x128xf32>
    %squeeze3A_657 = vector.shape_cast %slice3A_656 : vector<1x128xf32> to vector<128xf32>
    %broadcast_in_dim3A_658 = vector.shape_cast %squeeze3A_657 : vector<128xf32> to vector<1x128xf32>
    %mul3A_659 = vector.broadcast %broadcast_in_dim3A_658 : vector<1x128xf32> to vector<40x128xf32>
    %mul3A_660 = arith.mulf %get3A_650, %mul3A_659 : vector<40x128xf32>
    %slice3A_661 = vector.extract_strided_slice %get3A_1 {offsets = [1, 0], sizes = [1, 128], strides = [1, 1]} : vector<4x128xf32> to vector<1x128xf32>
    %squeeze3A_662 = vector.shape_cast %slice3A_661 : vector<1x128xf32> to vector<128xf32>
    %broadcast_in_dim3A_663 = vector.shape_cast %squeeze3A_662 : vector<128xf32> to vector<1x128xf32>
    %mul3A_664 = vector.broadcast %broadcast_in_dim3A_663 : vector<1x128xf32> to vector<40x128xf32>
    %mul3A_665 = arith.mulf %get3A_650, %mul3A_664 : vector<40x128xf32>
    %slice3A_666 = vector.extract_strided_slice %get3A_1 {offsets = [2, 0], sizes = [1, 128], strides = [1, 1]} : vector<4x128xf32> to vector<1x128xf32>
    %squeeze3A_667 = vector.shape_cast %slice3A_666 : vector<1x128xf32> to vector<128xf32>
    %broadcast_in_dim3A_668 = vector.shape_cast %squeeze3A_667 : vector<128xf32> to vector<1x128xf32>
    %mul3A_669 = vector.broadcast %broadcast_in_dim3A_668 : vector<1x128xf32> to vector<40x128xf32>
    %mul3A_670 = arith.mulf %get3A_650, %mul3A_669 : vector<40x128xf32>
    %slice3A_671 = vector.extract_strided_slice %get3A_1 {offsets = [3, 0], sizes = [1, 128], strides = [1, 1]} : vector<4x128xf32> to vector<1x128xf32>
    %squeeze3A_672 = vector.shape_cast %slice3A_671 : vector<1x128xf32> to vector<128xf32>
    %broadcast_in_dim3A_673 = vector.shape_cast %squeeze3A_672 : vector<128xf32> to vector<1x128xf32>
    %mul3A_674 = vector.broadcast %broadcast_in_dim3A_673 : vector<1x128xf32> to vector<40x128xf32>
    %mul3A_675 = arith.mulf %get3A_650, %mul3A_674 : vector<40x128xf32>
    %concatenate3A_676 = tpu.concatenate %mul3A_660, %mul3A_665, %mul3A_670, %mul3A_675 in 0 : vector<40x128xf32>, vector<40x128xf32>, vector<40x128xf32>, vector<40x128xf32> -> vector<160x128xf32>
    %dot_general3A_677 = arith.constant dense<0.000000e+00> : vector<160x40xf32>
    %dot_general3A_678 = tpu.matmul %concatenate3A_676, %get3A_650, %dot_general3A_677 {dimension_numbers = #tpu.dot_dimension_numbers<[1], [1], [0], [0], [0, 0, 1, 0], [], []>, transpose_lhs_hint = false} : vector<160x128xf32>, vector<40x128xf32>, vector<160x40xf32> -> vector<160x40xf32>
    %ge3A_679 = arith.constant 0.000000e+00 : f32
    %ge3A_680 = vector.broadcast %ge3A_679 : f32 to vector<160x40xf32>
    %ge3A_681 = arith.cmpf oge, %dot_general3A_678, %ge3A_680 : vector<160x40xf32>
    %mul3A_682 = arith.constant 2.000000e-01 : f32
    %mul3A_683 = vector.broadcast %mul3A_682 : f32 to vector<160x40xf32>
    %mul3A_684 = arith.mulf %mul3A_683, %dot_general3A_678 : vector<160x40xf32>
    %select_n3A_685 = arith.select %ge3A_681, %dot_general3A_678, %mul3A_684 : vector<160x40xi1>, vector<160x40xf32>
    %broadcast_in_dim3A_686 = arith.constant -9.000000e+15 : f32
    %broadcast_in_dim3A_687 = vector.broadcast %broadcast_in_dim3A_686 : f32 to vector<40x40xf32>
    %eq3A_688 = arith.constant 1 : i32
    %eq3A_689 = vector.broadcast %eq3A_688 : i32 to vector<40x40xi32>
    %eq3A_690 = arith.cmpi eq, %get3A_655, %eq3A_689 : vector<40x40xi32>
    %slice3A_691 = vector.extract_strided_slice %select_n3A_685 {offsets = [0, 0], sizes = [40, 40], strides = [1, 1]} : vector<160x40xf32> to vector<40x40xf32>
    %select_n3A_692 = arith.select %eq3A_690, %slice3A_691, %broadcast_in_dim3A_687 : vector<40x40xi1>, vector<40x40xf32>
    %eq3A_693 = arith.constant 2 : i32
    %eq3A_694 = vector.broadcast %eq3A_693 : i32 to vector<40x40xi32>
    %eq3A_695 = arith.cmpi eq, %get3A_655, %eq3A_694 : vector<40x40xi32>
    %slice3A_696 = vector.extract_strided_slice %select_n3A_685 {offsets = [40, 0], sizes = [40, 40], strides = [1, 1]} : vector<160x40xf32> to vector<40x40xf32>
    %select_n3A_697 = arith.select %eq3A_695, %slice3A_696, %select_n3A_692 : vector<40x40xi1>, vector<40x40xf32>
    %eq3A_698 = arith.constant 3 : i32
    %eq3A_699 = vector.broadcast %eq3A_698 : i32 to vector<40x40xi32>
    %eq3A_700 = arith.cmpi eq, %get3A_655, %eq3A_699 : vector<40x40xi32>
    %slice3A_701 = vector.extract_strided_slice %select_n3A_685 {offsets = [80, 0], sizes = [40, 40], strides = [1, 1]} : vector<160x40xf32> to vector<40x40xf32>
    %select_n3A_702 = arith.select %eq3A_700, %slice3A_701, %select_n3A_697 : vector<40x40xi1>, vector<40x40xf32>
    %eq3A_703 = arith.constant 4 : i32
    %eq3A_704 = vector.broadcast %eq3A_703 : i32 to vector<40x40xi32>
    %eq3A_705 = arith.cmpi eq, %get3A_655, %eq3A_704 : vector<40x40xi32>
    %slice3A_706 = vector.extract_strided_slice %select_n3A_685 {offsets = [120, 0], sizes = [40, 40], strides = [1, 1]} : vector<160x40xf32> to vector<40x40xf32>
    %select_n3A_707 = arith.select %eq3A_705, %slice3A_706, %select_n3A_702 : vector<40x40xi1>, vector<40x40xf32>
    %reduce_max3A_708 = arith.constant dense<0xFF800000> : vector<40xf32>
    %reduce_max3A_709 = vector.multi_reduction <maximumf>, %select_n3A_707, %reduce_max3A_708 [1] : vector<40x40xf32> to vector<40xf32>
    %broadcast_in_dim3A_710 = vector.shape_cast %reduce_max3A_709 : vector<40xf32> to vector<40x1xf32>
    %sub3A_711 = vector.broadcast %broadcast_in_dim3A_710 : vector<40x1xf32> to vector<40x40xf32>
    %sub3A_712 = arith.subf %select_n3A_707, %sub3A_711 : vector<40x40xf32>
    %exp3A_713 = math.exp %sub3A_712 : vector<40x40xf32>
    %reduce_sum3A_714 = arith.constant dense<0.000000e+00> : vector<40xf32>
    %reduce_sum3A_715 = vector.multi_reduction <add>, %exp3A_713, %reduce_sum3A_714 [1] : vector<40x40xf32> to vector<40xf32>
    %broadcast_in_dim3A_716 = vector.shape_cast %reduce_sum3A_715 : vector<40xf32> to vector<40x1xf32>
    %div3A_717 = vector.broadcast %broadcast_in_dim3A_716 : vector<40x1xf32> to vector<40x40xf32>
    %div3A_718 = arith.divf %exp3A_713, %div3A_717 : vector<40x40xf32>
    %dot_general3A_719 = arith.constant dense<0.000000e+00> : vector<40x128xf32>
    %dot_general3A_720 = tpu.matmul %div3A_718, %get3A_650, %dot_general3A_719 {dimension_numbers = #tpu.dot_dimension_numbers<[1], [0], [0], [1], [0, 0, 1, 1], [], []>, transpose_lhs_hint = false} : vector<40x40xf32>, vector<40x128xf32>, vector<40x128xf32> -> vector<40x128xf32>
    %get3A_721 = arith.constant 5 : index
    %get3A_722 = arith.constant 0 : index
    %get3A_723 = arith.constant 0 : index
    %get3A_724 = vector.load %arg6[%get3A_721, %get3A_722, %get3A_723] : memref<8x40x1xf32, #tpu.memory_space<vmem>>, vector<1x40x1xf32>
    %get3A_725 = vector.shape_cast %get3A_724 : vector<1x40x1xf32> to vector<40x1xf32>
    %get3A_726 = arith.constant 5 : index
    %get3A_727 = arith.constant 0 : index
    %get3A_728 = arith.constant 0 : index
    %get3A_729 = vector.load %arg3[%get3A_726, %get3A_727, %get3A_728] : memref<8x40x128xf32, #tpu.memory_space<vmem>>, vector<1x40x128xf32>
    %get3A_730 = vector.shape_cast %get3A_729 : vector<1x40x128xf32> to vector<40x128xf32>
    %get3A_731 = arith.constant 5 : index
    %get3A_732 = arith.constant 0 : index
    %get3A_733 = arith.constant 0 : index
    %get3A_734 = vector.load %arg4[%get3A_731, %get3A_732, %get3A_733] : memref<8x40x128xf32, #tpu.memory_space<vmem>>, vector<1x40x128xf32>
    %get3A_735 = vector.shape_cast %get3A_734 : vector<1x40x128xf32> to vector<40x128xf32>
    %add3A_736 = arith.addf %get3A_730, %get3A_735 : vector<40x128xf32>
    %get3A_737 = arith.constant 5 : index
    %get3A_738 = arith.constant 0 : index
    %get3A_739 = arith.constant 0 : index
    %get3A_740 = vector.load %arg5[%get3A_737, %get3A_738, %get3A_739] : memref<8x40x128xf32, #tpu.memory_space<vmem>>, vector<1x40x128xf32>
    %get3A_741 = vector.shape_cast %get3A_740 : vector<1x40x128xf32> to vector<40x128xf32>
    %add3A_742 = arith.addf %add3A_736, %get3A_741 : vector<40x128xf32>
    %mul3A_743 = arith.constant 0.333333343 : f32
    %mul3A_744 = vector.broadcast %mul3A_743 : f32 to vector<40x1xf32>
    %mul3A_745 = arith.mulf %get3A_725, %mul3A_744 : vector<40x1xf32>
    %mul3A_746 = vector.broadcast %mul3A_745 : vector<40x1xf32> to vector<40x128xf32>
    %mul3A_747 = arith.mulf %add3A_742, %mul3A_746 : vector<40x128xf32>
    %add3A_748 = arith.addf %dot_general3A_720, %mul3A_747 : vector<40x128xf32>
    %swap3A_749 = arith.constant 5 : index
    %swap3A_750 = arith.constant 0 : index
    %swap3A_751 = arith.constant 0 : index
    %swap3A_752 = vector.load %arg9[%swap3A_749, %swap3A_750, %swap3A_751] : memref<8x40x128xf32, #tpu.memory_space<vmem>>, vector<1x40x128xf32>
    %swap3A_753 = vector.shape_cast %swap3A_752 : vector<1x40x128xf32> to vector<40x128xf32>
    %swap3A_754 = vector.shape_cast %add3A_748 : vector<40x128xf32> to vector<1x40x128xf32>
    tpu.vector_store %arg9[%swap3A_749, %swap3A_750, %swap3A_751], %swap3A_754 {strides = array<i32>} : memref<8x40x128xf32, #tpu.memory_space<vmem>>, vector<1x40x128xf32>,
    %get3A_755 = arith.constant 5 : index
    %get3A_756 = arith.constant 0 : index
    %get3A_757 = arith.constant 0 : index
    %get3A_758 = vector.load %arg3[%get3A_755, %get3A_756, %get3A_757] : memref<8x40x128xf32, #tpu.memory_space<vmem>>, vector<1x40x128xf32>
    %get3A_759 = vector.shape_cast %get3A_758 : vector<1x40x128xf32> to vector<40x128xf32>
    %mul3A_760 = vector.broadcast %get3A_725 : vector<40x1xf32> to vector<40x128xf32>
    %mul3A_761 = arith.mulf %get3A_759, %mul3A_760 : vector<40x128xf32>
    %reduce_sum3A_762 = arith.constant dense<0.000000e+00> : vector<128xf32>
    %reduce_sum3A_763 = vector.multi_reduction <add>, %mul3A_761, %reduce_sum3A_762 [0] : vector<40x128xf32> to vector<128xf32>
    %broadcast_in_dim3A_764 = vector.shape_cast %reduce_sum3A_763 : vector<128xf32> to vector<1x128xf32>
    %get3A_765 = arith.constant 5 : index
    %get3A_766 = arith.constant 0 : index
    %get3A_767 = arith.constant 0 : index
    %get3A_768 = vector.load %arg7[%get3A_765, %get3A_766, %get3A_767] : memref<8x1x1xf32, #tpu.memory_space<vmem>>, vector<1x1x1xf32>
    %get3A_769 = vector.shape_cast %get3A_768 : vector<1x1x1xf32> to vector<1x1xf32>
    %div3A_770 = vector.broadcast %get3A_769 : vector<1x1xf32> to vector<1x128xf32>
    %div3A_771 = arith.divf %broadcast_in_dim3A_764, %div3A_770 : vector<1x128xf32>
    %swap3A_772 = arith.constant 5 : index
    %swap3A_773 = arith.constant 0 : index
    %swap3A_774 = arith.constant 0 : index
    %swap3A_775 = vector.load %arg10[%swap3A_772, %swap3A_773, %swap3A_774] : memref<8x1x128xf32, #tpu.memory_space<vmem>>, vector<1x1x128xf32>
    %swap3A_776 = vector.shape_cast %swap3A_775 : vector<1x1x128xf32> to vector<1x128xf32>
    %swap3A_777 = vector.shape_cast %div3A_771 : vector<1x128xf32> to vector<1x1x128xf32>
    tpu.vector_store %arg10[%swap3A_772, %swap3A_773, %swap3A_774], %swap3A_777 {strides = array<i32>} : memref<8x1x128xf32, #tpu.memory_space<vmem>>, vector<1x1x128xf32>,
    %get3A_778 = arith.constant 6 : index
    %get3A_779 = arith.constant 0 : index
    %get3A_780 = arith.constant 0 : index
    %get3A_781 = vector.load %arg1[%get3A_778, %get3A_779, %get3A_780] : memref<8x40x128xf32, #tpu.memory_space<vmem>>, vector<1x40x128xf32>
    %get3A_782 = vector.shape_cast %get3A_781 : vector<1x40x128xf32> to vector<40x128xf32>
    %get3A_783 = arith.constant 6 : index
    %get3A_784 = arith.constant 0 : index
    %get3A_785 = arith.constant 0 : index
    %get3A_786 = vector.load %arg2[%get3A_783, %get3A_784, %get3A_785] : memref<8x40x40xi32, #tpu.memory_space<vmem>>, vector<1x40x40xi32>
    %get3A_787 = vector.shape_cast %get3A_786 : vector<1x40x40xi32> to vector<40x40xi32>
    %slice3A_788 = vector.extract_strided_slice %get3A_1 {offsets = [0, 0], sizes = [1, 128], strides = [1, 1]} : vector<4x128xf32> to vector<1x128xf32>
    %squeeze3A_789 = vector.shape_cast %slice3A_788 : vector<1x128xf32> to vector<128xf32>
    %broadcast_in_dim3A_790 = vector.shape_cast %squeeze3A_789 : vector<128xf32> to vector<1x128xf32>
    %mul3A_791 = vector.broadcast %broadcast_in_dim3A_790 : vector<1x128xf32> to vector<40x128xf32>
    %mul3A_792 = arith.mulf %get3A_782, %mul3A_791 : vector<40x128xf32>
    %slice3A_793 = vector.extract_strided_slice %get3A_1 {offsets = [1, 0], sizes = [1, 128], strides = [1, 1]} : vector<4x128xf32> to vector<1x128xf32>
    %squeeze3A_794 = vector.shape_cast %slice3A_793 : vector<1x128xf32> to vector<128xf32>
    %broadcast_in_dim3A_795 = vector.shape_cast %squeeze3A_794 : vector<128xf32> to vector<1x128xf32>
    %mul3A_796 = vector.broadcast %broadcast_in_dim3A_795 : vector<1x128xf32> to vector<40x128xf32>
    %mul3A_797 = arith.mulf %get3A_782, %mul3A_796 : vector<40x128xf32>
    %slice3A_798 = vector.extract_strided_slice %get3A_1 {offsets = [2, 0], sizes = [1, 128], strides = [1, 1]} : vector<4x128xf32> to vector<1x128xf32>
    %squeeze3A_799 = vector.shape_cast %slice3A_798 : vector<1x128xf32> to vector<128xf32>
    %broadcast_in_dim3A_800 = vector.shape_cast %squeeze3A_799 : vector<128xf32> to vector<1x128xf32>
    %mul3A_801 = vector.broadcast %broadcast_in_dim3A_800 : vector<1x128xf32> to vector<40x128xf32>
    %mul3A_802 = arith.mulf %get3A_782, %mul3A_801 : vector<40x128xf32>
    %slice3A_803 = vector.extract_strided_slice %get3A_1 {offsets = [3, 0], sizes = [1, 128], strides = [1, 1]} : vector<4x128xf32> to vector<1x128xf32>
    %squeeze3A_804 = vector.shape_cast %slice3A_803 : vector<1x128xf32> to vector<128xf32>
    %broadcast_in_dim3A_805 = vector.shape_cast %squeeze3A_804 : vector<128xf32> to vector<1x128xf32>
    %mul3A_806 = vector.broadcast %broadcast_in_dim3A_805 : vector<1x128xf32> to vector<40x128xf32>
    %mul3A_807 = arith.mulf %get3A_782, %mul3A_806 : vector<40x128xf32>
    %concatenate3A_808 = tpu.concatenate %mul3A_792, %mul3A_797, %mul3A_802, %mul3A_807 in 0 : vector<40x128xf32>, vector<40x128xf32>, vector<40x128xf32>, vector<40x128xf32> -> vector<160x128xf32>
    %dot_general3A_809 = arith.constant dense<0.000000e+00> : vector<160x40xf32>
    %dot_general3A_810 = tpu.matmul %concatenate3A_808, %get3A_782, %dot_general3A_809 {dimension_numbers = #tpu.dot_dimension_numbers<[1], [1], [0], [0], [0, 0, 1, 0], [], []>, transpose_lhs_hint = false} : vector<160x128xf32>, vector<40x128xf32>, vector<160x40xf32> -> vector<160x40xf32>
    %ge3A_811 = arith.constant 0.000000e+00 : f32
    %ge3A_812 = vector.broadcast %ge3A_811 : f32 to vector<160x40xf32>
    %ge3A_813 = arith.cmpf oge, %dot_general3A_810, %ge3A_812 : vector<160x40xf32>
    %mul3A_814 = arith.constant 2.000000e-01 : f32
    %mul3A_815 = vector.broadcast %mul3A_814 : f32 to vector<160x40xf32>
    %mul3A_816 = arith.mulf %mul3A_815, %dot_general3A_810 : vector<160x40xf32>
    %select_n3A_817 = arith.select %ge3A_813, %dot_general3A_810, %mul3A_816 : vector<160x40xi1>, vector<160x40xf32>
    %broadcast_in_dim3A_818 = arith.constant -9.000000e+15 : f32
    %broadcast_in_dim3A_819 = vector.broadcast %broadcast_in_dim3A_818 : f32 to vector<40x40xf32>
    %eq3A_820 = arith.constant 1 : i32
    %eq3A_821 = vector.broadcast %eq3A_820 : i32 to vector<40x40xi32>
    %eq3A_822 = arith.cmpi eq, %get3A_787, %eq3A_821 : vector<40x40xi32>
    %slice3A_823 = vector.extract_strided_slice %select_n3A_817 {offsets = [0, 0], sizes = [40, 40], strides = [1, 1]} : vector<160x40xf32> to vector<40x40xf32>
    %select_n3A_824 = arith.select %eq3A_822, %slice3A_823, %broadcast_in_dim3A_819 : vector<40x40xi1>, vector<40x40xf32>
    %eq3A_825 = arith.constant 2 : i32
    %eq3A_826 = vector.broadcast %eq3A_825 : i32 to vector<40x40xi32>
    %eq3A_827 = arith.cmpi eq, %get3A_787, %eq3A_826 : vector<40x40xi32>
    %slice3A_828 = vector.extract_strided_slice %select_n3A_817 {offsets = [40, 0], sizes = [40, 40], strides = [1, 1]} : vector<160x40xf32> to vector<40x40xf32>
    %select_n3A_829 = arith.select %eq3A_827, %slice3A_828, %select_n3A_824 : vector<40x40xi1>, vector<40x40xf32>
    %eq3A_830 = arith.constant 3 : i32
    %eq3A_831 = vector.broadcast %eq3A_830 : i32 to vector<40x40xi32>
    %eq3A_832 = arith.cmpi eq, %get3A_787, %eq3A_831 : vector<40x40xi32>
    %slice3A_833 = vector.extract_strided_slice %select_n3A_817 {offsets = [80, 0], sizes = [40, 40], strides = [1, 1]} : vector<160x40xf32> to vector<40x40xf32>
    %select_n3A_834 = arith.select %eq3A_832, %slice3A_833, %select_n3A_829 : vector<40x40xi1>, vector<40x40xf32>
    %eq3A_835 = arith.constant 4 : i32
    %eq3A_836 = vector.broadcast %eq3A_835 : i32 to vector<40x40xi32>
    %eq3A_837 = arith.cmpi eq, %get3A_787, %eq3A_836 : vector<40x40xi32>
    %slice3A_838 = vector.extract_strided_slice %select_n3A_817 {offsets = [120, 0], sizes = [40, 40], strides = [1, 1]} : vector<160x40xf32> to vector<40x40xf32>
    %select_n3A_839 = arith.select %eq3A_837, %slice3A_838, %select_n3A_834 : vector<40x40xi1>, vector<40x40xf32>
    %reduce_max3A_840 = arith.constant dense<0xFF800000> : vector<40xf32>
    %reduce_max3A_841 = vector.multi_reduction <maximumf>, %select_n3A_839, %reduce_max3A_840 [1] : vector<40x40xf32> to vector<40xf32>
    %broadcast_in_dim3A_842 = vector.shape_cast %reduce_max3A_841 : vector<40xf32> to vector<40x1xf32>
    %sub3A_843 = vector.broadcast %broadcast_in_dim3A_842 : vector<40x1xf32> to vector<40x40xf32>
    %sub3A_844 = arith.subf %select_n3A_839, %sub3A_843 : vector<40x40xf32>
    %exp3A_845 = math.exp %sub3A_844 : vector<40x40xf32>
    %reduce_sum3A_846 = arith.constant dense<0.000000e+00> : vector<40xf32>
    %reduce_sum3A_847 = vector.multi_reduction <add>, %exp3A_845, %reduce_sum3A_846 [1] : vector<40x40xf32> to vector<40xf32>
    %broadcast_in_dim3A_848 = vector.shape_cast %reduce_sum3A_847 : vector<40xf32> to vector<40x1xf32>
    %div3A_849 = vector.broadcast %broadcast_in_dim3A_848 : vector<40x1xf32> to vector<40x40xf32>
    %div3A_850 = arith.divf %exp3A_845, %div3A_849 : vector<40x40xf32>
    %dot_general3A_851 = arith.constant dense<0.000000e+00> : vector<40x128xf32>
    %dot_general3A_852 = tpu.matmul %div3A_850, %get3A_782, %dot_general3A_851 {dimension_numbers = #tpu.dot_dimension_numbers<[1], [0], [0], [1], [0, 0, 1, 1], [], []>, transpose_lhs_hint = false} : vector<40x40xf32>, vector<40x128xf32>, vector<40x128xf32> -> vector<40x128xf32>
    %get3A_853 = arith.constant 6 : index
    %get3A_854 = arith.constant 0 : index
    %get3A_855 = arith.constant 0 : index
    %get3A_856 = vector.load %arg6[%get3A_853, %get3A_854, %get3A_855] : memref<8x40x1xf32, #tpu.memory_space<vmem>>, vector<1x40x1xf32>
    %get3A_857 = vector.shape_cast %get3A_856 : vector<1x40x1xf32> to vector<40x1xf32>
    %get3A_858 = arith.constant 6 : index
    %get3A_859 = arith.constant 0 : index
    %get3A_860 = arith.constant 0 : index
    %get3A_861 = vector.load %arg3[%get3A_858, %get3A_859, %get3A_860] : memref<8x40x128xf32, #tpu.memory_space<vmem>>, vector<1x40x128xf32>
    %get3A_862 = vector.shape_cast %get3A_861 : vector<1x40x128xf32> to vector<40x128xf32>
    %get3A_863 = arith.constant 6 : index
    %get3A_864 = arith.constant 0 : index
    %get3A_865 = arith.constant 0 : index
    %get3A_866 = vector.load %arg4[%get3A_863, %get3A_864, %get3A_865] : memref<8x40x128xf32, #tpu.memory_space<vmem>>, vector<1x40x128xf32>
    %get3A_867 = vector.shape_cast %get3A_866 : vector<1x40x128xf32> to vector<40x128xf32>
    %add3A_868 = arith.addf %get3A_862, %get3A_867 : vector<40x128xf32>
    %get3A_869 = arith.constant 6 : index
    %get3A_870 = arith.constant 0 : index
    %get3A_871 = arith.constant 0 : index
    %get3A_872 = vector.load %arg5[%get3A_869, %get3A_870, %get3A_871] : memref<8x40x128xf32, #tpu.memory_space<vmem>>, vector<1x40x128xf32>
    %get3A_873 = vector.shape_cast %get3A_872 : vector<1x40x128xf32> to vector<40x128xf32>
    %add3A_874 = arith.addf %add3A_868, %get3A_873 : vector<40x128xf32>
    %mul3A_875 = arith.constant 0.333333343 : f32
    %mul3A_876 = vector.broadcast %mul3A_875 : f32 to vector<40x1xf32>
    %mul3A_877 = arith.mulf %get3A_857, %mul3A_876 : vector<40x1xf32>
    %mul3A_878 = vector.broadcast %mul3A_877 : vector<40x1xf32> to vector<40x128xf32>
    %mul3A_879 = arith.mulf %add3A_874, %mul3A_878 : vector<40x128xf32>
    %add3A_880 = arith.addf %dot_general3A_852, %mul3A_879 : vector<40x128xf32>
    %swap3A_881 = arith.constant 6 : index
    %swap3A_882 = arith.constant 0 : index
    %swap3A_883 = arith.constant 0 : index
    %swap3A_884 = vector.load %arg9[%swap3A_881, %swap3A_882, %swap3A_883] : memref<8x40x128xf32, #tpu.memory_space<vmem>>, vector<1x40x128xf32>
    %swap3A_885 = vector.shape_cast %swap3A_884 : vector<1x40x128xf32> to vector<40x128xf32>
    %swap3A_886 = vector.shape_cast %add3A_880 : vector<40x128xf32> to vector<1x40x128xf32>
    tpu.vector_store %arg9[%swap3A_881, %swap3A_882, %swap3A_883], %swap3A_886 {strides = array<i32>} : memref<8x40x128xf32, #tpu.memory_space<vmem>>, vector<1x40x128xf32>,
    %get3A_887 = arith.constant 6 : index
    %get3A_888 = arith.constant 0 : index
    %get3A_889 = arith.constant 0 : index
    %get3A_890 = vector.load %arg3[%get3A_887, %get3A_888, %get3A_889] : memref<8x40x128xf32, #tpu.memory_space<vmem>>, vector<1x40x128xf32>
    %get3A_891 = vector.shape_cast %get3A_890 : vector<1x40x128xf32> to vector<40x128xf32>
    %mul3A_892 = vector.broadcast %get3A_857 : vector<40x1xf32> to vector<40x128xf32>
    %mul3A_893 = arith.mulf %get3A_891, %mul3A_892 : vector<40x128xf32>
    %reduce_sum3A_894 = arith.constant dense<0.000000e+00> : vector<128xf32>
    %reduce_sum3A_895 = vector.multi_reduction <add>, %mul3A_893, %reduce_sum3A_894 [0] : vector<40x128xf32> to vector<128xf32>
    %broadcast_in_dim3A_896 = vector.shape_cast %reduce_sum3A_895 : vector<128xf32> to vector<1x128xf32>
    %get3A_897 = arith.constant 6 : index
    %get3A_898 = arith.constant 0 : index
    %get3A_899 = arith.constant 0 : index
    %get3A_900 = vector.load %arg7[%get3A_897, %get3A_898, %get3A_899] : memref<8x1x1xf32, #tpu.memory_space<vmem>>, vector<1x1x1xf32>
    %get3A_901 = vector.shape_cast %get3A_900 : vector<1x1x1xf32> to vector<1x1xf32>
    %div3A_902 = vector.broadcast %get3A_901 : vector<1x1xf32> to vector<1x128xf32>
    %div3A_903 = arith.divf %broadcast_in_dim3A_896, %div3A_902 : vector<1x128xf32>
    %swap3A_904 = arith.constant 6 : index
    %swap3A_905 = arith.constant 0 : index
    %swap3A_906 = arith.constant 0 : index
    %swap3A_907 = vector.load %arg10[%swap3A_904, %swap3A_905, %swap3A_906] : memref<8x1x128xf32, #tpu.memory_space<vmem>>, vector<1x1x128xf32>
    %swap3A_908 = vector.shape_cast %swap3A_907 : vector<1x1x128xf32> to vector<1x128xf32>
    %swap3A_909 = vector.shape_cast %div3A_903 : vector<1x128xf32> to vector<1x1x128xf32>
    tpu.vector_store %arg10[%swap3A_904, %swap3A_905, %swap3A_906], %swap3A_909 {strides = array<i32>} : memref<8x1x128xf32, #tpu.memory_space<vmem>>, vector<1x1x128xf32>,
    %get3A_910 = arith.constant 7 : index
    %get3A_911 = arith.constant 0 : index
    %get3A_912 = arith.constant 0 : index
    %get3A_913 = vector.load %arg1[%get3A_910, %get3A_911, %get3A_912] : memref<8x40x128xf32, #tpu.memory_space<vmem>>, vector<1x40x128xf32>
    %get3A_914 = vector.shape_cast %get3A_913 : vector<1x40x128xf32> to vector<40x128xf32>
    %get3A_915 = arith.constant 7 : index
    %get3A_916 = arith.constant 0 : index
    %get3A_917 = arith.constant 0 : index
    %get3A_918 = vector.load %arg2[%get3A_915, %get3A_916, %get3A_917] : memref<8x40x40xi32, #tpu.memory_space<vmem>>, vector<1x40x40xi32>
    %get3A_919 = vector.shape_cast %get3A_918 : vector<1x40x40xi32> to vector<40x40xi32>
    %slice3A_920 = vector.extract_strided_slice %get3A_1 {offsets = [0, 0], sizes = [1, 128], strides = [1, 1]} : vector<4x128xf32> to vector<1x128xf32>
    %squeeze3A_921 = vector.shape_cast %slice3A_920 : vector<1x128xf32> to vector<128xf32>
    %broadcast_in_dim3A_922 = vector.shape_cast %squeeze3A_921 : vector<128xf32> to vector<1x128xf32>
    %mul3A_923 = vector.broadcast %broadcast_in_dim3A_922 : vector<1x128xf32> to vector<40x128xf32>
    %mul3A_924 = arith.mulf %get3A_914, %mul3A_923 : vector<40x128xf32>
    %slice3A_925 = vector.extract_strided_slice %get3A_1 {offsets = [1, 0], sizes = [1, 128], strides = [1, 1]} : vector<4x128xf32> to vector<1x128xf32>
    %squeeze3A_926 = vector.shape_cast %slice3A_925 : vector<1x128xf32> to vector<128xf32>
    %broadcast_in_dim3A_927 = vector.shape_cast %squeeze3A_926 : vector<128xf32> to vector<1x128xf32>
    %mul3A_928 = vector.broadcast %broadcast_in_dim3A_927 : vector<1x128xf32> to vector<40x128xf32>
    %mul3A_929 = arith.mulf %get3A_914, %mul3A_928 : vector<40x128xf32>
    %slice3A_930 = vector.extract_strided_slice %get3A_1 {offsets = [2, 0], sizes = [1, 128], strides = [1, 1]} : vector<4x128xf32> to vector<1x128xf32>
    %squeeze3A_931 = vector.shape_cast %slice3A_930 : vector<1x128xf32> to vector<128xf32>
    %broadcast_in_dim3A_932 = vector.shape_cast %squeeze3A_931 : vector<128xf32> to vector<1x128xf32>
    %mul3A_933 = vector.broadcast %broadcast_in_dim3A_932 : vector<1x128xf32> to vector<40x128xf32>
    %mul3A_934 = arith.mulf %get3A_914, %mul3A_933 : vector<40x128xf32>
    %slice3A_935 = vector.extract_strided_slice %get3A_1 {offsets = [3, 0], sizes = [1, 128], strides = [1, 1]} : vector<4x128xf32> to vector<1x128xf32>
    %squeeze3A_936 = vector.shape_cast %slice3A_935 : vector<1x128xf32> to vector<128xf32>
    %broadcast_in_dim3A_937 = vector.shape_cast %squeeze3A_936 : vector<128xf32> to vector<1x128xf32>
    %mul3A_938 = vector.broadcast %broadcast_in_dim3A_937 : vector<1x128xf32> to vector<40x128xf32>
    %mul3A_939 = arith.mulf %get3A_914, %mul3A_938 : vector<40x128xf32>
    %concatenate3A_940 = tpu.concatenate %mul3A_924, %mul3A_929, %mul3A_934, %mul3A_939 in 0 : vector<40x128xf32>, vector<40x128xf32>, vector<40x128xf32>, vector<40x128xf32> -> vector<160x128xf32>
    %dot_general3A_941 = arith.constant dense<0.000000e+00> : vector<160x40xf32>
    %dot_general3A_942 = tpu.matmul %concatenate3A_940, %get3A_914, %dot_general3A_941 {dimension_numbers = #tpu.dot_dimension_numbers<[1], [1], [0], [0], [0, 0, 1, 0], [], []>, transpose_lhs_hint = false} : vector<160x128xf32>, vector<40x128xf32>, vector<160x40xf32> -> vector<160x40xf32>
    %ge3A_943 = arith.constant 0.000000e+00 : f32
    %ge3A_944 = vector.broadcast %ge3A_943 : f32 to vector<160x40xf32>
    %ge3A_945 = arith.cmpf oge, %dot_general3A_942, %ge3A_944 : vector<160x40xf32>
    %mul3A_946 = arith.constant 2.000000e-01 : f32
    %mul3A_947 = vector.broadcast %mul3A_946 : f32 to vector<160x40xf32>
    %mul3A_948 = arith.mulf %mul3A_947, %dot_general3A_942 : vector<160x40xf32>
    %select_n3A_949 = arith.select %ge3A_945, %dot_general3A_942, %mul3A_948 : vector<160x40xi1>, vector<160x40xf32>
    %broadcast_in_dim3A_950 = arith.constant -9.000000e+15 : f32
    %broadcast_in_dim3A_951 = vector.broadcast %broadcast_in_dim3A_950 : f32 to vector<40x40xf32>
    %eq3A_952 = arith.constant 1 : i32
    %eq3A_953 = vector.broadcast %eq3A_952 : i32 to vector<40x40xi32>
    %eq3A_954 = arith.cmpi eq, %get3A_919, %eq3A_953 : vector<40x40xi32>
    %slice3A_955 = vector.extract_strided_slice %select_n3A_949 {offsets = [0, 0], sizes = [40, 40], strides = [1, 1]} : vector<160x40xf32> to vector<40x40xf32>
    %select_n3A_956 = arith.select %eq3A_954, %slice3A_955, %broadcast_in_dim3A_951 : vector<40x40xi1>, vector<40x40xf32>
    %eq3A_957 = arith.constant 2 : i32
    %eq3A_958 = vector.broadcast %eq3A_957 : i32 to vector<40x40xi32>
    %eq3A_959 = arith.cmpi eq, %get3A_919, %eq3A_958 : vector<40x40xi32>
    %slice3A_960 = vector.extract_strided_slice %select_n3A_949 {offsets = [40, 0], sizes = [40, 40], strides = [1, 1]} : vector<160x40xf32> to vector<40x40xf32>
    %select_n3A_961 = arith.select %eq3A_959, %slice3A_960, %select_n3A_956 : vector<40x40xi1>, vector<40x40xf32>
    %eq3A_962 = arith.constant 3 : i32
    %eq3A_963 = vector.broadcast %eq3A_962 : i32 to vector<40x40xi32>
    %eq3A_964 = arith.cmpi eq, %get3A_919, %eq3A_963 : vector<40x40xi32>
    %slice3A_965 = vector.extract_strided_slice %select_n3A_949 {offsets = [80, 0], sizes = [40, 40], strides = [1, 1]} : vector<160x40xf32> to vector<40x40xf32>
    %select_n3A_966 = arith.select %eq3A_964, %slice3A_965, %select_n3A_961 : vector<40x40xi1>, vector<40x40xf32>
    %eq3A_967 = arith.constant 4 : i32
    %eq3A_968 = vector.broadcast %eq3A_967 : i32 to vector<40x40xi32>
    %eq3A_969 = arith.cmpi eq, %get3A_919, %eq3A_968 : vector<40x40xi32>
    %slice3A_970 = vector.extract_strided_slice %select_n3A_949 {offsets = [120, 0], sizes = [40, 40], strides = [1, 1]} : vector<160x40xf32> to vector<40x40xf32>
    %select_n3A_971 = arith.select %eq3A_969, %slice3A_970, %select_n3A_966 : vector<40x40xi1>, vector<40x40xf32>
    %reduce_max3A_972 = arith.constant dense<0xFF800000> : vector<40xf32>
    %reduce_max3A_973 = vector.multi_reduction <maximumf>, %select_n3A_971, %reduce_max3A_972 [1] : vector<40x40xf32> to vector<40xf32>
    %broadcast_in_dim3A_974 = vector.shape_cast %reduce_max3A_973 : vector<40xf32> to vector<40x1xf32>
    %sub3A_975 = vector.broadcast %broadcast_in_dim3A_974 : vector<40x1xf32> to vector<40x40xf32>
    %sub3A_976 = arith.subf %select_n3A_971, %sub3A_975 : vector<40x40xf32>
    %exp3A_977 = math.exp %sub3A_976 : vector<40x40xf32>
    %reduce_sum3A_978 = arith.constant dense<0.000000e+00> : vector<40xf32>
    %reduce_sum3A_979 = vector.multi_reduction <add>, %exp3A_977, %reduce_sum3A_978 [1] : vector<40x40xf32> to vector<40xf32>
    %broadcast_in_dim3A_980 = vector.shape_cast %reduce_sum3A_979 : vector<40xf32> to vector<40x1xf32>
    %div3A_981 = vector.broadcast %broadcast_in_dim3A_980 : vector<40x1xf32> to vector<40x40xf32>
    %div3A_982 = arith.divf %exp3A_977, %div3A_981 : vector<40x40xf32>
    %dot_general3A_983 = arith.constant dense<0.000000e+00> : vector<40x128xf32>
    %dot_general3A_984 = tpu.matmul %div3A_982, %get3A_914, %dot_general3A_983 {dimension_numbers = #tpu.dot_dimension_numbers<[1], [0], [0], [1], [0, 0, 1, 1], [], []>, transpose_lhs_hint = false} : vector<40x40xf32>, vector<40x128xf32>, vector<40x128xf32> -> vector<40x128xf32>
    %get3A_985 = arith.constant 7 : index
    %get3A_986 = arith.constant 0 : index
    %get3A_987 = arith.constant 0 : index
    %get3A_988 = vector.load %arg6[%get3A_985, %get3A_986, %get3A_987] : memref<8x40x1xf32, #tpu.memory_space<vmem>>, vector<1x40x1xf32>
    %get3A_989 = vector.shape_cast %get3A_988 : vector<1x40x1xf32> to vector<40x1xf32>
    %get3A_990 = arith.constant 7 : index
    %get3A_991 = arith.constant 0 : index
    %get3A_992 = arith.constant 0 : index
    %get3A_993 = vector.load %arg3[%get3A_990, %get3A_991, %get3A_992] : memref<8x40x128xf32, #tpu.memory_space<vmem>>, vector<1x40x128xf32>
    %get3A_994 = vector.shape_cast %get3A_993 : vector<1x40x128xf32> to vector<40x128xf32>
    %get3A_995 = arith.constant 7 : index
    %get3A_996 = arith.constant 0 : index
    %get3A_997 = arith.constant 0 : index
    %get3A_998 = vector.load %arg4[%get3A_995, %get3A_996, %get3A_997] : memref<8x40x128xf32, #tpu.memory_space<vmem>>, vector<1x40x128xf32>
    %get3A_999 = vector.shape_cast %get3A_998 : vector<1x40x128xf32> to vector<40x128xf32>
    %add3A_1000 = arith.addf %get3A_994, %get3A_999 : vector<40x128xf32>
    %get3A_1001 = arith.constant 7 : index
    %get3A_1002 = arith.constant 0 : index
    %get3A_1003 = arith.constant 0 : index
    %get3A_1004 = vector.load %arg5[%get3A_1001, %get3A_1002, %get3A_1003] : memref<8x40x128xf32, #tpu.memory_space<vmem>>, vector<1x40x128xf32>
    %get3A_1005 = vector.shape_cast %get3A_1004 : vector<1x40x128xf32> to vector<40x128xf32>
    %add3A_1006 = arith.addf %add3A_1000, %get3A_1005 : vector<40x128xf32>
    %mul3A_1007 = arith.constant 0.333333343 : f32
    %mul3A_1008 = vector.broadcast %mul3A_1007 : f32 to vector<40x1xf32>
    %mul3A_1009 = arith.mulf %get3A_989, %mul3A_1008 : vector<40x1xf32>
    %mul3A_1010 = vector.broadcast %mul3A_1009 : vector<40x1xf32> to vector<40x128xf32>
    %mul3A_1011 = arith.mulf %add3A_1006, %mul3A_1010 : vector<40x128xf32>
    %add3A_1012 = arith.addf %dot_general3A_984, %mul3A_1011 : vector<40x128xf32>
    %swap3A_1013 = arith.constant 7 : index
    %swap3A_1014 = arith.constant 0 : index
    %swap3A_1015 = arith.constant 0 : index
    %swap3A_1016 = vector.load %arg9[%swap3A_1013, %swap3A_1014, %swap3A_1015] : memref<8x40x128xf32, #tpu.memory_space<vmem>>, vector<1x40x128xf32>
    %swap3A_1017 = vector.shape_cast %swap3A_1016 : vector<1x40x128xf32> to vector<40x128xf32>
    %swap3A_1018 = vector.shape_cast %add3A_1012 : vector<40x128xf32> to vector<1x40x128xf32>
    tpu.vector_store %arg9[%swap3A_1013, %swap3A_1014, %swap3A_1015], %swap3A_1018 {strides = array<i32>} : memref<8x40x128xf32, #tpu.memory_space<vmem>>, vector<1x40x128xf32>,
    %get3A_1019 = arith.constant 7 : index
    %get3A_1020 = arith.constant 0 : index
    %get3A_1021 = arith.constant 0 : index
    %get3A_1022 = vector.load %arg3[%get3A_1019, %get3A_1020, %get3A_1021] : memref<8x40x128xf32, #tpu.memory_space<vmem>>, vector<1x40x128xf32>
    %get3A_1023 = vector.shape_cast %get3A_1022 : vector<1x40x128xf32> to vector<40x128xf32>
    %mul3A_1024 = vector.broadcast %get3A_989 : vector<40x1xf32> to vector<40x128xf32>
    %mul3A_1025 = arith.mulf %get3A_1023, %mul3A_1024 : vector<40x128xf32>
    %reduce_sum3A_1026 = arith.constant dense<0.000000e+00> : vector<128xf32>
    %reduce_sum3A_1027 = vector.multi_reduction <add>, %mul3A_1025, %reduce_sum3A_1026 [0] : vector<40x128xf32> to vector<128xf32>
    %broadcast_in_dim3A_1028 = vector.shape_cast %reduce_sum3A_1027 : vector<128xf32> to vector<1x128xf32>
    %get3A_1029 = arith.constant 7 : index
    %get3A_1030 = arith.constant 0 : index
    %get3A_1031 = arith.constant 0 : index
    %get3A_1032 = vector.load %arg7[%get3A_1029, %get3A_1030, %get3A_1031] : memref<8x1x1xf32, #tpu.memory_space<vmem>>, vector<1x1x1xf32>
    %get3A_1033 = vector.shape_cast %get3A_1032 : vector<1x1x1xf32> to vector<1x1xf32>
    %div3A_1034 = vector.broadcast %get3A_1033 : vector<1x1xf32> to vector<1x128xf32>
    %div3A_1035 = arith.divf %broadcast_in_dim3A_1028, %div3A_1034 : vector<1x128xf32>
    %swap3A_1036 = arith.constant 7 : index
    %swap3A_1037 = arith.constant 0 : index
    %swap3A_1038 = arith.constant 0 : index
    %swap3A_1039 = vector.load %arg10[%swap3A_1036, %swap3A_1037, %swap3A_1038] : memref<8x1x128xf32, #tpu.memory_space<vmem>>, vector<1x1x128xf32>
    %swap3A_1040 = vector.shape_cast %swap3A_1039 : vector<1x1x128xf32> to vector<1x128xf32>
    %swap3A_1041 = vector.shape_cast %div3A_1035 : vector<1x128xf32> to vector<1x1x128xf32>
    tpu.vector_store %arg10[%swap3A_1036, %swap3A_1037, %swap3A_1038], %swap3A_1041 {strides = array<i32>} : memref<8x1x128xf32, #tpu.memory_space<vmem>>, vector<1x1x128xf32>,
    return
  }
  func.func @transform_0(%arg0: i32) -> (i32, i32, i32) {
    %c0_i32 = arith.constant 0 : i32
    %c0_i32_0 = arith.constant 0 : i32
    %c0_i32_1 = arith.constant 0 : i32
    return %arg0, %c0_i32, %c0_i32_0 : i32, i32, i32
  }
  func.func @transform_1(%arg0: i32) -> (i32, i32, i32) {
    %c0_i32 = arith.constant 0 : i32
    %c0_i32_0 = arith.constant 0 : i32
    %c0_i32_1 = arith.constant 0 : i32
    return %arg0, %c0_i32, %c0_i32_0 : i32, i32, i32
  }
  func.func @transform_2(%arg0: i32) -> (i32, i32, i32) {
    %c0_i32 = arith.constant 0 : i32
    %c0_i32_0 = arith.constant 0 : i32
    %c0_i32_1 = arith.constant 0 : i32
    return %arg0, %c0_i32, %c0_i32_0 : i32, i32, i32
  }
  func.func @transform_3(%arg0: i32) -> (i32, i32, i32) {
    %c0_i32 = arith.constant 0 : i32
    %c0_i32_0 = arith.constant 0 : i32
    %c0_i32_1 = arith.constant 0 : i32
    return %arg0, %c0_i32, %c0_i32_0 : i32, i32, i32
  }
  func.func @transform_4(%arg0: i32) -> (i32, i32, i32) {
    %c0_i32 = arith.constant 0 : i32
    %c0_i32_0 = arith.constant 0 : i32
    %c0_i32_1 = arith.constant 0 : i32
    return %arg0, %c0_i32, %c0_i32_0 : i32, i32, i32
  }
  func.func @transform_5(%arg0: i32) -> (i32, i32, i32) {
    %c0_i32 = arith.constant 0 : i32
    %c0_i32_0 = arith.constant 0 : i32
    %c0_i32_1 = arith.constant 0 : i32
    return %arg0, %c0_i32, %c0_i32_0 : i32, i32, i32
  }
  func.func @transform_6(%arg0: i32) -> (i32, i32, i32) {
    %c0_i32 = arith.constant 0 : i32
    %c0_i32_0 = arith.constant 0 : i32
    %c0_i32_1 = arith.constant 0 : i32
    return %arg0, %c0_i32, %c0_i32_0 : i32, i32, i32
  }
  func.func @transform_7(%arg0: i32) -> (i32, i32) {
    %c0_i32 = arith.constant 0 : i32
    %c0_i32_0 = arith.constant 0 : i32
    %c0_i32_1 = arith.constant 0 : i32
    return %c0_i32, %c0_i32_0 : i32, i32
  }
  func.func @transform_8(%arg0: i32) -> (i32, i32, i32) {
    %c0_i32 = arith.constant 0 : i32
    %c0_i32_0 = arith.constant 0 : i32
    %c0_i32_1 = arith.constant 0 : i32
    return %arg0, %c0_i32, %c0_i32_0 : i32, i32, i32
  }
  func.func @transform_9(%arg0: i32) -> (i32, i32, i32) {
    %c0_i32 = arith.constant 0 : i32
    %c0_i32_0 = arith.constant 0 : i32
    %c0_i32_1 = arith.constant 0 : i32
    return %arg0, %c0_i32, %c0_i32_0 : i32, i32, i32
  }
}

module attributes {stable_mosaic.version = 14 : i64} {
  func.func @_sess_body(%arg0: memref<128x128xf32, #tpu.memory_space<vmem>>, %arg1: memref<128x128xf32, #tpu.memory_space<vmem>>, %arg2: memref<128x128xf32, #tpu.memory_space<vmem>>, %arg3: memref<128x128xf32, #tpu.memory_space<vmem>>) attributes {dimension_semantics = [], scalar_prefetch = 0 : i64, scratch_operands = 0 : i64, tpu.core_type = #tpu.core_type<tc>} {
    %get3A = arith.constant 0 : index
    %get3A_0 = arith.constant 0 : index
    %get3A_1 = vector.load %arg0[%get3A, %get3A_0] : memref<128x128xf32, #tpu.memory_space<vmem>>, vector<128x128xf32>
    %get3A_2 = arith.constant 0 : index
    %get3A_3 = arith.constant 0 : index
    %get3A_4 = vector.load %arg1[%get3A_2, %get3A_3] : memref<128x128xf32, #tpu.memory_space<vmem>>, vector<128x128xf32>
    %get3A_5 = arith.constant 0 : index
    %get3A_6 = arith.constant 0 : index
    %get3A_7 = vector.load %arg2[%get3A_5, %get3A_6] : memref<128x128xf32, #tpu.memory_space<vmem>>, vector<128x128xf32>
    %dot_general3A = arith.constant dense<0.000000e+00> : vector<128x128xf32>
    %dot_general3A_8 = tpu.matmul %get3A_4, %get3A_7, %dot_general3A {dimension_numbers = #tpu.dot_dimension_numbers<[1], [0], [0], [1], [0, 0, 1, 1], [], []>, transpose_lhs_hint = false} : vector<128x128xf32>, vector<128x128xf32>, vector<128x128xf32> -> vector<128x128xf32>
    %dot_general3A_9 = arith.constant dense<0.000000e+00> : vector<128x128xf32>
    %dot_general3A_10 = tpu.matmul %dot_general3A_8, %get3A_1, %dot_general3A_9 {dimension_numbers = #tpu.dot_dimension_numbers<[1], [0], [0], [1], [0, 0, 1, 1], [], []>, transpose_lhs_hint = false} : vector<128x128xf32>, vector<128x128xf32>, vector<128x128xf32> -> vector<128x128xf32>
    %dot_general3A_11 = arith.constant dense<0.000000e+00> : vector<128x128xf32>
    %dot_general3A_12 = tpu.matmul %dot_general3A_8, %dot_general3A_10, %dot_general3A_11 {dimension_numbers = #tpu.dot_dimension_numbers<[1], [0], [0], [1], [0, 0, 1, 1], [], []>, transpose_lhs_hint = false} : vector<128x128xf32>, vector<128x128xf32>, vector<128x128xf32> -> vector<128x128xf32>
    %add3A = arith.addf %get3A_1, %dot_general3A_10 : vector<128x128xf32>
    %add3A_13 = arith.addf %add3A, %dot_general3A_12 : vector<128x128xf32>
    %mul3A = arith.constant 0.333333343 : f32
    %mul3A_14 = vector.broadcast %mul3A : f32 to vector<128x128xf32>
    %mul3A_15 = arith.mulf %add3A_13, %mul3A_14 : vector<128x128xf32>
    %swap3A = arith.constant 0 : index
    %swap3A_16 = arith.constant 0 : index
    %swap3A_17 = vector.load %arg3[%swap3A, %swap3A_16] : memref<128x128xf32, #tpu.memory_space<vmem>>, vector<128x128xf32>
    tpu.vector_store %arg3[%swap3A, %swap3A_16], %mul3A_15 {strides = array<i32>} : memref<128x128xf32, #tpu.memory_space<vmem>>, vector<128x128xf32>,
    return
  }
}

</mosaic_0001>

<sc_bundles>
// kernel: kernel.10.cloned.1.call-start
scs
__scs_entry_jumppad:
0x0: {  	(pc) =	sbr.rel $0x88, $3  }
0x1: {  	(tag) =	ssettag $0x0;
	lr =	simm.s32 $0x1  }
0x2: {  	[smem:$0x3F93] =	sst lr;
	_ =	strace $0xD0000000  }
0x3: {  	_ = 	snop  }
0x4: {  	_ = 	snop  }
0x5: {  	_ = 	snop  }
0x6: {  	_ = 	snop  }
0x7: {  	_ = 	snop  }
__scs_overlays_trampoline_lowered:
0x8: {  	[smem:$0x3FA2] =	sst s0  }
0x9: {  	[smem:$0x3FA3] =	sst s1  }
0xa: {  	[smem:$0x3FA4] =	sst s2  }
0xb: {  	[smem:$0x3FA5] =	sst s3  }
0xc: {  	[smem:$0x3FA6] =	sst s4  }
0xd: {  	[smem:$0x3FA7] =	sst s5  }
0xe: {  	[smem:$0x3FA8] =	sst s6  }
0xf: {  	[smem:$0x3FA9] =	sst s7  }
0x10: {  	[smem:$0x3FAA] =	sst s8  }
0x11: {  	[smem:$0x3FAB] =	sst s9;
	s0 =	simm.s32 @!p0 $0x0  }
0x12: {  	s1 =	sld [smem:$0x3F91];
	s0 =	simm.s32 @p0 $0x1  }
0x13: {  	[smem:$0x3FAC] =	sst s0;
	s0 =	simm.s32 @!p1 $0x0  }
0x14: {  	s2 =	sld [smem:$0x3F90];
	s0 =	simm.s32 @p1 $0x1  }
0x15: {  	[smem:$0x3FAD] =	sst s0;
	s0 =	simm.s32 @!p2 $0x0  }
0x16: {  	s3 =	sld [smem:$0x3FDB];
	s0 =	simm.s32 @p2 $0x1  }
0x17: {  	s4 =	simm.s32 $0x1BF5;
	[smem:$0x3FAF] =	sst s0  }
0x18: {  	s0 =	sld [smem:$0x3F92];
	_ =	swait.ge [sflag:s4], $0x0  }
0x19: {  	s7 =	sld [smem:$0x3F93]  }
0x1a: {  	s8 =	sadd.s32 $0xFFFFE003, lr  }
0x1b: {  	s9 =	sadd.s32 $0xFFFFFEF7, lr;
	s5 =	simm.s32 $0xFFFFFFFF;
	p2 =	slt.u32 s8, $0xFFFFF086  }
0x1c: {  	p1 =	slt.u32 s9, $0xF7A;
	s5 =	simm.s32 @!p2 $0x0  }
0x1d: {  	s5 =	simm.s32 @p1 $0x1;
	p0 =	seq.s32 s7, s2  }
0x1e: {  	s7 =	smul.u32 @!p0 $0xF7A, s2;
	p2 =	seq.s32 @!p0 s5, $0x0  }
0x1f: {  	s9 =	smul.u32 $0xF7A, s1;
	s8 =	simm.s32 @!p0 $0x1BF5;
	p2 =	por !p2, p0  }
0x20: {  	[sflag:s8] =	ssyncset.s32 @!p0 $0xFFFFF086;
	s6 =	sadd.s32 @!p0 s3, s7;
	s7 =	simm.s32 @!p0 $0x108  }
0x21: {  	s3 =	sadd.s32 s3, s9;
	s6 =	sadd.s32 @!p0 $0x88, s6;
	s7 =	simm.s32 @p2 $0x1082  }
0x22: {  	[simem:s7], [sflag:s8] =	dma.local @!p0 [hbm:s6], $0xF7A  }
0x23: {  	s9 =	sor.u32 $0xD0000000, s2;
	s6 =	simm.s32 $0x108;
	_ =	swait.ge @!p0 [sflag:s8], $0x0  }
0x24: {  	s3 =	sadd.s32 $0x88, s3;
	s6 =	simm.s32 @!p1 $0x1082;
	[sflag:s4] =	ssyncset.s32 $0xFFFFF086  }
0x25: {  	[simem:s6], [sflag:s4] =	dma.local [hbm:s3], $0xF7A  }
0x26: {  	[smem:$0x3F93] =	sst s1;
	(tag) =	ssettag s2;
	_ =	strace s9  }
0x27: {  	s1 =	sld [smem:$0x3FA3]  }
0x28: {  	s2 =	sld [smem:$0x3FA4]  }
0x29: {  	s4 =	sld [smem:$0x3FA6]  }
0x2a: {  	p0 =	seq.s32 s5, $0x0;
	s5 =	sld [smem:$0x3FA7]  }
0x2b: {  	s6 =	sld [smem:$0x3FA8]  }
0x2c: {  	s7 =	sld [smem:$0x3FA9]  }
0x2d: {  	s3 =	simm.s32 $0x108;
	s8 =	sld [smem:$0x3FAA]  }
0x2e: {  	s3 =	simm.s32 @!p0 $0x1082;
	s9 =	sld [smem:$0x3FAB]  }
0x2f: {  	lr =	sadd.s32 s0, s3;
	s0 =	sld [smem:$0x3FA2]  }
0x30: {  	s3 =	sld [smem:$0x3FA5]  }
0x31: {  	[smem:$0x3FAE] =	sst s10  }
0x32: {  	s10 =	sld [smem:$0x3FAC];
	_ =	sdelay $0x3  }
0x33: {  	p0 =	seq.s32 s10, $0x1;
	s10 =	sld [smem:$0x3FAE];
	_ =	sdelay $0x3  }
0x34: {  	[smem:$0x3FAE] =	sst s10  }
0x35: {  	s10 =	sld [smem:$0x3FAD];
	_ =	sdelay $0x3  }
0x36: {  	p1 =	seq.s32 s10, $0x1;
	s10 =	sld [smem:$0x3FAE];
	_ =	sdelay $0x3  }
0x37: {  	[smem:$0x3FAE] =	sst s10  }
0x38: {  	s10 =	sld [smem:$0x3FAF]  }
0x39: {  	_ = 	snop;
	(pc) =	sbr.ind lr, $3  }
0x3a: {  	_ = 	snop  }
0x3b: {  	_ = 	snop  }
0x3c: {  	p2 =	seq.s32 s10, $0x1;
	s10 =	sld [smem:$0x3FAE]  }
0x3d: {  	_ =	shalt  }
0x3e: {  	_ =	shalt  }
0x3f: {  	_ =	shalt  }
0x40: {  	_ =	shalt  }
0x41: {  	_ =	shalt  }
0x42: {  	_ =	shalt  }
0x43: {  	_ =	shalt  }
0x44: {  	_ =	shalt  }
0x45: {  	_ =	shalt  }
0x46: {  	_ =	shalt  }
0x47: {  	_ =	shalt  }
0x48: {  	_ =	shalt  }
0x49: {  	_ =	shalt  }
0x4a: {  	_ =	shalt  }
0x4b: {  	_ =	shalt  }
0x4c: {  	_ =	shalt  }
0x4d: {  	_ =	shalt  }
0x4e: {  	_ =	shalt  }
0x4f: {  	_ =	shalt  }
0x50: {  	_ =	shalt  }
0x51: {  	_ =	shalt  }
0x52: {  	_ =	shalt  }
0x53: {  	_ =	shalt  }
0x54: {  	_ =	shalt  }
0x55: {  	_ =	shalt  }
0x56: {  	_ =	shalt  }
0x57: {  	_ =	shalt  }
0x58: {  	_ =	shalt  }
0x59: {  	_ =	shalt  }
0x5a: {  	_ =	shalt  }
0x5b: {  	_ =	shalt  }
0x5c: {  	_ =	shalt  }
0x5d: {  	_ =	shalt  }
0x5e: {  	_ =	shalt  }
0x5f: {  	_ =	shalt  }
0x60: {  	_ =	shalt  }
0x61: {  	_ =	shalt  }
0x62: {  	_ =	shalt  }
0x63: {  	_ =	shalt  }
0x64: {  	_ =	shalt  }
0x65: {  	_ =	shalt  }
0x66: {  	_ =	shalt  }
0x67: {  	_ =	shalt  }
0x68: {  	_ =	shalt  }
0x69: {  	_ =	shalt  }
0x6a: {  	_ =	shalt  }
0x6b: {  	_ =	shalt  }
0x6c: {  	_ =	shalt  }
0x6d: {  	_ =	shalt  }
0x6e: {  	_ =	shalt  }
0x6f: {  	_ =	shalt  }
0x70: {  	_ =	shalt  }
0x71: {  	_ =	shalt  }
0x72: {  	_ =	shalt  }
0x73: {  	_ =	shalt  }
0x74: {  	_ =	shalt  }
0x75: {  	_ =	shalt  }
0x76: {  	_ =	shalt  }
0x77: {  	_ =	shalt  }
0x78: {  	_ =	shalt  }
0x79: {  	_ =	shalt  }
0x7a: {  	_ =	shalt  }
0x7b: {  	_ =	shalt  }
0x7c: {  	_ =	shalt  }
0x7d: {  	_ =	shalt  }
0x7e: {  	_ =	shalt  }
0x7f: {  	_ =	shalt  }
0x80: {  	_ =	shalt  }
0x81: {  	_ =	shalt  }
0x82: {  	_ =	shalt  }
0x83: {  	_ =	shalt  }
0x84: {  	_ =	shalt  }
0x85: {  	_ =	shalt  }
0x86: {  	_ =	shalt  }
0x87: {  	_ =	shalt  }
.Lfunc_end0:
.L_simem_size_0:
called_computation.1_lowered:
.L_overlay_start_0:
0x88: {  	s2 =	sld [smem:$0x3FD9]  }
0x89: {  	s3 =	sld [smem:$0x3FFE];
	_ =	sdelay $0x1  }
0x8a: {  	s1 =	srdreg.scid  }
0x8b: {  	s0 =	sand.u32 $0x1, s1  }
0x8c: {  	s16 =	sshll.u32 s0, $0xA;
	s2 =	sadd.s32 s3, s2  }
0x8d: {  	s2 =	sadd.s32 s2, s16  }
0x8e: {  	[smem:$0x3FBA] =	sst s2  }
0x8f: {  	_ = 	snop  }
0x90: {  	(tm) =	ssettm $0x1  }
0x91: {  	s17 =	sld [smem:$0x3FFB];
	_ =	sdelay $0x3  }
0x92: {  	_ =	strace s17  }
0x93: {  	s2 =	sld [smem:$0x3FFC];
	_ =	sdelay $0x3  }
0x94: {  	_ =	strace s2  }
0x95: {  	s2 =	sld [smem:$0x3FFD];
	_ =	sdelay $0x3  }
0x96: {  	_ =	strace s2  }
0x97: {  	_ =	strace $0x8FFFFFFF  }
0x98: {  	s18 =	sld [smem:$0x3FDB];
	_ =	sdelay $0x1  }
0x99: {  	s19 =	simm.s32 $_scs_section_size  }
0x9a: {  	s4 =	simm.s32 $_size__tile_overlayer_lowered;
	s5 =	simm.s32 $_tile_overlayer_lowered  }
0x9b: {  	s22 =	simm.s32 $0x1BFF;
	s21 =	sshll.u32 s5, $0x1;
	s2 =	sadd.s32 s19, s18  }
0x9c: {  	s6 =	simm.s32 $0x0;
	s20 =	sshll.u32 s4, $0x1;
	s4 =	sadd.s32 s21, s2  }
0x9d: {  	[timem:s6], [sflag:s22] =	dma.local [hbm:s4], s20  }
0x9e: {  	_ =	swait.ge [sflag:s22], s20  }
0x9f: {  	s3 =	ssub.s32 $0x0, s20;
	[sflag:s22] =	ssyncset.done $0x0  }
0xa0: {  	[sflag:s22] =	ssyncadd.s32 s3;
	_ =	sdelay $0x1  }
0xa1: {  	s23 =	simm.s32 $0x1B8B  }
0xa2: {  	_ =	swait.ge [sflag:s23], $0x1  }
0xa3: {  	[sflag:s23] =	ssyncset.done $0x0  }
0xa4: {  	s25 =	simm.s32 $0x1B8E;
	s24 =	sld [smem:$0x3FFE];
	[sflag:s23] =	ssyncadd.s32 $0xFFFFFFFF  }
0xa5: {  	s26 =	simm.s32 $execute0_lowered;
	[smem:$0x3FD2] =	sst s25  }
0xa6: {  	s4 =	sshll.u32 s26, $0x1;
	_ =	strace $0x80000049;
	[dreg:$0x1] =	wrdreg $0xFFFFFFFF  }
0xa7: {  	s28 =	simm.s32 $_size_execute0_lowered;
	s2 =	sadd.s32 s2, s4;
	[dreg:$0x0] =	wrdreg $0x0  }
0xa8: {  	s4 =	sshll.u32 s28, $0x1;
	[dreg:$0x2] =	wrdreg s2  }
0xa9: {  	[dreg:$0x3] =	wrdreg s4  }
0xaa: {  	[dreg:$0x4] =	wrdreg $0xC0  }
0xab: {  	_ =	task [dreg:s6], $0x5FFFF  }
0xac: {  	[dreg:$0x1] =	wrdreg $0xFFFFFFFF  }
0xad: {  	[dreg:$0x0] =	wrdreg $0x60  }
0xae: {  	[dreg:$0x2] =	wrdreg s24  }
0xaf: {  	[dreg:$0x3] =	wrdreg $0x5E000  }
0xb0: {  	[dreg:$0x4] =	wrdreg $0x9  }
0xb1: {  	_ =	task.clear_ibuf [dreg:s6], $0x5FFFF;
	_ =	strace $0x90000049  }
0xb2: {  	s29 =	simm.s32 $0x9;
	_ =	strace $0x8000004B  }
0xb3: {  	_ =	swait.ge [sflag:s29], $0x1  }
0xb4: {  	[sflag:s29] =	ssyncadd.s32 $0xFFFFFFFF  }
0xb5: {  	_ =	strace $0x9000004B  }
0xb6: {  	_ =	sfence  }
0xb7: {  	s30 =	sld [smem:$0x0];
	_ =	sdelay $0x2  }
0xb8: {  	s31 =	sshll.u32 s1, $0xD;
	s1 =	sshrl.u32 s1, $0x2  }
0xb9: {  	s3 =	sand.u32 $0x4000, s31;
	s1 =	sadd.s32 s1, s30  }
0xba: {  	s0 =	sor.u32 s3, s0;
	s1 =	sshll.u32 s1, $0x11  }
0xbb: {  	s0 =	sor.u32 s1, s0  }
0xbc: {  	s0 =	sadd.s32 $0x8F2B, s0  }
0xbd: {  	[sflag:s0] =	ssyncadd.remote.s32 $0x1  }
0xbe: {  	_ =	sfence.sel $0xFFFF  }
0xbf: {  	[dreg:$0x0] =	wrdreg $0xFFFFFFFF;
	(pc) =	sbr.abs _section_cstart, $3  }
0xc0: {  	[dreg:$0x1] =	wrdreg $0xFFFFFFFF  }
0xc1: {  	_ =	task.clear_ibuf [dreg:s6], $0x2FFFF;
	_ =	strace $0x9FFFFFFF  }
0xc2: {  	(tm) =	ssettm $0x7FFFFFFF  }
0xc3: {  	_ =	shalt  }
tec
execute0_lowered:
.L_overlay_start_1:
0x0: {  	(tag) =	ssettag $0x1  }
0x1: {  	s0 =	rddreg [dreg:$0x0]  }
0x2: {  	s2 =	rddreg [dreg:$0x1];
	s13 =	stileid.u32;
	s3 =	simm.s32 $0x0  }
0x3: {  	s4 =	srdreg.scid;
	s14 =	simm.s32 $0x5;
	s15 =	simm.s32 $0xA00  }
0x4: {  	s16 =	simm.s32 $0x1400;
	s17 =	simm.s32 $0x80;
	s19 =	simm.s32 $0x2E00  }
0x5: {  	s20 =	simm.s32 $0x4;
	s1 =	smul.u32 $0x30E00, s13;
	[smem:$0x7FF] =	sst s3  }
0x6: {  	s11 =	sand.u32 $0x1, s4;
	s8 =	smul.u32 $0x30E0, s13;
	s4 =	sadd.s32 $0xF8C00, s0  }
0x7: {  	s5 =	sadd.s32 $0xDFC00, s0;
	s6 =	sadd.s32 $0xC6C00, s0;
	s7 =	sadd.s32 $0x3400, s0  }
0x8: {  	s31 =	sshll.u32 s13, $0x6;
	_ =	strace $0x8000004A;
	s9 =	smul.u32 $0x30E00, s11  }
0x9: {  	s28 =	ssub.s32 $0x2, s11;
	s18 =	smul.u32 $0xC380, s11;
	s10 =	sshrl.u32 s1, $0x4  }
0xa: {  	s29 =	sshrl.u32 s28, $0x1;
	s1 =	sshrl.u32 s1, $0x1;
	s8 =	sadd.s32 s8, s9  }
0xb: {  	s10 =	sadd.s32 s10, s0;
	s12 =	ssub.s32 s28, s29;
	s1 =	sadd.s32 s1, s2  }
0xc: {  	v0 =	vmov s18;
	s18 =	simm.s32 $0x1E00;
	s0 =	sadd.s32 s8, s0;
	s8 =	smul.u32 $0x190, s13  }
0xd: {  	s30 =	sadd.s32 $0x1C400, s10;
	s10 =	sor.u32 $0x1C05, s31;
	s12 =	smax.u32 s12, $0x1  }
0xe: {  	s13 =	sshrl.u32 s1, $0x3;
	[dreg:$0x3] =	wrdreg s30;
	s11 =	sadd.s32 $0x4D200, s0  }
.LBB2_1:
0xf: {  	s0 =	rddreg [dreg:$0x3]  }
0x10: {  	[spmem:s13], [sflag:s10] =	dma.local [hbm:s0], $0x30E0  }
0x11: {  	_ =	swait.ge [sflag:s14], $0x30E0  }
0x12: {  	[sflag:s14] =	ssyncset.done $0x0  }
0x13: {  	[sflag:s14] =	ssyncadd.s32 $0xFFFFCF20  }
0x14: {  	s21 =	simm.s32 $0x0;
	[bflag:$0x0] =	sbarrier.arrive $0xFFFF  }
.LBB2_2:
0x15: {  	s0 =	smul.u32 $0x14, s21;
	_ =	sdelay $0x1  }
0x16: {  	s0 =	sadd.s32 s8, s0  }
0x17: {  	s0 =	sshll.u32 s0, $0x4  }
0x18: {  	s22 =	simm.s32 $0x0;
	s1 =	sadd.s32 s6, s0  }
0x19: {  	[tilespmem:s22], [sflag:$0x5] =	stream.linear.gather [hbm4b:s1+s22], $0xA00, $0x38;
	[tilespmem:$0x1E500] =	vst v63  }
0x1a: {  	_ =	swait.ge [sflag:s14], $0xA00  }
0x1b: {  	[sflag:s14] =	ssyncset.done $0x0  }
0x1c: {  	s31 =	sadd.s32 s5, s0;
	[sflag:s14] =	ssyncadd.s32 $0xFFFFF600  }
0x1d: {  	[tilespmem:s15], [sflag:$0x5] =	stream.linear.gather [hbm4b:s31+s22], $0xA00, $0x38;
	[tilespmem:$0x1E500] =	vst v63  }
0x1e: {  	_ =	swait.ge [sflag:s14], $0xA00  }
0x1f: {  	[sflag:s14] =	ssyncset.done $0x0  }
0x20: {  	s0 =	sadd.s32 s7, s0;
	[sflag:s14] =	ssyncadd.s32 $0xFFFFF600  }
0x21: {  	[tilespmem:s16], [sflag:$0x5] =	stream.linear.gather [hbm4b:s0+s22], $0xA00, $0x38;
	[tilespmem:$0x1E500] =	vst v63  }
0x22: {  	_ =	swait.ge [sflag:s14], $0xA00  }
0x23: {  	[sflag:s14] =	ssyncset.done $0x0  }
0x24: {  	s0 =	simm.s32 $0x0;
	[sflag:s14] =	ssyncadd.s32 $0xFFFFF600  }
0x25: {  	v3 =	vld [tilespmem:s0+$0x0]  }
0x26: {  	v5 =	vld [tilespmem:s0+$0x10]  }
0x27: {  	v4 =	vld [tilespmem:s0+$0x20]  }
0x28: {  	v2 =	vld [tilespmem:s0+$0x30]  }
0x29: {  	v1 =	vld [tilespmem:s0+$0x40]  }
0x2a: {  	v6 =	vadd.s32 v0, v3;
	v3 =	vld [tilespmem:s0+$0x50]  }
0x2b: {  	s22 =	simm.s32 $0x200;
	[tilespmem:s0+$0x0] =	vst v6;
	v6 =	vadd.s32 v0, v5;
	v5 =	vld [tilespmem:s0+$0x60]  }
.LBB2_3:
0x2c: {  	s1 =	sshra.s32 s22, $0x2;
	p0 =	sne.s32 s22, $0x2600;
	[tilespmem:s0+$0x10] =	vst v6;
	v4 =	vadd.s32 v0, v4;
	v6 =	vld [tilespmem:s0+$0x70]  }
0x2d: {  	v7 =	vld [tilespmem:s1+$0x0];
	[tilespmem:s0+$0x20] =	vst v4;
	v2 =	vadd.s32 v0, v2  }
0x2e: {  	v8 =	vld [tilespmem:s1+$0x10];
	[tilespmem:s0+$0x30] =	vst v2;
	v1 =	vadd.s32 v0, v1  }
.Ltmp0:
0x2f: {  	v4 =	vld [tilespmem:s1+$0x20];
	[tilespmem:s0+$0x40] =	vst v1;
	v1 =	vadd.s32 v0, v3;
	(pc) =	sbr.rel @p0 .LBB2_3-.Ltmp0, $4  }
0x30: {  	v2 =	vld [tilespmem:s1+$0x30];
	[tilespmem:s0+$0x50] =	vst v1;
	v3 =	vadd.s32 v0, v5  }
0x31: {  	v1 =	vld [tilespmem:s1+$0x40];
	[tilespmem:s0+$0x60] =	vst v3;
	v5 =	vadd.s32 v0, v6  }
0x32: {  	v6 =	vadd.s32 v0, v7;
	v3 =	vld [tilespmem:s1+$0x50];
	[tilespmem:s0+$0x70] =	vst v5;
	s0 =	smov.u32 s1  }
0x33: {  	s22 =	sadd.s32 $0x200, s22;
	[tilespmem:s0+$0x0] =	vst v6;
	v6 =	vadd.s32 v0, v8;
	v5 =	vld [tilespmem:s0+$0x60]  }
0x34: {  	[tilespmem:s0+$0x10] =	vst v6;
	v4 =	vadd.s32 v0, v4;
	v63 =	vld [tilespmem:s0+$0x70]  }
0x35: {  	[tilespmem:s0+$0x20] =	vst v4;
	v2 =	vadd.s32 v0, v2  }
0x36: {  	[tilespmem:s0+$0x30] =	vst v2;
	v1 =	vadd.s32 v0, v1  }
0x37: {  	[tilespmem:s0+$0x40] =	vst v1;
	v1 =	vadd.s32 v0, v3  }
0x38: {  	[tilespmem:s0+$0x50] =	vst v1;
	v1 =	vadd.s32 v0, v5  }
0x39: {  	[tilespmem:s0+$0x60] =	vst v1;
	v1 =	vadd.s32 v0, v63  }
0x3a: {  	[tilespmem:s0+$0x70] =	vst v1;
	s0 =	simm.s32 $0x0  }
0x3b: {  	[tilespmem:s18], [sflag:$0x1] =	stream.indirect.gather [hbm4b:s4+s17], $0x20, s0, s17, $0xb8;
	[tilespmem:$0x1E500] =	vst v63  }
0x3c: {  	_ = 	snop  }
0x3d: {  	[tilespmem:s19], [sflag:$0x1] =	stream.indirect.gather [hbm4b:s4+s17], $0x20, s17, s17, $0xb8;
	[tilespmem:$0x1E500] =	vst v63  }
.LBB2_5:
0x3e: {  	p0 =	seq.s32 s0, $0x0  }
0x3f: {  	p1 =	seq.s32 @!p0 s0, $0x9  }
0x40: {  	s22 =	sand.u32 $0x1, s0;
	p1 =	por p0, !p1  }
.Ltmp1:
0x41: {  	s24 =	sxor.u32 $0x1, s22;
	(pc) =	sbr.rel @!p1 .LBB2_7-.Ltmp1, $4  }
0x42: {  	s1 =	sadd.s32 @!p0 $0x3, s24  }
0x43: {  	_ =	swait.ge @!p0 [sflag:s1], $0x2000  }
0x44: {  	[sflag:s1] =	ssyncset.done @!p0 $0x0  }
0x45: {  	s23 =	simm.s32 @!p0 $0xA;
	[sflag:s1] =	ssyncadd.s32 @!p0 $0xFFFFE000  }
0x46: {  	s23 =	sadd.s32 @!p0 $0x1, s0  }
0x47: {  	s23 =	simm.s32 @p0 $0x1  }
0x48: {  	s1 =	sshll.u32 s24, $0xD;
	s25 =	sshll.u32 s23, $0x8  }
0x49: {  	s31 =	sadd.s32 $0x1, s24;
	s26 =	sor.u32 $0x1E00, s1;
	s25 =	sand.u32 $0x3FFFFF00, s25  }
0x4a: {  	[tilespmem:s26], [sflag:s31] =	stream.indirect.gather [hbm4b:s4+s17], $0x20, s25, s17, $0xb8;
	[tilespmem:$0x1E500] =	vst v63  }
0x4b: {  	s1 =	sadd.s32 $0x2E00, s1;
	s25 =	sor.u32 $0x80, s25  }
0x4c: {  	[tilespmem:s1], [sflag:s31] =	stream.indirect.gather [hbm4b:s4+s17], $0x20, s25, s17, $0xb8;
	[tilespmem:$0x1E500] =	vst v63  }
.LBB2_7:
0x4d: {  	s1 =	sadd.s32 $0x1, s22;
	s0 =	sshll.u32 s0, $0xA;
	s25 =	simm.s32 $0x0  }
0x4e: {  	_ =	swait.ge [sflag:s1], $0x2000;
	s24 =	sshrl.u32 s0, $0x2;
	s9 =	sand.u32 $0x200, s25  }
0x4f: {  	s25 =	sand.u32 $0x1C0, s25;
	s26 =	sadd.s32 $0x1400, s24;
	s0 =	sshrl.u32 s9, $0x2  }
0x50: {  	[sflag:s1] =	ssyncset.done $0x0;
	s25 =	sshrl.u32 s25, $0x2;
	s0 =	sadd.s32 s0, s26  }
0x51: {  	[sflag:s1] =	ssyncadd.s32 $0xFFFFE000;
	s0 =	sadd.s32 s25, s0  }
0x52: {  	v1 =	vld [tilespmem:s0+$0x0]  }
0x53: {  	s25 =	sshll.u32 s22, $0xD  }
0x54: {  	s30 =	sor.u32 $0x1F00, s25  }
0x55: {  	v2 =	vld [tilespmem:s30+$0xFFFFFFF0]  }
0x56: {  	v3 =	vld [tilespmem:s30+$0xFFFFFF00]  }
0x57: {  	v4 =	vld [tilespmem:s30+$0xFFFFFF10];
	v5 =	vbroadcast v1, $0x0  }
0x58: {  	v6 =	vld [tilespmem:s30+$0xFFFFFF20]  }
0x59: {  	v12 =	vld [tilespmem:s30+$0xFFFFFF60];
	v8 =	vbroadcast v1, $0x1;
	v5 =	vpack.c.f32.bf16 v5, v5  }
0x5a: {  	v7 =	vld [tilespmem:s30+$0xFFFFFF30];
	v13 =	vbroadcast v1, $0x3  }
0x5b: {  	v9 =	vld [tilespmem:s30+$0xFFFFFF40];
	v8 =	vpack.c.f32.bf16 v8, v8;
	v3 =	vmul.bf16 v3, v5  }
0x5c: {  	v10 =	vld [tilespmem:s30+$0xFFFFFF50];
	v11 =	vbroadcast v1, $0x2;
	v13 =	vpack.c.f32.bf16 v13, v13;
	v4 =	vmul.bf16 v4, v5  }
0x5d: {  	v5 =	vld [tilespmem:s30+$0xFFFFFF70];
	v6 =	vmul.bf16 v6, v8;
	[tilespmem:s30+$0xFFFFFF00] =	vst v3  }
0x5e: {  	v50 =	vbroadcast v1, $0x7;
	v11 =	vpack.c.f32.bf16 v11, v11;
	v12 =	vmul.bf16 v12, v13;
	v3 =	vld [tilespmem:s30+$0xFFFFFF80];
	[tilespmem:s30+$0xFFFFFF10] =	vst v4  }
0x5f: {  	v7 =	vmul.bf16 v7, v8;
	v4 =	vld [tilespmem:s30+$0xFFFFFF90];
	[tilespmem:s30+$0xFFFFFF20] =	vst v6  }
0x60: {  	v43 =	vbroadcast v1, $0x4;
	v9 =	vmul.bf16 v9, v11;
	v6 =	vld [tilespmem:s30+$0xFFFFFFA0];
	[tilespmem:s30+$0xFFFFFF60] =	vst v12;
	v12 =	vpack.c.f32.bf16 v50, v50  }
0x61: {  	v10 =	vmul.bf16 v10, v11;
	[tilespmem:s30+$0xFFFFFF30] =	vst v7;
	v7 =	vld [tilespmem:s30+$0xFFFFFFB0]  }
0x62: {  	v45 =	vld [tilespmem:s30+$0xFFFFFFC0];
	v44 =	vbroadcast v1, $0x5;
	v8 =	vpack.c.f32.bf16 v43, v43;
	[tilespmem:s30+$0xFFFFFF40] =	vst v9;
	v2 =	vmul.bf16 v2, v12  }
0x63: {  	v47 =	vld [tilespmem:s30+$0xFFFFFFD0];
	[tilespmem:s30+$0xFFFFFF50] =	vst v10;
	v5 =	vmul.bf16 v5, v13  }
0x64: {  	v49 =	vld [tilespmem:s30+$0xFFFFFFE0];
	v48 =	vbroadcast v1, $0x6;
	v46 =	vpack.c.f32.bf16 v44, v44;
	[tilespmem:s30+$0xFFFFFFF0] =	vst v2;
	v3 =	vmul.bf16 v3, v8  }
0x65: {  	v53 =	vld [tilespmem:s30+$0x40];
	v4 =	vmul.bf16 v4, v8;
	[tilespmem:s30+$0xFFFFFF70] =	vst v5  }
0x66: {  	v13 =	vpack.c.f32.bf16 v48, v48;
	v6 =	vmul.bf16 v6, v46;
	[tilespmem:s30+$0xFFFFFF80] =	vst v3;
	v3 =	vmul.bf16 v7, v46;
	v7 =	vld [tilespmem:s30+$0x0]  }
0x67: {  	v51 =	vbroadcast v1, $0x8;
	[tilespmem:s30+$0xFFFFFF90] =	vst v4;
	v4 =	vld [tilespmem:s30+$0x10]  }
0x68: {  	v9 =	vmul.bf16 v45, v13;
	[tilespmem:s30+$0xFFFFFFA0] =	vst v6;
	v6 =	vld [tilespmem:s30+$0x20]  }
0x69: {  	v52 =	vbroadcast v1, $0x9;
	v10 =	vpack.c.f32.bf16 v51, v51;
	v11 =	vmul.bf16 v47, v13;
	[tilespmem:s30+$0xFFFFFFB0] =	vst v3;
	v3 =	vld [tilespmem:s30+$0x30]  }
0x6a: {  	v54 =	vld [tilespmem:s30+$0x50];
	v8 =	vmul.bf16 v49, v12;
	[tilespmem:s30+$0xFFFFFFC0] =	vst v9  }
0x6b: {  	v56 =	vld [tilespmem:s30+$0x60];
	v55 =	vbroadcast v1, $0xA;
	v13 =	vpack.c.f32.bf16 v52, v52;
	[tilespmem:s30+$0xFFFFFFD0] =	vst v11;
	v7 =	vmul.bf16 v7, v10  }
0x6c: {  	v58 =	vld [tilespmem:s30+$0xF0];
	[tilespmem:s30+$0xFFFFFFE0] =	vst v8;
	v4 =	vmul.bf16 v4, v10  }
0x6d: {  	v57 =	vpack.c.f32.bf16 v55, v55;
	v2 =	vbroadcast v1, $0xB;
	v5 =	vld [tilespmem:s30+$0x70];
	v6 =	vmul.bf16 v6, v13;
	[tilespmem:s30+$0x0] =	vst v7  }
0x6e: {  	v59 =	vld [tilespmem:s30+$0x90];
	v3 =	vmul.bf16 v3, v13;
	[tilespmem:s30+$0x10] =	vst v4  }
0x6f: {  	v61 =	vld [tilespmem:s30+$0xA0];
	v60 =	vbroadcast v1, $0xC;
	v2 =	vpack.c.f32.bf16 v2, v2;
	v4 =	vmul.bf16 v53, v57;
	[tilespmem:s30+$0x20] =	vst v6  }
0x70: {  	v62 =	vbroadcast v1, $0xD;
	v7 =	vld [tilespmem:s30+$0x80];
	v6 =	vmul.bf16 v54, v57;
	[tilespmem:s30+$0x30] =	vst v3  }
0x71: {  	v8 =	vmul.bf16 v56, v2;
	v13 =	vpack.c.f32.bf16 v60, v60;
	v3 =	vld [tilespmem:s30+$0xB0];
	[tilespmem:s30+$0x40] =	vst v4  }
0x72: {  	v11 =	vpack.c.f32.bf16 v62, v62;
	v2 =	vmul.bf16 v5, v2;
	v4 =	vld [tilespmem:s30+$0xC0];
	[tilespmem:s30+$0x50] =	vst v6;
	v6 =	vbroadcast v1, $0xE  }
0x73: {  	v5 =	vld [tilespmem:s30+$0xD0];
	[tilespmem:s30+$0x60] =	vst v8;
	v9 =	vmul.bf16 v59, v13  }
0x74: {  	v63 =	vld [tilespmem:s30+$0xE0];
	[tilespmem:s30+$0x70] =	vst v2;
	v2 =	vpack.c.f32.bf16 v6, v6;
	v6 =	vmul.bf16 v61, v11  }
0x75: {  	v1 =	vbroadcast v1, $0xF;
	[tilespmem:s30+$0x90] =	vst v9;
	v7 =	vmul.bf16 v7, v13  }
0x76: {  	[tilespmem:s30+$0xA0] =	vst v6;
	v3 =	vmul.bf16 v3, v11  }
0x77: {  	s28 =	sadd.s32 $0x200, s30;
	v1 =	vpack.c.f32.bf16 v1, v1;
	[tilespmem:s30+$0x80] =	vst v7;
	v7 =	vmul.bf16 v4, v2  }
0x78: {  	s31 =	simm.s32 $0x40;
	v5 =	vmul.bf16 v5, v2;
	v2 =	vld [tilespmem:s28+$0xFFFFFFF0];
	[tilespmem:s30+$0xB0] =	vst v3  }
0x79: {  	s1 =	sand.u32 $0x200, s31;
	s29 =	sor.u32 $0x1E00, s25;
	s0 =	simm.s32 $0x80;
	v4 =	vmul.bf16 v63, v1;
	v3 =	vmul.bf16 v58, v1;
	v1 =	vld [tilespmem:s28+$0x70];
	[tilespmem:s30+$0xC0] =	vst v7  }
.LBB2_8:
0x7a: {  	p0 =	sne.s32 s0, $0x3C0;
	s1 =	sshrl.u32 s1, $0x2;
	s31 =	sand.u32 $0x1C0, s31;
	v6 =	vld [tilespmem:s28+$0xFFFFFFB0];
	[tilespmem:s30+$0xD0] =	vst v5  }
0x7b: {  	s1 =	sadd.s32 s1, s26;
	s9 =	sshrl.u32 s31, $0x2;
	v5 =	vld [tilespmem:s28+$0xFFFFFF90];
	[tilespmem:s30+$0xE0] =	vst v4;
	s31 =	smov.u32 s0  }
0x7c: {  	s1 =	sadd.s32 s9, s1;
	v4 =	vld [tilespmem:s28+$0xFFFFFF70];
	[tilespmem:s30+$0xF0] =	vst v3;
	s30 =	smov.u32 s28  }
0x7d: {  	v3 =	vld [tilespmem:s1+$0x0]  }
0x7e: {  	v7 =	vld [tilespmem:s28+$0xFFFFFF50]  }
0x7f: {  	v8 =	vld [tilespmem:s28+$0xFFFFFF30]  }
0x80: {  	v9 =	vld [tilespmem:s28+$0xFFFFFF10]  }
0x81: {  	v10 =	vld [tilespmem:s28+$0xFFFFFF00]  }
0x82: {  	v11 =	vbroadcast v3, $0x0;
	v12 =	vbroadcast v3, $0x1;
	v13 =	vld [tilespmem:s28+$0xFFFFFF20]  }
0x83: {  	v14 =	vbroadcast v3, $0x2;
	v16 =	vbroadcast v3, $0x3;
	v15 =	vld [tilespmem:s28+$0xFFFFFF40]  }
0x84: {  	v18 =	vbroadcast v3, $0x4;
	v11 =	vpack.c.f32.bf16 v11, v11;
	v12 =	vpack.c.f32.bf16 v12, v12;
	v17 =	vld [tilespmem:s28+$0xFFFFFF60]  }
0x85: {  	v20 =	vbroadcast v3, $0x5;
	v14 =	vpack.c.f32.bf16 v14, v14;
	v16 =	vpack.c.f32.bf16 v16, v16;
	v19 =	vld [tilespmem:s28+$0xFFFFFF80]  }
0x86: {  	v10 =	vmul.bf16 v10, v11;
	v9 =	vmul.bf16 v9, v11;
	v11 =	vpack.c.f32.bf16 v18, v18;
	v18 =	vld [tilespmem:s28+$0xFFFFFFA0]  }
0x87: {  	v8 =	vmul.bf16 v8, v12;
	v13 =	vmul.bf16 v13, v12;
	v12 =	vpack.c.f32.bf16 v20, v20;
	v20 =	vld [tilespmem:s28+$0x50]  }
0x88: {  	v7 =	vmul.bf16 v7, v14;
	[tilespmem:s28+$0xFFFFFF00] =	vst v10;
	v10 =	vmul.bf16 v15, v14;
	v14 =	vld [tilespmem:s28+$0x30]  }
0x89: {  	v4 =	vmul.bf16 v4, v16;
	[tilespmem:s28+$0xFFFFFF10] =	vst v9;
	v9 =	vmul.bf16 v17, v16;
	v15 =	vld [tilespmem:s28+$0x10]  }
0x8a: {  	v5 =	vmul.bf16 v5, v11;
	[tilespmem:s28+$0xFFFFFF20] =	vst v13;
	v13 =	vmul.bf16 v19, v11;
	v11 =	vld [tilespmem:s28+$0xFFFFFFD0]  }
0x8b: {  	v6 =	vmul.bf16 v6, v12;
	[tilespmem:s28+$0xFFFFFF30] =	vst v8;
	v8 =	vmul.bf16 v18, v12;
	v12 =	vld [tilespmem:s28+$0xFFFFFFC0]  }
0x8c: {  	v16 =	vbroadcast v3, $0x7;
	[tilespmem:s28+$0xFFFFFF40] =	vst v10;
	v10 =	vbroadcast v3, $0x6;
	v17 =	vld [tilespmem:s28+$0xFFFFFFE0]  }
0x8d: {  	v19 =	vbroadcast v3, $0x9;
	[tilespmem:s28+$0xFFFFFF50] =	vst v7;
	v7 =	vbroadcast v3, $0x8;
	v18 =	vld [tilespmem:s28+$0x0]  }
0x8e: {  	v21 =	vbroadcast v3, $0xA;
	[tilespmem:s28+$0xFFFFFF60] =	vst v9;
	v9 =	vpack.c.f32.bf16 v10, v10;
	v10 =	vpack.c.f32.bf16 v16, v16;
	v16 =	vld [tilespmem:s28+$0x20]  }
0x8f: {  	v22 =	vbroadcast v3, $0xB;
	[tilespmem:s28+$0xFFFFFF70] =	vst v4;
	v4 =	vpack.c.f32.bf16 v7, v7;
	v7 =	vpack.c.f32.bf16 v19, v19;
	v19 =	vld [tilespmem:s28+$0x40]  }
0x90: {  	[tilespmem:s28+$0xFFFFFF80] =	vst v13;
	v12 =	vmul.bf16 v12, v9;
	v9 =	vmul.bf16 v11, v9;
	v11 =	vpack.c.f32.bf16 v21, v21;
	v13 =	vld [tilespmem:s28+$0x60]  }
0x91: {  	v2 =	vmul.bf16 v2, v10;
	[tilespmem:s28+$0xFFFFFF90] =	vst v5;
	v5 =	vmul.bf16 v17, v10;
	v10 =	vpack.c.f32.bf16 v22, v22;
	v17 =	vld [tilespmem:s28+$0xF0]  }
0x92: {  	[tilespmem:s28+$0xFFFFFFA0] =	vst v8;
	v8 =	vmul.bf16 v18, v4;
	v4 =	vmul.bf16 v15, v4;
	v15 =	vld [tilespmem:s28+$0xD0]  }
0x93: {  	[tilespmem:s28+$0xFFFFFFB0] =	vst v6;
	v6 =	vmul.bf16 v16, v7;
	v7 =	vmul.bf16 v14, v7;
	v14 =	vld [tilespmem:s28+$0xB0]  }
0x94: {  	[tilespmem:s28+$0xFFFFFFC0] =	vst v12;
	v12 =	vmul.bf16 v19, v11;
	v11 =	vmul.bf16 v20, v11;
	v16 =	vld [tilespmem:s28+$0x90]  }
0x95: {  	v1 =	vmul.bf16 v1, v10;
	[tilespmem:s28+$0xFFFFFFD0] =	vst v9;
	v9 =	vmul.bf16 v13, v10;
	v10 =	vld [tilespmem:s28+$0x80]  }
0x96: {  	v13 =	vbroadcast v3, $0xD;
	[tilespmem:s28+$0xFFFFFFE0] =	vst v5;
	v5 =	vbroadcast v3, $0xC;
	v18 =	vld [tilespmem:s28+$0xA0]  }
0x97: {  	[tilespmem:s28+$0xFFFFFFF0] =	vst v2;
	v2 =	vbroadcast v3, $0xE;
	v19 =	vld [tilespmem:s28+$0xC0];
	v3 =	vbroadcast v3, $0xF  }
0x98: {  	[tilespmem:s28+$0x0] =	vst v8;
	v5 =	vpack.c.f32.bf16 v5, v5;
	v8 =	vpack.c.f32.bf16 v13, v13;
	v13 =	vld [tilespmem:s28+$0xE0]  }
0x99: {  	[tilespmem:s28+$0x10] =	vst v4;
	v2 =	vpack.c.f32.bf16 v2, v2;
	v3 =	vpack.c.f32.bf16 v3, v3  }
0x9a: {  	[tilespmem:s28+$0x20] =	vst v6;
	v6 =	vmul.bf16 v10, v5;
	v10 =	vmul.bf16 v16, v5  }
0x9b: {  	[tilespmem:s28+$0x30] =	vst v7;
	v7 =	vmul.bf16 v18, v8;
	v8 =	vmul.bf16 v14, v8  }
0x9c: {  	v5 =	vmul.bf16 v15, v2;
	[tilespmem:s28+$0x40] =	vst v12;
	v12 =	vmul.bf16 v19, v2  }
0x9d: {  	[tilespmem:s28+$0x50] =	vst v11;
	v4 =	vmul.bf16 v13, v3;
	v3 =	vmul.bf16 v17, v3  }
0x9e: {  	[tilespmem:s28+$0x60] =	vst v9  }
0x9f: {  	[tilespmem:s28+$0x70] =	vst v1  }
.Ltmp2:
0xa0: {  	[tilespmem:s28+$0x80] =	vst v6;
	(pc) =	sbr.rel @p0 .LBB2_8-.Ltmp2, $4  }
0xa1: {  	[tilespmem:s28+$0x90] =	vst v10  }
0xa2: {  	s28 =	sadd.s32 $0x200, s28;
	[tilespmem:s30+$0xA0] =	vst v7  }
0xa3: {  	v2 =	vld [tilespmem:s28+$0xFFFFFFF0];
	[tilespmem:s30+$0xB0] =	vst v8  }
0xa4: {  	s0 =	sadd.s32 $0x40, s0;
	s1 =	sand.u32 $0x200, s31;
	v1 =	vld [tilespmem:s28+$0x70];
	[tilespmem:s30+$0xC0] =	vst v12  }
0xa5: {  	s0 =	sshrl.u32 s1, $0x2;
	s9 =	sand.u32 $0x1C0, s31;
	[tilespmem:s30+$0xD0] =	vst v5  }
0xa6: {  	[tilespmem:s30+$0xE0] =	vst v4;
	s0 =	sadd.s32 s0, s26;
	s1 =	sshrl.u32 s9, $0x2  }
0xa7: {  	[tilespmem:s30+$0xF0] =	vst v3;
	s0 =	sadd.s32 s1, s0  }
0xa8: {  	v3 =	vld [tilespmem:s0+$0x0];
	_ =	sdelay $0x3  }
0xa9: {  	v23 =	vld [tilespmem:s28+$0xFFFFFF00]  }
0xaa: {  	v24 =	vld [tilespmem:s28+$0xFFFFFF10];
	v6 =	vbroadcast v3, $0x0  }
0xab: {  	v7 =	vld [tilespmem:s28+$0xFFFFFF20]  }
0xac: {  	v8 =	vld [tilespmem:s28+$0xFFFFFF30];
	v9 =	vbroadcast v3, $0x1;
	v6 =	vpack.c.f32.bf16 v6, v6  }
0xad: {  	v10 =	vld [tilespmem:s28+$0xFFFFFF40]  }
0xae: {  	v11 =	vld [tilespmem:s28+$0xFFFFFF50];
	v12 =	vbroadcast v3, $0x2;
	v9 =	vpack.c.f32.bf16 v9, v9;
	v4 =	vmul.bf16 v23, v6  }
0xaf: {  	v13 =	vld [tilespmem:s28+$0xFFFFFF60];
	v5 =	vmul.bf16 v24, v6  }
0xb0: {  	v25 =	vld [tilespmem:s28+$0xFFFFFF70];
	v14 =	vbroadcast v3, $0x3;
	v12 =	vpack.c.f32.bf16 v12, v12;
	v7 =	vmul.bf16 v7, v9;
	[tilespmem:s28+$0xFFFFFF00] =	vst v4  }
0xb1: {  	v29 =	vld [tilespmem:s28+$0xFFFFFFA0];
	v8 =	vmul.bf16 v8, v9;
	[tilespmem:s28+$0xFFFFFF10] =	vst v5  }
0xb2: {  	v30 =	vld [tilespmem:s28+$0xFFFFFFB0];
	v31 =	vbroadcast v3, $0x5;
	v14 =	vpack.c.f32.bf16 v14, v14;
	v10 =	vmul.bf16 v10, v12;
	[tilespmem:s28+$0xFFFFFF20] =	vst v7  }
0xb3: {  	v34 =	vld [tilespmem:s28+$0xFFFFFFD0];
	v11 =	vmul.bf16 v11, v12;
	[tilespmem:s28+$0xFFFFFF30] =	vst v8  }
0xb4: {  	v47 =	vld [tilespmem:s28+$0x40];
	v35 =	vbroadcast v3, $0x6;
	v33 =	vpack.c.f32.bf16 v31, v31;
	v13 =	vmul.bf16 v13, v14;
	[tilespmem:s28+$0xFFFFFF40] =	vst v10  }
0xb5: {  	v48 =	vld [tilespmem:s28+$0x50];
	v49 =	vbroadcast v3, $0xA;
	v6 =	vmul.bf16 v25, v14;
	[tilespmem:s28+$0xFFFFFF50] =	vst v11  }
0xb6: {  	v26 =	vld [tilespmem:s28+$0xFFFFFF80];
	v39 =	vpack.c.f32.bf16 v35, v35;
	v37 =	vmul.bf16 v29, v33;
	[tilespmem:s28+$0xFFFFFF60] =	vst v13  }
0xb7: {  	v27 =	vld [tilespmem:s28+$0xFFFFFF90];
	v28 =	vbroadcast v3, $0x4;
	v51 =	vpack.c.f32.bf16 v49, v49;
	v40 =	vmul.bf16 v30, v33;
	[tilespmem:s28+$0xFFFFFF70] =	vst v6  }
0xb8: {  	v32 =	vld [tilespmem:s28+$0xFFFFFFC0];
	v12 =	vmul.bf16 v34, v39;
	[tilespmem:s28+$0xFFFFFFA0] =	vst v37  }
0xb9: {  	v36 =	vld [tilespmem:s28+$0xFFFFFFE0];
	v9 =	vpack.c.f32.bf16 v28, v28;
	v53 =	vmul.bf16 v47, v51;
	[tilespmem:s28+$0xFFFFFFB0] =	vst v40  }
0xba: {  	v38 =	vbroadcast v3, $0x7;
	v56 =	vmul.bf16 v48, v51;
	[tilespmem:s28+$0xFFFFFFD0] =	vst v12  }
0xbb: {  	v41 =	vld [tilespmem:s28+$0x0];
	v4 =	vmul.bf16 v26, v9;
	[tilespmem:s28+$0x40] =	vst v53  }
0xbc: {  	v42 =	vld [tilespmem:s28+$0x10];
	v43 =	vbroadcast v3, $0x8;
	v5 =	vmul.bf16 v27, v9;
	v7 =	vpack.c.f32.bf16 v38, v38;
	[tilespmem:s28+$0x50] =	vst v56  }
0xbd: {  	v44 =	vld [tilespmem:s28+$0x20];
	v10 =	vmul.bf16 v32, v39;
	[tilespmem:s28+$0xFFFFFF80] =	vst v4  }
0xbe: {  	v45 =	vld [tilespmem:s28+$0x30];
	v46 =	vbroadcast v3, $0x9;
	v11 =	vpack.c.f32.bf16 v43, v43;
	[tilespmem:s28+$0xFFFFFF90] =	vst v5;
	v9 =	vmul.bf16 v36, v7  }
0xbf: {  	v54 =	vld [tilespmem:s28+$0x90];
	[tilespmem:s28+$0xFFFFFFC0] =	vst v10;
	v2 =	vmul.bf16 v2, v7  }
0xc0: {  	v52 =	vld [tilespmem:s28+$0x80];
	v55 =	vbroadcast v3, $0xC;
	v13 =	vpack.c.f32.bf16 v46, v46;
	v8 =	vmul.bf16 v41, v11;
	[tilespmem:s28+$0xFFFFFFE0] =	vst v9  }
0xc1: {  	v50 =	vld [tilespmem:s28+$0x60];
	v5 =	vmul.bf16 v42, v11;
	[tilespmem:s28+$0xFFFFFFF0] =	vst v2  }
0xc2: {  	v57 =	vld [tilespmem:s28+$0xA0];
	v12 =	vpack.c.f32.bf16 v55, v55;
	v6 =	vmul.bf16 v44, v13;
	v2 =	vbroadcast v3, $0xB;
	[tilespmem:s28+$0x0] =	vst v8  }
0xc3: {  	v58 =	vld [tilespmem:s28+$0xB0];
	v59 =	vbroadcast v3, $0xD;
	v4 =	vmul.bf16 v45, v13;
	[tilespmem:s28+$0x10] =	vst v5  }
0xc4: {  	v60 =	vld [tilespmem:s28+$0xD0];
	v10 =	vmul.bf16 v54, v12;
	[tilespmem:s28+$0x20] =	vst v6;
	v2 =	vpack.c.f32.bf16 v2, v2  }
0xc5: {  	v61 =	vbroadcast v3, $0xE;
	v11 =	vpack.c.f32.bf16 v59, v59;
	[tilespmem:s28+$0x30] =	vst v4;
	v8 =	vmul.bf16 v52, v12  }
0xc6: {  	v62 =	vld [tilespmem:s28+$0xE0];
	v3 =	vbroadcast v3, $0xF;
	[tilespmem:s28+$0x90] =	vst v10;
	v1 =	vmul.bf16 v1, v2  }
0xc7: {  	v6 =	vpack.c.f32.bf16 v61, v61;
	v7 =	vmul.bf16 v57, v11;
	[tilespmem:s28+$0x80] =	vst v8;
	v9 =	vmul.bf16 v50, v2;
	v2 =	vld [tilespmem:s28+$0xC0]  }
0xc8: {  	v4 =	vmul.bf16 v58, v11;
	[tilespmem:s28+$0x70] =	vst v1;
	v1 =	vld [tilespmem:s28+$0xF0]  }
0xc9: {  	v3 =	vpack.c.f32.bf16 v3, v3;
	[tilespmem:s28+$0xA0] =	vst v7;
	v5 =	vmul.bf16 v60, v6  }
0xca: {  	[tilespmem:s28+$0xB0] =	vst v4  }
0xcb: {  	v63 =	vmul.bf16 v62, v3;
	[tilespmem:s28+$0xD0] =	vst v5  }
0xcc: {  	[tilespmem:s28+$0x60] =	vst v9;
	v2 =	vmul.bf16 v2, v6  }
0xcd: {  	p0 =	slt.u32 s23, $0xA;
	[tilespmem:s28+$0xE0] =	vst v63;
	v1 =	vmul.bf16 v1, v3  }
.Ltmp3:
0xce: {  	[tilespmem:s28+$0xC0] =	vst v2;
	(pc) =	sbr.rel @p0 .LBB2_5-.Ltmp3, $4  }
0xcf: {  	s30 =	sadd.s32 $0x3, s22;
	[tilespmem:s28+$0xF0] =	vst v1;
	s28 =	sadd.s32 $0xA00, s24  }
0xd0: {  	[spmem:s2] =	stream.indirect.scatter.add.bf16 [tilespmem:s29], [sflag:s30], $0x20, s28, s17, $0xb8;
	[tilespmem:$0x1E500] =	vst v63  }
0xd1: {  	s31 =	sadd.s32 $0x2E00, s25;
	s9 =	sadd.s32 $0xA80, s24;
	s0 =	smov.u32 s23  }
0xd2: {  	[spmem:s2] =	stream.indirect.scatter.add.bf16 [tilespmem:s31], [sflag:s30], $0x20, s9, s17, $0xb8;
	[tilespmem:$0x1E500] =	vst v63  }
0xd3: {  	s21 =	sadd.s32 $0x1, s21  }
0xd4: {  	p0 =	sne.s32 s21, $0x14  }
.Ltmp4:
0xd5: {  	_ = 	snop;
	(pc) =	sbr.rel @p0 .LBB2_2-.Ltmp4, $4  }
0xd6: {  	_ = 	snop  }
0xd7: {  	_ =	swait.ge [sflag:s20], $0x2000  }
0xd8: {  	[sflag:s20] =	ssyncset.done $0x0  }
0xd9: {  	[sflag:s20] =	ssyncadd.s32 $0xFFFFE000  }
0xda: {  	[bflag:$0x0] =	sbarrier.arrive $0xFFFF;
	s3 =	sadd.s32 $0x1, s3  }
0xdb: {  	[hbm:s11], [sflag:s10] =	dma.local [spmem:s13], $0x30E0  }
0xdc: {  	p0 =	sne.s32 s3, s12  }
.Ltmp5:
0xdd: {  	_ =	swait.ge [sflag:s14], $0x30E0;
	(pc) =	sbr.rel @p0 .LBB2_1-.Ltmp5, $3  }
0xde: {  	[sflag:s14] =	ssyncset.done $0x0  }
0xdf: {  	[sflag:s14] =	ssyncadd.s32 $0xFFFFCF20  }
0xe0: {  	[bflag:$0x0] =	sbarrier.arrive $0xFFFF;
	_ =	sdelay $0x1  }
0xe1: {  	_ =	sfence.sel $0x180000  }
0xe2: {  	[bflag:$0x0] =	sbarrier.arrive $0xFFFF  }
0xe3: {  	_ =	strace $0x9000004A  }
0xe4: {  	s0 =	stileid.u32;
	[bflag:$0x2] =	sbarrier.arrive $0xFFFF  }
0xe5: {  	p0 =	sne.s32 s0, $0x0;
	s0 =	rddreg [dreg:$0x2]  }
0xe6: {  	s0 =	sadd.s32 @!p0 $0x100000, s0  }
0xe7: {  	[sflag:s0] =	ssyncadd.tile.s32 @!p0 $0x1;
	_ =	shalt  }
.Lfunc_end2:
_tile_overlayer_lowered:
.L_overlay_start_2:
0xe8: {  	(tag) =	ssettag $0x2  }
0xe9: {  	s0 =	rddreg [dreg:$0x0];
	s2 =	stileid.u32  }
0xea: {  	s1 =	rddreg [dreg:$0x1];
	p0 =	sne.s32 s2, $0x0  }
0xeb: {  	s3 =	rddreg [dreg:$0x2];
	[bflag:$0x3] =	sbarrier.arrive $0xFFFF;
	s2 =	simm.s32 @!p0 $0x1C05  }
0xec: {  	[timem:s3], [sflag:s2] =	dma.local @!p0 [hbm:s0], s1  }
0xed: {  	s0 =	simm.s32 @!p0 $0x5  }
0xee: {  	_ =	swait.ge @!p0 [sflag:s0], s1  }
0xef: {  	s1 =	ssub.s32 @!p0 $0x0, s1;
	[sflag:s0] =	ssyncset.done @!p0 $0x0  }
0xf0: {  	[sflag:s0] =	ssyncadd.s32 @!p0 s1  }
0xf1: {  	[bflag:$0x3] =	sbarrier.arrive $0xFFFF  }
0xf2: {  	_ =	shalt  }

// kernel: kernel.13.cloned.1.call-start
scs
__scs_entry_jumppad:
0x0: {  	(pc) =	sbr.rel $0x88, $3  }
0x1: {  	(tag) =	ssettag $0x0;
	lr =	simm.s32 $0x1  }
0x2: {  	[smem:$0x3F93] =	sst lr;
	_ =	strace $0xD0000000  }
0x3: {  	_ = 	snop  }
0x4: {  	_ = 	snop  }
0x5: {  	_ = 	snop  }
0x6: {  	_ = 	snop  }
0x7: {  	_ = 	snop  }
__scs_overlays_trampoline_lowered:
0x8: {  	[smem:$0x3FA2] =	sst s0  }
0x9: {  	[smem:$0x3FA3] =	sst s1  }
0xa: {  	[smem:$0x3FA4] =	sst s2  }
0xb: {  	[smem:$0x3FA5] =	sst s3  }
0xc: {  	[smem:$0x3FA6] =	sst s4  }
0xd: {  	[smem:$0x3FA7] =	sst s5  }
0xe: {  	[smem:$0x3FA8] =	sst s6  }
0xf: {  	[smem:$0x3FA9] =	sst s7  }
0x10: {  	[smem:$0x3FAA] =	sst s8  }
0x11: {  	[smem:$0x3FAB] =	sst s9;
	s0 =	simm.s32 @!p0 $0x0  }
0x12: {  	s1 =	sld [smem:$0x3F91];
	s0 =	simm.s32 @p0 $0x1  }
0x13: {  	[smem:$0x3FAC] =	sst s0;
	s0 =	simm.s32 @!p1 $0x0  }
0x14: {  	s2 =	sld [smem:$0x3F90];
	s0 =	simm.s32 @p1 $0x1  }
0x15: {  	[smem:$0x3FAD] =	sst s0;
	s0 =	simm.s32 @!p2 $0x0  }
0x16: {  	s3 =	sld [smem:$0x3FDB];
	s0 =	simm.s32 @p2 $0x1  }
0x17: {  	s4 =	simm.s32 $0x1BF5;
	[smem:$0x3FAF] =	sst s0  }
0x18: {  	s0 =	sld [smem:$0x3F92];
	_ =	swait.ge [sflag:s4], $0x0  }
0x19: {  	s7 =	sld [smem:$0x3F93]  }
0x1a: {  	s8 =	sadd.s32 $0xFFFFE003, lr  }
0x1b: {  	s9 =	sadd.s32 $0xFFFFFEF7, lr;
	s5 =	simm.s32 $0xFFFFFFFF;
	p2 =	slt.u32 s8, $0xFFFFF086  }
0x1c: {  	p1 =	slt.u32 s9, $0xF7A;
	s5 =	simm.s32 @!p2 $0x0  }
0x1d: {  	s5 =	simm.s32 @p1 $0x1;
	p0 =	seq.s32 s7, s2  }
0x1e: {  	s7 =	smul.u32 @!p0 $0xF7A, s2;
	p2 =	seq.s32 @!p0 s5, $0x0  }
0x1f: {  	s9 =	smul.u32 $0xF7A, s1;
	s8 =	simm.s32 @!p0 $0x1BF5;
	p2 =	por !p2, p0  }
0x20: {  	[sflag:s8] =	ssyncset.s32 @!p0 $0xFFFFF086;
	s6 =	sadd.s32 @!p0 s3, s7;
	s7 =	simm.s32 @!p0 $0x108  }
0x21: {  	s3 =	sadd.s32 s3, s9;
	s6 =	sadd.s32 @!p0 $0x88, s6;
	s7 =	simm.s32 @p2 $0x1082  }
0x22: {  	[simem:s7], [sflag:s8] =	dma.local @!p0 [hbm:s6], $0xF7A  }
0x23: {  	s9 =	sor.u32 $0xD0000000, s2;
	s6 =	simm.s32 $0x108;
	_ =	swait.ge @!p0 [sflag:s8], $0x0  }
0x24: {  	s3 =	sadd.s32 $0x88, s3;
	s6 =	simm.s32 @!p1 $0x1082;
	[sflag:s4] =	ssyncset.s32 $0xFFFFF086  }
0x25: {  	[simem:s6], [sflag:s4] =	dma.local [hbm:s3], $0xF7A  }
0x26: {  	[smem:$0x3F93] =	sst s1;
	(tag) =	ssettag s2;
	_ =	strace s9  }
0x27: {  	s1 =	sld [smem:$0x3FA3]  }
0x28: {  	s2 =	sld [smem:$0x3FA4]  }
0x29: {  	s4 =	sld [smem:$0x3FA6]  }
0x2a: {  	p0 =	seq.s32 s5, $0x0;
	s5 =	sld [smem:$0x3FA7]  }
0x2b: {  	s6 =	sld [smem:$0x3FA8]  }
0x2c: {  	s7 =	sld [smem:$0x3FA9]  }
0x2d: {  	s3 =	simm.s32 $0x108;
	s8 =	sld [smem:$0x3FAA]  }
0x2e: {  	s3 =	simm.s32 @!p0 $0x1082;
	s9 =	sld [smem:$0x3FAB]  }
0x2f: {  	lr =	sadd.s32 s0, s3;
	s0 =	sld [smem:$0x3FA2]  }
0x30: {  	s3 =	sld [smem:$0x3FA5]  }
0x31: {  	[smem:$0x3FAE] =	sst s10  }
0x32: {  	s10 =	sld [smem:$0x3FAC];
	_ =	sdelay $0x3  }
0x33: {  	p0 =	seq.s32 s10, $0x1;
	s10 =	sld [smem:$0x3FAE];
	_ =	sdelay $0x3  }
0x34: {  	[smem:$0x3FAE] =	sst s10  }
0x35: {  	s10 =	sld [smem:$0x3FAD];
	_ =	sdelay $0x3  }
0x36: {  	p1 =	seq.s32 s10, $0x1;
	s10 =	sld [smem:$0x3FAE];
	_ =	sdelay $0x3  }
0x37: {  	[smem:$0x3FAE] =	sst s10  }
0x38: {  	s10 =	sld [smem:$0x3FAF]  }
0x39: {  	_ = 	snop;
	(pc) =	sbr.ind lr, $3  }
0x3a: {  	_ = 	snop  }
0x3b: {  	_ = 	snop  }
0x3c: {  	p2 =	seq.s32 s10, $0x1;
	s10 =	sld [smem:$0x3FAE]  }
0x3d: {  	_ =	shalt  }
0x3e: {  	_ =	shalt  }
0x3f: {  	_ =	shalt  }
0x40: {  	_ =	shalt  }
0x41: {  	_ =	shalt  }
0x42: {  	_ =	shalt  }
0x43: {  	_ =	shalt  }
0x44: {  	_ =	shalt  }
0x45: {  	_ =	shalt  }
0x46: {  	_ =	shalt  }
0x47: {  	_ =	shalt  }
0x48: {  	_ =	shalt  }
0x49: {  	_ =	shalt  }
0x4a: {  	_ =	shalt  }
0x4b: {  	_ =	shalt  }
0x4c: {  	_ =	shalt  }
0x4d: {  	_ =	shalt  }
0x4e: {  	_ =	shalt  }
0x4f: {  	_ =	shalt  }
0x50: {  	_ =	shalt  }
0x51: {  	_ =	shalt  }
0x52: {  	_ =	shalt  }
0x53: {  	_ =	shalt  }
0x54: {  	_ =	shalt  }
0x55: {  	_ =	shalt  }
0x56: {  	_ =	shalt  }
0x57: {  	_ =	shalt  }
0x58: {  	_ =	shalt  }
0x59: {  	_ =	shalt  }
0x5a: {  	_ =	shalt  }
0x5b: {  	_ =	shalt  }
0x5c: {  	_ =	shalt  }
0x5d: {  	_ =	shalt  }
0x5e: {  	_ =	shalt  }
0x5f: {  	_ =	shalt  }
0x60: {  	_ =	shalt  }
0x61: {  	_ =	shalt  }
0x62: {  	_ =	shalt  }
0x63: {  	_ =	shalt  }
0x64: {  	_ =	shalt  }
0x65: {  	_ =	shalt  }
0x66: {  	_ =	shalt  }
0x67: {  	_ =	shalt  }
0x68: {  	_ =	shalt  }
0x69: {  	_ =	shalt  }
0x6a: {  	_ =	shalt  }
0x6b: {  	_ =	shalt  }
0x6c: {  	_ =	shalt  }
0x6d: {  	_ =	shalt  }
0x6e: {  	_ =	shalt  }
0x6f: {  	_ =	shalt  }
0x70: {  	_ =	shalt  }
0x71: {  	_ =	shalt  }
0x72: {  	_ =	shalt  }
0x73: {  	_ =	shalt  }
0x74: {  	_ =	shalt  }
0x75: {  	_ =	shalt  }
0x76: {  	_ =	shalt  }
0x77: {  	_ =	shalt  }
0x78: {  	_ =	shalt  }
0x79: {  	_ =	shalt  }
0x7a: {  	_ =	shalt  }
0x7b: {  	_ =	shalt  }
0x7c: {  	_ =	shalt  }
0x7d: {  	_ =	shalt  }
0x7e: {  	_ =	shalt  }
0x7f: {  	_ =	shalt  }
0x80: {  	_ =	shalt  }
0x81: {  	_ =	shalt  }
0x82: {  	_ =	shalt  }
0x83: {  	_ =	shalt  }
0x84: {  	_ =	shalt  }
0x85: {  	_ =	shalt  }
0x86: {  	_ =	shalt  }
0x87: {  	_ =	shalt  }
.Lfunc_end0:
.L_simem_size_0:
called_computation.2_lowered:
.L_overlay_start_0:
0x88: {  	s2 =	sld [smem:$0x3FD9]  }
0x89: {  	s3 =	sld [smem:$0x3FFE];
	_ =	sdelay $0x1  }
0x8a: {  	s1 =	srdreg.scid  }
0x8b: {  	s0 =	sand.u32 $0x1, s1  }
0x8c: {  	s14 =	sshll.u32 s0, $0xA;
	s2 =	sadd.s32 s3, s2  }
0x8d: {  	s2 =	sadd.s32 s2, s14  }
0x8e: {  	[smem:$0x3FBA] =	sst s2  }
0x8f: {  	_ = 	snop  }
0x90: {  	s2 =	sld [smem:$0x3FD0];
	_ =	sdelay $0x2  }
0x91: {  	s15 =	simm.s32 $0xA;
	s4 =	simm.s32 $0x10  }
0x92: {  	[smem:s4], [sflag:s15] =	dma.local [hbm:s2], $0x1  }
0x93: {  	_ =	swait.eq [sflag:s15], $0x1  }
0x94: {  	[sflag:s15] =	ssyncset.done $0x0  }
0x95: {  	s16 =	sld [smem:$0x10];
	[sflag:s15] =	ssyncadd.s32 $0xFFFFFFFF  }
0x96: {  	s17 =	sld [smem:$0x11];
	(tm) =	ssettm $0x1  }
0x97: {  	s18 =	sld [smem:$0x3FFB];
	_ =	sdelay $0x3  }
0x98: {  	_ =	strace s18  }
0x99: {  	s4 =	sld [smem:$0x3FFC];
	_ =	sdelay $0x3  }
0x9a: {  	_ =	strace s4  }
0x9b: {  	s4 =	sld [smem:$0x3FFD];
	_ =	sdelay $0x3  }
0x9c: {  	_ =	strace s4  }
0x9d: {  	_ =	strace $0x8FFFFFFF  }
0x9e: {  	s19 =	sld [smem:$0x3FDB];
	_ =	sdelay $0x1  }
0x9f: {  	s5 =	simm.s32 $_scs_section_size  }
0xa0: {  	s6 =	simm.s32 $_size__tile_overlayer_lowered;
	s7 =	simm.s32 $_tile_overlayer_lowered  }
0xa1: {  	s22 =	simm.s32 $0x1BFF;
	s21 =	sshll.u32 s7, $0x1;
	s4 =	sadd.s32 s5, s19  }
0xa2: {  	s8 =	simm.s32 $0x0;
	s20 =	sshll.u32 s6, $0x1;
	s6 =	sadd.s32 s21, s4  }
0xa3: {  	[timem:s8], [sflag:s22] =	dma.local [hbm:s6], s20  }
0xa4: {  	_ =	swait.ge [sflag:s22], s20  }
0xa5: {  	s5 =	ssub.s32 $0x0, s20;
	[sflag:s22] =	ssyncset.done $0x0  }
0xa6: {  	[sflag:s22] =	ssyncadd.s32 s5;
	_ =	sdelay $0x1  }
0xa7: {  	s23 =	simm.s32 $0x1B8B  }
0xa8: {  	_ =	swait.ge [sflag:s23], $0x1  }
0xa9: {  	[sflag:s23] =	ssyncset.done $0x0  }
0xaa: {  	s25 =	simm.s32 $0x1B8E;
	s24 =	sld [smem:$0x3FFE];
	[sflag:s23] =	ssyncadd.s32 $0xFFFFFFFF  }
0xab: {  	s26 =	simm.s32 $execute0_lowered;
	[smem:$0x3FD2] =	sst s25  }
0xac: {  	s6 =	sshll.u32 s26, $0x1;
	_ =	strace $0x8000004C;
	[dreg:$0x1] =	wrdreg $0xFFFFFFFF  }
0xad: {  	s28 =	simm.s32 $_size_execute0_lowered;
	s4 =	sadd.s32 s4, s6;
	[dreg:$0x0] =	wrdreg $0x0  }
0xae: {  	s6 =	sshll.u32 s28, $0x1;
	[dreg:$0x2] =	wrdreg s4  }
0xaf: {  	[dreg:$0x3] =	wrdreg s6  }
0xb0: {  	[dreg:$0x4] =	wrdreg $0xC0  }
0xb1: {  	_ =	task [dreg:s8], $0x5FFFF  }
0xb2: {  	[dreg:$0x1] =	wrdreg $0xFFFFFFFF  }
0xb3: {  	[dreg:$0x0] =	wrdreg $0x60  }
0xb4: {  	[dreg:$0x2] =	wrdreg s24  }
0xb5: {  	[dreg:$0x3] =	wrdreg s17  }
0xb6: {  	[dreg:$0x4] =	wrdreg s16  }
0xb7: {  	[dreg:$0x5] =	wrdreg $0x9  }
0xb8: {  	_ =	task.clear_ibuf [dreg:s8], $0x6FFFF;
	_ =	strace $0x9000004C  }
0xb9: {  	s29 =	simm.s32 $0x9;
	_ =	strace $0x8000004E  }
0xba: {  	_ =	swait.ge [sflag:s29], $0x1  }
0xbb: {  	[sflag:s29] =	ssyncadd.s32 $0xFFFFFFFF  }
0xbc: {  	_ =	strace $0x9000004E  }
0xbd: {  	_ =	sfence  }
0xbe: {  	s30 =	sld [smem:$0x0];
	_ =	sdelay $0x2  }
0xbf: {  	s31 =	sshll.u32 s1, $0xD;
	s1 =	sshrl.u32 s1, $0x2  }
0xc0: {  	s3 =	sand.u32 $0x4000, s31;
	s1 =	sadd.s32 s1, s30  }
0xc1: {  	s0 =	sor.u32 s3, s0;
	s1 =	sshll.u32 s1, $0x11  }
0xc2: {  	s0 =	sor.u32 s1, s0  }
0xc3: {  	s0 =	sadd.s32 $0x8F2B, s0  }
0xc4: {  	[sflag:s0] =	ssyncadd.remote.s32 $0x1  }
0xc5: {  	_ =	sfence.sel $0xFFFF  }
0xc6: {  	[dreg:$0x0] =	wrdreg $0xFFFFFFFF;
	(pc) =	sbr.abs _section_cstart, $3  }
0xc7: {  	[dreg:$0x1] =	wrdreg $0xFFFFFFFF  }
0xc8: {  	_ =	task.clear_ibuf [dreg:s8], $0x2FFFF;
	_ =	strace $0x9FFFFFFF  }
0xc9: {  	(tm) =	ssettm $0x7FFFFFFF  }
tec
execute0_lowered:
.L_overlay_start_1:
0x0: {  	(tag) =	ssettag $0x1  }
0x1: {  	s1 =	srdreg.scid;
	s0 =	stileid.u32  }
0x2: {  	s26 =	sand.u32 $0x1, s1;
	s30 =	sshll.u32 s0, $0x1  }
0x3: {  	s16 =	rddreg [dreg:$0x0];
	s12 =	sor.u32 s26, s30  }
0x4: {  	s19 =	rddreg [dreg:$0x1];
	s20 =	smul.u32 $0xA0, s12  }
0x5: {  	s25 =	rddreg [dreg:$0x2];
	s2 =	simm.s32 $0x0  }
0x6: {  	s3 =	simm.s32 $0x2;
	[smem:$0x7FF] =	sst s2;
	s10 =	sshrl.u32 s20, $0x3  }
0x7: {  	s1 =	rddreg [dreg:$0x3];
	_ =	strace $0x8000004D;
	s6 =	sadd.s32 s19, s10  }
0x8: {  	[tilespmem:s2], [sflag:$0x2] =	stream.linear.gather [hbm4b:s6+s2], $0x50, $0x38;
	[tilespmem:$0x32A0] =	vst v63  }
0x9: {  	_ =	swait.ge [sflag:s3], $0x50  }
0xa: {  	s4 =	simm.s32 $0x50;
	s8 =	simm.s32 $0xA0;
	[sflag:s3] =	ssyncset.done $0x0  }
0xb: {  	s5 =	simm.s32 $0x1;
	s7 =	sadd.s32 $0x15A800, s16;
	[sflag:s3] =	ssyncadd.s32 $0xFFFFFFB0  }
0xc: {  	[tilespmem:s8], [sflag:$0x1] =	stream.indirect.gather [hbm4b:s7+s4], $0x80, s2, s4, $0xb8;
	[tilespmem:$0x32A0] =	vst v63  }
0xd: {  	s11 =	smul.u32 $0xA00, s12;
	_ =	swait.ge [sflag:s5], $0x2800  }
0xe: {  	s21 =	sadd.s32 $0xB9200, s16;
	[sflag:s5] =	ssyncset.done $0x0  }
0xf: {  	s9 =	sadd.s32 s21, s11;
	[sflag:s5] =	ssyncadd.s32 $0xFFFFD800  }
0x10: {  	[hbm4b:s9+s2] =	stream.linear.scatter [tilespmem:s8], [sflag:$0x2], $0x2800, $0x38;
	[tilespmem:$0x32A0] =	vst v63  }
0x11: {  	_ =	swait.ge [sflag:s3], $0x2800  }
0x12: {  	s22 =	sadd.s32 $0xAEE00, s16;
	[sflag:s3] =	ssyncset.done $0x0  }
0x13: {  	s10 =	sadd.s32 s22, s10;
	[sflag:s3] =	ssyncadd.s32 $0xFFFFD800  }
0x14: {  	[tilespmem:s2], [sflag:$0x2] =	stream.linear.gather [hbm4b:s10+s2], $0x50, $0x38;
	[tilespmem:$0x32A0] =	vst v63  }
0x15: {  	_ =	swait.ge [sflag:s3], $0x50  }
0x16: {  	[sflag:s3] =	ssyncset.done $0x0  }
0x17: {  	[sflag:s3] =	ssyncadd.s32 $0xFFFFFFB0  }
0x18: {  	[tilespmem:s8], [sflag:$0x1] =	stream.indirect.gather [hbm4b:s7+s4], $0x80, s2, s4, $0xb8;
	[tilespmem:$0x32A0] =	vst v63  }
0x19: {  	_ =	swait.ge [sflag:s5], $0x2800  }
0x1a: {  	s23 =	sadd.s32 $0xCD200, s16;
	[sflag:s5] =	ssyncset.done $0x0  }
0x1b: {  	s11 =	sadd.s32 s23, s11;
	[sflag:s5] =	ssyncadd.s32 $0xFFFFD800  }
0x1c: {  	[hbm4b:s11+s2] =	stream.linear.scatter [tilespmem:s8], [sflag:$0x2], $0x2800, $0x38;
	[tilespmem:$0x32A0] =	vst v63  }
0x1d: {  	_ =	swait.ge [sflag:s3], $0x2800  }
0x1e: {  	[sflag:s3] =	ssyncset.done $0x0  }
0x1f: {  	[sflag:s3] =	ssyncadd.s32 $0xFFFFD800  }
0x20: {  	v0 =	vld [tilespmem:$0x40]  }
0x21: {  	v1 =	vld [tilespmem:$0x30]  }
0x22: {  	v2 =	vld [tilespmem:$0x20]  }
0x23: {  	v3 =	vld [tilespmem:$0x0]  }
0x24: {  	v4 =	vld [tilespmem:$0x10]  }
0x25: {  	[tilespmem:$0x90] =	vst v0  }
0x26: {  	[tilespmem:$0x80] =	vst v1  }
0x27: {  	[tilespmem:$0x70] =	vst v2  }
0x28: {  	[tilespmem:$0x50] =	vst v3  }
0x29: {  	s13 =	sadd.s32 $0xF8C00, s16;
	s14 =	smul.u32 $0x2800, s12;
	s12 =	simm.s32 $0x28A0;
	[tilespmem:$0x60] =	vst v4  }
0x2a: {  	[tilespmem:s12], [sflag:$0x1] =	stream.indirect.gather [hbm4b:s13+s4], $0x20, s4, s4, $0xb8;
	[tilespmem:$0x32A0] =	vst v63  }
0x2b: {  	_ =	swait.ge [sflag:s5], $0xA00  }
0x2c: {  	s17 =	sshrl.u32 s14, $0x4;
	[sflag:s5] =	ssyncset.done $0x0  }
0x2d: {  	s15 =	sadd.s32 s25, s17;
	[sflag:s5] =	ssyncadd.s32 $0xFFFFF600  }
0x2e: {  	[hbm4b:s15+s2] =	stream.linear.scatter [tilespmem:s12], [sflag:$0x2], $0xA00, $0x38;
	[tilespmem:$0x32A0] =	vst v63  }
0x2f: {  	_ =	swait.ge [sflag:s3], $0xA00  }
0x30: {  	[sflag:s3] =	ssyncset.done $0x0  }
0x31: {  	s14 =	sadd.s32 $0x4D200, s16;
	[sflag:s3] =	ssyncadd.s32 $0xFFFFF600  }
0x32: {  	[tilespmem:s12], [sflag:$0x1] =	stream.indirect.gather [hbm4b:s14+s4], $0x20, s4, s4, $0xb8;
	[tilespmem:$0x32A0] =	vst v63  }
0x33: {  	_ =	swait.ge [sflag:s5], $0xA00  }
0x34: {  	s28 =	sadd.s32 $0xAF200, s16;
	[sflag:s5] =	ssyncset.done $0x0  }
0x35: {  	s16 =	sadd.s32 s28, s17;
	[sflag:s5] =	ssyncadd.s32 $0xFFFFF600  }
0x36: {  	[hbm4b:s16+s2] =	stream.linear.scatter [tilespmem:s12], [sflag:$0x2], $0xA00, $0x38;
	[tilespmem:$0x32A0] =	vst v63  }
0x37: {  	_ =	swait.ge [sflag:s3], $0xA00  }
0x38: {  	[sflag:s3] =	ssyncset.done $0x0  }
0x39: {  	[sflag:s3] =	ssyncadd.s32 $0xFFFFF600  }
0x3a: {  	v0 =	vld [tilespmem:$0x30]  }
0x3b: {  	v1 =	vld [tilespmem:$0x40]  }
0x3c: {  	v2 =	vld [tilespmem:$0x20]  }
0x3d: {  	v3 =	vld [tilespmem:$0x0]  }
0x3e: {  	v62 =	vld [tilespmem:$0x10]  }
0x3f: {  	v0 =	vadd.s32 $0xC380, v0  }
0x40: {  	[tilespmem:$0x80] =	vst v0;
	v0 =	vadd.s32 $0xC380, v1  }
0x41: {  	v1 =	vadd.s32 $0xC380, v2;
	[tilespmem:$0x90] =	vst v0  }
0x42: {  	v0 =	vadd.s32 $0xC380, v3;
	[tilespmem:$0x70] =	vst v1  }
0x43: {  	[tilespmem:$0x50] =	vst v0;
	v0 =	vadd.s32 $0xC380, v62  }
0x44: {  	[tilespmem:$0x60] =	vst v0  }
0x45: {  	[tilespmem:s12], [sflag:$0x1] =	stream.indirect.gather [hbm4b:s13+s4], $0x20, s4, s4, $0xb8;
	[tilespmem:$0x32A0] =	vst v63  }
0x46: {  	_ =	swait.ge [sflag:s5], $0xA00  }
0x47: {  	s18 =	sadd.s32 $0x5000, s17;
	[sflag:s5] =	ssyncset.done $0x0  }
0x48: {  	s17 =	sadd.s32 s25, s18;
	[sflag:s5] =	ssyncadd.s32 $0xFFFFF600  }
0x49: {  	[hbm4b:s17+s2] =	stream.linear.scatter [tilespmem:s12], [sflag:$0x2], $0xA00, $0x38;
	[tilespmem:$0x32A0] =	vst v63  }
0x4a: {  	_ =	swait.ge [sflag:s3], $0xA00  }
0x4b: {  	[sflag:s3] =	ssyncset.done $0x0  }
0x4c: {  	[sflag:s3] =	ssyncadd.s32 $0xFFFFF600  }
0x4d: {  	[tilespmem:s12], [sflag:$0x1] =	stream.indirect.gather [hbm4b:s14+s4], $0x20, s4, s4, $0xb8;
	[tilespmem:$0x32A0] =	vst v63  }
0x4e: {  	_ =	swait.ge [sflag:s5], $0xA00  }
0x4f: {  	[sflag:s5] =	ssyncset.done $0x0  }
0x50: {  	s18 =	sadd.s32 s28, s18;
	[sflag:s5] =	ssyncadd.s32 $0xFFFFF600  }
0x51: {  	[hbm4b:s18+s2] =	stream.linear.scatter [tilespmem:s12], [sflag:$0x2], $0xA00, $0x38;
	[tilespmem:$0x32A0] =	vst v63  }
0x52: {  	s24 =	sadd.s32 $0x50, s20;
	_ =	swait.ge [sflag:s3], $0xA00  }
0x53: {  	s29 =	sshrl.u32 s24, $0x3;
	[sflag:s3] =	ssyncset.done $0x0  }
0x54: {  	s19 =	sadd.s32 s19, s29;
	[sflag:s3] =	ssyncadd.s32 $0xFFFFF600  }
0x55: {  	[tilespmem:s2], [sflag:$0x2] =	stream.linear.gather [hbm4b:s19+s2], $0x50, $0x38;
	[tilespmem:$0x32A0] =	vst v63  }
0x56: {  	_ =	swait.ge [sflag:s3], $0x50  }
0x57: {  	[sflag:s3] =	ssyncset.done $0x0  }
0x58: {  	[sflag:s3] =	ssyncadd.s32 $0xFFFFFFB0  }
0x59: {  	[tilespmem:s8], [sflag:$0x1] =	stream.indirect.gather [hbm4b:s7+s4], $0x80, s2, s4, $0xb8;
	[tilespmem:$0x32A0] =	vst v63  }
0x5a: {  	_ =	swait.ge [sflag:s5], $0x2800  }
0x5b: {  	s30 =	sshll.u32 s24, $0x4;
	[sflag:s5] =	ssyncset.done $0x0  }
0x5c: {  	s20 =	sadd.s32 s21, s30;
	[sflag:s5] =	ssyncadd.s32 $0xFFFFD800  }
0x5d: {  	[hbm4b:s20+s2] =	stream.linear.scatter [tilespmem:s8], [sflag:$0x2], $0x2800, $0x38;
	[tilespmem:$0x32A0] =	vst v63  }
0x5e: {  	_ =	swait.ge [sflag:s3], $0x2800  }
0x5f: {  	[sflag:s3] =	ssyncset.done $0x0  }
0x60: {  	s21 =	sadd.s32 s22, s29;
	[sflag:s3] =	ssyncadd.s32 $0xFFFFD800  }
0x61: {  	[tilespmem:s2], [sflag:$0x2] =	stream.linear.gather [hbm4b:s21+s2], $0x50, $0x38;
	[tilespmem:$0x32A0] =	vst v63  }
0x62: {  	_ =	swait.ge [sflag:s3], $0x50  }
0x63: {  	[sflag:s3] =	ssyncset.done $0x0  }
0x64: {  	[sflag:s3] =	ssyncadd.s32 $0xFFFFFFB0  }
0x65: {  	[tilespmem:s8], [sflag:$0x1] =	stream.indirect.gather [hbm4b:s7+s4], $0x80, s2, s4, $0xb8;
	[tilespmem:$0x32A0] =	vst v63  }
0x66: {  	_ =	swait.ge [sflag:s5], $0x2800  }
0x67: {  	[sflag:s5] =	ssyncset.done $0x0  }
0x68: {  	s22 =	sadd.s32 s23, s30;
	[sflag:s5] =	ssyncadd.s32 $0xFFFFD800  }
0x69: {  	[hbm4b:s22+s2] =	stream.linear.scatter [tilespmem:s8], [sflag:$0x2], $0x2800, $0x38;
	[tilespmem:$0x32A0] =	vst v63  }
0x6a: {  	_ =	swait.ge [sflag:s3], $0x2800  }
0x6b: {  	[sflag:s3] =	ssyncset.done $0x0  }
0x6c: {  	[sflag:s3] =	ssyncadd.s32 $0xFFFFD800  }
0x6d: {  	v0 =	vld [tilespmem:$0x0]  }
0x6e: {  	v1 =	vld [tilespmem:$0x30]  }
0x6f: {  	v2 =	vld [tilespmem:$0x20]  }
0x70: {  	v3 =	vld [tilespmem:$0x40]  }
0x71: {  	v63 =	vld [tilespmem:$0x10]  }
0x72: {  	[tilespmem:$0x50] =	vst v0  }
0x73: {  	[tilespmem:$0x80] =	vst v1  }
0x74: {  	[tilespmem:$0x70] =	vst v2  }
0x75: {  	[tilespmem:$0x90] =	vst v3  }
0x76: {  	[tilespmem:$0x60] =	vst v63  }
0x77: {  	[tilespmem:s12], [sflag:$0x1] =	stream.indirect.gather [hbm4b:s13+s4], $0x20, s4, s4, $0xb8;
	[tilespmem:$0x32A0] =	vst v63  }
0x78: {  	_ =	swait.ge [sflag:s5], $0xA00  }
0x79: {  	s29 =	sshll.u32 s24, $0x2;
	[sflag:s5] =	ssyncset.done $0x0  }
0x7a: {  	s23 =	sadd.s32 s25, s29;
	[sflag:s5] =	ssyncadd.s32 $0xFFFFF600  }
0x7b: {  	[hbm4b:s23+s2] =	stream.linear.scatter [tilespmem:s12], [sflag:$0x2], $0xA00, $0x38;
	[tilespmem:$0x32A0] =	vst v63  }
0x7c: {  	_ =	swait.ge [sflag:s3], $0xA00  }
0x7d: {  	[sflag:s3] =	ssyncset.done $0x0  }
0x7e: {  	[sflag:s3] =	ssyncadd.s32 $0xFFFFF600  }
0x7f: {  	[tilespmem:s12], [sflag:$0x1] =	stream.indirect.gather [hbm4b:s14+s4], $0x20, s4, s4, $0xb8;
	[tilespmem:$0x32A0] =	vst v63  }
0x80: {  	_ =	swait.ge [sflag:s5], $0xA00  }
0x81: {  	[sflag:s5] =	ssyncset.done $0x0  }
0x82: {  	s24 =	sadd.s32 s28, s29;
	[sflag:s5] =	ssyncadd.s32 $0xFFFFF600  }
0x83: {  	[hbm4b:s24+s2] =	stream.linear.scatter [tilespmem:s12], [sflag:$0x2], $0xA00, $0x38;
	[tilespmem:$0x32A0] =	vst v63  }
0x84: {  	_ =	swait.ge [sflag:s3], $0xA00  }
0x85: {  	[sflag:s3] =	ssyncset.done $0x0  }
0x86: {  	[sflag:s3] =	ssyncadd.s32 $0xFFFFF600  }
0x87: {  	v0 =	vld [tilespmem:$0x0]  }
0x88: {  	v1 =	vld [tilespmem:$0x10]  }
0x89: {  	s26 =	ssub.s32 $0x2, s26  }
0x8a: {  	s31 =	sshrl.u32 s26, $0x1  }
0x8b: {  	s26 =	ssub.s32 s26, s31  }
0x8c: {  	s30 =	smax.u32 s26, $0x1;
	v2 =	vld [tilespmem:$0x20];
	v0 =	vadd.s32 $0xC380, v0  }
0x8d: {  	p0 =	sne.s32 s30, $0x1;
	v3 =	vld [tilespmem:$0x40];
	[tilespmem:$0x50] =	vst v0;
	v0 =	vadd.s32 $0xC380, v1  }
.Ltmp0:
0x8e: {  	[tilespmem:$0x60] =	vst v0;
	v0 =	vld [tilespmem:$0x30];
	(pc) =	sbr.rel @!p0 .LBB2_2-.Ltmp0, $3  }
0x8f: {  	_ =	sdelay $0x1  }
0x90: {  	s29 =	sadd.s32 $0x5000, s29;
	v1 =	vadd.s32 $0xC380, v2  }
0x91: {  	s26 =	sadd.s32 s25, s29;
	s25 =	sadd.s32 s28, s29;
	s28 =	sadd.s32 $0xFFFFFFFF, s30;
	[tilespmem:$0x70] =	vst v1;
	v1 =	vadd.s32 $0xC380, v3  }
.LBB2_1:
0x92: {  	p0 =	sne.s32 s28, $0x1;
	s28 =	sadd.s32 $0xFFFFFFFF, s28;
	v0 =	vadd.s32 $0xC380, v0;
	[tilespmem:$0x90] =	vst v1  }
0x93: {  	[tilespmem:$0x80] =	vst v0  }
0x94: {  	[tilespmem:s12], [sflag:$0x1] =	stream.indirect.gather [hbm4b:s13+s4], $0x20, s4, s4, $0xb8;
	[tilespmem:$0x32A0] =	vst v63  }
0x95: {  	_ =	swait.ge [sflag:s5], $0xA00  }
0x96: {  	[sflag:s5] =	ssyncset.done $0x0  }
0x97: {  	[sflag:s5] =	ssyncadd.s32 $0xFFFFF600  }
0x98: {  	[hbm4b:s26+s2] =	stream.linear.scatter [tilespmem:s12], [sflag:$0x2], $0xA00, $0x38;
	[tilespmem:$0x32A0] =	vst v63  }
0x99: {  	_ =	swait.ge [sflag:s3], $0xA00  }
0x9a: {  	[sflag:s3] =	ssyncset.done $0x0  }
0x9b: {  	[sflag:s3] =	ssyncadd.s32 $0xFFFFF600  }
0x9c: {  	[tilespmem:s12], [sflag:$0x1] =	stream.indirect.gather [hbm4b:s14+s4], $0x20, s4, s4, $0xb8;
	[tilespmem:$0x32A0] =	vst v63  }
0x9d: {  	_ =	swait.ge [sflag:s5], $0xA00  }
0x9e: {  	[sflag:s5] =	ssyncset.done $0x0  }
0x9f: {  	[sflag:s5] =	ssyncadd.s32 $0xFFFFF600  }
0xa0: {  	[hbm4b:s25+s2] =	stream.linear.scatter [tilespmem:s12], [sflag:$0x2], $0xA00, $0x38;
	[tilespmem:$0x32A0] =	vst v63  }
0xa1: {  	_ =	swait.ge [sflag:s3], $0xA00  }
0xa2: {  	[sflag:s3] =	ssyncset.done $0x0  }
0xa3: {  	[sflag:s3] =	ssyncadd.s32 $0xFFFFF600  }
0xa4: {  	[tilespmem:s2], [sflag:$0x2] =	stream.linear.gather [hbm4b:s6+s2], $0x50, $0x38;
	[tilespmem:$0x32A0] =	vst v63  }
0xa5: {  	_ =	swait.ge [sflag:s3], $0x50  }
0xa6: {  	[sflag:s3] =	ssyncset.done $0x0  }
0xa7: {  	[sflag:s3] =	ssyncadd.s32 $0xFFFFFFB0  }
0xa8: {  	[tilespmem:s8], [sflag:$0x1] =	stream.indirect.gather [hbm4b:s7+s4], $0x80, s2, s4, $0xb8;
	[tilespmem:$0x32A0] =	vst v63  }
0xa9: {  	_ =	swait.ge [sflag:s5], $0x2800  }
0xaa: {  	[sflag:s5] =	ssyncset.done $0x0  }
0xab: {  	[sflag:s5] =	ssyncadd.s32 $0xFFFFD800  }
0xac: {  	[hbm4b:s9+s2] =	stream.linear.scatter [tilespmem:s8], [sflag:$0x2], $0x2800, $0x38;
	[tilespmem:$0x32A0] =	vst v63  }
0xad: {  	_ =	swait.ge [sflag:s3], $0x2800  }
0xae: {  	[sflag:s3] =	ssyncset.done $0x0  }
0xaf: {  	[sflag:s3] =	ssyncadd.s32 $0xFFFFD800  }
0xb0: {  	[tilespmem:s2], [sflag:$0x2] =	stream.linear.gather [hbm4b:s10+s2], $0x50, $0x38;
	[tilespmem:$0x32A0] =	vst v63  }
0xb1: {  	_ =	swait.ge [sflag:s3], $0x50  }
0xb2: {  	[sflag:s3] =	ssyncset.done $0x0  }
0xb3: {  	[sflag:s3] =	ssyncadd.s32 $0xFFFFFFB0  }
0xb4: {  	[tilespmem:s8], [sflag:$0x1] =	stream.indirect.gather [hbm4b:s7+s4], $0x80, s2, s4, $0xb8;
	[tilespmem:$0x32A0] =	vst v63  }
0xb5: {  	_ =	swait.ge [sflag:s5], $0x2800  }
0xb6: {  	[sflag:s5] =	ssyncset.done $0x0  }
0xb7: {  	[sflag:s5] =	ssyncadd.s32 $0xFFFFD800  }
0xb8: {  	[hbm4b:s11+s2] =	stream.linear.scatter [tilespmem:s8], [sflag:$0x2], $0x2800, $0x38;
	[tilespmem:$0x32A0] =	vst v63  }
0xb9: {  	_ =	swait.ge [sflag:s3], $0x2800  }
0xba: {  	[sflag:s3] =	ssyncset.done $0x0  }
0xbb: {  	[sflag:s3] =	ssyncadd.s32 $0xFFFFD800  }
0xbc: {  	v0 =	vld [tilespmem:$0x40]  }
0xbd: {  	v1 =	vld [tilespmem:$0x30]  }
0xbe: {  	v2 =	vld [tilespmem:$0x20]  }
0xbf: {  	v3 =	vld [tilespmem:$0x0]  }
0xc0: {  	v4 =	vld [tilespmem:$0x10]  }
0xc1: {  	[tilespmem:$0x90] =	vst v0  }
0xc2: {  	[tilespmem:$0x80] =	vst v1  }
0xc3: {  	[tilespmem:$0x70] =	vst v2  }
0xc4: {  	[tilespmem:$0x50] =	vst v3  }
0xc5: {  	[tilespmem:$0x60] =	vst v4  }
0xc6: {  	[tilespmem:s12], [sflag:$0x1] =	stream.indirect.gather [hbm4b:s13+s4], $0x20, s4, s4, $0xb8;
	[tilespmem:$0x32A0] =	vst v63  }
0xc7: {  	_ =	swait.ge [sflag:s5], $0xA00  }
0xc8: {  	[sflag:s5] =	ssyncset.done $0x0  }
0xc9: {  	[sflag:s5] =	ssyncadd.s32 $0xFFFFF600  }
0xca: {  	[hbm4b:s15+s2] =	stream.linear.scatter [tilespmem:s12], [sflag:$0x2], $0xA00, $0x38;
	[tilespmem:$0x32A0] =	vst v63  }
0xcb: {  	_ =	swait.ge [sflag:s3], $0xA00  }
0xcc: {  	[sflag:s3] =	ssyncset.done $0x0  }
0xcd: {  	[sflag:s3] =	ssyncadd.s32 $0xFFFFF600  }
0xce: {  	[tilespmem:s12], [sflag:$0x1] =	stream.indirect.gather [hbm4b:s14+s4], $0x20, s4, s4, $0xb8;
	[tilespmem:$0x32A0] =	vst v63  }
0xcf: {  	_ =	swait.ge [sflag:s5], $0xA00  }
0xd0: {  	[sflag:s5] =	ssyncset.done $0x0  }
0xd1: {  	[sflag:s5] =	ssyncadd.s32 $0xFFFFF600  }
0xd2: {  	[hbm4b:s16+s2] =	stream.linear.scatter [tilespmem:s12], [sflag:$0x2], $0xA00, $0x38;
	[tilespmem:$0x32A0] =	vst v63  }
0xd3: {  	_ =	swait.ge [sflag:s3], $0xA00  }
0xd4: {  	[sflag:s3] =	ssyncset.done $0x0  }
0xd5: {  	[sflag:s3] =	ssyncadd.s32 $0xFFFFF600  }
0xd6: {  	v0 =	vld [tilespmem:$0x30]  }
0xd7: {  	v1 =	vld [tilespmem:$0x40]  }
0xd8: {  	v2 =	vld [tilespmem:$0x20]  }
0xd9: {  	v3 =	vld [tilespmem:$0x0]  }
0xda: {  	v4 =	vld [tilespmem:$0x10]  }
0xdb: {  	v0 =	vadd.s32 $0xC380, v0  }
0xdc: {  	[tilespmem:$0x80] =	vst v0;
	v0 =	vadd.s32 $0xC380, v1  }
0xdd: {  	v1 =	vadd.s32 $0xC380, v2;
	[tilespmem:$0x90] =	vst v0  }
0xde: {  	v0 =	vadd.s32 $0xC380, v3;
	[tilespmem:$0x70] =	vst v1  }
0xdf: {  	[tilespmem:$0x50] =	vst v0;
	v0 =	vadd.s32 $0xC380, v4  }
0xe0: {  	[tilespmem:$0x60] =	vst v0  }
0xe1: {  	[tilespmem:s12], [sflag:$0x1] =	stream.indirect.gather [hbm4b:s13+s4], $0x20, s4, s4, $0xb8;
	[tilespmem:$0x32A0] =	vst v63  }
0xe2: {  	_ =	swait.ge [sflag:s5], $0xA00  }
0xe3: {  	[sflag:s5] =	ssyncset.done $0x0  }
0xe4: {  	[sflag:s5] =	ssyncadd.s32 $0xFFFFF600  }
0xe5: {  	[hbm4b:s17+s2] =	stream.linear.scatter [tilespmem:s12], [sflag:$0x2], $0xA00, $0x38;
	[tilespmem:$0x32A0] =	vst v63  }
0xe6: {  	_ =	swait.ge [sflag:s3], $0xA00  }
0xe7: {  	[sflag:s3] =	ssyncset.done $0x0  }
0xe8: {  	[sflag:s3] =	ssyncadd.s32 $0xFFFFF600  }
0xe9: {  	[tilespmem:s12], [sflag:$0x1] =	stream.indirect.gather [hbm4b:s14+s4], $0x20, s4, s4, $0xb8;
	[tilespmem:$0x32A0] =	vst v63  }
0xea: {  	_ =	swait.ge [sflag:s5], $0xA00  }
0xeb: {  	[sflag:s5] =	ssyncset.done $0x0  }
0xec: {  	[sflag:s5] =	ssyncadd.s32 $0xFFFFF600  }
0xed: {  	[hbm4b:s18+s2] =	stream.linear.scatter [tilespmem:s12], [sflag:$0x2], $0xA00, $0x38;
	[tilespmem:$0x32A0] =	vst v63  }
0xee: {  	_ =	swait.ge [sflag:s3], $0xA00  }
0xef: {  	[sflag:s3] =	ssyncset.done $0x0  }
0xf0: {  	[sflag:s3] =	ssyncadd.s32 $0xFFFFF600  }
0xf1: {  	[tilespmem:s2], [sflag:$0x2] =	stream.linear.gather [hbm4b:s19+s2], $0x50, $0x38;
	[tilespmem:$0x32A0] =	vst v63  }
0xf2: {  	_ =	swait.ge [sflag:s3], $0x50  }
0xf3: {  	[sflag:s3] =	ssyncset.done $0x0  }
0xf4: {  	[sflag:s3] =	ssyncadd.s32 $0xFFFFFFB0  }
0xf5: {  	[tilespmem:s8], [sflag:$0x1] =	stream.indirect.gather [hbm4b:s7+s4], $0x80, s2, s4, $0xb8;
	[tilespmem:$0x32A0] =	vst v63  }
0xf6: {  	_ =	swait.ge [sflag:s5], $0x2800  }
0xf7: {  	[sflag:s5] =	ssyncset.done $0x0  }
0xf8: {  	[sflag:s5] =	ssyncadd.s32 $0xFFFFD800  }
0xf9: {  	[hbm4b:s20+s2] =	stream.linear.scatter [tilespmem:s8], [sflag:$0x2], $0x2800, $0x38;
	[tilespmem:$0x32A0] =	vst v63  }
0xfa: {  	_ =	swait.ge [sflag:s3], $0x2800  }
0xfb: {  	[sflag:s3] =	ssyncset.done $0x0  }
0xfc: {  	[sflag:s3] =	ssyncadd.s32 $0xFFFFD800  }
0xfd: {  	[tilespmem:s2], [sflag:$0x2] =	stream.linear.gather [hbm4b:s21+s2], $0x50, $0x38;
	[tilespmem:$0x32A0] =	vst v63  }
0xfe: {  	_ =	swait.ge [sflag:s3], $0x50  }
0xff: {  	[sflag:s3] =	ssyncset.done $0x0  }
0x100: {  	[sflag:s3] =	ssyncadd.s32 $0xFFFFFFB0  }
0x101: {  	[tilespmem:s8], [sflag:$0x1] =	stream.indirect.gather [hbm4b:s7+s4], $0x80, s2, s4, $0xb8;
	[tilespmem:$0x32A0] =	vst v63  }
0x102: {  	_ =	swait.ge [sflag:s5], $0x2800  }
0x103: {  	[sflag:s5] =	ssyncset.done $0x0  }
0x104: {  	[sflag:s5] =	ssyncadd.s32 $0xFFFFD800  }
0x105: {  	[hbm4b:s22+s2] =	stream.linear.scatter [tilespmem:s8], [sflag:$0x2], $0x2800, $0x38;
	[tilespmem:$0x32A0] =	vst v63  }
0x106: {  	_ =	swait.ge [sflag:s3], $0x2800  }
0x107: {  	[sflag:s3] =	ssyncset.done $0x0  }
0x108: {  	[sflag:s3] =	ssyncadd.s32 $0xFFFFD800  }
0x109: {  	v0 =	vld [tilespmem:$0x0]  }
0x10a: {  	v1 =	vld [tilespmem:$0x30]  }
0x10b: {  	v2 =	vld [tilespmem:$0x20]  }
0x10c: {  	v3 =	vld [tilespmem:$0x40]  }
0x10d: {  	v4 =	vld [tilespmem:$0x10]  }
0x10e: {  	[tilespmem:$0x50] =	vst v0  }
0x10f: {  	[tilespmem:$0x80] =	vst v1  }
0x110: {  	[tilespmem:$0x70] =	vst v2  }
0x111: {  	[tilespmem:$0x90] =	vst v3  }
0x112: {  	[tilespmem:$0x60] =	vst v4  }
0x113: {  	[tilespmem:s12], [sflag:$0x1] =	stream.indirect.gather [hbm4b:s13+s4], $0x20, s4, s4, $0xb8;
	[tilespmem:$0x32A0] =	vst v63  }
0x114: {  	_ =	swait.ge [sflag:s5], $0xA00  }
0x115: {  	[sflag:s5] =	ssyncset.done $0x0  }
0x116: {  	[sflag:s5] =	ssyncadd.s32 $0xFFFFF600  }
0x117: {  	[hbm4b:s23+s2] =	stream.linear.scatter [tilespmem:s12], [sflag:$0x2], $0xA00, $0x38;
	[tilespmem:$0x32A0] =	vst v63  }
0x118: {  	_ =	swait.ge [sflag:s3], $0xA00  }
0x119: {  	[sflag:s3] =	ssyncset.done $0x0  }
0x11a: {  	[sflag:s3] =	ssyncadd.s32 $0xFFFFF600  }
0x11b: {  	[tilespmem:s12], [sflag:$0x1] =	stream.indirect.gather [hbm4b:s14+s4], $0x20, s4, s4, $0xb8;
	[tilespmem:$0x32A0] =	vst v63  }
0x11c: {  	_ =	swait.ge [sflag:s5], $0xA00  }
0x11d: {  	[sflag:s5] =	ssyncset.done $0x0  }
0x11e: {  	[sflag:s5] =	ssyncadd.s32 $0xFFFFF600  }
0x11f: {  	[hbm4b:s24+s2] =	stream.linear.scatter [tilespmem:s12], [sflag:$0x2], $0xA00, $0x38;
	[tilespmem:$0x32A0] =	vst v63  }
0x120: {  	_ =	swait.ge [sflag:s3], $0xA00  }
0x121: {  	[sflag:s3] =	ssyncset.done $0x0  }
0x122: {  	[sflag:s3] =	ssyncadd.s32 $0xFFFFF600  }
0x123: {  	v1 =	vld [tilespmem:$0x0]  }
0x124: {  	v2 =	vld [tilespmem:$0x10]  }
0x125: {  	v3 =	vld [tilespmem:$0x20]  }
0x126: {  	v4 =	vld [tilespmem:$0x40]  }
.Ltmp1:
0x127: {  	v0 =	vld [tilespmem:$0x30];
	(pc) =	sbr.rel @p0 .LBB2_1-.Ltmp1, $4  }
0x128: {  	v1 =	vadd.s32 $0xC380, v1  }
0x129: {  	[tilespmem:$0x50] =	vst v1;
	v1 =	vadd.s32 $0xC380, v2  }
0x12a: {  	[tilespmem:$0x60] =	vst v1;
	v1 =	vadd.s32 $0xC380, v3  }
0x12b: {  	[tilespmem:$0x70] =	vst v1;
	v1 =	vadd.s32 $0xC380, v4  }
.LBB2_2:
0x12c: {  	v0 =	vadd.s32 $0xC380, v0;
	[tilespmem:$0x90] =	vst v1  }
0x12d: {  	[tilespmem:$0x80] =	vst v0  }
0x12e: {  	[tilespmem:s12], [sflag:$0x1] =	stream.indirect.gather [hbm4b:s13+s4], $0x20, s4, s4, $0xb8;
	[tilespmem:$0x32A0] =	vst v63  }
0x12f: {  	_ =	swait.ge [sflag:s5], $0xA00  }
0x130: {  	[sflag:s5] =	ssyncset.done $0x0  }
0x131: {  	[sflag:s5] =	ssyncadd.s32 $0xFFFFF600  }
0x132: {  	[hbm4b:s26+s2] =	stream.linear.scatter [tilespmem:s12], [sflag:$0x2], $0xA00, $0x38;
	[tilespmem:$0x32A0] =	vst v63  }
0x133: {  	_ =	swait.ge [sflag:s3], $0xA00  }
0x134: {  	[sflag:s3] =	ssyncset.done $0x0  }
0x135: {  	[sflag:s3] =	ssyncadd.s32 $0xFFFFF600  }
0x136: {  	[tilespmem:s12], [sflag:$0x1] =	stream.indirect.gather [hbm4b:s14+s4], $0x20, s4, s4, $0xb8;
	[tilespmem:$0x32A0] =	vst v63  }
0x137: {  	_ =	swait.ge [sflag:s5], $0xA00  }
0x138: {  	[sflag:s5] =	ssyncset.done $0x0  }
0x139: {  	[sflag:s5] =	ssyncadd.s32 $0xFFFFF600  }
0x13a: {  	[hbm4b:s25+s2] =	stream.linear.scatter [tilespmem:s12], [sflag:$0x2], $0xA00, $0x38;
	[tilespmem:$0x32A0] =	vst v63  }
0x13b: {  	_ =	swait.ge [sflag:s3], $0xA00  }
0x13c: {  	[sflag:s3] =	ssyncset.done $0x0  }
0x13d: {  	[sflag:s3] =	ssyncadd.s32 $0xFFFFF600  }
0x13e: {  	_ =	sfence.sel $0x180000  }
0x13f: {  	[bflag:$0x0] =	sbarrier.arrive $0xFFFF  }
0x140: {  	p0 =	sne.s32 s0, $0x0;
	_ =	strace $0x9000004D  }
0x141: {  	s0 =	sadd.s32 @!p0 $0x100000, s1;
	[bflag:$0x2] =	sbarrier.arrive $0xFFFF  }
0x142: {  	[sflag:s0] =	ssyncadd.tile.s32 @!p0 $0x1;
	_ =	shalt  }
.Lfunc_end2:
_tile_overlayer_lowered:
.L_overlay_start_2:
0x143: {  	(tag) =	ssettag $0x2  }
0x144: {  	s0 =	rddreg [dreg:$0x0];
	s2 =	stileid.u32  }
0x145: {  	s1 =	rddreg [dreg:$0x1];
	p0 =	sne.s32 s2, $0x0  }
0x146: {  	s3 =	rddreg [dreg:$0x2];
	[bflag:$0x3] =	sbarrier.arrive $0xFFFF;
	s2 =	simm.s32 @!p0 $0x1C02  }
0x147: {  	[timem:s3], [sflag:s2] =	dma.local @!p0 [hbm:s0], s1  }
0x148: {  	s0 =	simm.s32 @!p0 $0x2  }
0x149: {  	_ =	swait.ge @!p0 [sflag:s0], s1  }
0x14a: {  	s1 =	ssub.s32 @!p0 $0x0, s1;
	[sflag:s0] =	ssyncset.done @!p0 $0x0  }
0x14b: {  	[sflag:s0] =	ssyncadd.s32 @!p0 s1  }
0x14c: {  	[bflag:$0x3] =	sbarrier.arrive $0xFFFF  }
0x14d: {  	_ =	shalt  }

// kernel: kernel.7.cloned.1.call-start
scs
__scs_entry_jumppad:
0x0: {  	(pc) =	sbr.rel $0x88, $3  }
0x1: {  	(tag) =	ssettag $0x0;
	lr =	simm.s32 $0x1  }
0x2: {  	[smem:$0x3F93] =	sst lr;
	_ =	strace $0xD0000000  }
0x3: {  	_ = 	snop  }
0x4: {  	_ = 	snop  }
0x5: {  	_ = 	snop  }
0x6: {  	_ = 	snop  }
0x7: {  	_ = 	snop  }
__scs_overlays_trampoline_lowered:
0x8: {  	[smem:$0x3FA2] =	sst s0  }
0x9: {  	[smem:$0x3FA3] =	sst s1  }
0xa: {  	[smem:$0x3FA4] =	sst s2  }
0xb: {  	[smem:$0x3FA5] =	sst s3  }
0xc: {  	[smem:$0x3FA6] =	sst s4  }
0xd: {  	[smem:$0x3FA7] =	sst s5  }
0xe: {  	[smem:$0x3FA8] =	sst s6  }
0xf: {  	[smem:$0x3FA9] =	sst s7  }
0x10: {  	[smem:$0x3FAA] =	sst s8  }
0x11: {  	[smem:$0x3FAB] =	sst s9;
	s0 =	simm.s32 @!p0 $0x0  }
0x12: {  	s1 =	sld [smem:$0x3F91];
	s0 =	simm.s32 @p0 $0x1  }
0x13: {  	[smem:$0x3FAC] =	sst s0;
	s0 =	simm.s32 @!p1 $0x0  }
0x14: {  	s2 =	sld [smem:$0x3F90];
	s0 =	simm.s32 @p1 $0x1  }
0x15: {  	[smem:$0x3FAD] =	sst s0;
	s0 =	simm.s32 @!p2 $0x0  }
0x16: {  	s3 =	sld [smem:$0x3FDB];
	s0 =	simm.s32 @p2 $0x1  }
0x17: {  	s4 =	simm.s32 $0x1BF5;
	[smem:$0x3FAF] =	sst s0  }
0x18: {  	s0 =	sld [smem:$0x3F92];
	_ =	swait.ge [sflag:s4], $0x0  }
0x19: {  	s7 =	sld [smem:$0x3F93]  }
0x1a: {  	s8 =	sadd.s32 $0xFFFFE003, lr  }
0x1b: {  	s9 =	sadd.s32 $0xFFFFFEF7, lr;
	s5 =	simm.s32 $0xFFFFFFFF;
	p2 =	slt.u32 s8, $0xFFFFF086  }
0x1c: {  	p1 =	slt.u32 s9, $0xF7A;
	s5 =	simm.s32 @!p2 $0x0  }
0x1d: {  	s5 =	simm.s32 @p1 $0x1;
	p0 =	seq.s32 s7, s2  }
0x1e: {  	s7 =	smul.u32 @!p0 $0xF7A, s2;
	p2 =	seq.s32 @!p0 s5, $0x0  }
0x1f: {  	s9 =	smul.u32 $0xF7A, s1;
	s8 =	simm.s32 @!p0 $0x1BF5;
	p2 =	por !p2, p0  }
0x20: {  	[sflag:s8] =	ssyncset.s32 @!p0 $0xFFFFF086;
	s6 =	sadd.s32 @!p0 s3, s7;
	s7 =	simm.s32 @!p0 $0x108  }
0x21: {  	s3 =	sadd.s32 s3, s9;
	s6 =	sadd.s32 @!p0 $0x88, s6;
	s7 =	simm.s32 @p2 $0x1082  }
0x22: {  	[simem:s7], [sflag:s8] =	dma.local @!p0 [hbm:s6], $0xF7A  }
0x23: {  	s9 =	sor.u32 $0xD0000000, s2;
	s6 =	simm.s32 $0x108;
	_ =	swait.ge @!p0 [sflag:s8], $0x0  }
0x24: {  	s3 =	sadd.s32 $0x88, s3;
	s6 =	simm.s32 @!p1 $0x1082;
	[sflag:s4] =	ssyncset.s32 $0xFFFFF086  }
0x25: {  	[simem:s6], [sflag:s4] =	dma.local [hbm:s3], $0xF7A  }
0x26: {  	[smem:$0x3F93] =	sst s1;
	(tag) =	ssettag s2;
	_ =	strace s9  }
0x27: {  	s1 =	sld [smem:$0x3FA3]  }
0x28: {  	s2 =	sld [smem:$0x3FA4]  }
0x29: {  	s4 =	sld [smem:$0x3FA6]  }
0x2a: {  	p0 =	seq.s32 s5, $0x0;
	s5 =	sld [smem:$0x3FA7]  }
0x2b: {  	s6 =	sld [smem:$0x3FA8]  }
0x2c: {  	s7 =	sld [smem:$0x3FA9]  }
0x2d: {  	s3 =	simm.s32 $0x108;
	s8 =	sld [smem:$0x3FAA]  }
0x2e: {  	s3 =	simm.s32 @!p0 $0x1082;
	s9 =	sld [smem:$0x3FAB]  }
0x2f: {  	lr =	sadd.s32 s0, s3;
	s0 =	sld [smem:$0x3FA2]  }
0x30: {  	s3 =	sld [smem:$0x3FA5]  }
0x31: {  	[smem:$0x3FAE] =	sst s10  }
0x32: {  	s10 =	sld [smem:$0x3FAC];
	_ =	sdelay $0x3  }
0x33: {  	p0 =	seq.s32 s10, $0x1;
	s10 =	sld [smem:$0x3FAE];
	_ =	sdelay $0x3  }
0x34: {  	[smem:$0x3FAE] =	sst s10  }
0x35: {  	s10 =	sld [smem:$0x3FAD];
	_ =	sdelay $0x3  }
0x36: {  	p1 =	seq.s32 s10, $0x1;
	s10 =	sld [smem:$0x3FAE];
	_ =	sdelay $0x3  }
0x37: {  	[smem:$0x3FAE] =	sst s10  }
0x38: {  	s10 =	sld [smem:$0x3FAF]  }
0x39: {  	_ = 	snop;
	(pc) =	sbr.ind lr, $3  }
0x3a: {  	_ = 	snop  }
0x3b: {  	_ = 	snop  }
0x3c: {  	p2 =	seq.s32 s10, $0x1;
	s10 =	sld [smem:$0x3FAE]  }
0x3d: {  	_ =	shalt  }
0x3e: {  	_ =	shalt  }
0x3f: {  	_ =	shalt  }
0x40: {  	_ =	shalt  }
0x41: {  	_ =	shalt  }
0x42: {  	_ =	shalt  }
0x43: {  	_ =	shalt  }
0x44: {  	_ =	shalt  }
0x45: {  	_ =	shalt  }
0x46: {  	_ =	shalt  }
0x47: {  	_ =	shalt  }
0x48: {  	_ =	shalt  }
0x49: {  	_ =	shalt  }
0x4a: {  	_ =	shalt  }
0x4b: {  	_ =	shalt  }
0x4c: {  	_ =	shalt  }
0x4d: {  	_ =	shalt  }
0x4e: {  	_ =	shalt  }
0x4f: {  	_ =	shalt  }
0x50: {  	_ =	shalt  }
0x51: {  	_ =	shalt  }
0x52: {  	_ =	shalt  }
0x53: {  	_ =	shalt  }
0x54: {  	_ =	shalt  }
0x55: {  	_ =	shalt  }
0x56: {  	_ =	shalt  }
0x57: {  	_ =	shalt  }
0x58: {  	_ =	shalt  }
0x59: {  	_ =	shalt  }
0x5a: {  	_ =	shalt  }
0x5b: {  	_ =	shalt  }
0x5c: {  	_ =	shalt  }
0x5d: {  	_ =	shalt  }
0x5e: {  	_ =	shalt  }
0x5f: {  	_ =	shalt  }
0x60: {  	_ =	shalt  }
0x61: {  	_ =	shalt  }
0x62: {  	_ =	shalt  }
0x63: {  	_ =	shalt  }
0x64: {  	_ =	shalt  }
0x65: {  	_ =	shalt  }
0x66: {  	_ =	shalt  }
0x67: {  	_ =	shalt  }
0x68: {  	_ =	shalt  }
0x69: {  	_ =	shalt  }
0x6a: {  	_ =	shalt  }
0x6b: {  	_ =	shalt  }
0x6c: {  	_ =	shalt  }
0x6d: {  	_ =	shalt  }
0x6e: {  	_ =	shalt  }
0x6f: {  	_ =	shalt  }
0x70: {  	_ =	shalt  }
0x71: {  	_ =	shalt  }
0x72: {  	_ =	shalt  }
0x73: {  	_ =	shalt  }
0x74: {  	_ =	shalt  }
0x75: {  	_ =	shalt  }
0x76: {  	_ =	shalt  }
0x77: {  	_ =	shalt  }
0x78: {  	_ =	shalt  }
0x79: {  	_ =	shalt  }
0x7a: {  	_ =	shalt  }
0x7b: {  	_ =	shalt  }
0x7c: {  	_ =	shalt  }
0x7d: {  	_ =	shalt  }
0x7e: {  	_ =	shalt  }
0x7f: {  	_ =	shalt  }
0x80: {  	_ =	shalt  }
0x81: {  	_ =	shalt  }
0x82: {  	_ =	shalt  }
0x83: {  	_ =	shalt  }
0x84: {  	_ =	shalt  }
0x85: {  	_ =	shalt  }
0x86: {  	_ =	shalt  }
0x87: {  	_ =	shalt  }
.Lfunc_end0:
.L_simem_size_0:
called_computation_lowered:
.L_overlay_start_0:
0x88: {  	s2 =	sld [smem:$0x3FD9]  }
0x89: {  	s3 =	sld [smem:$0x3FFE];
	_ =	sdelay $0x1  }
0x8a: {  	s1 =	srdreg.scid  }
0x8b: {  	s0 =	sand.u32 $0x1, s1  }
0x8c: {  	s16 =	sshll.u32 s0, $0xA;
	s2 =	sadd.s32 s3, s2  }
0x8d: {  	s2 =	sadd.s32 s2, s16  }
0x8e: {  	[smem:$0x3FBA] =	sst s2  }
0x8f: {  	_ = 	snop  }
0x90: {  	(tm) =	ssettm $0x1  }
0x91: {  	s17 =	sld [smem:$0x3FFB];
	_ =	sdelay $0x3  }
0x92: {  	_ =	strace s17  }
0x93: {  	s2 =	sld [smem:$0x3FFC];
	_ =	sdelay $0x3  }
0x94: {  	_ =	strace s2  }
0x95: {  	s2 =	sld [smem:$0x3FFD];
	_ =	sdelay $0x3  }
0x96: {  	_ =	strace s2  }
0x97: {  	_ =	strace $0x8FFFFFFF  }
0x98: {  	s18 =	sld [smem:$0x3FDB];
	_ =	sdelay $0x1  }
0x99: {  	s19 =	simm.s32 $_scs_section_size  }
0x9a: {  	s4 =	simm.s32 $_size__tile_overlayer_lowered;
	s5 =	simm.s32 $_tile_overlayer_lowered  }
0x9b: {  	s22 =	simm.s32 $0x1BFF;
	s21 =	sshll.u32 s5, $0x1;
	s2 =	sadd.s32 s19, s18  }
0x9c: {  	s6 =	simm.s32 $0x0;
	s20 =	sshll.u32 s4, $0x1;
	s4 =	sadd.s32 s21, s2  }
0x9d: {  	[timem:s6], [sflag:s22] =	dma.local [hbm:s4], s20  }
0x9e: {  	_ =	swait.ge [sflag:s22], s20  }
0x9f: {  	s3 =	ssub.s32 $0x0, s20;
	[sflag:s22] =	ssyncset.done $0x0  }
0xa0: {  	[sflag:s22] =	ssyncadd.s32 s3;
	_ =	sdelay $0x1  }
0xa1: {  	s23 =	simm.s32 $0x1B8B  }
0xa2: {  	_ =	swait.ge [sflag:s23], $0x1  }
0xa3: {  	[sflag:s23] =	ssyncset.done $0x0  }
0xa4: {  	s25 =	simm.s32 $0x1B8E;
	s24 =	sld [smem:$0x3FFE];
	[sflag:s23] =	ssyncadd.s32 $0xFFFFFFFF  }
0xa5: {  	s26 =	simm.s32 $execute0_lowered;
	[smem:$0x3FD2] =	sst s25  }
0xa6: {  	s4 =	sshll.u32 s26, $0x1;
	_ =	strace $0x80000046;
	[dreg:$0x1] =	wrdreg $0xFFFFFFFF  }
0xa7: {  	s28 =	simm.s32 $_size_execute0_lowered;
	s2 =	sadd.s32 s2, s4;
	[dreg:$0x0] =	wrdreg $0x0  }
0xa8: {  	s4 =	sshll.u32 s28, $0x1;
	[dreg:$0x2] =	wrdreg s2  }
0xa9: {  	[dreg:$0x3] =	wrdreg s4  }
0xaa: {  	[dreg:$0x4] =	wrdreg $0xC0  }
0xab: {  	_ =	task [dreg:s6], $0x5FFFF  }
0xac: {  	[dreg:$0x1] =	wrdreg $0xFFFFFFFF  }
0xad: {  	[dreg:$0x0] =	wrdreg $0x60  }
0xae: {  	[dreg:$0x2] =	wrdreg s24  }
0xaf: {  	[dreg:$0x3] =	wrdreg $0x5E000  }
0xb0: {  	[dreg:$0x4] =	wrdreg $0x9  }
0xb1: {  	_ =	task.clear_ibuf [dreg:s6], $0x5FFFF;
	_ =	strace $0x90000046  }
0xb2: {  	s29 =	simm.s32 $0x9;
	_ =	strace $0x80000048  }
0xb3: {  	_ =	swait.ge [sflag:s29], $0x1  }
0xb4: {  	[sflag:s29] =	ssyncadd.s32 $0xFFFFFFFF  }
0xb5: {  	_ =	strace $0x90000048  }
0xb6: {  	_ =	sfence  }
0xb7: {  	s30 =	sld [smem:$0x0];
	_ =	sdelay $0x2  }
0xb8: {  	s31 =	sshll.u32 s1, $0xD;
	s1 =	sshrl.u32 s1, $0x2  }
0xb9: {  	s3 =	sand.u32 $0x4000, s31;
	s1 =	sadd.s32 s1, s30  }
0xba: {  	s0 =	sor.u32 s3, s0;
	s1 =	sshll.u32 s1, $0x11  }
0xbb: {  	s0 =	sor.u32 s1, s0  }
0xbc: {  	s0 =	sadd.s32 $0x8F2B, s0  }
0xbd: {  	[sflag:s0] =	ssyncadd.remote.s32 $0x1  }
0xbe: {  	_ =	sfence.sel $0xFFFF  }
0xbf: {  	[dreg:$0x0] =	wrdreg $0xFFFFFFFF;
	(pc) =	sbr.abs _section_cstart, $3  }
0xc0: {  	[dreg:$0x1] =	wrdreg $0xFFFFFFFF  }
0xc1: {  	_ =	task.clear_ibuf [dreg:s6], $0x2FFFF;
	_ =	strace $0x9FFFFFFF  }
0xc2: {  	(tm) =	ssettm $0x7FFFFFFF  }
0xc3: {  	_ =	shalt  }
tec
execute0_lowered:
.L_overlay_start_1:
0x0: {  	(tag) =	ssettag $0x1  }
0x1: {  	s0 =	rddreg [dreg:$0x0]  }
0x2: {  	s2 =	rddreg [dreg:$0x1];
	s3 =	simm.s32 $0x0  }
0x3: {  	s13 =	stileid.u32;
	s5 =	srdreg.scid;
	s14 =	simm.s32 $0x5  }
0x4: {  	s15 =	simm.s32 $0xA00;
	s16 =	simm.s32 $0x1400;
	s17 =	simm.s32 $0x80  }
0x5: {  	s19 =	simm.s32 $0x2E00;
	s20 =	simm.s32 $0x4;
	[smem:$0x7FF] =	sst s3  }
0x6: {  	s1 =	smul.u32 $0x30E00, s13;
	s4 =	sadd.s32 $0x65000, s0;
	s18 =	sand.u32 $0x1, s5  }
0x7: {  	s8 =	smul.u32 $0x30E0, s13;
	s5 =	sadd.s32 $0xDFC00, s0;
	s6 =	sadd.s32 $0xC6C00, s0  }
0x8: {  	s7 =	sadd.s32 $0x3400, s0;
	s30 =	sshll.u32 s13, $0x6;
	_ =	strace $0x80000047  }
0x9: {  	s9 =	smul.u32 $0x30E00, s18;
	s11 =	ssub.s32 $0x2, s18;
	v0 =	vmov s18;
	s18 =	simm.s32 $0x1E00  }
0xa: {  	s10 =	sshrl.u32 s1, $0x4;
	s29 =	sshrl.u32 s11, $0x1;
	s1 =	sshrl.u32 s1, $0x1  }
0xb: {  	s10 =	sadd.s32 s10, s0;
	s8 =	sadd.s32 s8, s9;
	s12 =	ssub.s32 s11, s29  }
0xc: {  	s1 =	sadd.s32 s1, s2;
	s0 =	sadd.s32 s8, s0;
	s8 =	smul.u32 $0x190, s13  }
0xd: {  	s31 =	sadd.s32 $0x1C400, s10;
	s10 =	sor.u32 $0x1C05, s30;
	s12 =	smax.u32 s12, $0x1  }
0xe: {  	s13 =	sshrl.u32 s1, $0x3;
	[dreg:$0x3] =	wrdreg s31;
	s11 =	sadd.s32 $0xF8C00, s0  }
.LBB2_1:
0xf: {  	s0 =	rddreg [dreg:$0x3]  }
0x10: {  	[spmem:s13], [sflag:s10] =	dma.local [hbm:s0], $0x30E0  }
0x11: {  	_ =	swait.ge [sflag:s14], $0x30E0  }
0x12: {  	[sflag:s14] =	ssyncset.done $0x0  }
0x13: {  	[sflag:s14] =	ssyncadd.s32 $0xFFFFCF20  }
0x14: {  	s21 =	simm.s32 $0x0;
	[bflag:$0x0] =	sbarrier.arrive $0xFFFF  }
.LBB2_2:
0x15: {  	s0 =	smul.u32 $0x14, s21;
	_ =	sdelay $0x1  }
0x16: {  	s0 =	sadd.s32 s8, s0  }
0x17: {  	s0 =	sshll.u32 s0, $0x4  }
0x18: {  	s22 =	simm.s32 $0x0;
	s1 =	sadd.s32 s6, s0  }
0x19: {  	[tilespmem:s22], [sflag:$0x5] =	stream.linear.gather [hbm4b:s1+s22], $0xA00, $0x38;
	[tilespmem:$0x1E500] =	vst v63  }
0x1a: {  	_ =	swait.ge [sflag:s14], $0xA00  }
0x1b: {  	[sflag:s14] =	ssyncset.done $0x0  }
0x1c: {  	s31 =	sadd.s32 s5, s0;
	[sflag:s14] =	ssyncadd.s32 $0xFFFFF600  }
0x1d: {  	[tilespmem:s15], [sflag:$0x5] =	stream.linear.gather [hbm4b:s31+s22], $0xA00, $0x38;
	[tilespmem:$0x1E500] =	vst v63  }
0x1e: {  	_ =	swait.ge [sflag:s14], $0xA00  }
0x1f: {  	[sflag:s14] =	ssyncset.done $0x0  }
0x20: {  	s0 =	sadd.s32 s7, s0;
	[sflag:s14] =	ssyncadd.s32 $0xFFFFF600  }
0x21: {  	[tilespmem:s16], [sflag:$0x5] =	stream.linear.gather [hbm4b:s0+s22], $0xA00, $0x38;
	[tilespmem:$0x1E500] =	vst v63  }
0x22: {  	_ =	swait.ge [sflag:s14], $0xA00  }
0x23: {  	[sflag:s14] =	ssyncset.done $0x0  }
0x24: {  	s0 =	simm.s32 $0x0;
	[sflag:s14] =	ssyncadd.s32 $0xFFFFF600  }
0x25: {  	v2 =	vld [tilespmem:s0+$0x0]  }
0x26: {  	v3 =	vld [tilespmem:s0+$0x10]  }
0x27: {  	v5 =	vld [tilespmem:s0+$0x20]  }
0x28: {  	v4 =	vld [tilespmem:s0+$0x30]  }
0x29: {  	v1 =	vld [tilespmem:s0+$0x40]  }
0x2a: {  	v6 =	vshll.u32 v2, $0x1;
	v2 =	vld [tilespmem:s0+$0x50]  }
0x2b: {  	s22 =	simm.s32 $0x200;
	v7 =	vshll.u32 v3, $0x1;
	v3 =	vld [tilespmem:s0+$0x60];
	v6 =	vor.u32 v0, v6  }
.LBB2_3:
0x2c: {  	s1 =	sshra.s32 s22, $0x2;
	p0 =	sne.s32 s22, $0x2600;
	[tilespmem:s0+$0x0] =	vst v6;
	v6 =	vor.u32 v0, v7;
	v5 =	vshll.u32 v5, $0x1;
	v7 =	vld [tilespmem:s0+$0x70]  }
0x2d: {  	v8 =	vld [tilespmem:s1+$0x0];
	[tilespmem:s0+$0x10] =	vst v6;
	v5 =	vor.u32 v0, v5;
	v4 =	vshll.u32 v4, $0x1  }
0x2e: {  	v9 =	vld [tilespmem:s1+$0x10];
	[tilespmem:s0+$0x20] =	vst v5;
	v4 =	vor.u32 v0, v4;
	v1 =	vshll.u32 v1, $0x1  }
.Ltmp0:
0x2f: {  	v5 =	vld [tilespmem:s1+$0x20];
	[tilespmem:s0+$0x30] =	vst v4;
	v1 =	vor.u32 v0, v1;
	v2 =	vshll.u32 v2, $0x1;
	(pc) =	sbr.rel @p0 .LBB2_3-.Ltmp0, $4  }
0x30: {  	v4 =	vld [tilespmem:s1+$0x30];
	[tilespmem:s0+$0x40] =	vst v1;
	v2 =	vor.u32 v0, v2;
	v3 =	vshll.u32 v3, $0x1  }
0x31: {  	v1 =	vld [tilespmem:s1+$0x40];
	[tilespmem:s0+$0x50] =	vst v2;
	v3 =	vor.u32 v0, v3;
	v6 =	vshll.u32 v7, $0x1  }
0x32: {  	v7 =	vshll.u32 v8, $0x1;
	v2 =	vld [tilespmem:s1+$0x50];
	[tilespmem:s0+$0x60] =	vst v3;
	v8 =	vor.u32 v0, v6  }
0x33: {  	s22 =	sadd.s32 $0x200, s22;
	v6 =	vor.u32 v0, v7;
	v7 =	vshll.u32 v9, $0x1;
	v3 =	vld [tilespmem:s1+$0x60];
	[tilespmem:s0+$0x70] =	vst v8;
	s0 =	smov.u32 s1  }
0x34: {  	[tilespmem:s0+$0x0] =	vst v6;
	v62 =	vor.u32 v0, v7;
	v5 =	vshll.u32 v5, $0x1;
	v63 =	vld [tilespmem:s0+$0x70]  }
0x35: {  	[tilespmem:s0+$0x10] =	vst v62;
	v5 =	vor.u32 v0, v5;
	v4 =	vshll.u32 v4, $0x1  }
0x36: {  	[tilespmem:s0+$0x20] =	vst v5;
	v4 =	vor.u32 v0, v4;
	v1 =	vshll.u32 v1, $0x1  }
0x37: {  	[tilespmem:s0+$0x30] =	vst v4;
	v1 =	vor.u32 v0, v1;
	v2 =	vshll.u32 v2, $0x1  }
0x38: {  	[tilespmem:s0+$0x40] =	vst v1;
	v1 =	vor.u32 v0, v2;
	v2 =	vshll.u32 v3, $0x1  }
0x39: {  	[tilespmem:s0+$0x50] =	vst v1;
	v1 =	vor.u32 v0, v2;
	v2 =	vshll.u32 v63, $0x1  }
0x3a: {  	[tilespmem:s0+$0x60] =	vst v1;
	v1 =	vor.u32 v0, v2  }
0x3b: {  	[tilespmem:s0+$0x70] =	vst v1;
	s0 =	simm.s32 $0x0  }
0x3c: {  	[tilespmem:s18], [sflag:$0x1] =	stream.indirect.gather [hbm4b:s4+s17], $0x20, s0, s17, $0xb8;
	[tilespmem:$0x1E500] =	vst v63  }
0x3d: {  	_ = 	snop  }
0x3e: {  	[tilespmem:s19], [sflag:$0x1] =	stream.indirect.gather [hbm4b:s4+s17], $0x20, s17, s17, $0xb8;
	[tilespmem:$0x1E500] =	vst v63  }
.LBB2_5:
0x3f: {  	p0 =	seq.s32 s0, $0x0  }
0x40: {  	p1 =	seq.s32 @!p0 s0, $0x9  }
0x41: {  	s22 =	sand.u32 $0x1, s0;
	p1 =	por p0, !p1  }
.Ltmp1:
0x42: {  	s24 =	sxor.u32 $0x1, s22;
	(pc) =	sbr.rel @!p1 .LBB2_7-.Ltmp1, $4  }
0x43: {  	s1 =	sadd.s32 @!p0 $0x3, s24  }
0x44: {  	_ =	swait.ge @!p0 [sflag:s1], $0x2000  }
0x45: {  	[sflag:s1] =	ssyncset.done @!p0 $0x0  }
0x46: {  	s23 =	simm.s32 @!p0 $0xA;
	[sflag:s1] =	ssyncadd.s32 @!p0 $0xFFFFE000  }
0x47: {  	s23 =	sadd.s32 @!p0 $0x1, s0  }
0x48: {  	s23 =	simm.s32 @p0 $0x1  }
0x49: {  	s1 =	sshll.u32 s24, $0xD;
	s25 =	sshll.u32 s23, $0x8  }
0x4a: {  	s31 =	sadd.s32 $0x1, s24;
	s26 =	sor.u32 $0x1E00, s1;
	s25 =	sand.u32 $0x3FFFFF00, s25  }
0x4b: {  	[tilespmem:s26], [sflag:s31] =	stream.indirect.gather [hbm4b:s4+s17], $0x20, s25, s17, $0xb8;
	[tilespmem:$0x1E500] =	vst v63  }
0x4c: {  	s1 =	sadd.s32 $0x2E00, s1;
	s25 =	sor.u32 $0x80, s25  }
0x4d: {  	[tilespmem:s1], [sflag:s31] =	stream.indirect.gather [hbm4b:s4+s17], $0x20, s25, s17, $0xb8;
	[tilespmem:$0x1E500] =	vst v63  }
.LBB2_7:
0x4e: {  	s1 =	sadd.s32 $0x1, s22;
	s0 =	sshll.u32 s0, $0xA;
	s25 =	simm.s32 $0x0  }
0x4f: {  	_ =	swait.ge [sflag:s1], $0x2000;
	s24 =	sshrl.u32 s0, $0x2;
	s9 =	sand.u32 $0x200, s25  }
0x50: {  	s25 =	sand.u32 $0x1C0, s25;
	s26 =	sadd.s32 $0x1400, s24;
	s0 =	sshrl.u32 s9, $0x2  }
0x51: {  	[sflag:s1] =	ssyncset.done $0x0;
	s25 =	sshrl.u32 s25, $0x2;
	s0 =	sadd.s32 s0, s26  }
0x52: {  	[sflag:s1] =	ssyncadd.s32 $0xFFFFE000;
	s0 =	sadd.s32 s25, s0  }
0x53: {  	v1 =	vld [tilespmem:s0+$0x0]  }
0x54: {  	s25 =	sshll.u32 s22, $0xD  }
0x55: {  	s30 =	sor.u32 $0x1F00, s25  }
0x56: {  	v2 =	vld [tilespmem:s30+$0xFFFFFFF0]  }
0x57: {  	v3 =	vld [tilespmem:s30+$0xFFFFFF00]  }
0x58: {  	v4 =	vld [tilespmem:s30+$0xFFFFFF10];
	v5 =	vbroadcast v1, $0x0  }
0x59: {  	v6 =	vld [tilespmem:s30+$0xFFFFFF20]  }
0x5a: {  	v12 =	vld [tilespmem:s30+$0xFFFFFF60];
	v8 =	vbroadcast v1, $0x1;
	v5 =	vpack.c.f32.bf16 v5, v5  }
0x5b: {  	v7 =	vld [tilespmem:s30+$0xFFFFFF30];
	v13 =	vbroadcast v1, $0x3  }
0x5c: {  	v9 =	vld [tilespmem:s30+$0xFFFFFF40];
	v8 =	vpack.c.f32.bf16 v8, v8;
	v3 =	vmul.bf16 v3, v5  }
0x5d: {  	v10 =	vld [tilespmem:s30+$0xFFFFFF50];
	v11 =	vbroadcast v1, $0x2;
	v13 =	vpack.c.f32.bf16 v13, v13;
	v4 =	vmul.bf16 v4, v5  }
0x5e: {  	v5 =	vld [tilespmem:s30+$0xFFFFFF70];
	v6 =	vmul.bf16 v6, v8;
	[tilespmem:s30+$0xFFFFFF00] =	vst v3  }
0x5f: {  	v50 =	vbroadcast v1, $0x7;
	v11 =	vpack.c.f32.bf16 v11, v11;
	v12 =	vmul.bf16 v12, v13;
	v3 =	vld [tilespmem:s30+$0xFFFFFF80];
	[tilespmem:s30+$0xFFFFFF10] =	vst v4  }
0x60: {  	v7 =	vmul.bf16 v7, v8;
	v4 =	vld [tilespmem:s30+$0xFFFFFF90];
	[tilespmem:s30+$0xFFFFFF20] =	vst v6  }
0x61: {  	v43 =	vbroadcast v1, $0x4;
	v9 =	vmul.bf16 v9, v11;
	v6 =	vld [tilespmem:s30+$0xFFFFFFA0];
	[tilespmem:s30+$0xFFFFFF60] =	vst v12;
	v12 =	vpack.c.f32.bf16 v50, v50  }
0x62: {  	v10 =	vmul.bf16 v10, v11;
	[tilespmem:s30+$0xFFFFFF30] =	vst v7;
	v7 =	vld [tilespmem:s30+$0xFFFFFFB0]  }
0x63: {  	v45 =	vld [tilespmem:s30+$0xFFFFFFC0];
	v44 =	vbroadcast v1, $0x5;
	v8 =	vpack.c.f32.bf16 v43, v43;
	[tilespmem:s30+$0xFFFFFF40] =	vst v9;
	v2 =	vmul.bf16 v2, v12  }
0x64: {  	v47 =	vld [tilespmem:s30+$0xFFFFFFD0];
	[tilespmem:s30+$0xFFFFFF50] =	vst v10;
	v5 =	vmul.bf16 v5, v13  }
0x65: {  	v49 =	vld [tilespmem:s30+$0xFFFFFFE0];
	v48 =	vbroadcast v1, $0x6;
	v46 =	vpack.c.f32.bf16 v44, v44;
	[tilespmem:s30+$0xFFFFFFF0] =	vst v2;
	v3 =	vmul.bf16 v3, v8  }
0x66: {  	v53 =	vld [tilespmem:s30+$0x40];
	v4 =	vmul.bf16 v4, v8;
	[tilespmem:s30+$0xFFFFFF70] =	vst v5  }
0x67: {  	v13 =	vpack.c.f32.bf16 v48, v48;
	v6 =	vmul.bf16 v6, v46;
	[tilespmem:s30+$0xFFFFFF80] =	vst v3;
	v3 =	vmul.bf16 v7, v46;
	v7 =	vld [tilespmem:s30+$0x0]  }
0x68: {  	v51 =	vbroadcast v1, $0x8;
	[tilespmem:s30+$0xFFFFFF90] =	vst v4;
	v4 =	vld [tilespmem:s30+$0x10]  }
0x69: {  	v9 =	vmul.bf16 v45, v13;
	[tilespmem:s30+$0xFFFFFFA0] =	vst v6;
	v6 =	vld [tilespmem:s30+$0x20]  }
0x6a: {  	v52 =	vbroadcast v1, $0x9;
	v10 =	vpack.c.f32.bf16 v51, v51;
	v11 =	vmul.bf16 v47, v13;
	[tilespmem:s30+$0xFFFFFFB0] =	vst v3;
	v3 =	vld [tilespmem:s30+$0x30]  }
0x6b: {  	v54 =	vld [tilespmem:s30+$0x50];
	v8 =	vmul.bf16 v49, v12;
	[tilespmem:s30+$0xFFFFFFC0] =	vst v9  }
0x6c: {  	v56 =	vld [tilespmem:s30+$0x60];
	v55 =	vbroadcast v1, $0xA;
	v13 =	vpack.c.f32.bf16 v52, v52;
	[tilespmem:s30+$0xFFFFFFD0] =	vst v11;
	v7 =	vmul.bf16 v7, v10  }
0x6d: {  	v58 =	vld [tilespmem:s30+$0xF0];
	[tilespmem:s30+$0xFFFFFFE0] =	vst v8;
	v4 =	vmul.bf16 v4, v10  }
0x6e: {  	v57 =	vpack.c.f32.bf16 v55, v55;
	v2 =	vbroadcast v1, $0xB;
	v5 =	vld [tilespmem:s30+$0x70];
	v6 =	vmul.bf16 v6, v13;
	[tilespmem:s30+$0x0] =	vst v7  }
0x6f: {  	v59 =	vld [tilespmem:s30+$0x90];
	v3 =	vmul.bf16 v3, v13;
	[tilespmem:s30+$0x10] =	vst v4  }
0x70: {  	v61 =	vld [tilespmem:s30+$0xA0];
	v60 =	vbroadcast v1, $0xC;
	v2 =	vpack.c.f32.bf16 v2, v2;
	v4 =	vmul.bf16 v53, v57;
	[tilespmem:s30+$0x20] =	vst v6  }
0x71: {  	v62 =	vbroadcast v1, $0xD;
	v7 =	vld [tilespmem:s30+$0x80];
	v6 =	vmul.bf16 v54, v57;
	[tilespmem:s30+$0x30] =	vst v3  }
0x72: {  	v8 =	vmul.bf16 v56, v2;
	v13 =	vpack.c.f32.bf16 v60, v60;
	v3 =	vld [tilespmem:s30+$0xB0];
	[tilespmem:s30+$0x40] =	vst v4  }
0x73: {  	v11 =	vpack.c.f32.bf16 v62, v62;
	v2 =	vmul.bf16 v5, v2;
	v4 =	vld [tilespmem:s30+$0xC0];
	[tilespmem:s30+$0x50] =	vst v6;
	v6 =	vbroadcast v1, $0xE  }
0x74: {  	v5 =	vld [tilespmem:s30+$0xD0];
	[tilespmem:s30+$0x60] =	vst v8;
	v9 =	vmul.bf16 v59, v13  }
0x75: {  	v63 =	vld [tilespmem:s30+$0xE0];
	[tilespmem:s30+$0x70] =	vst v2;
	v2 =	vpack.c.f32.bf16 v6, v6;
	v6 =	vmul.bf16 v61, v11  }
0x76: {  	v1 =	vbroadcast v1, $0xF;
	[tilespmem:s30+$0x90] =	vst v9;
	v7 =	vmul.bf16 v7, v13  }
0x77: {  	[tilespmem:s30+$0xA0] =	vst v6;
	v3 =	vmul.bf16 v3, v11  }
0x78: {  	s28 =	sadd.s32 $0x200, s30;
	v1 =	vpack.c.f32.bf16 v1, v1;
	[tilespmem:s30+$0x80] =	vst v7;
	v7 =	vmul.bf16 v4, v2  }
0x79: {  	s31 =	simm.s32 $0x40;
	v5 =	vmul.bf16 v5, v2;
	v2 =	vld [tilespmem:s28+$0xFFFFFFF0];
	[tilespmem:s30+$0xB0] =	vst v3  }
0x7a: {  	s1 =	sand.u32 $0x200, s31;
	s29 =	sor.u32 $0x1E00, s25;
	s0 =	simm.s32 $0x80;
	v4 =	vmul.bf16 v63, v1;
	v3 =	vmul.bf16 v58, v1;
	v1 =	vld [tilespmem:s28+$0x70];
	[tilespmem:s30+$0xC0] =	vst v7  }
.LBB2_8:
0x7b: {  	p0 =	sne.s32 s0, $0x3C0;
	s1 =	sshrl.u32 s1, $0x2;
	s31 =	sand.u32 $0x1C0, s31;
	v6 =	vld [tilespmem:s28+$0xFFFFFFB0];
	[tilespmem:s30+$0xD0] =	vst v5  }
0x7c: {  	s1 =	sadd.s32 s1, s26;
	s9 =	sshrl.u32 s31, $0x2;
	v5 =	vld [tilespmem:s28+$0xFFFFFF90];
	[tilespmem:s30+$0xE0] =	vst v4;
	s31 =	smov.u32 s0  }
0x7d: {  	s1 =	sadd.s32 s9, s1;
	v4 =	vld [tilespmem:s28+$0xFFFFFF70];
	[tilespmem:s30+$0xF0] =	vst v3;
	s30 =	smov.u32 s28  }
0x7e: {  	v3 =	vld [tilespmem:s1+$0x0]  }
0x7f: {  	v7 =	vld [tilespmem:s28+$0xFFFFFF50]  }
0x80: {  	v8 =	vld [tilespmem:s28+$0xFFFFFF30]  }
0x81: {  	v9 =	vld [tilespmem:s28+$0xFFFFFF10]  }
0x82: {  	v10 =	vld [tilespmem:s28+$0xFFFFFF00]  }
0x83: {  	v11 =	vbroadcast v3, $0x0;
	v12 =	vbroadcast v3, $0x1;
	v13 =	vld [tilespmem:s28+$0xFFFFFF20]  }
0x84: {  	v14 =	vbroadcast v3, $0x2;
	v16 =	vbroadcast v3, $0x3;
	v15 =	vld [tilespmem:s28+$0xFFFFFF40]  }
0x85: {  	v18 =	vbroadcast v3, $0x4;
	v11 =	vpack.c.f32.bf16 v11, v11;
	v12 =	vpack.c.f32.bf16 v12, v12;
	v17 =	vld [tilespmem:s28+$0xFFFFFF60]  }
0x86: {  	v20 =	vbroadcast v3, $0x5;
	v14 =	vpack.c.f32.bf16 v14, v14;
	v16 =	vpack.c.f32.bf16 v16, v16;
	v19 =	vld [tilespmem:s28+$0xFFFFFF80]  }
0x87: {  	v10 =	vmul.bf16 v10, v11;
	v9 =	vmul.bf16 v9, v11;
	v11 =	vpack.c.f32.bf16 v18, v18;
	v18 =	vld [tilespmem:s28+$0xFFFFFFA0]  }
0x88: {  	v8 =	vmul.bf16 v8, v12;
	v13 =	vmul.bf16 v13, v12;
	v12 =	vpack.c.f32.bf16 v20, v20;
	v20 =	vld [tilespmem:s28+$0x50]  }
0x89: {  	v7 =	vmul.bf16 v7, v14;
	[tilespmem:s28+$0xFFFFFF00] =	vst v10;
	v10 =	vmul.bf16 v15, v14;
	v14 =	vld [tilespmem:s28+$0x30]  }
0x8a: {  	v4 =	vmul.bf16 v4, v16;
	[tilespmem:s28+$0xFFFFFF10] =	vst v9;
	v9 =	vmul.bf16 v17, v16;
	v15 =	vld [tilespmem:s28+$0x10]  }
0x8b: {  	v5 =	vmul.bf16 v5, v11;
	[tilespmem:s28+$0xFFFFFF20] =	vst v13;
	v13 =	vmul.bf16 v19, v11;
	v11 =	vld [tilespmem:s28+$0xFFFFFFD0]  }
0x8c: {  	v6 =	vmul.bf16 v6, v12;
	[tilespmem:s28+$0xFFFFFF30] =	vst v8;
	v8 =	vmul.bf16 v18, v12;
	v12 =	vld [tilespmem:s28+$0xFFFFFFC0]  }
0x8d: {  	v16 =	vbroadcast v3, $0x7;
	[tilespmem:s28+$0xFFFFFF40] =	vst v10;
	v10 =	vbroadcast v3, $0x6;
	v17 =	vld [tilespmem:s28+$0xFFFFFFE0]  }
0x8e: {  	v19 =	vbroadcast v3, $0x9;
	[tilespmem:s28+$0xFFFFFF50] =	vst v7;
	v7 =	vbroadcast v3, $0x8;
	v18 =	vld [tilespmem:s28+$0x0]  }
0x8f: {  	v21 =	vbroadcast v3, $0xA;
	[tilespmem:s28+$0xFFFFFF60] =	vst v9;
	v9 =	vpack.c.f32.bf16 v10, v10;
	v10 =	vpack.c.f32.bf16 v16, v16;
	v16 =	vld [tilespmem:s28+$0x20]  }
0x90: {  	v22 =	vbroadcast v3, $0xB;
	[tilespmem:s28+$0xFFFFFF70] =	vst v4;
	v4 =	vpack.c.f32.bf16 v7, v7;
	v7 =	vpack.c.f32.bf16 v19, v19;
	v19 =	vld [tilespmem:s28+$0x40]  }
0x91: {  	[tilespmem:s28+$0xFFFFFF80] =	vst v13;
	v12 =	vmul.bf16 v12, v9;
	v9 =	vmul.bf16 v11, v9;
	v11 =	vpack.c.f32.bf16 v21, v21;
	v13 =	vld [tilespmem:s28+$0x60]  }
0x92: {  	v2 =	vmul.bf16 v2, v10;
	[tilespmem:s28+$0xFFFFFF90] =	vst v5;
	v5 =	vmul.bf16 v17, v10;
	v10 =	vpack.c.f32.bf16 v22, v22;
	v17 =	vld [tilespmem:s28+$0xF0]  }
0x93: {  	[tilespmem:s28+$0xFFFFFFA0] =	vst v8;
	v8 =	vmul.bf16 v18, v4;
	v4 =	vmul.bf16 v15, v4;
	v15 =	vld [tilespmem:s28+$0xD0]  }
0x94: {  	[tilespmem:s28+$0xFFFFFFB0] =	vst v6;
	v6 =	vmul.bf16 v16, v7;
	v7 =	vmul.bf16 v14, v7;
	v14 =	vld [tilespmem:s28+$0xB0]  }
0x95: {  	[tilespmem:s28+$0xFFFFFFC0] =	vst v12;
	v12 =	vmul.bf16 v19, v11;
	v11 =	vmul.bf16 v20, v11;
	v16 =	vld [tilespmem:s28+$0x90]  }
0x96: {  	v1 =	vmul.bf16 v1, v10;
	[tilespmem:s28+$0xFFFFFFD0] =	vst v9;
	v9 =	vmul.bf16 v13, v10;
	v10 =	vld [tilespmem:s28+$0x80]  }
0x97: {  	v13 =	vbroadcast v3, $0xD;
	[tilespmem:s28+$0xFFFFFFE0] =	vst v5;
	v5 =	vbroadcast v3, $0xC;
	v18 =	vld [tilespmem:s28+$0xA0]  }
0x98: {  	[tilespmem:s28+$0xFFFFFFF0] =	vst v2;
	v2 =	vbroadcast v3, $0xE;
	v19 =	vld [tilespmem:s28+$0xC0];
	v3 =	vbroadcast v3, $0xF  }
0x99: {  	[tilespmem:s28+$0x0] =	vst v8;
	v5 =	vpack.c.f32.bf16 v5, v5;
	v8 =	vpack.c.f32.bf16 v13, v13;
	v13 =	vld [tilespmem:s28+$0xE0]  }
0x9a: {  	[tilespmem:s28+$0x10] =	vst v4;
	v2 =	vpack.c.f32.bf16 v2, v2;
	v3 =	vpack.c.f32.bf16 v3, v3  }
0x9b: {  	[tilespmem:s28+$0x20] =	vst v6;
	v6 =	vmul.bf16 v10, v5;
	v10 =	vmul.bf16 v16, v5  }
0x9c: {  	[tilespmem:s28+$0x30] =	vst v7;
	v7 =	vmul.bf16 v18, v8;
	v8 =	vmul.bf16 v14, v8  }
0x9d: {  	v5 =	vmul.bf16 v15, v2;
	[tilespmem:s28+$0x40] =	vst v12;
	v12 =	vmul.bf16 v19, v2  }
0x9e: {  	[tilespmem:s28+$0x50] =	vst v11;
	v4 =	vmul.bf16 v13, v3;
	v3 =	vmul.bf16 v17, v3  }
0x9f: {  	[tilespmem:s28+$0x60] =	vst v9  }
0xa0: {  	[tilespmem:s28+$0x70] =	vst v1  }
.Ltmp2:
0xa1: {  	[tilespmem:s28+$0x80] =	vst v6;
	(pc) =	sbr.rel @p0 .LBB2_8-.Ltmp2, $4  }
0xa2: {  	[tilespmem:s28+$0x90] =	vst v10  }
0xa3: {  	s28 =	sadd.s32 $0x200, s28;
	[tilespmem:s30+$0xA0] =	vst v7  }
0xa4: {  	v2 =	vld [tilespmem:s28+$0xFFFFFFF0];
	[tilespmem:s30+$0xB0] =	vst v8  }
0xa5: {  	s0 =	sadd.s32 $0x40, s0;
	s1 =	sand.u32 $0x200, s31;
	v1 =	vld [tilespmem:s28+$0x70];
	[tilespmem:s30+$0xC0] =	vst v12  }
0xa6: {  	s0 =	sshrl.u32 s1, $0x2;
	s9 =	sand.u32 $0x1C0, s31;
	[tilespmem:s30+$0xD0] =	vst v5  }
0xa7: {  	[tilespmem:s30+$0xE0] =	vst v4;
	s0 =	sadd.s32 s0, s26;
	s1 =	sshrl.u32 s9, $0x2  }
0xa8: {  	[tilespmem:s30+$0xF0] =	vst v3;
	s0 =	sadd.s32 s1, s0  }
0xa9: {  	v3 =	vld [tilespmem:s0+$0x0];
	_ =	sdelay $0x3  }
0xaa: {  	v23 =	vld [tilespmem:s28+$0xFFFFFF00]  }
0xab: {  	v24 =	vld [tilespmem:s28+$0xFFFFFF10];
	v6 =	vbroadcast v3, $0x0  }
0xac: {  	v7 =	vld [tilespmem:s28+$0xFFFFFF20]  }
0xad: {  	v8 =	vld [tilespmem:s28+$0xFFFFFF30];
	v9 =	vbroadcast v3, $0x1;
	v6 =	vpack.c.f32.bf16 v6, v6  }
0xae: {  	v10 =	vld [tilespmem:s28+$0xFFFFFF40]  }
0xaf: {  	v11 =	vld [tilespmem:s28+$0xFFFFFF50];
	v12 =	vbroadcast v3, $0x2;
	v9 =	vpack.c.f32.bf16 v9, v9;
	v4 =	vmul.bf16 v23, v6  }
0xb0: {  	v13 =	vld [tilespmem:s28+$0xFFFFFF60];
	v5 =	vmul.bf16 v24, v6  }
0xb1: {  	v25 =	vld [tilespmem:s28+$0xFFFFFF70];
	v14 =	vbroadcast v3, $0x3;
	v12 =	vpack.c.f32.bf16 v12, v12;
	v7 =	vmul.bf16 v7, v9;
	[tilespmem:s28+$0xFFFFFF00] =	vst v4  }
0xb2: {  	v29 =	vld [tilespmem:s28+$0xFFFFFFA0];
	v8 =	vmul.bf16 v8, v9;
	[tilespmem:s28+$0xFFFFFF10] =	vst v5  }
0xb3: {  	v30 =	vld [tilespmem:s28+$0xFFFFFFB0];
	v31 =	vbroadcast v3, $0x5;
	v14 =	vpack.c.f32.bf16 v14, v14;
	v10 =	vmul.bf16 v10, v12;
	[tilespmem:s28+$0xFFFFFF20] =	vst v7  }
0xb4: {  	v34 =	vld [tilespmem:s28+$0xFFFFFFD0];
	v11 =	vmul.bf16 v11, v12;
	[tilespmem:s28+$0xFFFFFF30] =	vst v8  }
0xb5: {  	v47 =	vld [tilespmem:s28+$0x40];
	v35 =	vbroadcast v3, $0x6;
	v33 =	vpack.c.f32.bf16 v31, v31;
	v13 =	vmul.bf16 v13, v14;
	[tilespmem:s28+$0xFFFFFF40] =	vst v10  }
0xb6: {  	v48 =	vld [tilespmem:s28+$0x50];
	v49 =	vbroadcast v3, $0xA;
	v6 =	vmul.bf16 v25, v14;
	[tilespmem:s28+$0xFFFFFF50] =	vst v11  }
0xb7: {  	v26 =	vld [tilespmem:s28+$0xFFFFFF80];
	v39 =	vpack.c.f32.bf16 v35, v35;
	v37 =	vmul.bf16 v29, v33;
	[tilespmem:s28+$0xFFFFFF60] =	vst v13  }
0xb8: {  	v27 =	vld [tilespmem:s28+$0xFFFFFF90];
	v28 =	vbroadcast v3, $0x4;
	v51 =	vpack.c.f32.bf16 v49, v49;
	v40 =	vmul.bf16 v30, v33;
	[tilespmem:s28+$0xFFFFFF70] =	vst v6  }
0xb9: {  	v32 =	vld [tilespmem:s28+$0xFFFFFFC0];
	v12 =	vmul.bf16 v34, v39;
	[tilespmem:s28+$0xFFFFFFA0] =	vst v37  }
0xba: {  	v36 =	vld [tilespmem:s28+$0xFFFFFFE0];
	v9 =	vpack.c.f32.bf16 v28, v28;
	v53 =	vmul.bf16 v47, v51;
	[tilespmem:s28+$0xFFFFFFB0] =	vst v40  }
0xbb: {  	v38 =	vbroadcast v3, $0x7;
	v56 =	vmul.bf16 v48, v51;
	[tilespmem:s28+$0xFFFFFFD0] =	vst v12  }
0xbc: {  	v41 =	vld [tilespmem:s28+$0x0];
	v4 =	vmul.bf16 v26, v9;
	[tilespmem:s28+$0x40] =	vst v53  }
0xbd: {  	v42 =	vld [tilespmem:s28+$0x10];
	v43 =	vbroadcast v3, $0x8;
	v5 =	vmul.bf16 v27, v9;
	v7 =	vpack.c.f32.bf16 v38, v38;
	[tilespmem:s28+$0x50] =	vst v56  }
0xbe: {  	v44 =	vld [tilespmem:s28+$0x20];
	v10 =	vmul.bf16 v32, v39;
	[tilespmem:s28+$0xFFFFFF80] =	vst v4  }
0xbf: {  	v45 =	vld [tilespmem:s28+$0x30];
	v46 =	vbroadcast v3, $0x9;
	v11 =	vpack.c.f32.bf16 v43, v43;
	[tilespmem:s28+$0xFFFFFF90] =	vst v5;
	v9 =	vmul.bf16 v36, v7  }
0xc0: {  	v54 =	vld [tilespmem:s28+$0x90];
	[tilespmem:s28+$0xFFFFFFC0] =	vst v10;
	v2 =	vmul.bf16 v2, v7  }
0xc1: {  	v52 =	vld [tilespmem:s28+$0x80];
	v55 =	vbroadcast v3, $0xC;
	v13 =	vpack.c.f32.bf16 v46, v46;
	v8 =	vmul.bf16 v41, v11;
	[tilespmem:s28+$0xFFFFFFE0] =	vst v9  }
0xc2: {  	v50 =	vld [tilespmem:s28+$0x60];
	v5 =	vmul.bf16 v42, v11;
	[tilespmem:s28+$0xFFFFFFF0] =	vst v2  }
0xc3: {  	v57 =	vld [tilespmem:s28+$0xA0];
	v12 =	vpack.c.f32.bf16 v55, v55;
	v6 =	vmul.bf16 v44, v13;
	v2 =	vbroadcast v3, $0xB;
	[tilespmem:s28+$0x0] =	vst v8  }
0xc4: {  	v58 =	vld [tilespmem:s28+$0xB0];
	v59 =	vbroadcast v3, $0xD;
	v4 =	vmul.bf16 v45, v13;
	[tilespmem:s28+$0x10] =	vst v5  }
0xc5: {  	v60 =	vld [tilespmem:s28+$0xD0];
	v10 =	vmul.bf16 v54, v12;
	[tilespmem:s28+$0x20] =	vst v6;
	v2 =	vpack.c.f32.bf16 v2, v2  }
0xc6: {  	v61 =	vbroadcast v3, $0xE;
	v11 =	vpack.c.f32.bf16 v59, v59;
	[tilespmem:s28+$0x30] =	vst v4;
	v8 =	vmul.bf16 v52, v12  }
0xc7: {  	v62 =	vld [tilespmem:s28+$0xE0];
	v3 =	vbroadcast v3, $0xF;
	[tilespmem:s28+$0x90] =	vst v10;
	v1 =	vmul.bf16 v1, v2  }
0xc8: {  	v6 =	vpack.c.f32.bf16 v61, v61;
	v7 =	vmul.bf16 v57, v11;
	[tilespmem:s28+$0x80] =	vst v8;
	v9 =	vmul.bf16 v50, v2;
	v2 =	vld [tilespmem:s28+$0xC0]  }
0xc9: {  	v4 =	vmul.bf16 v58, v11;
	[tilespmem:s28+$0x70] =	vst v1;
	v1 =	vld [tilespmem:s28+$0xF0]  }
0xca: {  	v3 =	vpack.c.f32.bf16 v3, v3;
	[tilespmem:s28+$0xA0] =	vst v7;
	v5 =	vmul.bf16 v60, v6  }
0xcb: {  	[tilespmem:s28+$0xB0] =	vst v4  }
0xcc: {  	v63 =	vmul.bf16 v62, v3;
	[tilespmem:s28+$0xD0] =	vst v5  }
0xcd: {  	[tilespmem:s28+$0x60] =	vst v9;
	v2 =	vmul.bf16 v2, v6  }
0xce: {  	p0 =	slt.u32 s23, $0xA;
	[tilespmem:s28+$0xE0] =	vst v63;
	v1 =	vmul.bf16 v1, v3  }
.Ltmp3:
0xcf: {  	[tilespmem:s28+$0xC0] =	vst v2;
	(pc) =	sbr.rel @p0 .LBB2_5-.Ltmp3, $4  }
0xd0: {  	s30 =	sadd.s32 $0x3, s22;
	[tilespmem:s28+$0xF0] =	vst v1;
	s28 =	sadd.s32 $0xA00, s24  }
0xd1: {  	[spmem:s2] =	stream.indirect.scatter.add.bf16 [tilespmem:s29], [sflag:s30], $0x20, s28, s17, $0xb8;
	[tilespmem:$0x1E500] =	vst v63  }
0xd2: {  	s31 =	sadd.s32 $0x2E00, s25;
	s9 =	sadd.s32 $0xA80, s24;
	s0 =	smov.u32 s23  }
0xd3: {  	[spmem:s2] =	stream.indirect.scatter.add.bf16 [tilespmem:s31], [sflag:s30], $0x20, s9, s17, $0xb8;
	[tilespmem:$0x1E500] =	vst v63  }
0xd4: {  	s21 =	sadd.s32 $0x1, s21  }
0xd5: {  	p0 =	sne.s32 s21, $0x14  }
.Ltmp4:
0xd6: {  	_ = 	snop;
	(pc) =	sbr.rel @p0 .LBB2_2-.Ltmp4, $4  }
0xd7: {  	_ = 	snop  }
0xd8: {  	_ =	swait.ge [sflag:s20], $0x2000  }
0xd9: {  	[sflag:s20] =	ssyncset.done $0x0  }
0xda: {  	[sflag:s20] =	ssyncadd.s32 $0xFFFFE000  }
0xdb: {  	[bflag:$0x0] =	sbarrier.arrive $0xFFFF;
	s3 =	sadd.s32 $0x1, s3  }
0xdc: {  	[hbm:s11], [sflag:s10] =	dma.local [spmem:s13], $0x30E0  }
0xdd: {  	p0 =	sne.s32 s3, s12  }
.Ltmp5:
0xde: {  	_ =	swait.ge [sflag:s14], $0x30E0;
	(pc) =	sbr.rel @p0 .LBB2_1-.Ltmp5, $3  }
0xdf: {  	[sflag:s14] =	ssyncset.done $0x0  }
0xe0: {  	[sflag:s14] =	ssyncadd.s32 $0xFFFFCF20  }
0xe1: {  	[bflag:$0x0] =	sbarrier.arrive $0xFFFF;
	_ =	sdelay $0x1  }
0xe2: {  	_ =	sfence.sel $0x180000  }
0xe3: {  	[bflag:$0x0] =	sbarrier.arrive $0xFFFF  }
0xe4: {  	_ =	strace $0x90000047  }
0xe5: {  	s0 =	stileid.u32;
	[bflag:$0x2] =	sbarrier.arrive $0xFFFF  }
0xe6: {  	p0 =	sne.s32 s0, $0x0;
	s0 =	rddreg [dreg:$0x2]  }
0xe7: {  	s0 =	sadd.s32 @!p0 $0x100000, s0  }
0xe8: {  	[sflag:s0] =	ssyncadd.tile.s32 @!p0 $0x1;
	_ =	shalt  }
.Lfunc_end2:
_tile_overlayer_lowered:
.L_overlay_start_2:
0xe9: {  	(tag) =	ssettag $0x2  }
0xea: {  	s0 =	rddreg [dreg:$0x0];
	s2 =	stileid.u32  }
0xeb: {  	s1 =	rddreg [dreg:$0x1];
	p0 =	sne.s32 s2, $0x0  }
0xec: {  	s3 =	rddreg [dreg:$0x2];
	[bflag:$0x3] =	sbarrier.arrive $0xFFFF;
	s2 =	simm.s32 @!p0 $0x1C05  }
0xed: {  	[timem:s3], [sflag:s2] =	dma.local @!p0 [hbm:s0], s1  }
0xee: {  	s0 =	simm.s32 @!p0 $0x5  }
0xef: {  	_ =	swait.ge @!p0 [sflag:s0], s1  }
0xf0: {  	s1 =	ssub.s32 @!p0 $0x0, s1;
	[sflag:s0] =	ssyncset.done @!p0 $0x0  }
0xf1: {  	[sflag:s0] =	ssyncadd.s32 @!p0 s1  }
0xf2: {  	[bflag:$0x3] =	sbarrier.arrive $0xFFFF  }
0xf3: {  	_ =	shalt  }

</sc_bundles>
